<compile_context>
chip_gen: v7x
topology: tpu7x:2x2x1
jax: 0.10.2.dev20260603
libtpu: 0.0.44.dev20260713+nightly
codegen_flags: <defaults>
</compile_context>

<pallas_src>
import functools

import jax
import jax.numpy as jnp
from jax import lax
from jax.experimental import pallas as pl
from jax.experimental.pallas import tpu as pltpu
from jax.experimental.pallas import tpu_sc as plsc

HID = 64
SEQ = 200
EPS = 1e-12
NC = 2
NS = 16
NW = NC * NS
LANES = 16
NV = HID // LANES
GSUB = 100
NSUB = 2
CHUNK = GSUB * NSUB
NBUF = 4
ROW_UNROLL = 2


def _rsqrt(x):
    i = plsc.bitcast(x, jnp.int32)
    i = 0x5F3759DF - (i >> 1)
    y = plsc.bitcast(i, jnp.float32)
    for _ in range(2):
        y = y * (1.5 - 0.5 * x * y * y)
    return y


def kernel(input, table, pos_table, gamma, beta):
    b, seq = input.shape
    n = b * seq
    rows_per_w = n // NW
    n_chunks = rows_per_w // CHUNK
    idx = input.reshape(NW, n_chunks, NSUB, GSUB).astype(jnp.int32)
    mesh = plsc.VectorSubcoreMesh(core_axis_name="c", subcore_axis_name="s")

    @functools.partial(
        pl.kernel,
        mesh=mesh,
        compiler_params=pltpu.CompilerParams(
            needs_layout_passes=False, use_tc_tiling_on_sc=False),
        out_type=jax.ShapeDtypeStruct((b, seq, HID), jnp.float32),
        scratch_types=[
            pltpu.VMEM((n_chunks, NSUB, GSUB), jnp.int32),
            pltpu.VMEM((NBUF, CHUNK, HID), jnp.float32),
            pltpu.VMEM((SEQ, HID), jnp.float32),
            pltpu.VMEM((HID,), jnp.float32),
            pltpu.VMEM((HID,), jnp.float32),
            [pltpu.SemaphoreType.DMA] * NBUF,
            [pltpu.SemaphoreType.DMA] * NBUF,
        ],
    )
    def sc_kernel(idx_hbm, table_hbm, pos_hbm, gamma_hbm, beta_hbm, out_hbm,
                  idx_v, bufs, pos_v, gamma_v, beta_v, gsems, ssems):
        wid = lax.axis_index("s") * NC + lax.axis_index("c")
        seq_base = wid * (rows_per_w // SEQ)
        pltpu.sync_copy(pos_hbm, pos_v)
        pltpu.sync_copy(gamma_hbm, gamma_v)
        pltpu.sync_copy(beta_hbm, beta_v)
        pltpu.sync_copy(idx_hbm.at[wid], idx_v)
        gs = [gamma_v[pl.ds(j * LANES, LANES)] for j in range(NV)]
        bs = [beta_v[pl.ds(j * LANES, LANES)] for j in range(NV)]

        def fire_gather(c, i):
            for j in range(NSUB):
                pltpu.async_copy(
                    table_hbm.at[idx_v.at[c, j]],
                    bufs.at[i, pl.ds(j * GSUB, GSUB)],
                    gsems[i],
                )

        def wait_gather(c, i):
            for j in range(NSUB):
                pltpu.make_async_copy(
                    table_hbm.at[idx_v.at[c, j]],
                    bufs.at[i, pl.ds(j * GSUB, GSUB)],
                    gsems[i],
                ).wait()

        def fire_store(c, i):
            pltpu.async_copy(
                bufs.at[i], out_hbm.at[seq_base + c], ssems[i])

        def wait_store(c, i):
            pltpu.make_async_copy(
                bufs.at[i], out_hbm.at[seq_base + c], ssems[i]).wait()

        def compute(buf):
            @plsc.parallel_loop(0, CHUNK // ROW_UNROLL, 1, unroll=2)
            def row_body(g):
                for u in range(ROW_UNROLL):
                    r = g * ROW_UNROLL + u
                    xs = [
                        buf[r, pl.ds(j * LANES, LANES)]
                        + pos_v[r, pl.ds(j * LANES, LANES)]
                        for j in range(NV)
                    ]
                    s = (xs[0] + xs[1]) + (xs[2] + xs[3])
                    q = (xs[0] * xs[0] + xs[1] * xs[1]) + (
                        xs[2] * xs[2] + xs[3] * xs[3])
                    mean = jnp.sum(s) * (1.0 / HID)
                    var = jnp.sum(q) * (1.0 / HID) - mean * mean
                    rstd = _rsqrt(
                        jnp.zeros((LANES,), jnp.float32) + (var + EPS))
                    for j in range(NV):
                        buf[r, pl.ds(j * LANES, LANES)] = (
                            (xs[j] - mean) * rstd * gs[j] + bs[j])

        for i in range(NBUF):
            fire_gather(i, i)

        def super_body(k, carry):
            for i in range(NBUF):
                c = k * NBUF + i
                wait_gather(c, i)
                compute(bufs.at[i])
                fire_store(c, i)
                ip = (i + NBUF - 1) % NBUF

                @pl.when(jnp.logical_and(c >= 1, c + NBUF - 1 < n_chunks))
                def _():
                    wait_store(c - 1, ip)
                    fire_gather(c + NBUF - 1, ip)

            return carry

        lax.fori_loop(0, n_chunks // NBUF, super_body, 0)
        for c in range(n_chunks - NBUF, n_chunks):
            wait_store(c, c % NBUF)

    return sc_kernel(idx, table, pos_table, gamma, beta)

# --- scband reference (transcript-rebuilt; emitter-appended) ---
"""Pipeline reference for scband-tembedding-52621939310606 (READ-ONLY COPY).

The authoritative reference and input builder live on the scoring server;
editing this copy changes nothing except your own understanding.
"""

import jax, jax.numpy as jnp
import numpy as np

NUM_EMBEDDINGS = 1000000
HIDDEN_DIM = 64
SEQ_LEN = 200
BATCH = 4096
EPS = 1e-12


def setup_inputs(seed: int = 0) -> dict:
    key = jax.random.key(seed)
    k1, k2, k3 = jax.random.split(key, 3)
    inp = jax.random.randint(k1, (BATCH, SEQ_LEN), 0, NUM_EMBEDDINGS, dtype=jnp.int64 if jax.config.jax_enable_x64 else jnp.int32)
    table = jax.random.normal(k2, (NUM_EMBEDDINGS, HIDDEN_DIM), dtype=jnp.float32) * 0.02
    pos_table = jax.random.normal(k3, (SEQ_LEN, HIDDEN_DIM), dtype=jnp.float32) * 0.02
    gamma = jnp.ones((HIDDEN_DIM,), dtype=jnp.float32)
    beta = jnp.zeros((HIDDEN_DIM,), dtype=jnp.float32)
    return {"input": inp, "table": table, "pos_table": pos_table, "gamma": gamma, "beta": beta}


def reference(input, table, pos_table, gamma, beta):
    # token embedding lookup (gather)
    embed = jnp.take(table, input, axis=0)  # [B, L, D]
    # positional embedding
    seq_len = input.shape[-1]
    pos_ids = jnp.arange(seq_len, dtype=jnp.int32)
    pos = jnp.take(pos_table, pos_ids, axis=0)[None, :, :]  # [1, L, D]
    embed = embed + pos
    # layer norm over last axis (epsilon=1e-12)
    mean = jnp.mean(embed, axis=-1, keepdims=True)
    var = jnp.mean(jnp.square(embed - mean), axis=-1, keepdims=True)
    normed = (embed - mean) / jnp.sqrt(var + EPS)
    out = normed * gamma + beta
    # dropout inactive at inference (Keras default training=False)
    return out

if __name__ == "__main__":
    import jax
    _d = setup_inputs()
    print(jax.jit(kernel)(*tuple(_d.values())))

</pallas_src>

<mosaic_0001>
#map = affine_map<(d0, d1) -> (0, 0, 0, 0)>
#map1 = affine_map<(d0, d1) -> (0, 0)>
#map2 = affine_map<(d0, d1) -> (0)>
#map3 = affine_map<(d0, d1) -> (0, 0, 0)>
module attributes {stable_mosaic.version = 14 : i64} {
  func.func @sc_kernel(%arg0: i32, %arg1: i32, %arg2: memref<32x128x2x100xi32, #tpu.memory_space<hbm>>, %arg3: memref<1000000x64xf32, #tpu.memory_space<hbm>>, %arg4: memref<200x64xf32, #tpu.memory_space<hbm>>, %arg5: memref<64xf32, #tpu.memory_space<hbm>>, %arg6: memref<64xf32, #tpu.memory_space<hbm>>, %arg7: memref<4096x200x64xf32, #tpu.memory_space<hbm>>, %arg8: memref<128x2x100xi32, #tpu.memory_space<vmem>>, %arg9: memref<4x200x64xf32, #tpu.memory_space<vmem>>, %arg10: memref<200x64xf32, #tpu.memory_space<vmem>>, %arg11: memref<64xf32, #tpu.memory_space<vmem>>, %arg12: memref<64xf32, #tpu.memory_space<vmem>>, %arg13: memref<!tpu.dma_semaphore, #tpu.memory_space<semaphore_mem>>, %arg14: memref<!tpu.dma_semaphore, #tpu.memory_space<semaphore_mem>>, %arg15: memref<!tpu.dma_semaphore, #tpu.memory_space<semaphore_mem>>, %arg16: memref<!tpu.dma_semaphore, #tpu.memory_space<semaphore_mem>>, %arg17: memref<!tpu.dma_semaphore, #tpu.memory_space<semaphore_mem>>, %arg18: memref<!tpu.dma_semaphore, #tpu.memory_space<semaphore_mem>>, %arg19: memref<!tpu.dma_semaphore, #tpu.memory_space<semaphore_mem>>, %arg20: memref<!tpu.dma_semaphore, #tpu.memory_space<semaphore_mem>>) attributes {dimension_semantics = [#tpu.dimension_semantics<core_parallel>, #tpu.dimension_semantics<subcore_parallel>], iteration_bounds = array<i64: 2, 16>, scalar_prefetch = 0 : i64, scratch_operands = 13 : i64, tpu.core_type = #tpu.core_type<sc_vector_subcore>, window_params = [{transform_indices = #map}, {transform_indices = #map1}, {transform_indices = #map1}, {transform_indices = #map2}, {transform_indices = #map2}, {transform_indices = #map3}]} {
    %mul3A = arith.constant 2 : i32
    %mul3A_0 = arith.muli %arg1, %mul3A : i32
    %add3A = arith.addi %mul3A_0, %arg0 : i32
    %mul3A_1 = arith.constant 128 : i32
    %mul3A_2 = arith.muli %add3A, %mul3A_1 : i32
    "tpu.region"() ({
      %run_scoped3A = tpu.sem_alloc : memref<!tpu.dma_semaphore, #tpu.memory_space<semaphore_mem>>
      tpu.enqueue_dma source(%arg4 : memref<200x64xf32, #tpu.memory_space<hbm>>) target(%arg10 : memref<200x64xf32, #tpu.memory_space<vmem>>) target_semaphore(%run_scoped3A : memref<!tpu.dma_semaphore, #tpu.memory_space<semaphore_mem>>)
      tpu.wait_dma2 semaphore(%run_scoped3A : memref<!tpu.dma_semaphore, #tpu.memory_space<semaphore_mem>>) src(%arg4 : memref<200x64xf32, #tpu.memory_space<hbm>>) dst(%arg10 : memref<200x64xf32, #tpu.memory_space<vmem>>)
      tpu.yield
    }) : () -> ()
    "tpu.region"() ({
      %run_scoped3A = tpu.sem_alloc : memref<!tpu.dma_semaphore, #tpu.memory_space<semaphore_mem>>
      tpu.enqueue_dma source(%arg5 : memref<64xf32, #tpu.memory_space<hbm>>) target(%arg11 : memref<64xf32, #tpu.memory_space<vmem>>) target_semaphore(%run_scoped3A : memref<!tpu.dma_semaphore, #tpu.memory_space<semaphore_mem>>)
      tpu.wait_dma2 semaphore(%run_scoped3A : memref<!tpu.dma_semaphore, #tpu.memory_space<semaphore_mem>>) src(%arg5 : memref<64xf32, #tpu.memory_space<hbm>>) dst(%arg11 : memref<64xf32, #tpu.memory_space<vmem>>)
      tpu.yield
    }) : () -> ()
    "tpu.region"() ({
      %run_scoped3A = tpu.sem_alloc : memref<!tpu.dma_semaphore, #tpu.memory_space<semaphore_mem>>
      tpu.enqueue_dma source(%arg6 : memref<64xf32, #tpu.memory_space<hbm>>) target(%arg12 : memref<64xf32, #tpu.memory_space<vmem>>) target_semaphore(%run_scoped3A : memref<!tpu.dma_semaphore, #tpu.memory_space<semaphore_mem>>)
      tpu.wait_dma2 semaphore(%run_scoped3A : memref<!tpu.dma_semaphore, #tpu.memory_space<semaphore_mem>>) src(%arg6 : memref<64xf32, #tpu.memory_space<hbm>>) dst(%arg12 : memref<64xf32, #tpu.memory_space<vmem>>)
      tpu.yield
    }) : () -> ()
    "tpu.region"() ({
      %run_scoped3A = tpu.sem_alloc : memref<!tpu.dma_semaphore, #tpu.memory_space<semaphore_mem>>
      %dma_start3A_201 = arith.constant 0 : i32
      %dma_start3A_202 = arith.constant 0 : i32
      %dma_start3A_203 = arith.constant 0 : i32
      %dma_start3A_204 = tpu.memref_slice %arg2[%add3A, %dma_start3A_201, %dma_start3A_202, %dma_start3A_203] : memref<32x128x2x100xi32, #tpu.memory_space<hbm>> -> memref<1x128x2x100xi32, #tpu.memory_space<hbm>>
      %dma_start3A_205 = tpu.memref_squeeze %dma_start3A_204 : memref<1x128x2x100xi32, #tpu.memory_space<hbm>> -> memref<128x2x100xi32, #tpu.memory_space<hbm>>
      %dma_start3A_206 = arith.constant 0 : i32
      %dma_start3A_207 = arith.constant 0 : i32
      %dma_start3A_208 = arith.constant 0 : i32
      %dma_start3A_209 = tpu.memref_slice %arg2[%add3A, %dma_start3A_206, %dma_start3A_207, %dma_start3A_208] : memref<32x128x2x100xi32, #tpu.memory_space<hbm>> -> memref<1x128x2x100xi32, #tpu.memory_space<hbm>>
      %dma_start3A_210 = tpu.memref_squeeze %dma_start3A_209 : memref<1x128x2x100xi32, #tpu.memory_space<hbm>> -> memref<128x2x100xi32, #tpu.memory_space<hbm>>
      tpu.enqueue_dma source(%dma_start3A_210 : memref<128x2x100xi32, #tpu.memory_space<hbm>>) target(%arg8 : memref<128x2x100xi32, #tpu.memory_space<vmem>>) target_semaphore(%run_scoped3A : memref<!tpu.dma_semaphore, #tpu.memory_space<semaphore_mem>>)
      %dma_wait3A_211 = arith.constant 0 : i32
      %dma_wait3A_212 = arith.constant 0 : i32
      %dma_wait3A_213 = arith.constant 0 : i32
      %dma_wait3A_214 = tpu.memref_slice %arg2[%add3A, %dma_wait3A_211, %dma_wait3A_212, %dma_wait3A_213] : memref<32x128x2x100xi32, #tpu.memory_space<hbm>> -> memref<1x128x2x100xi32, #tpu.memory_space<hbm>>
      %dma_wait3A_215 = tpu.memref_squeeze %dma_wait3A_214 : memref<1x128x2x100xi32, #tpu.memory_space<hbm>> -> memref<128x2x100xi32, #tpu.memory_space<hbm>>
      %dma_wait3A_216 = arith.constant 0 : i32
      %dma_wait3A_217 = arith.constant 0 : i32
      %dma_wait3A_218 = arith.constant 0 : i32
      %dma_wait3A_219 = tpu.memref_slice %arg2[%add3A, %dma_wait3A_216, %dma_wait3A_217, %dma_wait3A_218] : memref<32x128x2x100xi32, #tpu.memory_space<hbm>> -> memref<1x128x2x100xi32, #tpu.memory_space<hbm>>
      %dma_wait3A_220 = tpu.memref_squeeze %dma_wait3A_219 : memref<1x128x2x100xi32, #tpu.memory_space<hbm>> -> memref<128x2x100xi32, #tpu.memory_space<hbm>>
      tpu.wait_dma2 semaphore(%run_scoped3A : memref<!tpu.dma_semaphore, #tpu.memory_space<semaphore_mem>>) src(%dma_wait3A_220 : memref<128x2x100xi32, #tpu.memory_space<hbm>>) dst(%arg8 : memref<128x2x100xi32, #tpu.memory_space<vmem>>)
      tpu.yield
    }) : () -> ()
    %get3A = arith.constant 0 : index
    %get3A_3 = tpu.vector_load %arg11[%get3A] {strides = array<i32>} : memref<64xf32, #tpu.memory_space<vmem>>, vector<16xf32>,
    %get3A_4 = arith.constant 16 : index
    %get3A_5 = tpu.vector_load %arg11[%get3A_4] {strides = array<i32>} : memref<64xf32, #tpu.memory_space<vmem>>, vector<16xf32>,
    %get3A_6 = arith.constant 32 : index
    %get3A_7 = tpu.vector_load %arg11[%get3A_6] {strides = array<i32>} : memref<64xf32, #tpu.memory_space<vmem>>, vector<16xf32>,
    %get3A_8 = arith.constant 48 : index
    %get3A_9 = tpu.vector_load %arg11[%get3A_8] {strides = array<i32>} : memref<64xf32, #tpu.memory_space<vmem>>, vector<16xf32>,
    %get3A_10 = arith.constant 0 : index
    %get3A_11 = tpu.vector_load %arg12[%get3A_10] {strides = array<i32>} : memref<64xf32, #tpu.memory_space<vmem>>, vector<16xf32>,
    %get3A_12 = arith.constant 16 : index
    %get3A_13 = tpu.vector_load %arg12[%get3A_12] {strides = array<i32>} : memref<64xf32, #tpu.memory_space<vmem>>, vector<16xf32>,
    %get3A_14 = arith.constant 32 : index
    %get3A_15 = tpu.vector_load %arg12[%get3A_14] {strides = array<i32>} : memref<64xf32, #tpu.memory_space<vmem>>, vector<16xf32>,
    %get3A_16 = arith.constant 48 : index
    %get3A_17 = tpu.vector_load %arg12[%get3A_16] {strides = array<i32>} : memref<64xf32, #tpu.memory_space<vmem>>, vector<16xf32>,
    %dma_start3A = arith.constant 0 : i32
    %dma_start3A_18 = arith.constant 0 : i32
    %dma_start3A_19 = arith.constant 0 : i32
    %dma_start3A_20 = arith.constant 0 : i32
    %dma_start3A_21 = arith.constant 0 : i32
    %dma_start3A_22 = tpu.memref_slice %arg9[%dma_start3A_19, %dma_start3A_20, %dma_start3A_21] : memref<4x200x64xf32, #tpu.memory_space<vmem>> -> memref<1x100x64xf32, #tpu.memory_space<vmem>>
    %dma_start3A_23 = tpu.memref_squeeze %dma_start3A_22 : memref<1x100x64xf32, #tpu.memory_space<vmem>> -> memref<100x64xf32, #tpu.memory_space<vmem>>
    %dma_start3A_24 = arith.constant 0 : i32
    %dma_start3A_25 = tpu.memref_slice %arg8[%dma_start3A, %dma_start3A_18, %dma_start3A_24] : memref<128x2x100xi32, #tpu.memory_space<vmem>> -> memref<1x1x100xi32, #tpu.memory_space<vmem>>
    %dma_start3A_26 = tpu.memref_squeeze %dma_start3A_25 : memref<1x1x100xi32, #tpu.memory_space<vmem>> -> memref<100xi32, #tpu.memory_space<vmem>>
    %dma_start3A_27 = arith.constant 0 : i32
    %dma_start3A_28 = arith.constant 0 : i32
    %dma_start3A_29 = tpu.memref_slice %arg3[%dma_start3A_27, %dma_start3A_28] : memref<1000000x64xf32, #tpu.memory_space<hbm>> -> memref<1000000x64xf32, #tpu.memory_space<hbm>>
    tpu.enqueue_indirect_dma source(%dma_start3A_29 : memref<1000000x64xf32, #tpu.memory_space<hbm>>) target(%dma_start3A_23 : memref<100x64xf32, #tpu.memory_space<vmem>>) offsets(%dma_start3A_26 : memref<100xi32, #tpu.memory_space<vmem>>) semaphore(%arg13 : memref<!tpu.dma_semaphore, #tpu.memory_space<semaphore_mem>>)
    %dma_start3A_30 = arith.constant 0 : i32
    %dma_start3A_31 = arith.constant 1 : i32
    %dma_start3A_32 = arith.constant 0 : i32
    %dma_start3A_33 = arith.constant 100 : i32
    %dma_start3A_34 = arith.constant 0 : i32
    %dma_start3A_35 = tpu.memref_slice %arg9[%dma_start3A_32, %dma_start3A_33, %dma_start3A_34] : memref<4x200x64xf32, #tpu.memory_space<vmem>> -> memref<1x100x64xf32, #tpu.memory_space<vmem>>
    %dma_start3A_36 = tpu.memref_squeeze %dma_start3A_35 : memref<1x100x64xf32, #tpu.memory_space<vmem>> -> memref<100x64xf32, #tpu.memory_space<vmem>>
    %dma_start3A_37 = arith.constant 0 : i32
    %dma_start3A_38 = tpu.memref_slice %arg8[%dma_start3A_30, %dma_start3A_31, %dma_start3A_37] : memref<128x2x100xi32, #tpu.memory_space<vmem>> -> memref<1x1x100xi32, #tpu.memory_space<vmem>>
    %dma_start3A_39 = tpu.memref_squeeze %dma_start3A_38 : memref<1x1x100xi32, #tpu.memory_space<vmem>> -> memref<100xi32, #tpu.memory_space<vmem>>
    %dma_start3A_40 = arith.constant 0 : i32
    %dma_start3A_41 = arith.constant 0 : i32
    %dma_start3A_42 = tpu.memref_slice %arg3[%dma_start3A_40, %dma_start3A_41] : memref<1000000x64xf32, #tpu.memory_space<hbm>> -> memref<1000000x64xf32, #tpu.memory_space<hbm>>
    tpu.enqueue_indirect_dma source(%dma_start3A_42 : memref<1000000x64xf32, #tpu.memory_space<hbm>>) target(%dma_start3A_36 : memref<100x64xf32, #tpu.memory_space<vmem>>) offsets(%dma_start3A_39 : memref<100xi32, #tpu.memory_space<vmem>>) semaphore(%arg13 : memref<!tpu.dma_semaphore, #tpu.memory_space<semaphore_mem>>)
    %dma_start3A_43 = arith.constant 1 : i32
    %dma_start3A_44 = arith.constant 0 : i32
    %dma_start3A_45 = arith.constant 1 : i32
    %dma_start3A_46 = arith.constant 0 : i32
    %dma_start3A_47 = arith.constant 0 : i32
    %dma_start3A_48 = tpu.memref_slice %arg9[%dma_start3A_45, %dma_start3A_46, %dma_start3A_47] : memref<4x200x64xf32, #tpu.memory_space<vmem>> -> memref<1x100x64xf32, #tpu.memory_space<vmem>>
    %dma_start3A_49 = tpu.memref_squeeze %dma_start3A_48 : memref<1x100x64xf32, #tpu.memory_space<vmem>> -> memref<100x64xf32, #tpu.memory_space<vmem>>
    %dma_start3A_50 = arith.constant 0 : i32
    %dma_start3A_51 = tpu.memref_slice %arg8[%dma_start3A_43, %dma_start3A_44, %dma_start3A_50] : memref<128x2x100xi32, #tpu.memory_space<vmem>> -> memref<1x1x100xi32, #tpu.memory_space<vmem>>
    %dma_start3A_52 = tpu.memref_squeeze %dma_start3A_51 : memref<1x1x100xi32, #tpu.memory_space<vmem>> -> memref<100xi32, #tpu.memory_space<vmem>>
    %dma_start3A_53 = arith.constant 0 : i32
    %dma_start3A_54 = arith.constant 0 : i32
    %dma_start3A_55 = tpu.memref_slice %arg3[%dma_start3A_53, %dma_start3A_54] : memref<1000000x64xf32, #tpu.memory_space<hbm>> -> memref<1000000x64xf32, #tpu.memory_space<hbm>>
    tpu.enqueue_indirect_dma source(%dma_start3A_55 : memref<1000000x64xf32, #tpu.memory_space<hbm>>) target(%dma_start3A_49 : memref<100x64xf32, #tpu.memory_space<vmem>>) offsets(%dma_start3A_52 : memref<100xi32, #tpu.memory_space<vmem>>) semaphore(%arg14 : memref<!tpu.dma_semaphore, #tpu.memory_space<semaphore_mem>>)
    %dma_start3A_56 = arith.constant 1 : i32
    %dma_start3A_57 = arith.constant 1 : i32
    %dma_start3A_58 = arith.constant 1 : i32
    %dma_start3A_59 = arith.constant 100 : i32
    %dma_start3A_60 = arith.constant 0 : i32
    %dma_start3A_61 = tpu.memref_slice %arg9[%dma_start3A_58, %dma_start3A_59, %dma_start3A_60] : memref<4x200x64xf32, #tpu.memory_space<vmem>> -> memref<1x100x64xf32, #tpu.memory_space<vmem>>
    %dma_start3A_62 = tpu.memref_squeeze %dma_start3A_61 : memref<1x100x64xf32, #tpu.memory_space<vmem>> -> memref<100x64xf32, #tpu.memory_space<vmem>>
    %dma_start3A_63 = arith.constant 0 : i32
    %dma_start3A_64 = tpu.memref_slice %arg8[%dma_start3A_56, %dma_start3A_57, %dma_start3A_63] : memref<128x2x100xi32, #tpu.memory_space<vmem>> -> memref<1x1x100xi32, #tpu.memory_space<vmem>>
    %dma_start3A_65 = tpu.memref_squeeze %dma_start3A_64 : memref<1x1x100xi32, #tpu.memory_space<vmem>> -> memref<100xi32, #tpu.memory_space<vmem>>
    %dma_start3A_66 = arith.constant 0 : i32
    %dma_start3A_67 = arith.constant 0 : i32
    %dma_start3A_68 = tpu.memref_slice %arg3[%dma_start3A_66, %dma_start3A_67] : memref<1000000x64xf32, #tpu.memory_space<hbm>> -> memref<1000000x64xf32, #tpu.memory_space<hbm>>
    tpu.enqueue_indirect_dma source(%dma_start3A_68 : memref<1000000x64xf32, #tpu.memory_space<hbm>>) target(%dma_start3A_62 : memref<100x64xf32, #tpu.memory_space<vmem>>) offsets(%dma_start3A_65 : memref<100xi32, #tpu.memory_space<vmem>>) semaphore(%arg14 : memref<!tpu.dma_semaphore, #tpu.memory_space<semaphore_mem>>)
    %dma_start3A_69 = arith.constant 2 : i32
    %dma_start3A_70 = arith.constant 0 : i32
    %dma_start3A_71 = arith.constant 2 : i32
    %dma_start3A_72 = arith.constant 0 : i32
    %dma_start3A_73 = arith.constant 0 : i32
    %dma_start3A_74 = tpu.memref_slice %arg9[%dma_start3A_71, %dma_start3A_72, %dma_start3A_73] : memref<4x200x64xf32, #tpu.memory_space<vmem>> -> memref<1x100x64xf32, #tpu.memory_space<vmem>>
    %dma_start3A_75 = tpu.memref_squeeze %dma_start3A_74 : memref<1x100x64xf32, #tpu.memory_space<vmem>> -> memref<100x64xf32, #tpu.memory_space<vmem>>
    %dma_start3A_76 = arith.constant 0 : i32
    %dma_start3A_77 = tpu.memref_slice %arg8[%dma_start3A_69, %dma_start3A_70, %dma_start3A_76] : memref<128x2x100xi32, #tpu.memory_space<vmem>> -> memref<1x1x100xi32, #tpu.memory_space<vmem>>
    %dma_start3A_78 = tpu.memref_squeeze %dma_start3A_77 : memref<1x1x100xi32, #tpu.memory_space<vmem>> -> memref<100xi32, #tpu.memory_space<vmem>>
    %dma_start3A_79 = arith.constant 0 : i32
    %dma_start3A_80 = arith.constant 0 : i32
    %dma_start3A_81 = tpu.memref_slice %arg3[%dma_start3A_79, %dma_start3A_80] : memref<1000000x64xf32, #tpu.memory_space<hbm>> -> memref<1000000x64xf32, #tpu.memory_space<hbm>>
    tpu.enqueue_indirect_dma source(%dma_start3A_81 : memref<1000000x64xf32, #tpu.memory_space<hbm>>) target(%dma_start3A_75 : memref<100x64xf32, #tpu.memory_space<vmem>>) offsets(%dma_start3A_78 : memref<100xi32, #tpu.memory_space<vmem>>) semaphore(%arg15 : memref<!tpu.dma_semaphore, #tpu.memory_space<semaphore_mem>>)
    %dma_start3A_82 = arith.constant 2 : i32
    %dma_start3A_83 = arith.constant 1 : i32
    %dma_start3A_84 = arith.constant 2 : i32
    %dma_start3A_85 = arith.constant 100 : i32
    %dma_start3A_86 = arith.constant 0 : i32
    %dma_start3A_87 = tpu.memref_slice %arg9[%dma_start3A_84, %dma_start3A_85, %dma_start3A_86] : memref<4x200x64xf32, #tpu.memory_space<vmem>> -> memref<1x100x64xf32, #tpu.memory_space<vmem>>
    %dma_start3A_88 = tpu.memref_squeeze %dma_start3A_87 : memref<1x100x64xf32, #tpu.memory_space<vmem>> -> memref<100x64xf32, #tpu.memory_space<vmem>>
    %dma_start3A_89 = arith.constant 0 : i32
    %dma_start3A_90 = tpu.memref_slice %arg8[%dma_start3A_82, %dma_start3A_83, %dma_start3A_89] : memref<128x2x100xi32, #tpu.memory_space<vmem>> -> memref<1x1x100xi32, #tpu.memory_space<vmem>>
    %dma_start3A_91 = tpu.memref_squeeze %dma_start3A_90 : memref<1x1x100xi32, #tpu.memory_space<vmem>> -> memref<100xi32, #tpu.memory_space<vmem>>
    %dma_start3A_92 = arith.constant 0 : i32
    %dma_start3A_93 = arith.constant 0 : i32
    %dma_start3A_94 = tpu.memref_slice %arg3[%dma_start3A_92, %dma_start3A_93] : memref<1000000x64xf32, #tpu.memory_space<hbm>> -> memref<1000000x64xf32, #tpu.memory_space<hbm>>
    tpu.enqueue_indirect_dma source(%dma_start3A_94 : memref<1000000x64xf32, #tpu.memory_space<hbm>>) target(%dma_start3A_88 : memref<100x64xf32, #tpu.memory_space<vmem>>) offsets(%dma_start3A_91 : memref<100xi32, #tpu.memory_space<vmem>>) semaphore(%arg15 : memref<!tpu.dma_semaphore, #tpu.memory_space<semaphore_mem>>)
    %dma_start3A_95 = arith.constant 3 : i32
    %dma_start3A_96 = arith.constant 0 : i32
    %dma_start3A_97 = arith.constant 3 : i32
    %dma_start3A_98 = arith.constant 0 : i32
    %dma_start3A_99 = arith.constant 0 : i32
    %dma_start3A_100 = tpu.memref_slice %arg9[%dma_start3A_97, %dma_start3A_98, %dma_start3A_99] : memref<4x200x64xf32, #tpu.memory_space<vmem>> -> memref<1x100x64xf32, #tpu.memory_space<vmem>>
    %dma_start3A_101 = tpu.memref_squeeze %dma_start3A_100 : memref<1x100x64xf32, #tpu.memory_space<vmem>> -> memref<100x64xf32, #tpu.memory_space<vmem>>
    %dma_start3A_102 = arith.constant 0 : i32
    %dma_start3A_103 = tpu.memref_slice %arg8[%dma_start3A_95, %dma_start3A_96, %dma_start3A_102] : memref<128x2x100xi32, #tpu.memory_space<vmem>> -> memref<1x1x100xi32, #tpu.memory_space<vmem>>
    %dma_start3A_104 = tpu.memref_squeeze %dma_start3A_103 : memref<1x1x100xi32, #tpu.memory_space<vmem>> -> memref<100xi32, #tpu.memory_space<vmem>>
    %dma_start3A_105 = arith.constant 0 : i32
    %dma_start3A_106 = arith.constant 0 : i32
    %dma_start3A_107 = tpu.memref_slice %arg3[%dma_start3A_105, %dma_start3A_106] : memref<1000000x64xf32, #tpu.memory_space<hbm>> -> memref<1000000x64xf32, #tpu.memory_space<hbm>>
    tpu.enqueue_indirect_dma source(%dma_start3A_107 : memref<1000000x64xf32, #tpu.memory_space<hbm>>) target(%dma_start3A_101 : memref<100x64xf32, #tpu.memory_space<vmem>>) offsets(%dma_start3A_104 : memref<100xi32, #tpu.memory_space<vmem>>) semaphore(%arg16 : memref<!tpu.dma_semaphore, #tpu.memory_space<semaphore_mem>>)
    %dma_start3A_108 = arith.constant 3 : i32
    %dma_start3A_109 = arith.constant 1 : i32
    %dma_start3A_110 = arith.constant 3 : i32
    %dma_start3A_111 = arith.constant 100 : i32
    %dma_start3A_112 = arith.constant 0 : i32
    %dma_start3A_113 = tpu.memref_slice %arg9[%dma_start3A_110, %dma_start3A_111, %dma_start3A_112] : memref<4x200x64xf32, #tpu.memory_space<vmem>> -> memref<1x100x64xf32, #tpu.memory_space<vmem>>
    %dma_start3A_114 = tpu.memref_squeeze %dma_start3A_113 : memref<1x100x64xf32, #tpu.memory_space<vmem>> -> memref<100x64xf32, #tpu.memory_space<vmem>>
    %dma_start3A_115 = arith.constant 0 : i32
    %dma_start3A_116 = tpu.memref_slice %arg8[%dma_start3A_108, %dma_start3A_109, %dma_start3A_115] : memref<128x2x100xi32, #tpu.memory_space<vmem>> -> memref<1x1x100xi32, #tpu.memory_space<vmem>>
    %dma_start3A_117 = tpu.memref_squeeze %dma_start3A_116 : memref<1x1x100xi32, #tpu.memory_space<vmem>> -> memref<100xi32, #tpu.memory_space<vmem>>
    %dma_start3A_118 = arith.constant 0 : i32
    %dma_start3A_119 = arith.constant 0 : i32
    %dma_start3A_120 = tpu.memref_slice %arg3[%dma_start3A_118, %dma_start3A_119] : memref<1000000x64xf32, #tpu.memory_space<hbm>> -> memref<1000000x64xf32, #tpu.memory_space<hbm>>
    tpu.enqueue_indirect_dma source(%dma_start3A_120 : memref<1000000x64xf32, #tpu.memory_space<hbm>>) target(%dma_start3A_114 : memref<100x64xf32, #tpu.memory_space<vmem>>) offsets(%dma_start3A_117 : memref<100xi32, #tpu.memory_space<vmem>>) semaphore(%arg16 : memref<!tpu.dma_semaphore, #tpu.memory_space<semaphore_mem>>)
    %scan3A = arith.constant 0 : i32
    %scan3A_121 = arith.constant 0 : i32
    %scan3A_122 = arith.constant 32 : i32
    %scan3A_123 = arith.addi %scan3A_121, %scan3A_122 : i32
    %scan3A_124 = arith.constant 1 : i32
    scf.for %scan3A_201 = %scan3A_121 to %scan3A_123 step %scan3A_124  : i32 {
      %mul3A_202 = arith.constant 4 : i32
      %mul3A_203 = arith.muli %scan3A_201, %mul3A_202 : i32
      %add3A_204 = arith.constant 0 : i32
      %add3A_205 = arith.addi %mul3A_203, %add3A_204 : i32
      %dma_wait3A_206 = arith.constant 0 : i32
      %dma_wait3A_207 = arith.constant 0 : i32
      %dma_wait3A_208 = arith.constant 0 : i32
      %dma_wait3A_209 = arith.constant 0 : i32
      %dma_wait3A_210 = tpu.memref_slice %arg9[%dma_wait3A_207, %dma_wait3A_208, %dma_wait3A_209] : memref<4x200x64xf32, #tpu.memory_space<vmem>> -> memref<1x100x64xf32, #tpu.memory_space<vmem>>
      %dma_wait3A_211 = tpu.memref_squeeze %dma_wait3A_210 : memref<1x100x64xf32, #tpu.memory_space<vmem>> -> memref<100x64xf32, #tpu.memory_space<vmem>>
      %dma_wait3A_212 = arith.constant 0 : i32
      %dma_wait3A_213 = tpu.memref_slice %arg8[%add3A_205, %dma_wait3A_206, %dma_wait3A_212] : memref<128x2x100xi32, #tpu.memory_space<vmem>> -> memref<1x1x100xi32, #tpu.memory_space<vmem>>
      %dma_wait3A_214 = tpu.memref_squeeze %dma_wait3A_213 : memref<1x1x100xi32, #tpu.memory_space<vmem>> -> memref<100xi32, #tpu.memory_space<vmem>>
      %dma_wait3A_215 = arith.constant 0 : i32
      %dma_wait3A_216 = arith.constant 0 : i32
      %dma_wait3A_217 = tpu.memref_slice %arg3[%dma_wait3A_215, %dma_wait3A_216] : memref<1000000x64xf32, #tpu.memory_space<hbm>> -> memref<1000000x64xf32, #tpu.memory_space<hbm>>
      tpu.wait_indirect_dma semaphore(%arg13 : memref<!tpu.dma_semaphore, #tpu.memory_space<semaphore_mem>>) src(%dma_wait3A_217 : memref<1000000x64xf32, #tpu.memory_space<hbm>>) dst(%dma_wait3A_211 : memref<100x64xf32, #tpu.memory_space<vmem>>)
      %dma_wait3A_218 = arith.constant 1 : i32
      %dma_wait3A_219 = arith.constant 0 : i32
      %dma_wait3A_220 = arith.constant 100 : i32
      %dma_wait3A_221 = arith.constant 0 : i32
      %dma_wait3A_222 = tpu.memref_slice %arg9[%dma_wait3A_219, %dma_wait3A_220, %dma_wait3A_221] : memref<4x200x64xf32, #tpu.memory_space<vmem>> -> memref<1x100x64xf32, #tpu.memory_space<vmem>>
      %dma_wait3A_223 = tpu.memref_squeeze %dma_wait3A_222 : memref<1x100x64xf32, #tpu.memory_space<vmem>> -> memref<100x64xf32, #tpu.memory_space<vmem>>
      %dma_wait3A_224 = arith.constant 0 : i32
      %dma_wait3A_225 = tpu.memref_slice %arg8[%add3A_205, %dma_wait3A_218, %dma_wait3A_224] : memref<128x2x100xi32, #tpu.memory_space<vmem>> -> memref<1x1x100xi32, #tpu.memory_space<vmem>>
      %dma_wait3A_226 = tpu.memref_squeeze %dma_wait3A_225 : memref<1x1x100xi32, #tpu.memory_space<vmem>> -> memref<100xi32, #tpu.memory_space<vmem>>
      %dma_wait3A_227 = arith.constant 0 : i32
      %dma_wait3A_228 = arith.constant 0 : i32
      %dma_wait3A_229 = tpu.memref_slice %arg3[%dma_wait3A_227, %dma_wait3A_228] : memref<1000000x64xf32, #tpu.memory_space<hbm>> -> memref<1000000x64xf32, #tpu.memory_space<hbm>>
      tpu.wait_indirect_dma semaphore(%arg13 : memref<!tpu.dma_semaphore, #tpu.memory_space<semaphore_mem>>) src(%dma_wait3A_229 : memref<1000000x64xf32, #tpu.memory_space<hbm>>) dst(%dma_wait3A_223 : memref<100x64xf32, #tpu.memory_space<vmem>>)
      %parallel_loop3A = arith.constant 0 : i32
      %parallel_loop3A_230 = arith.constant 100 : i32
      %parallel_loop3A_231 = arith.constant 1 : i32
      %parallel_loop3A_232 = arith.constant 0 : i32
      scf.for %parallel_loop3A_443 = %parallel_loop3A to %parallel_loop3A_230 step %parallel_loop3A_231  : i32 {
        %parallel_loop3A_444 = arith.constant 2 : i32
        %parallel_loop3A_445 = arith.muli %parallel_loop3A_443, %parallel_loop3A_444 : i32
        %parallel_loop3A_446 = arith.constant 0 : i32
        %parallel_loop3A_447 = arith.addi %parallel_loop3A_445, %parallel_loop3A_446 : i32
        %parallel_loop3A_448 = arith.constant 0 : i32
        %parallel_loop3A_449 = arith.constant 0 : i32
        %parallel_loop3A_450 = tpu.memref_slice %arg9[%parallel_loop3A_232, %parallel_loop3A_448, %parallel_loop3A_449] : memref<4x200x64xf32, #tpu.memory_space<vmem>> -> memref<1x200x64xf32, #tpu.memory_space<vmem>>
        %parallel_loop3A_451 = tpu.memref_squeeze %parallel_loop3A_450 : memref<1x200x64xf32, #tpu.memory_space<vmem>> -> memref<200x64xf32, #tpu.memory_space<vmem>>
        %parallel_loop3A_452 = arith.index_cast %parallel_loop3A_447 : i32 to index
        %parallel_loop3A_453 = arith.constant 0 : index
        %parallel_loop3A_454 = tpu.vector_load %parallel_loop3A_451[%parallel_loop3A_452, %parallel_loop3A_453] {strides = array<i32>} : memref<200x64xf32, #tpu.memory_space<vmem>>, vector<16xf32>,
        %parallel_loop3A_455 = arith.index_cast %parallel_loop3A_447 : i32 to index
        %parallel_loop3A_456 = arith.constant 0 : index
        %parallel_loop3A_457 = tpu.vector_load %arg10[%parallel_loop3A_455, %parallel_loop3A_456] {strides = array<i32>} : memref<200x64xf32, #tpu.memory_space<vmem>>, vector<16xf32>,
        %parallel_loop3A_458 = arith.addf %parallel_loop3A_454, %parallel_loop3A_457 : vector<16xf32>
        %parallel_loop3A_459 = arith.constant 0 : i32
        %parallel_loop3A_460 = arith.constant 0 : i32
        %parallel_loop3A_461 = tpu.memref_slice %arg9[%parallel_loop3A_232, %parallel_loop3A_459, %parallel_loop3A_460] : memref<4x200x64xf32, #tpu.memory_space<vmem>> -> memref<1x200x64xf32, #tpu.memory_space<vmem>>
        %parallel_loop3A_462 = tpu.memref_squeeze %parallel_loop3A_461 : memref<1x200x64xf32, #tpu.memory_space<vmem>> -> memref<200x64xf32, #tpu.memory_space<vmem>>
        %parallel_loop3A_463 = arith.index_cast %parallel_loop3A_447 : i32 to index
        %parallel_loop3A_464 = arith.constant 16 : index
        %parallel_loop3A_465 = tpu.vector_load %parallel_loop3A_462[%parallel_loop3A_463, %parallel_loop3A_464] {strides = array<i32>} : memref<200x64xf32, #tpu.memory_space<vmem>>, vector<16xf32>,
        %parallel_loop3A_466 = arith.index_cast %parallel_loop3A_447 : i32 to index
        %parallel_loop3A_467 = arith.constant 16 : index
        %parallel_loop3A_468 = tpu.vector_load %arg10[%parallel_loop3A_466, %parallel_loop3A_467] {strides = array<i32>} : memref<200x64xf32, #tpu.memory_space<vmem>>, vector<16xf32>,
        %parallel_loop3A_469 = arith.addf %parallel_loop3A_465, %parallel_loop3A_468 : vector<16xf32>
        %parallel_loop3A_470 = arith.constant 0 : i32
        %parallel_loop3A_471 = arith.constant 0 : i32
        %parallel_loop3A_472 = tpu.memref_slice %arg9[%parallel_loop3A_232, %parallel_loop3A_470, %parallel_loop3A_471] : memref<4x200x64xf32, #tpu.memory_space<vmem>> -> memref<1x200x64xf32, #tpu.memory_space<vmem>>
        %parallel_loop3A_473 = tpu.memref_squeeze %parallel_loop3A_472 : memref<1x200x64xf32, #tpu.memory_space<vmem>> -> memref<200x64xf32, #tpu.memory_space<vmem>>
        %parallel_loop3A_474 = arith.index_cast %parallel_loop3A_447 : i32 to index
        %parallel_loop3A_475 = arith.constant 32 : index
        %parallel_loop3A_476 = tpu.vector_load %parallel_loop3A_473[%parallel_loop3A_474, %parallel_loop3A_475] {strides = array<i32>} : memref<200x64xf32, #tpu.memory_space<vmem>>, vector<16xf32>,
        %parallel_loop3A_477 = arith.index_cast %parallel_loop3A_447 : i32 to index
        %parallel_loop3A_478 = arith.constant 32 : index
        %parallel_loop3A_479 = tpu.vector_load %arg10[%parallel_loop3A_477, %parallel_loop3A_478] {strides = array<i32>} : memref<200x64xf32, #tpu.memory_space<vmem>>, vector<16xf32>,
        %parallel_loop3A_480 = arith.addf %parallel_loop3A_476, %parallel_loop3A_479 : vector<16xf32>
        %parallel_loop3A_481 = arith.constant 0 : i32
        %parallel_loop3A_482 = arith.constant 0 : i32
        %parallel_loop3A_483 = tpu.memref_slice %arg9[%parallel_loop3A_232, %parallel_loop3A_481, %parallel_loop3A_482] : memref<4x200x64xf32, #tpu.memory_space<vmem>> -> memref<1x200x64xf32, #tpu.memory_space<vmem>>
        %parallel_loop3A_484 = tpu.memref_squeeze %parallel_loop3A_483 : memref<1x200x64xf32, #tpu.memory_space<vmem>> -> memref<200x64xf32, #tpu.memory_space<vmem>>
        %parallel_loop3A_485 = arith.index_cast %parallel_loop3A_447 : i32 to index
        %parallel_loop3A_486 = arith.constant 48 : index
        %parallel_loop3A_487 = tpu.vector_load %parallel_loop3A_484[%parallel_loop3A_485, %parallel_loop3A_486] {strides = array<i32>} : memref<200x64xf32, #tpu.memory_space<vmem>>, vector<16xf32>,
        %parallel_loop3A_488 = arith.index_cast %parallel_loop3A_447 : i32 to index
        %parallel_loop3A_489 = arith.constant 48 : index
        %parallel_loop3A_490 = tpu.vector_load %arg10[%parallel_loop3A_488, %parallel_loop3A_489] {strides = array<i32>} : memref<200x64xf32, #tpu.memory_space<vmem>>, vector<16xf32>,
        %parallel_loop3A_491 = arith.addf %parallel_loop3A_487, %parallel_loop3A_490 : vector<16xf32>
        %parallel_loop3A_492 = arith.addf %parallel_loop3A_458, %parallel_loop3A_469 : vector<16xf32>
        %parallel_loop3A_493 = arith.addf %parallel_loop3A_480, %parallel_loop3A_491 : vector<16xf32>
        %parallel_loop3A_494 = arith.addf %parallel_loop3A_492, %parallel_loop3A_493 : vector<16xf32>
        %parallel_loop3A_495 = arith.mulf %parallel_loop3A_458, %parallel_loop3A_458 : vector<16xf32>
        %parallel_loop3A_496 = arith.mulf %parallel_loop3A_469, %parallel_loop3A_469 : vector<16xf32>
        %parallel_loop3A_497 = arith.addf %parallel_loop3A_495, %parallel_loop3A_496 : vector<16xf32>
        %parallel_loop3A_498 = arith.mulf %parallel_loop3A_480, %parallel_loop3A_480 : vector<16xf32>
        %parallel_loop3A_499 = arith.mulf %parallel_loop3A_491, %parallel_loop3A_491 : vector<16xf32>
        %parallel_loop3A_500 = arith.addf %parallel_loop3A_498, %parallel_loop3A_499 : vector<16xf32>
        %parallel_loop3A_501 = arith.addf %parallel_loop3A_497, %parallel_loop3A_500 : vector<16xf32>
        %parallel_loop3A_502 = arith.constant true
        %parallel_loop3A_503 = vector.broadcast %parallel_loop3A_502 : i1 to vector<16xi1>
        %parallel_loop3A_504 = tpu.scan <sum>, %parallel_loop3A_494 masked %parallel_loop3A_503 : vector<16xf32>, vector<16xi1> -> vector<16xf32>
        %parallel_loop3A_505 = vector.extract %parallel_loop3A_504[15] : f32 from vector<16xf32>
        %parallel_loop3A_506 = arith.constant 1.562500e-02 : f32
        %parallel_loop3A_507 = arith.mulf %parallel_loop3A_505, %parallel_loop3A_506 : f32
        %parallel_loop3A_508 = arith.constant true
        %parallel_loop3A_509 = vector.broadcast %parallel_loop3A_508 : i1 to vector<16xi1>
        %parallel_loop3A_510 = tpu.scan <sum>, %parallel_loop3A_501 masked %parallel_loop3A_509 : vector<16xf32>, vector<16xi1> -> vector<16xf32>
        %parallel_loop3A_511 = vector.extract %parallel_loop3A_510[15] : f32 from vector<16xf32>
        %parallel_loop3A_512 = arith.constant 1.562500e-02 : f32
        %parallel_loop3A_513 = arith.mulf %parallel_loop3A_511, %parallel_loop3A_512 : f32
        %parallel_loop3A_514 = arith.mulf %parallel_loop3A_507, %parallel_loop3A_507 : f32
        %parallel_loop3A_515 = arith.subf %parallel_loop3A_513, %parallel_loop3A_514 : f32
        %parallel_loop3A_516 = arith.constant 0.000000e+00 : f32
        %parallel_loop3A_517 = vector.broadcast %parallel_loop3A_516 : f32 to vector<16xf32>
        %parallel_loop3A_518 = arith.constant 9.99999996E-13 : f32
        %parallel_loop3A_519 = arith.addf %parallel_loop3A_515, %parallel_loop3A_518 : f32
        %parallel_loop3A_520 = vector.broadcast %parallel_loop3A_519 : f32 to vector<16xf32>
        %parallel_loop3A_521 = arith.addf %parallel_loop3A_517, %parallel_loop3A_520 : vector<16xf32>
        %parallel_loop3A_522 = vector.bitcast %parallel_loop3A_521 : vector<16xf32> to vector<16xi32>
        %parallel_loop3A_523 = arith.constant 1 : i32
        %parallel_loop3A_524 = vector.broadcast %parallel_loop3A_523 : i32 to vector<16xi32>
        %parallel_loop3A_525 = arith.shrsi %parallel_loop3A_522, %parallel_loop3A_524 : vector<16xi32>
        %parallel_loop3A_526 = arith.constant 1597463007 : i32
        %parallel_loop3A_527 = vector.broadcast %parallel_loop3A_526 : i32 to vector<16xi32>
        %parallel_loop3A_528 = arith.subi %parallel_loop3A_527, %parallel_loop3A_525 : vector<16xi32>
        %parallel_loop3A_529 = vector.bitcast %parallel_loop3A_528 : vector<16xi32> to vector<16xf32>
        %parallel_loop3A_530 = arith.constant 5.000000e-01 : f32
        %parallel_loop3A_531 = vector.broadcast %parallel_loop3A_530 : f32 to vector<16xf32>
        %parallel_loop3A_532 = arith.mulf %parallel_loop3A_531, %parallel_loop3A_521 : vector<16xf32>
        %parallel_loop3A_533 = arith.mulf %parallel_loop3A_532, %parallel_loop3A_529 : vector<16xf32>
        %parallel_loop3A_534 = arith.mulf %parallel_loop3A_533, %parallel_loop3A_529 : vector<16xf32>
        %parallel_loop3A_535 = arith.constant 1.500000e+00 : f32
        %parallel_loop3A_536 = vector.broadcast %parallel_loop3A_535 : f32 to vector<16xf32>
        %parallel_loop3A_537 = arith.subf %parallel_loop3A_536, %parallel_loop3A_534 : vector<16xf32>
        %parallel_loop3A_538 = arith.mulf %parallel_loop3A_529, %parallel_loop3A_537 : vector<16xf32>
        %parallel_loop3A_539 = arith.constant 5.000000e-01 : f32
        %parallel_loop3A_540 = vector.broadcast %parallel_loop3A_539 : f32 to vector<16xf32>
        %parallel_loop3A_541 = arith.mulf %parallel_loop3A_540, %parallel_loop3A_521 : vector<16xf32>
        %parallel_loop3A_542 = arith.mulf %parallel_loop3A_541, %parallel_loop3A_538 : vector<16xf32>
        %parallel_loop3A_543 = arith.mulf %parallel_loop3A_542, %parallel_loop3A_538 : vector<16xf32>
        %parallel_loop3A_544 = arith.constant 1.500000e+00 : f32
        %parallel_loop3A_545 = vector.broadcast %parallel_loop3A_544 : f32 to vector<16xf32>
        %parallel_loop3A_546 = arith.subf %parallel_loop3A_545, %parallel_loop3A_543 : vector<16xf32>
        %parallel_loop3A_547 = arith.mulf %parallel_loop3A_538, %parallel_loop3A_546 : vector<16xf32>
        %parallel_loop3A_548 = vector.broadcast %parallel_loop3A_507 : f32 to vector<16xf32>
        %parallel_loop3A_549 = arith.subf %parallel_loop3A_458, %parallel_loop3A_548 : vector<16xf32>
        %parallel_loop3A_550 = arith.mulf %parallel_loop3A_549, %parallel_loop3A_547 : vector<16xf32>
        %parallel_loop3A_551 = arith.mulf %parallel_loop3A_550, %get3A_3 : vector<16xf32>
        %parallel_loop3A_552 = arith.addf %parallel_loop3A_551, %get3A_11 : vector<16xf32>
        %parallel_loop3A_553 = arith.constant 0 : i32
        %parallel_loop3A_554 = arith.constant 0 : i32
        %parallel_loop3A_555 = tpu.memref_slice %arg9[%parallel_loop3A_232, %parallel_loop3A_553, %parallel_loop3A_554] : memref<4x200x64xf32, #tpu.memory_space<vmem>> -> memref<1x200x64xf32, #tpu.memory_space<vmem>>
        %parallel_loop3A_556 = tpu.memref_squeeze %parallel_loop3A_555 : memref<1x200x64xf32, #tpu.memory_space<vmem>> -> memref<200x64xf32, #tpu.memory_space<vmem>>
        %parallel_loop3A_557 = arith.index_cast %parallel_loop3A_447 : i32 to index
        %parallel_loop3A_558 = arith.constant 0 : index
        %parallel_loop3A_559 = tpu.vector_load %parallel_loop3A_556[%parallel_loop3A_557, %parallel_loop3A_558] {strides = array<i32>} : memref<200x64xf32, #tpu.memory_space<vmem>>, vector<16xf32>,
        tpu.vector_store %parallel_loop3A_556[%parallel_loop3A_557, %parallel_loop3A_558], %parallel_loop3A_552 {strides = array<i32>} : memref<200x64xf32, #tpu.memory_space<vmem>>, vector<16xf32>,
        %parallel_loop3A_560 = vector.broadcast %parallel_loop3A_507 : f32 to vector<16xf32>
        %parallel_loop3A_561 = arith.subf %parallel_loop3A_469, %parallel_loop3A_560 : vector<16xf32>
        %parallel_loop3A_562 = arith.mulf %parallel_loop3A_561, %parallel_loop3A_547 : vector<16xf32>
        %parallel_loop3A_563 = arith.mulf %parallel_loop3A_562, %get3A_5 : vector<16xf32>
        %parallel_loop3A_564 = arith.addf %parallel_loop3A_563, %get3A_13 : vector<16xf32>
        %parallel_loop3A_565 = arith.constant 0 : i32
        %parallel_loop3A_566 = arith.constant 0 : i32
        %parallel_loop3A_567 = tpu.memref_slice %arg9[%parallel_loop3A_232, %parallel_loop3A_565, %parallel_loop3A_566] : memref<4x200x64xf32, #tpu.memory_space<vmem>> -> memref<1x200x64xf32, #tpu.memory_space<vmem>>
        %parallel_loop3A_568 = tpu.memref_squeeze %parallel_loop3A_567 : memref<1x200x64xf32, #tpu.memory_space<vmem>> -> memref<200x64xf32, #tpu.memory_space<vmem>>
        %parallel_loop3A_569 = arith.index_cast %parallel_loop3A_447 : i32 to index
        %parallel_loop3A_570 = arith.constant 16 : index
        %parallel_loop3A_571 = tpu.vector_load %parallel_loop3A_568[%parallel_loop3A_569, %parallel_loop3A_570] {strides = array<i32>} : memref<200x64xf32, #tpu.memory_space<vmem>>, vector<16xf32>,
        tpu.vector_store %parallel_loop3A_568[%parallel_loop3A_569, %parallel_loop3A_570], %parallel_loop3A_564 {strides = array<i32>} : memref<200x64xf32, #tpu.memory_space<vmem>>, vector<16xf32>,
        %parallel_loop3A_572 = vector.broadcast %parallel_loop3A_507 : f32 to vector<16xf32>
        %parallel_loop3A_573 = arith.subf %parallel_loop3A_480, %parallel_loop3A_572 : vector<16xf32>
        %parallel_loop3A_574 = arith.mulf %parallel_loop3A_573, %parallel_loop3A_547 : vector<16xf32>
        %parallel_loop3A_575 = arith.mulf %parallel_loop3A_574, %get3A_7 : vector<16xf32>
        %parallel_loop3A_576 = arith.addf %parallel_loop3A_575, %get3A_15 : vector<16xf32>
        %parallel_loop3A_577 = arith.constant 0 : i32
        %parallel_loop3A_578 = arith.constant 0 : i32
        %parallel_loop3A_579 = tpu.memref_slice %arg9[%parallel_loop3A_232, %parallel_loop3A_577, %parallel_loop3A_578] : memref<4x200x64xf32, #tpu.memory_space<vmem>> -> memref<1x200x64xf32, #tpu.memory_space<vmem>>
        %parallel_loop3A_580 = tpu.memref_squeeze %parallel_loop3A_579 : memref<1x200x64xf32, #tpu.memory_space<vmem>> -> memref<200x64xf32, #tpu.memory_space<vmem>>
        %parallel_loop3A_581 = arith.index_cast %parallel_loop3A_447 : i32 to index
        %parallel_loop3A_582 = arith.constant 32 : index
        %parallel_loop3A_583 = tpu.vector_load %parallel_loop3A_580[%parallel_loop3A_581, %parallel_loop3A_582] {strides = array<i32>} : memref<200x64xf32, #tpu.memory_space<vmem>>, vector<16xf32>,
        tpu.vector_store %parallel_loop3A_580[%parallel_loop3A_581, %parallel_loop3A_582], %parallel_loop3A_576 {strides = array<i32>} : memref<200x64xf32, #tpu.memory_space<vmem>>, vector<16xf32>,
        %parallel_loop3A_584 = vector.broadcast %parallel_loop3A_507 : f32 to vector<16xf32>
        %parallel_loop3A_585 = arith.subf %parallel_loop3A_491, %parallel_loop3A_584 : vector<16xf32>
        %parallel_loop3A_586 = arith.mulf %parallel_loop3A_585, %parallel_loop3A_547 : vector<16xf32>
        %parallel_loop3A_587 = arith.mulf %parallel_loop3A_586, %get3A_9 : vector<16xf32>
        %parallel_loop3A_588 = arith.addf %parallel_loop3A_587, %get3A_17 : vector<16xf32>
        %parallel_loop3A_589 = arith.constant 0 : i32
        %parallel_loop3A_590 = arith.constant 0 : i32
        %parallel_loop3A_591 = tpu.memref_slice %arg9[%parallel_loop3A_232, %parallel_loop3A_589, %parallel_loop3A_590] : memref<4x200x64xf32, #tpu.memory_space<vmem>> -> memref<1x200x64xf32, #tpu.memory_space<vmem>>
        %parallel_loop3A_592 = tpu.memref_squeeze %parallel_loop3A_591 : memref<1x200x64xf32, #tpu.memory_space<vmem>> -> memref<200x64xf32, #tpu.memory_space<vmem>>
        %parallel_loop3A_593 = arith.index_cast %parallel_loop3A_447 : i32 to index
        %parallel_loop3A_594 = arith.constant 48 : index
        %parallel_loop3A_595 = tpu.vector_load %parallel_loop3A_592[%parallel_loop3A_593, %parallel_loop3A_594] {strides = array<i32>} : memref<200x64xf32, #tpu.memory_space<vmem>>, vector<16xf32>,
        tpu.vector_store %parallel_loop3A_592[%parallel_loop3A_593, %parallel_loop3A_594], %parallel_loop3A_588 {strides = array<i32>} : memref<200x64xf32, #tpu.memory_space<vmem>>, vector<16xf32>,
        %parallel_loop3A_596 = arith.constant 2 : i32
        %parallel_loop3A_597 = arith.muli %parallel_loop3A_443, %parallel_loop3A_596 : i32
        %parallel_loop3A_598 = arith.constant 1 : i32
        %parallel_loop3A_599 = arith.addi %parallel_loop3A_597, %parallel_loop3A_598 : i32
        %parallel_loop3A_600 = arith.constant 0 : i32
        %parallel_loop3A_601 = arith.constant 0 : i32
        %parallel_loop3A_602 = tpu.memref_slice %arg9[%parallel_loop3A_232, %parallel_loop3A_600, %parallel_loop3A_601] : memref<4x200x64xf32, #tpu.memory_space<vmem>> -> memref<1x200x64xf32, #tpu.memory_space<vmem>>
        %parallel_loop3A_603 = tpu.memref_squeeze %parallel_loop3A_602 : memref<1x200x64xf32, #tpu.memory_space<vmem>> -> memref<200x64xf32, #tpu.memory_space<vmem>>
        %parallel_loop3A_604 = arith.index_cast %parallel_loop3A_599 : i32 to index
        %parallel_loop3A_605 = arith.constant 0 : index
        %parallel_loop3A_606 = tpu.vector_load %parallel_loop3A_603[%parallel_loop3A_604, %parallel_loop3A_605] {strides = array<i32>} : memref<200x64xf32, #tpu.memory_space<vmem>>, vector<16xf32>,
        %parallel_loop3A_607 = arith.index_cast %parallel_loop3A_599 : i32 to index
        %parallel_loop3A_608 = arith.constant 0 : index
        %parallel_loop3A_609 = tpu.vector_load %arg10[%parallel_loop3A_607, %parallel_loop3A_608] {strides = array<i32>} : memref<200x64xf32, #tpu.memory_space<vmem>>, vector<16xf32>,
        %parallel_loop3A_610 = arith.addf %parallel_loop3A_606, %parallel_loop3A_609 : vector<16xf32>
        %parallel_loop3A_611 = arith.constant 0 : i32
        %parallel_loop3A_612 = arith.constant 0 : i32
        %parallel_loop3A_613 = tpu.memref_slice %arg9[%parallel_loop3A_232, %parallel_loop3A_611, %parallel_loop3A_612] : memref<4x200x64xf32, #tpu.memory_space<vmem>> -> memref<1x200x64xf32, #tpu.memory_space<vmem>>
        %parallel_loop3A_614 = tpu.memref_squeeze %parallel_loop3A_613 : memref<1x200x64xf32, #tpu.memory_space<vmem>> -> memref<200x64xf32, #tpu.memory_space<vmem>>
        %parallel_loop3A_615 = arith.index_cast %parallel_loop3A_599 : i32 to index
        %parallel_loop3A_616 = arith.constant 16 : index
        %parallel_loop3A_617 = tpu.vector_load %parallel_loop3A_614[%parallel_loop3A_615, %parallel_loop3A_616] {strides = array<i32>} : memref<200x64xf32, #tpu.memory_space<vmem>>, vector<16xf32>,
        %parallel_loop3A_618 = arith.index_cast %parallel_loop3A_599 : i32 to index
        %parallel_loop3A_619 = arith.constant 16 : index
        %parallel_loop3A_620 = tpu.vector_load %arg10[%parallel_loop3A_618, %parallel_loop3A_619] {strides = array<i32>} : memref<200x64xf32, #tpu.memory_space<vmem>>, vector<16xf32>,
        %parallel_loop3A_621 = arith.addf %parallel_loop3A_617, %parallel_loop3A_620 : vector<16xf32>
        %parallel_loop3A_622 = arith.constant 0 : i32
        %parallel_loop3A_623 = arith.constant 0 : i32
        %parallel_loop3A_624 = tpu.memref_slice %arg9[%parallel_loop3A_232, %parallel_loop3A_622, %parallel_loop3A_623] : memref<4x200x64xf32, #tpu.memory_space<vmem>> -> memref<1x200x64xf32, #tpu.memory_space<vmem>>
        %parallel_loop3A_625 = tpu.memref_squeeze %parallel_loop3A_624 : memref<1x200x64xf32, #tpu.memory_space<vmem>> -> memref<200x64xf32, #tpu.memory_space<vmem>>
        %parallel_loop3A_626 = arith.index_cast %parallel_loop3A_599 : i32 to index
        %parallel_loop3A_627 = arith.constant 32 : index
        %parallel_loop3A_628 = tpu.vector_load %parallel_loop3A_625[%parallel_loop3A_626, %parallel_loop3A_627] {strides = array<i32>} : memref<200x64xf32, #tpu.memory_space<vmem>>, vector<16xf32>,
        %parallel_loop3A_629 = arith.index_cast %parallel_loop3A_599 : i32 to index
        %parallel_loop3A_630 = arith.constant 32 : index
        %parallel_loop3A_631 = tpu.vector_load %arg10[%parallel_loop3A_629, %parallel_loop3A_630] {strides = array<i32>} : memref<200x64xf32, #tpu.memory_space<vmem>>, vector<16xf32>,
        %parallel_loop3A_632 = arith.addf %parallel_loop3A_628, %parallel_loop3A_631 : vector<16xf32>
        %parallel_loop3A_633 = arith.constant 0 : i32
        %parallel_loop3A_634 = arith.constant 0 : i32
        %parallel_loop3A_635 = tpu.memref_slice %arg9[%parallel_loop3A_232, %parallel_loop3A_633, %parallel_loop3A_634] : memref<4x200x64xf32, #tpu.memory_space<vmem>> -> memref<1x200x64xf32, #tpu.memory_space<vmem>>
        %parallel_loop3A_636 = tpu.memref_squeeze %parallel_loop3A_635 : memref<1x200x64xf32, #tpu.memory_space<vmem>> -> memref<200x64xf32, #tpu.memory_space<vmem>>
        %parallel_loop3A_637 = arith.index_cast %parallel_loop3A_599 : i32 to index
        %parallel_loop3A_638 = arith.constant 48 : index
        %parallel_loop3A_639 = tpu.vector_load %parallel_loop3A_636[%parallel_loop3A_637, %parallel_loop3A_638] {strides = array<i32>} : memref<200x64xf32, #tpu.memory_space<vmem>>, vector<16xf32>,
        %parallel_loop3A_640 = arith.index_cast %parallel_loop3A_599 : i32 to index
        %parallel_loop3A_641 = arith.constant 48 : index
        %parallel_loop3A_642 = tpu.vector_load %arg10[%parallel_loop3A_640, %parallel_loop3A_641] {strides = array<i32>} : memref<200x64xf32, #tpu.memory_space<vmem>>, vector<16xf32>,
        %parallel_loop3A_643 = arith.addf %parallel_loop3A_639, %parallel_loop3A_642 : vector<16xf32>
        %parallel_loop3A_644 = arith.addf %parallel_loop3A_610, %parallel_loop3A_621 : vector<16xf32>
        %parallel_loop3A_645 = arith.addf %parallel_loop3A_632, %parallel_loop3A_643 : vector<16xf32>
        %parallel_loop3A_646 = arith.addf %parallel_loop3A_644, %parallel_loop3A_645 : vector<16xf32>
        %parallel_loop3A_647 = arith.mulf %parallel_loop3A_610, %parallel_loop3A_610 : vector<16xf32>
        %parallel_loop3A_648 = arith.mulf %parallel_loop3A_621, %parallel_loop3A_621 : vector<16xf32>
        %parallel_loop3A_649 = arith.addf %parallel_loop3A_647, %parallel_loop3A_648 : vector<16xf32>
        %parallel_loop3A_650 = arith.mulf %parallel_loop3A_632, %parallel_loop3A_632 : vector<16xf32>
        %parallel_loop3A_651 = arith.mulf %parallel_loop3A_643, %parallel_loop3A_643 : vector<16xf32>
        %parallel_loop3A_652 = arith.addf %parallel_loop3A_650, %parallel_loop3A_651 : vector<16xf32>
        %parallel_loop3A_653 = arith.addf %parallel_loop3A_649, %parallel_loop3A_652 : vector<16xf32>
        %parallel_loop3A_654 = arith.constant true
        %parallel_loop3A_655 = vector.broadcast %parallel_loop3A_654 : i1 to vector<16xi1>
        %parallel_loop3A_656 = tpu.scan <sum>, %parallel_loop3A_646 masked %parallel_loop3A_655 : vector<16xf32>, vector<16xi1> -> vector<16xf32>
        %parallel_loop3A_657 = vector.extract %parallel_loop3A_656[15] : f32 from vector<16xf32>
        %parallel_loop3A_658 = arith.constant 1.562500e-02 : f32
        %parallel_loop3A_659 = arith.mulf %parallel_loop3A_657, %parallel_loop3A_658 : f32
        %parallel_loop3A_660 = arith.constant true
        %parallel_loop3A_661 = vector.broadcast %parallel_loop3A_660 : i1 to vector<16xi1>
        %parallel_loop3A_662 = tpu.scan <sum>, %parallel_loop3A_653 masked %parallel_loop3A_661 : vector<16xf32>, vector<16xi1> -> vector<16xf32>
        %parallel_loop3A_663 = vector.extract %parallel_loop3A_662[15] : f32 from vector<16xf32>
        %parallel_loop3A_664 = arith.constant 1.562500e-02 : f32
        %parallel_loop3A_665 = arith.mulf %parallel_loop3A_663, %parallel_loop3A_664 : f32
        %parallel_loop3A_666 = arith.mulf %parallel_loop3A_659, %parallel_loop3A_659 : f32
        %parallel_loop3A_667 = arith.subf %parallel_loop3A_665, %parallel_loop3A_666 : f32
        %parallel_loop3A_668 = arith.constant 0.000000e+00 : f32
        %parallel_loop3A_669 = vector.broadcast %parallel_loop3A_668 : f32 to vector<16xf32>
        %parallel_loop3A_670 = arith.constant 9.99999996E-13 : f32
        %parallel_loop3A_671 = arith.addf %parallel_loop3A_667, %parallel_loop3A_670 : f32
        %parallel_loop3A_672 = vector.broadcast %parallel_loop3A_671 : f32 to vector<16xf32>
        %parallel_loop3A_673 = arith.addf %parallel_loop3A_669, %parallel_loop3A_672 : vector<16xf32>
        %parallel_loop3A_674 = vector.bitcast %parallel_loop3A_673 : vector<16xf32> to vector<16xi32>
        %parallel_loop3A_675 = arith.constant 1 : i32
        %parallel_loop3A_676 = vector.broadcast %parallel_loop3A_675 : i32 to vector<16xi32>
        %parallel_loop3A_677 = arith.shrsi %parallel_loop3A_674, %parallel_loop3A_676 : vector<16xi32>
        %parallel_loop3A_678 = arith.constant 1597463007 : i32
        %parallel_loop3A_679 = vector.broadcast %parallel_loop3A_678 : i32 to vector<16xi32>
        %parallel_loop3A_680 = arith.subi %parallel_loop3A_679, %parallel_loop3A_677 : vector<16xi32>
        %parallel_loop3A_681 = vector.bitcast %parallel_loop3A_680 : vector<16xi32> to vector<16xf32>
        %parallel_loop3A_682 = arith.constant 5.000000e-01 : f32
        %parallel_loop3A_683 = vector.broadcast %parallel_loop3A_682 : f32 to vector<16xf32>
        %parallel_loop3A_684 = arith.mulf %parallel_loop3A_683, %parallel_loop3A_673 : vector<16xf32>
        %parallel_loop3A_685 = arith.mulf %parallel_loop3A_684, %parallel_loop3A_681 : vector<16xf32>
        %parallel_loop3A_686 = arith.mulf %parallel_loop3A_685, %parallel_loop3A_681 : vector<16xf32>
        %parallel_loop3A_687 = arith.constant 1.500000e+00 : f32
        %parallel_loop3A_688 = vector.broadcast %parallel_loop3A_687 : f32 to vector<16xf32>
        %parallel_loop3A_689 = arith.subf %parallel_loop3A_688, %parallel_loop3A_686 : vector<16xf32>
        %parallel_loop3A_690 = arith.mulf %parallel_loop3A_681, %parallel_loop3A_689 : vector<16xf32>
        %parallel_loop3A_691 = arith.constant 5.000000e-01 : f32
        %parallel_loop3A_692 = vector.broadcast %parallel_loop3A_691 : f32 to vector<16xf32>
        %parallel_loop3A_693 = arith.mulf %parallel_loop3A_692, %parallel_loop3A_673 : vector<16xf32>
        %parallel_loop3A_694 = arith.mulf %parallel_loop3A_693, %parallel_loop3A_690 : vector<16xf32>
        %parallel_loop3A_695 = arith.mulf %parallel_loop3A_694, %parallel_loop3A_690 : vector<16xf32>
        %parallel_loop3A_696 = arith.constant 1.500000e+00 : f32
        %parallel_loop3A_697 = vector.broadcast %parallel_loop3A_696 : f32 to vector<16xf32>
        %parallel_loop3A_698 = arith.subf %parallel_loop3A_697, %parallel_loop3A_695 : vector<16xf32>
        %parallel_loop3A_699 = arith.mulf %parallel_loop3A_690, %parallel_loop3A_698 : vector<16xf32>
        %parallel_loop3A_700 = vector.broadcast %parallel_loop3A_659 : f32 to vector<16xf32>
        %parallel_loop3A_701 = arith.subf %parallel_loop3A_610, %parallel_loop3A_700 : vector<16xf32>
        %parallel_loop3A_702 = arith.mulf %parallel_loop3A_701, %parallel_loop3A_699 : vector<16xf32>
        %parallel_loop3A_703 = arith.mulf %parallel_loop3A_702, %get3A_3 : vector<16xf32>
        %parallel_loop3A_704 = arith.addf %parallel_loop3A_703, %get3A_11 : vector<16xf32>
        %parallel_loop3A_705 = arith.constant 0 : i32
        %parallel_loop3A_706 = arith.constant 0 : i32
        %parallel_loop3A_707 = tpu.memref_slice %arg9[%parallel_loop3A_232, %parallel_loop3A_705, %parallel_loop3A_706] : memref<4x200x64xf32, #tpu.memory_space<vmem>> -> memref<1x200x64xf32, #tpu.memory_space<vmem>>
        %parallel_loop3A_708 = tpu.memref_squeeze %parallel_loop3A_707 : memref<1x200x64xf32, #tpu.memory_space<vmem>> -> memref<200x64xf32, #tpu.memory_space<vmem>>
        %parallel_loop3A_709 = arith.index_cast %parallel_loop3A_599 : i32 to index
        %parallel_loop3A_710 = arith.constant 0 : index
        %parallel_loop3A_711 = tpu.vector_load %parallel_loop3A_708[%parallel_loop3A_709, %parallel_loop3A_710] {strides = array<i32>} : memref<200x64xf32, #tpu.memory_space<vmem>>, vector<16xf32>,
        tpu.vector_store %parallel_loop3A_708[%parallel_loop3A_709, %parallel_loop3A_710], %parallel_loop3A_704 {strides = array<i32>} : memref<200x64xf32, #tpu.memory_space<vmem>>, vector<16xf32>,
        %parallel_loop3A_712 = vector.broadcast %parallel_loop3A_659 : f32 to vector<16xf32>
        %parallel_loop3A_713 = arith.subf %parallel_loop3A_621, %parallel_loop3A_712 : vector<16xf32>
        %parallel_loop3A_714 = arith.mulf %parallel_loop3A_713, %parallel_loop3A_699 : vector<16xf32>
        %parallel_loop3A_715 = arith.mulf %parallel_loop3A_714, %get3A_5 : vector<16xf32>
        %parallel_loop3A_716 = arith.addf %parallel_loop3A_715, %get3A_13 : vector<16xf32>
        %parallel_loop3A_717 = arith.constant 0 : i32
        %parallel_loop3A_718 = arith.constant 0 : i32
        %parallel_loop3A_719 = tpu.memref_slice %arg9[%parallel_loop3A_232, %parallel_loop3A_717, %parallel_loop3A_718] : memref<4x200x64xf32, #tpu.memory_space<vmem>> -> memref<1x200x64xf32, #tpu.memory_space<vmem>>
        %parallel_loop3A_720 = tpu.memref_squeeze %parallel_loop3A_719 : memref<1x200x64xf32, #tpu.memory_space<vmem>> -> memref<200x64xf32, #tpu.memory_space<vmem>>
        %parallel_loop3A_721 = arith.index_cast %parallel_loop3A_599 : i32 to index
        %parallel_loop3A_722 = arith.constant 16 : index
        %parallel_loop3A_723 = tpu.vector_load %parallel_loop3A_720[%parallel_loop3A_721, %parallel_loop3A_722] {strides = array<i32>} : memref<200x64xf32, #tpu.memory_space<vmem>>, vector<16xf32>,
        tpu.vector_store %parallel_loop3A_720[%parallel_loop3A_721, %parallel_loop3A_722], %parallel_loop3A_716 {strides = array<i32>} : memref<200x64xf32, #tpu.memory_space<vmem>>, vector<16xf32>,
        %parallel_loop3A_724 = vector.broadcast %parallel_loop3A_659 : f32 to vector<16xf32>
        %parallel_loop3A_725 = arith.subf %parallel_loop3A_632, %parallel_loop3A_724 : vector<16xf32>
        %parallel_loop3A_726 = arith.mulf %parallel_loop3A_725, %parallel_loop3A_699 : vector<16xf32>
        %parallel_loop3A_727 = arith.mulf %parallel_loop3A_726, %get3A_7 : vector<16xf32>
        %parallel_loop3A_728 = arith.addf %parallel_loop3A_727, %get3A_15 : vector<16xf32>
        %parallel_loop3A_729 = arith.constant 0 : i32
        %parallel_loop3A_730 = arith.constant 0 : i32
        %parallel_loop3A_731 = tpu.memref_slice %arg9[%parallel_loop3A_232, %parallel_loop3A_729, %parallel_loop3A_730] : memref<4x200x64xf32, #tpu.memory_space<vmem>> -> memref<1x200x64xf32, #tpu.memory_space<vmem>>
        %parallel_loop3A_732 = tpu.memref_squeeze %parallel_loop3A_731 : memref<1x200x64xf32, #tpu.memory_space<vmem>> -> memref<200x64xf32, #tpu.memory_space<vmem>>
        %parallel_loop3A_733 = arith.index_cast %parallel_loop3A_599 : i32 to index
        %parallel_loop3A_734 = arith.constant 32 : index
        %parallel_loop3A_735 = tpu.vector_load %parallel_loop3A_732[%parallel_loop3A_733, %parallel_loop3A_734] {strides = array<i32>} : memref<200x64xf32, #tpu.memory_space<vmem>>, vector<16xf32>,
        tpu.vector_store %parallel_loop3A_732[%parallel_loop3A_733, %parallel_loop3A_734], %parallel_loop3A_728 {strides = array<i32>} : memref<200x64xf32, #tpu.memory_space<vmem>>, vector<16xf32>,
        %parallel_loop3A_736 = vector.broadcast %parallel_loop3A_659 : f32 to vector<16xf32>
        %parallel_loop3A_737 = arith.subf %parallel_loop3A_643, %parallel_loop3A_736 : vector<16xf32>
        %parallel_loop3A_738 = arith.mulf %parallel_loop3A_737, %parallel_loop3A_699 : vector<16xf32>
        %parallel_loop3A_739 = arith.mulf %parallel_loop3A_738, %get3A_9 : vector<16xf32>
        %parallel_loop3A_740 = arith.addf %parallel_loop3A_739, %get3A_17 : vector<16xf32>
        %parallel_loop3A_741 = arith.constant 0 : i32
        %parallel_loop3A_742 = arith.constant 0 : i32
        %parallel_loop3A_743 = tpu.memref_slice %arg9[%parallel_loop3A_232, %parallel_loop3A_741, %parallel_loop3A_742] : memref<4x200x64xf32, #tpu.memory_space<vmem>> -> memref<1x200x64xf32, #tpu.memory_space<vmem>>
        %parallel_loop3A_744 = tpu.memref_squeeze %parallel_loop3A_743 : memref<1x200x64xf32, #tpu.memory_space<vmem>> -> memref<200x64xf32, #tpu.memory_space<vmem>>
        %parallel_loop3A_745 = arith.index_cast %parallel_loop3A_599 : i32 to index
        %parallel_loop3A_746 = arith.constant 48 : index
        %parallel_loop3A_747 = tpu.vector_load %parallel_loop3A_744[%parallel_loop3A_745, %parallel_loop3A_746] {strides = array<i32>} : memref<200x64xf32, #tpu.memory_space<vmem>>, vector<16xf32>,
        tpu.vector_store %parallel_loop3A_744[%parallel_loop3A_745, %parallel_loop3A_746], %parallel_loop3A_740 {strides = array<i32>} : memref<200x64xf32, #tpu.memory_space<vmem>>, vector<16xf32>,
      } {sc.loop_unroll_factor = 2 : i64, sc.parallel_access}
      %add3A_233 = arith.addi %mul3A_2, %add3A_205 : i32
      %dma_start3A_234 = arith.constant 0 : i32
      %dma_start3A_235 = arith.constant 0 : i32
      %dma_start3A_236 = arith.constant 0 : i32
      %dma_start3A_237 = tpu.memref_slice %arg9[%dma_start3A_234, %dma_start3A_235, %dma_start3A_236] : memref<4x200x64xf32, #tpu.memory_space<vmem>> -> memref<1x200x64xf32, #tpu.memory_space<vmem>>
      %dma_start3A_238 = tpu.memref_squeeze %dma_start3A_237 : memref<1x200x64xf32, #tpu.memory_space<vmem>> -> memref<200x64xf32, #tpu.memory_space<vmem>>
      %dma_start3A_239 = arith.constant 0 : i32
      %dma_start3A_240 = arith.constant 0 : i32
      %dma_start3A_241 = tpu.memref_slice %arg7[%add3A_233, %dma_start3A_239, %dma_start3A_240] : memref<4096x200x64xf32, #tpu.memory_space<hbm>> -> memref<1x200x64xf32, #tpu.memory_space<hbm>>
      %dma_start3A_242 = tpu.memref_squeeze %dma_start3A_241 : memref<1x200x64xf32, #tpu.memory_space<hbm>> -> memref<200x64xf32, #tpu.memory_space<hbm>>
      %dma_start3A_243 = arith.constant 0 : i32
      %dma_start3A_244 = arith.constant 0 : i32
      %dma_start3A_245 = tpu.memref_slice %arg7[%add3A_233, %dma_start3A_243, %dma_start3A_244] : memref<4096x200x64xf32, #tpu.memory_space<hbm>> -> memref<1x200x64xf32, #tpu.memory_space<hbm>>
      %dma_start3A_246 = tpu.memref_squeeze %dma_start3A_245 : memref<1x200x64xf32, #tpu.memory_space<hbm>> -> memref<200x64xf32, #tpu.memory_space<hbm>>
      %dma_start3A_247 = arith.constant 0 : i32
      %dma_start3A_248 = arith.constant 0 : i32
      %dma_start3A_249 = tpu.memref_slice %arg9[%dma_start3A_234, %dma_start3A_247, %dma_start3A_248] : memref<4x200x64xf32, #tpu.memory_space<vmem>> -> memref<1x200x64xf32, #tpu.memory_space<vmem>>
      %dma_start3A_250 = tpu.memref_squeeze %dma_start3A_249 : memref<1x200x64xf32, #tpu.memory_space<vmem>> -> memref<200x64xf32, #tpu.memory_space<vmem>>
      tpu.enqueue_dma source(%dma_start3A_250 : memref<200x64xf32, #tpu.memory_space<vmem>>) target(%dma_start3A_246 : memref<200x64xf32, #tpu.memory_space<hbm>>) target_semaphore(%arg17 : memref<!tpu.dma_semaphore, #tpu.memory_space<semaphore_mem>>)
      %ge3A = arith.constant 1 : i32
      %ge3A_251 = arith.cmpi sge, %add3A_205, %ge3A : i32
      %add3A_252 = arith.constant 4 : i32
      %add3A_253 = arith.addi %add3A_205, %add3A_252 : i32
      %sub3A = arith.constant 1 : i32
      %sub3A_254 = arith.subi %add3A_253, %sub3A : i32
      %lt3A = arith.constant 128 : i32
      %lt3A_255 = arith.cmpi slt, %sub3A_254, %lt3A : i32
      %and3A = arith.andi %ge3A_251, %lt3A_255 : i1
      %convert_element_type3A = arith.extui %and3A : i1 to i32
      %cond3A = arith.constant 0 : i32
      %cond3A_256 = arith.cmpi ne, %convert_element_type3A, %cond3A : i32
      scf.if %cond3A_256 {
        %sub3A_443 = arith.constant 1 : i32
        %sub3A_444 = arith.subi %add3A_205, %sub3A_443 : i32
        %add3A_445 = arith.addi %mul3A_2, %sub3A_444 : i32
        %dma_wait3A_446 = arith.constant 3 : i32
        %dma_wait3A_447 = arith.constant 0 : i32
        %dma_wait3A_448 = arith.constant 0 : i32
        %dma_wait3A_449 = tpu.memref_slice %arg9[%dma_wait3A_446, %dma_wait3A_447, %dma_wait3A_448] : memref<4x200x64xf32, #tpu.memory_space<vmem>> -> memref<1x200x64xf32, #tpu.memory_space<vmem>>
        %dma_wait3A_450 = tpu.memref_squeeze %dma_wait3A_449 : memref<1x200x64xf32, #tpu.memory_space<vmem>> -> memref<200x64xf32, #tpu.memory_space<vmem>>
        %dma_wait3A_451 = arith.constant 0 : i32
        %dma_wait3A_452 = arith.constant 0 : i32
        %dma_wait3A_453 = tpu.memref_slice %arg7[%add3A_445, %dma_wait3A_451, %dma_wait3A_452] : memref<4096x200x64xf32, #tpu.memory_space<hbm>> -> memref<1x200x64xf32, #tpu.memory_space<hbm>>
        %dma_wait3A_454 = tpu.memref_squeeze %dma_wait3A_453 : memref<1x200x64xf32, #tpu.memory_space<hbm>> -> memref<200x64xf32, #tpu.memory_space<hbm>>
        %dma_wait3A_455 = arith.constant 0 : i32
        %dma_wait3A_456 = arith.constant 0 : i32
        %dma_wait3A_457 = tpu.memref_slice %arg7[%add3A_445, %dma_wait3A_455, %dma_wait3A_456] : memref<4096x200x64xf32, #tpu.memory_space<hbm>> -> memref<1x200x64xf32, #tpu.memory_space<hbm>>
        %dma_wait3A_458 = tpu.memref_squeeze %dma_wait3A_457 : memref<1x200x64xf32, #tpu.memory_space<hbm>> -> memref<200x64xf32, #tpu.memory_space<hbm>>
        %dma_wait3A_459 = arith.constant 0 : i32
        %dma_wait3A_460 = arith.constant 0 : i32
        %dma_wait3A_461 = tpu.memref_slice %arg9[%dma_wait3A_446, %dma_wait3A_459, %dma_wait3A_460] : memref<4x200x64xf32, #tpu.memory_space<vmem>> -> memref<1x200x64xf32, #tpu.memory_space<vmem>>
        %dma_wait3A_462 = tpu.memref_squeeze %dma_wait3A_461 : memref<1x200x64xf32, #tpu.memory_space<vmem>> -> memref<200x64xf32, #tpu.memory_space<vmem>>
        tpu.wait_dma2 semaphore(%arg20 : memref<!tpu.dma_semaphore, #tpu.memory_space<semaphore_mem>>) src(%dma_wait3A_462 : memref<200x64xf32, #tpu.memory_space<vmem>>) dst(%dma_wait3A_458 : memref<200x64xf32, #tpu.memory_space<hbm>>)
        %add3A_463 = arith.constant 4 : i32
        %add3A_464 = arith.addi %add3A_205, %add3A_463 : i32
        %sub3A_465 = arith.constant 1 : i32
        %sub3A_466 = arith.subi %add3A_464, %sub3A_465 : i32
        %dma_start3A_467 = arith.constant 0 : i32
        %dma_start3A_468 = arith.constant 3 : i32
        %dma_start3A_469 = arith.constant 0 : i32
        %dma_start3A_470 = arith.constant 0 : i32
        %dma_start3A_471 = tpu.memref_slice %arg9[%dma_start3A_468, %dma_start3A_469, %dma_start3A_470] : memref<4x200x64xf32, #tpu.memory_space<vmem>> -> memref<1x100x64xf32, #tpu.memory_space<vmem>>
        %dma_start3A_472 = tpu.memref_squeeze %dma_start3A_471 : memref<1x100x64xf32, #tpu.memory_space<vmem>> -> memref<100x64xf32, #tpu.memory_space<vmem>>
        %dma_start3A_473 = arith.constant 0 : i32
        %dma_start3A_474 = tpu.memref_slice %arg8[%sub3A_466, %dma_start3A_467, %dma_start3A_473] : memref<128x2x100xi32, #tpu.memory_space<vmem>> -> memref<1x1x100xi32, #tpu.memory_space<vmem>>
        %dma_start3A_475 = tpu.memref_squeeze %dma_start3A_474 : memref<1x1x100xi32, #tpu.memory_space<vmem>> -> memref<100xi32, #tpu.memory_space<vmem>>
        %dma_start3A_476 = arith.constant 0 : i32
        %dma_start3A_477 = arith.constant 0 : i32
        %dma_start3A_478 = tpu.memref_slice %arg3[%dma_start3A_476, %dma_start3A_477] : memref<1000000x64xf32, #tpu.memory_space<hbm>> -> memref<1000000x64xf32, #tpu.memory_space<hbm>>
        tpu.enqueue_indirect_dma source(%dma_start3A_478 : memref<1000000x64xf32, #tpu.memory_space<hbm>>) target(%dma_start3A_472 : memref<100x64xf32, #tpu.memory_space<vmem>>) offsets(%dma_start3A_475 : memref<100xi32, #tpu.memory_space<vmem>>) semaphore(%arg16 : memref<!tpu.dma_semaphore, #tpu.memory_space<semaphore_mem>>)
        %dma_start3A_479 = arith.constant 1 : i32
        %dma_start3A_480 = arith.constant 3 : i32
        %dma_start3A_481 = arith.constant 100 : i32
        %dma_start3A_482 = arith.constant 0 : i32
        %dma_start3A_483 = tpu.memref_slice %arg9[%dma_start3A_480, %dma_start3A_481, %dma_start3A_482] : memref<4x200x64xf32, #tpu.memory_space<vmem>> -> memref<1x100x64xf32, #tpu.memory_space<vmem>>
        %dma_start3A_484 = tpu.memref_squeeze %dma_start3A_483 : memref<1x100x64xf32, #tpu.memory_space<vmem>> -> memref<100x64xf32, #tpu.memory_space<vmem>>
        %dma_start3A_485 = arith.constant 0 : i32
        %dma_start3A_486 = tpu.memref_slice %arg8[%sub3A_466, %dma_start3A_479, %dma_start3A_485] : memref<128x2x100xi32, #tpu.memory_space<vmem>> -> memref<1x1x100xi32, #tpu.memory_space<vmem>>
        %dma_start3A_487 = tpu.memref_squeeze %dma_start3A_486 : memref<1x1x100xi32, #tpu.memory_space<vmem>> -> memref<100xi32, #tpu.memory_space<vmem>>
        %dma_start3A_488 = arith.constant 0 : i32
        %dma_start3A_489 = arith.constant 0 : i32
        %dma_start3A_490 = tpu.memref_slice %arg3[%dma_start3A_488, %dma_start3A_489] : memref<1000000x64xf32, #tpu.memory_space<hbm>> -> memref<1000000x64xf32, #tpu.memory_space<hbm>>
        tpu.enqueue_indirect_dma source(%dma_start3A_490 : memref<1000000x64xf32, #tpu.memory_space<hbm>>) target(%dma_start3A_484 : memref<100x64xf32, #tpu.memory_space<vmem>>) offsets(%dma_start3A_487 : memref<100xi32, #tpu.memory_space<vmem>>) semaphore(%arg16 : memref<!tpu.dma_semaphore, #tpu.memory_space<semaphore_mem>>)
      } else {
      }
      %mul3A_257 = arith.constant 4 : i32
      %mul3A_258 = arith.muli %scan3A_201, %mul3A_257 : i32
      %add3A_259 = arith.constant 1 : i32
      %add3A_260 = arith.addi %mul3A_258, %add3A_259 : i32
      %dma_wait3A_261 = arith.constant 0 : i32
      %dma_wait3A_262 = arith.constant 1 : i32
      %dma_wait3A_263 = arith.constant 0 : i32
      %dma_wait3A_264 = arith.constant 0 : i32
      %dma_wait3A_265 = tpu.memref_slice %arg9[%dma_wait3A_262, %dma_wait3A_263, %dma_wait3A_264] : memref<4x200x64xf32, #tpu.memory_space<vmem>> -> memref<1x100x64xf32, #tpu.memory_space<vmem>>
      %dma_wait3A_266 = tpu.memref_squeeze %dma_wait3A_265 : memref<1x100x64xf32, #tpu.memory_space<vmem>> -> memref<100x64xf32, #tpu.memory_space<vmem>>
      %dma_wait3A_267 = arith.constant 0 : i32
      %dma_wait3A_268 = tpu.memref_slice %arg8[%add3A_260, %dma_wait3A_261, %dma_wait3A_267] : memref<128x2x100xi32, #tpu.memory_space<vmem>> -> memref<1x1x100xi32, #tpu.memory_space<vmem>>
      %dma_wait3A_269 = tpu.memref_squeeze %dma_wait3A_268 : memref<1x1x100xi32, #tpu.memory_space<vmem>> -> memref<100xi32, #tpu.memory_space<vmem>>
      %dma_wait3A_270 = arith.constant 0 : i32
      %dma_wait3A_271 = arith.constant 0 : i32
      %dma_wait3A_272 = tpu.memref_slice %arg3[%dma_wait3A_270, %dma_wait3A_271] : memref<1000000x64xf32, #tpu.memory_space<hbm>> -> memref<1000000x64xf32, #tpu.memory_space<hbm>>
      tpu.wait_indirect_dma semaphore(%arg14 : memref<!tpu.dma_semaphore, #tpu.memory_space<semaphore_mem>>) src(%dma_wait3A_272 : memref<1000000x64xf32, #tpu.memory_space<hbm>>) dst(%dma_wait3A_266 : memref<100x64xf32, #tpu.memory_space<vmem>>)
      %dma_wait3A_273 = arith.constant 1 : i32
      %dma_wait3A_274 = arith.constant 1 : i32
      %dma_wait3A_275 = arith.constant 100 : i32
      %dma_wait3A_276 = arith.constant 0 : i32
      %dma_wait3A_277 = tpu.memref_slice %arg9[%dma_wait3A_274, %dma_wait3A_275, %dma_wait3A_276] : memref<4x200x64xf32, #tpu.memory_space<vmem>> -> memref<1x100x64xf32, #tpu.memory_space<vmem>>
      %dma_wait3A_278 = tpu.memref_squeeze %dma_wait3A_277 : memref<1x100x64xf32, #tpu.memory_space<vmem>> -> memref<100x64xf32, #tpu.memory_space<vmem>>
      %dma_wait3A_279 = arith.constant 0 : i32
      %dma_wait3A_280 = tpu.memref_slice %arg8[%add3A_260, %dma_wait3A_273, %dma_wait3A_279] : memref<128x2x100xi32, #tpu.memory_space<vmem>> -> memref<1x1x100xi32, #tpu.memory_space<vmem>>
      %dma_wait3A_281 = tpu.memref_squeeze %dma_wait3A_280 : memref<1x1x100xi32, #tpu.memory_space<vmem>> -> memref<100xi32, #tpu.memory_space<vmem>>
      %dma_wait3A_282 = arith.constant 0 : i32
      %dma_wait3A_283 = arith.constant 0 : i32
      %dma_wait3A_284 = tpu.memref_slice %arg3[%dma_wait3A_282, %dma_wait3A_283] : memref<1000000x64xf32, #tpu.memory_space<hbm>> -> memref<1000000x64xf32, #tpu.memory_space<hbm>>
      tpu.wait_indirect_dma semaphore(%arg14 : memref<!tpu.dma_semaphore, #tpu.memory_space<semaphore_mem>>) src(%dma_wait3A_284 : memref<1000000x64xf32, #tpu.memory_space<hbm>>) dst(%dma_wait3A_278 : memref<100x64xf32, #tpu.memory_space<vmem>>)
      %parallel_loop3A_285 = arith.constant 0 : i32
      %parallel_loop3A_286 = arith.constant 100 : i32
      %parallel_loop3A_287 = arith.constant 1 : i32
      %parallel_loop3A_288 = arith.constant 1 : i32
      scf.for %parallel_loop3A_443 = %parallel_loop3A_285 to %parallel_loop3A_286 step %parallel_loop3A_287  : i32 {
        %parallel_loop3A_444 = arith.constant 2 : i32
        %parallel_loop3A_445 = arith.muli %parallel_loop3A_443, %parallel_loop3A_444 : i32
        %parallel_loop3A_446 = arith.constant 0 : i32
        %parallel_loop3A_447 = arith.addi %parallel_loop3A_445, %parallel_loop3A_446 : i32
        %parallel_loop3A_448 = arith.constant 0 : i32
        %parallel_loop3A_449 = arith.constant 0 : i32
        %parallel_loop3A_450 = tpu.memref_slice %arg9[%parallel_loop3A_288, %parallel_loop3A_448, %parallel_loop3A_449] : memref<4x200x64xf32, #tpu.memory_space<vmem>> -> memref<1x200x64xf32, #tpu.memory_space<vmem>>
        %parallel_loop3A_451 = tpu.memref_squeeze %parallel_loop3A_450 : memref<1x200x64xf32, #tpu.memory_space<vmem>> -> memref<200x64xf32, #tpu.memory_space<vmem>>
        %parallel_loop3A_452 = arith.index_cast %parallel_loop3A_447 : i32 to index
        %parallel_loop3A_453 = arith.constant 0 : index
        %parallel_loop3A_454 = tpu.vector_load %parallel_loop3A_451[%parallel_loop3A_452, %parallel_loop3A_453] {strides = array<i32>} : memref<200x64xf32, #tpu.memory_space<vmem>>, vector<16xf32>,
        %parallel_loop3A_455 = arith.index_cast %parallel_loop3A_447 : i32 to index
        %parallel_loop3A_456 = arith.constant 0 : index
        %parallel_loop3A_457 = tpu.vector_load %arg10[%parallel_loop3A_455, %parallel_loop3A_456] {strides = array<i32>} : memref<200x64xf32, #tpu.memory_space<vmem>>, vector<16xf32>,
        %parallel_loop3A_458 = arith.addf %parallel_loop3A_454, %parallel_loop3A_457 : vector<16xf32>
        %parallel_loop3A_459 = arith.constant 0 : i32
        %parallel_loop3A_460 = arith.constant 0 : i32
        %parallel_loop3A_461 = tpu.memref_slice %arg9[%parallel_loop3A_288, %parallel_loop3A_459, %parallel_loop3A_460] : memref<4x200x64xf32, #tpu.memory_space<vmem>> -> memref<1x200x64xf32, #tpu.memory_space<vmem>>
        %parallel_loop3A_462 = tpu.memref_squeeze %parallel_loop3A_461 : memref<1x200x64xf32, #tpu.memory_space<vmem>> -> memref<200x64xf32, #tpu.memory_space<vmem>>
        %parallel_loop3A_463 = arith.index_cast %parallel_loop3A_447 : i32 to index
        %parallel_loop3A_464 = arith.constant 16 : index
        %parallel_loop3A_465 = tpu.vector_load %parallel_loop3A_462[%parallel_loop3A_463, %parallel_loop3A_464] {strides = array<i32>} : memref<200x64xf32, #tpu.memory_space<vmem>>, vector<16xf32>,
        %parallel_loop3A_466 = arith.index_cast %parallel_loop3A_447 : i32 to index
        %parallel_loop3A_467 = arith.constant 16 : index
        %parallel_loop3A_468 = tpu.vector_load %arg10[%parallel_loop3A_466, %parallel_loop3A_467] {strides = array<i32>} : memref<200x64xf32, #tpu.memory_space<vmem>>, vector<16xf32>,
        %parallel_loop3A_469 = arith.addf %parallel_loop3A_465, %parallel_loop3A_468 : vector<16xf32>
        %parallel_loop3A_470 = arith.constant 0 : i32
        %parallel_loop3A_471 = arith.constant 0 : i32
        %parallel_loop3A_472 = tpu.memref_slice %arg9[%parallel_loop3A_288, %parallel_loop3A_470, %parallel_loop3A_471] : memref<4x200x64xf32, #tpu.memory_space<vmem>> -> memref<1x200x64xf32, #tpu.memory_space<vmem>>
        %parallel_loop3A_473 = tpu.memref_squeeze %parallel_loop3A_472 : memref<1x200x64xf32, #tpu.memory_space<vmem>> -> memref<200x64xf32, #tpu.memory_space<vmem>>
        %parallel_loop3A_474 = arith.index_cast %parallel_loop3A_447 : i32 to index
        %parallel_loop3A_475 = arith.constant 32 : index
        %parallel_loop3A_476 = tpu.vector_load %parallel_loop3A_473[%parallel_loop3A_474, %parallel_loop3A_475] {strides = array<i32>} : memref<200x64xf32, #tpu.memory_space<vmem>>, vector<16xf32>,
        %parallel_loop3A_477 = arith.index_cast %parallel_loop3A_447 : i32 to index
        %parallel_loop3A_478 = arith.constant 32 : index
        %parallel_loop3A_479 = tpu.vector_load %arg10[%parallel_loop3A_477, %parallel_loop3A_478] {strides = array<i32>} : memref<200x64xf32, #tpu.memory_space<vmem>>, vector<16xf32>,
        %parallel_loop3A_480 = arith.addf %parallel_loop3A_476, %parallel_loop3A_479 : vector<16xf32>
        %parallel_loop3A_481 = arith.constant 0 : i32
        %parallel_loop3A_482 = arith.constant 0 : i32
        %parallel_loop3A_483 = tpu.memref_slice %arg9[%parallel_loop3A_288, %parallel_loop3A_481, %parallel_loop3A_482] : memref<4x200x64xf32, #tpu.memory_space<vmem>> -> memref<1x200x64xf32, #tpu.memory_space<vmem>>
        %parallel_loop3A_484 = tpu.memref_squeeze %parallel_loop3A_483 : memref<1x200x64xf32, #tpu.memory_space<vmem>> -> memref<200x64xf32, #tpu.memory_space<vmem>>
        %parallel_loop3A_485 = arith.index_cast %parallel_loop3A_447 : i32 to index
        %parallel_loop3A_486 = arith.constant 48 : index
        %parallel_loop3A_487 = tpu.vector_load %parallel_loop3A_484[%parallel_loop3A_485, %parallel_loop3A_486] {strides = array<i32>} : memref<200x64xf32, #tpu.memory_space<vmem>>, vector<16xf32>,
        %parallel_loop3A_488 = arith.index_cast %parallel_loop3A_447 : i32 to index
        %parallel_loop3A_489 = arith.constant 48 : index
        %parallel_loop3A_490 = tpu.vector_load %arg10[%parallel_loop3A_488, %parallel_loop3A_489] {strides = array<i32>} : memref<200x64xf32, #tpu.memory_space<vmem>>, vector<16xf32>,
        %parallel_loop3A_491 = arith.addf %parallel_loop3A_487, %parallel_loop3A_490 : vector<16xf32>
        %parallel_loop3A_492 = arith.addf %parallel_loop3A_458, %parallel_loop3A_469 : vector<16xf32>
        %parallel_loop3A_493 = arith.addf %parallel_loop3A_480, %parallel_loop3A_491 : vector<16xf32>
        %parallel_loop3A_494 = arith.addf %parallel_loop3A_492, %parallel_loop3A_493 : vector<16xf32>
        %parallel_loop3A_495 = arith.mulf %parallel_loop3A_458, %parallel_loop3A_458 : vector<16xf32>
        %parallel_loop3A_496 = arith.mulf %parallel_loop3A_469, %parallel_loop3A_469 : vector<16xf32>
        %parallel_loop3A_497 = arith.addf %parallel_loop3A_495, %parallel_loop3A_496 : vector<16xf32>
        %parallel_loop3A_498 = arith.mulf %parallel_loop3A_480, %parallel_loop3A_480 : vector<16xf32>
        %parallel_loop3A_499 = arith.mulf %parallel_loop3A_491, %parallel_loop3A_491 : vector<16xf32>
        %parallel_loop3A_500 = arith.addf %parallel_loop3A_498, %parallel_loop3A_499 : vector<16xf32>
        %parallel_loop3A_501 = arith.addf %parallel_loop3A_497, %parallel_loop3A_500 : vector<16xf32>
        %parallel_loop3A_502 = arith.constant true
        %parallel_loop3A_503 = vector.broadcast %parallel_loop3A_502 : i1 to vector<16xi1>
        %parallel_loop3A_504 = tpu.scan <sum>, %parallel_loop3A_494 masked %parallel_loop3A_503 : vector<16xf32>, vector<16xi1> -> vector<16xf32>
        %parallel_loop3A_505 = vector.extract %parallel_loop3A_504[15] : f32 from vector<16xf32>
        %parallel_loop3A_506 = arith.constant 1.562500e-02 : f32
        %parallel_loop3A_507 = arith.mulf %parallel_loop3A_505, %parallel_loop3A_506 : f32
        %parallel_loop3A_508 = arith.constant true
        %parallel_loop3A_509 = vector.broadcast %parallel_loop3A_508 : i1 to vector<16xi1>
        %parallel_loop3A_510 = tpu.scan <sum>, %parallel_loop3A_501 masked %parallel_loop3A_509 : vector<16xf32>, vector<16xi1> -> vector<16xf32>
        %parallel_loop3A_511 = vector.extract %parallel_loop3A_510[15] : f32 from vector<16xf32>
        %parallel_loop3A_512 = arith.constant 1.562500e-02 : f32
        %parallel_loop3A_513 = arith.mulf %parallel_loop3A_511, %parallel_loop3A_512 : f32
        %parallel_loop3A_514 = arith.mulf %parallel_loop3A_507, %parallel_loop3A_507 : f32
        %parallel_loop3A_515 = arith.subf %parallel_loop3A_513, %parallel_loop3A_514 : f32
        %parallel_loop3A_516 = arith.constant 0.000000e+00 : f32
        %parallel_loop3A_517 = vector.broadcast %parallel_loop3A_516 : f32 to vector<16xf32>
        %parallel_loop3A_518 = arith.constant 9.99999996E-13 : f32
        %parallel_loop3A_519 = arith.addf %parallel_loop3A_515, %parallel_loop3A_518 : f32
        %parallel_loop3A_520 = vector.broadcast %parallel_loop3A_519 : f32 to vector<16xf32>
        %parallel_loop3A_521 = arith.addf %parallel_loop3A_517, %parallel_loop3A_520 : vector<16xf32>
        %parallel_loop3A_522 = vector.bitcast %parallel_loop3A_521 : vector<16xf32> to vector<16xi32>
        %parallel_loop3A_523 = arith.constant 1 : i32
        %parallel_loop3A_524 = vector.broadcast %parallel_loop3A_523 : i32 to vector<16xi32>
        %parallel_loop3A_525 = arith.shrsi %parallel_loop3A_522, %parallel_loop3A_524 : vector<16xi32>
        %parallel_loop3A_526 = arith.constant 1597463007 : i32
        %parallel_loop3A_527 = vector.broadcast %parallel_loop3A_526 : i32 to vector<16xi32>
        %parallel_loop3A_528 = arith.subi %parallel_loop3A_527, %parallel_loop3A_525 : vector<16xi32>
        %parallel_loop3A_529 = vector.bitcast %parallel_loop3A_528 : vector<16xi32> to vector<16xf32>
        %parallel_loop3A_530 = arith.constant 5.000000e-01 : f32
        %parallel_loop3A_531 = vector.broadcast %parallel_loop3A_530 : f32 to vector<16xf32>
        %parallel_loop3A_532 = arith.mulf %parallel_loop3A_531, %parallel_loop3A_521 : vector<16xf32>
        %parallel_loop3A_533 = arith.mulf %parallel_loop3A_532, %parallel_loop3A_529 : vector<16xf32>
        %parallel_loop3A_534 = arith.mulf %parallel_loop3A_533, %parallel_loop3A_529 : vector<16xf32>
        %parallel_loop3A_535 = arith.constant 1.500000e+00 : f32
        %parallel_loop3A_536 = vector.broadcast %parallel_loop3A_535 : f32 to vector<16xf32>
        %parallel_loop3A_537 = arith.subf %parallel_loop3A_536, %parallel_loop3A_534 : vector<16xf32>
        %parallel_loop3A_538 = arith.mulf %parallel_loop3A_529, %parallel_loop3A_537 : vector<16xf32>
        %parallel_loop3A_539 = arith.constant 5.000000e-01 : f32
        %parallel_loop3A_540 = vector.broadcast %parallel_loop3A_539 : f32 to vector<16xf32>
        %parallel_loop3A_541 = arith.mulf %parallel_loop3A_540, %parallel_loop3A_521 : vector<16xf32>
        %parallel_loop3A_542 = arith.mulf %parallel_loop3A_541, %parallel_loop3A_538 : vector<16xf32>
        %parallel_loop3A_543 = arith.mulf %parallel_loop3A_542, %parallel_loop3A_538 : vector<16xf32>
        %parallel_loop3A_544 = arith.constant 1.500000e+00 : f32
        %parallel_loop3A_545 = vector.broadcast %parallel_loop3A_544 : f32 to vector<16xf32>
        %parallel_loop3A_546 = arith.subf %parallel_loop3A_545, %parallel_loop3A_543 : vector<16xf32>
        %parallel_loop3A_547 = arith.mulf %parallel_loop3A_538, %parallel_loop3A_546 : vector<16xf32>
        %parallel_loop3A_548 = vector.broadcast %parallel_loop3A_507 : f32 to vector<16xf32>
        %parallel_loop3A_549 = arith.subf %parallel_loop3A_458, %parallel_loop3A_548 : vector<16xf32>
        %parallel_loop3A_550 = arith.mulf %parallel_loop3A_549, %parallel_loop3A_547 : vector<16xf32>
        %parallel_loop3A_551 = arith.mulf %parallel_loop3A_550, %get3A_3 : vector<16xf32>
        %parallel_loop3A_552 = arith.addf %parallel_loop3A_551, %get3A_11 : vector<16xf32>
        %parallel_loop3A_553 = arith.constant 0 : i32
        %parallel_loop3A_554 = arith.constant 0 : i32
        %parallel_loop3A_555 = tpu.memref_slice %arg9[%parallel_loop3A_288, %parallel_loop3A_553, %parallel_loop3A_554] : memref<4x200x64xf32, #tpu.memory_space<vmem>> -> memref<1x200x64xf32, #tpu.memory_space<vmem>>
        %parallel_loop3A_556 = tpu.memref_squeeze %parallel_loop3A_555 : memref<1x200x64xf32, #tpu.memory_space<vmem>> -> memref<200x64xf32, #tpu.memory_space<vmem>>
        %parallel_loop3A_557 = arith.index_cast %parallel_loop3A_447 : i32 to index
        %parallel_loop3A_558 = arith.constant 0 : index
        %parallel_loop3A_559 = tpu.vector_load %parallel_loop3A_556[%parallel_loop3A_557, %parallel_loop3A_558] {strides = array<i32>} : memref<200x64xf32, #tpu.memory_space<vmem>>, vector<16xf32>,
        tpu.vector_store %parallel_loop3A_556[%parallel_loop3A_557, %parallel_loop3A_558], %parallel_loop3A_552 {strides = array<i32>} : memref<200x64xf32, #tpu.memory_space<vmem>>, vector<16xf32>,
        %parallel_loop3A_560 = vector.broadcast %parallel_loop3A_507 : f32 to vector<16xf32>
        %parallel_loop3A_561 = arith.subf %parallel_loop3A_469, %parallel_loop3A_560 : vector<16xf32>
        %parallel_loop3A_562 = arith.mulf %parallel_loop3A_561, %parallel_loop3A_547 : vector<16xf32>
        %parallel_loop3A_563 = arith.mulf %parallel_loop3A_562, %get3A_5 : vector<16xf32>
        %parallel_loop3A_564 = arith.addf %parallel_loop3A_563, %get3A_13 : vector<16xf32>
        %parallel_loop3A_565 = arith.constant 0 : i32
        %parallel_loop3A_566 = arith.constant 0 : i32
        %parallel_loop3A_567 = tpu.memref_slice %arg9[%parallel_loop3A_288, %parallel_loop3A_565, %parallel_loop3A_566] : memref<4x200x64xf32, #tpu.memory_space<vmem>> -> memref<1x200x64xf32, #tpu.memory_space<vmem>>
        %parallel_loop3A_568 = tpu.memref_squeeze %parallel_loop3A_567 : memref<1x200x64xf32, #tpu.memory_space<vmem>> -> memref<200x64xf32, #tpu.memory_space<vmem>>
        %parallel_loop3A_569 = arith.index_cast %parallel_loop3A_447 : i32 to index
        %parallel_loop3A_570 = arith.constant 16 : index
        %parallel_loop3A_571 = tpu.vector_load %parallel_loop3A_568[%parallel_loop3A_569, %parallel_loop3A_570] {strides = array<i32>} : memref<200x64xf32, #tpu.memory_space<vmem>>, vector<16xf32>,
        tpu.vector_store %parallel_loop3A_568[%parallel_loop3A_569, %parallel_loop3A_570], %parallel_loop3A_564 {strides = array<i32>} : memref<200x64xf32, #tpu.memory_space<vmem>>, vector<16xf32>,
        %parallel_loop3A_572 = vector.broadcast %parallel_loop3A_507 : f32 to vector<16xf32>
        %parallel_loop3A_573 = arith.subf %parallel_loop3A_480, %parallel_loop3A_572 : vector<16xf32>
        %parallel_loop3A_574 = arith.mulf %parallel_loop3A_573, %parallel_loop3A_547 : vector<16xf32>
        %parallel_loop3A_575 = arith.mulf %parallel_loop3A_574, %get3A_7 : vector<16xf32>
        %parallel_loop3A_576 = arith.addf %parallel_loop3A_575, %get3A_15 : vector<16xf32>
        %parallel_loop3A_577 = arith.constant 0 : i32
        %parallel_loop3A_578 = arith.constant 0 : i32
        %parallel_loop3A_579 = tpu.memref_slice %arg9[%parallel_loop3A_288, %parallel_loop3A_577, %parallel_loop3A_578] : memref<4x200x64xf32, #tpu.memory_space<vmem>> -> memref<1x200x64xf32, #tpu.memory_space<vmem>>
        %parallel_loop3A_580 = tpu.memref_squeeze %parallel_loop3A_579 : memref<1x200x64xf32, #tpu.memory_space<vmem>> -> memref<200x64xf32, #tpu.memory_space<vmem>>
        %parallel_loop3A_581 = arith.index_cast %parallel_loop3A_447 : i32 to index
        %parallel_loop3A_582 = arith.constant 32 : index
        %parallel_loop3A_583 = tpu.vector_load %parallel_loop3A_580[%parallel_loop3A_581, %parallel_loop3A_582] {strides = array<i32>} : memref<200x64xf32, #tpu.memory_space<vmem>>, vector<16xf32>,
        tpu.vector_store %parallel_loop3A_580[%parallel_loop3A_581, %parallel_loop3A_582], %parallel_loop3A_576 {strides = array<i32>} : memref<200x64xf32, #tpu.memory_space<vmem>>, vector<16xf32>,
        %parallel_loop3A_584 = vector.broadcast %parallel_loop3A_507 : f32 to vector<16xf32>
        %parallel_loop3A_585 = arith.subf %parallel_loop3A_491, %parallel_loop3A_584 : vector<16xf32>
        %parallel_loop3A_586 = arith.mulf %parallel_loop3A_585, %parallel_loop3A_547 : vector<16xf32>
        %parallel_loop3A_587 = arith.mulf %parallel_loop3A_586, %get3A_9 : vector<16xf32>
        %parallel_loop3A_588 = arith.addf %parallel_loop3A_587, %get3A_17 : vector<16xf32>
        %parallel_loop3A_589 = arith.constant 0 : i32
        %parallel_loop3A_590 = arith.constant 0 : i32
        %parallel_loop3A_591 = tpu.memref_slice %arg9[%parallel_loop3A_288, %parallel_loop3A_589, %parallel_loop3A_590] : memref<4x200x64xf32, #tpu.memory_space<vmem>> -> memref<1x200x64xf32, #tpu.memory_space<vmem>>
        %parallel_loop3A_592 = tpu.memref_squeeze %parallel_loop3A_591 : memref<1x200x64xf32, #tpu.memory_space<vmem>> -> memref<200x64xf32, #tpu.memory_space<vmem>>
        %parallel_loop3A_593 = arith.index_cast %parallel_loop3A_447 : i32 to index
        %parallel_loop3A_594 = arith.constant 48 : index
        %parallel_loop3A_595 = tpu.vector_load %parallel_loop3A_592[%parallel_loop3A_593, %parallel_loop3A_594] {strides = array<i32>} : memref<200x64xf32, #tpu.memory_space<vmem>>, vector<16xf32>,
        tpu.vector_store %parallel_loop3A_592[%parallel_loop3A_593, %parallel_loop3A_594], %parallel_loop3A_588 {strides = array<i32>} : memref<200x64xf32, #tpu.memory_space<vmem>>, vector<16xf32>,
        %parallel_loop3A_596 = arith.constant 2 : i32
        %parallel_loop3A_597 = arith.muli %parallel_loop3A_443, %parallel_loop3A_596 : i32
        %parallel_loop3A_598 = arith.constant 1 : i32
        %parallel_loop3A_599 = arith.addi %parallel_loop3A_597, %parallel_loop3A_598 : i32
        %parallel_loop3A_600 = arith.constant 0 : i32
        %parallel_loop3A_601 = arith.constant 0 : i32
        %parallel_loop3A_602 = tpu.memref_slice %arg9[%parallel_loop3A_288, %parallel_loop3A_600, %parallel_loop3A_601] : memref<4x200x64xf32, #tpu.memory_space<vmem>> -> memref<1x200x64xf32, #tpu.memory_space<vmem>>
        %parallel_loop3A_603 = tpu.memref_squeeze %parallel_loop3A_602 : memref<1x200x64xf32, #tpu.memory_space<vmem>> -> memref<200x64xf32, #tpu.memory_space<vmem>>
        %parallel_loop3A_604 = arith.index_cast %parallel_loop3A_599 : i32 to index
        %parallel_loop3A_605 = arith.constant 0 : index
        %parallel_loop3A_606 = tpu.vector_load %parallel_loop3A_603[%parallel_loop3A_604, %parallel_loop3A_605] {strides = array<i32>} : memref<200x64xf32, #tpu.memory_space<vmem>>, vector<16xf32>,
        %parallel_loop3A_607 = arith.index_cast %parallel_loop3A_599 : i32 to index
        %parallel_loop3A_608 = arith.constant 0 : index
        %parallel_loop3A_609 = tpu.vector_load %arg10[%parallel_loop3A_607, %parallel_loop3A_608] {strides = array<i32>} : memref<200x64xf32, #tpu.memory_space<vmem>>, vector<16xf32>,
        %parallel_loop3A_610 = arith.addf %parallel_loop3A_606, %parallel_loop3A_609 : vector<16xf32>
        %parallel_loop3A_611 = arith.constant 0 : i32
        %parallel_loop3A_612 = arith.constant 0 : i32
        %parallel_loop3A_613 = tpu.memref_slice %arg9[%parallel_loop3A_288, %parallel_loop3A_611, %parallel_loop3A_612] : memref<4x200x64xf32, #tpu.memory_space<vmem>> -> memref<1x200x64xf32, #tpu.memory_space<vmem>>
        %parallel_loop3A_614 = tpu.memref_squeeze %parallel_loop3A_613 : memref<1x200x64xf32, #tpu.memory_space<vmem>> -> memref<200x64xf32, #tpu.memory_space<vmem>>
        %parallel_loop3A_615 = arith.index_cast %parallel_loop3A_599 : i32 to index
        %parallel_loop3A_616 = arith.constant 16 : index
        %parallel_loop3A_617 = tpu.vector_load %parallel_loop3A_614[%parallel_loop3A_615, %parallel_loop3A_616] {strides = array<i32>} : memref<200x64xf32, #tpu.memory_space<vmem>>, vector<16xf32>,
        %parallel_loop3A_618 = arith.index_cast %parallel_loop3A_599 : i32 to index
        %parallel_loop3A_619 = arith.constant 16 : index
        %parallel_loop3A_620 = tpu.vector_load %arg10[%parallel_loop3A_618, %parallel_loop3A_619] {strides = array<i32>} : memref<200x64xf32, #tpu.memory_space<vmem>>, vector<16xf32>,
        %parallel_loop3A_621 = arith.addf %parallel_loop3A_617, %parallel_loop3A_620 : vector<16xf32>
        %parallel_loop3A_622 = arith.constant 0 : i32
        %parallel_loop3A_623 = arith.constant 0 : i32
        %parallel_loop3A_624 = tpu.memref_slice %arg9[%parallel_loop3A_288, %parallel_loop3A_622, %parallel_loop3A_623] : memref<4x200x64xf32, #tpu.memory_space<vmem>> -> memref<1x200x64xf32, #tpu.memory_space<vmem>>
        %parallel_loop3A_625 = tpu.memref_squeeze %parallel_loop3A_624 : memref<1x200x64xf32, #tpu.memory_space<vmem>> -> memref<200x64xf32, #tpu.memory_space<vmem>>
        %parallel_loop3A_626 = arith.index_cast %parallel_loop3A_599 : i32 to index
        %parallel_loop3A_627 = arith.constant 32 : index
        %parallel_loop3A_628 = tpu.vector_load %parallel_loop3A_625[%parallel_loop3A_626, %parallel_loop3A_627] {strides = array<i32>} : memref<200x64xf32, #tpu.memory_space<vmem>>, vector<16xf32>,
        %parallel_loop3A_629 = arith.index_cast %parallel_loop3A_599 : i32 to index
        %parallel_loop3A_630 = arith.constant 32 : index
        %parallel_loop3A_631 = tpu.vector_load %arg10[%parallel_loop3A_629, %parallel_loop3A_630] {strides = array<i32>} : memref<200x64xf32, #tpu.memory_space<vmem>>, vector<16xf32>,
        %parallel_loop3A_632 = arith.addf %parallel_loop3A_628, %parallel_loop3A_631 : vector<16xf32>
        %parallel_loop3A_633 = arith.constant 0 : i32
        %parallel_loop3A_634 = arith.constant 0 : i32
        %parallel_loop3A_635 = tpu.memref_slice %arg9[%parallel_loop3A_288, %parallel_loop3A_633, %parallel_loop3A_634] : memref<4x200x64xf32, #tpu.memory_space<vmem>> -> memref<1x200x64xf32, #tpu.memory_space<vmem>>
        %parallel_loop3A_636 = tpu.memref_squeeze %parallel_loop3A_635 : memref<1x200x64xf32, #tpu.memory_space<vmem>> -> memref<200x64xf32, #tpu.memory_space<vmem>>
        %parallel_loop3A_637 = arith.index_cast %parallel_loop3A_599 : i32 to index
        %parallel_loop3A_638 = arith.constant 48 : index
        %parallel_loop3A_639 = tpu.vector_load %parallel_loop3A_636[%parallel_loop3A_637, %parallel_loop3A_638] {strides = array<i32>} : memref<200x64xf32, #tpu.memory_space<vmem>>, vector<16xf32>,
        %parallel_loop3A_640 = arith.index_cast %parallel_loop3A_599 : i32 to index
        %parallel_loop3A_641 = arith.constant 48 : index
        %parallel_loop3A_642 = tpu.vector_load %arg10[%parallel_loop3A_640, %parallel_loop3A_641] {strides = array<i32>} : memref<200x64xf32, #tpu.memory_space<vmem>>, vector<16xf32>,
        %parallel_loop3A_643 = arith.addf %parallel_loop3A_639, %parallel_loop3A_642 : vector<16xf32>
        %parallel_loop3A_644 = arith.addf %parallel_loop3A_610, %parallel_loop3A_621 : vector<16xf32>
        %parallel_loop3A_645 = arith.addf %parallel_loop3A_632, %parallel_loop3A_643 : vector<16xf32>
        %parallel_loop3A_646 = arith.addf %parallel_loop3A_644, %parallel_loop3A_645 : vector<16xf32>
        %parallel_loop3A_647 = arith.mulf %parallel_loop3A_610, %parallel_loop3A_610 : vector<16xf32>
        %parallel_loop3A_648 = arith.mulf %parallel_loop3A_621, %parallel_loop3A_621 : vector<16xf32>
        %parallel_loop3A_649 = arith.addf %parallel_loop3A_647, %parallel_loop3A_648 : vector<16xf32>
        %parallel_loop3A_650 = arith.mulf %parallel_loop3A_632, %parallel_loop3A_632 : vector<16xf32>
        %parallel_loop3A_651 = arith.mulf %parallel_loop3A_643, %parallel_loop3A_643 : vector<16xf32>
        %parallel_loop3A_652 = arith.addf %parallel_loop3A_650, %parallel_loop3A_651 : vector<16xf32>
        %parallel_loop3A_653 = arith.addf %parallel_loop3A_649, %parallel_loop3A_652 : vector<16xf32>
        %parallel_loop3A_654 = arith.constant true
        %parallel_loop3A_655 = vector.broadcast %parallel_loop3A_654 : i1 to vector<16xi1>
        %parallel_loop3A_656 = tpu.scan <sum>, %parallel_loop3A_646 masked %parallel_loop3A_655 : vector<16xf32>, vector<16xi1> -> vector<16xf32>
        %parallel_loop3A_657 = vector.extract %parallel_loop3A_656[15] : f32 from vector<16xf32>
        %parallel_loop3A_658 = arith.constant 1.562500e-02 : f32
        %parallel_loop3A_659 = arith.mulf %parallel_loop3A_657, %parallel_loop3A_658 : f32
        %parallel_loop3A_660 = arith.constant true
        %parallel_loop3A_661 = vector.broadcast %parallel_loop3A_660 : i1 to vector<16xi1>
        %parallel_loop3A_662 = tpu.scan <sum>, %parallel_loop3A_653 masked %parallel_loop3A_661 : vector<16xf32>, vector<16xi1> -> vector<16xf32>
        %parallel_loop3A_663 = vector.extract %parallel_loop3A_662[15] : f32 from vector<16xf32>
        %parallel_loop3A_664 = arith.constant 1.562500e-02 : f32
        %parallel_loop3A_665 = arith.mulf %parallel_loop3A_663, %parallel_loop3A_664 : f32
        %parallel_loop3A_666 = arith.mulf %parallel_loop3A_659, %parallel_loop3A_659 : f32
        %parallel_loop3A_667 = arith.subf %parallel_loop3A_665, %parallel_loop3A_666 : f32
        %parallel_loop3A_668 = arith.constant 0.000000e+00 : f32
        %parallel_loop3A_669 = vector.broadcast %parallel_loop3A_668 : f32 to vector<16xf32>
        %parallel_loop3A_670 = arith.constant 9.99999996E-13 : f32
        %parallel_loop3A_671 = arith.addf %parallel_loop3A_667, %parallel_loop3A_670 : f32
        %parallel_loop3A_672 = vector.broadcast %parallel_loop3A_671 : f32 to vector<16xf32>
        %parallel_loop3A_673 = arith.addf %parallel_loop3A_669, %parallel_loop3A_672 : vector<16xf32>
        %parallel_loop3A_674 = vector.bitcast %parallel_loop3A_673 : vector<16xf32> to vector<16xi32>
        %parallel_loop3A_675 = arith.constant 1 : i32
        %parallel_loop3A_676 = vector.broadcast %parallel_loop3A_675 : i32 to vector<16xi32>
        %parallel_loop3A_677 = arith.shrsi %parallel_loop3A_674, %parallel_loop3A_676 : vector<16xi32>
        %parallel_loop3A_678 = arith.constant 1597463007 : i32
        %parallel_loop3A_679 = vector.broadcast %parallel_loop3A_678 : i32 to vector<16xi32>
        %parallel_loop3A_680 = arith.subi %parallel_loop3A_679, %parallel_loop3A_677 : vector<16xi32>
        %parallel_loop3A_681 = vector.bitcast %parallel_loop3A_680 : vector<16xi32> to vector<16xf32>
        %parallel_loop3A_682 = arith.constant 5.000000e-01 : f32
        %parallel_loop3A_683 = vector.broadcast %parallel_loop3A_682 : f32 to vector<16xf32>
        %parallel_loop3A_684 = arith.mulf %parallel_loop3A_683, %parallel_loop3A_673 : vector<16xf32>
        %parallel_loop3A_685 = arith.mulf %parallel_loop3A_684, %parallel_loop3A_681 : vector<16xf32>
        %parallel_loop3A_686 = arith.mulf %parallel_loop3A_685, %parallel_loop3A_681 : vector<16xf32>
        %parallel_loop3A_687 = arith.constant 1.500000e+00 : f32
        %parallel_loop3A_688 = vector.broadcast %parallel_loop3A_687 : f32 to vector<16xf32>
        %parallel_loop3A_689 = arith.subf %parallel_loop3A_688, %parallel_loop3A_686 : vector<16xf32>
        %parallel_loop3A_690 = arith.mulf %parallel_loop3A_681, %parallel_loop3A_689 : vector<16xf32>
        %parallel_loop3A_691 = arith.constant 5.000000e-01 : f32
        %parallel_loop3A_692 = vector.broadcast %parallel_loop3A_691 : f32 to vector<16xf32>
        %parallel_loop3A_693 = arith.mulf %parallel_loop3A_692, %parallel_loop3A_673 : vector<16xf32>
        %parallel_loop3A_694 = arith.mulf %parallel_loop3A_693, %parallel_loop3A_690 : vector<16xf32>
        %parallel_loop3A_695 = arith.mulf %parallel_loop3A_694, %parallel_loop3A_690 : vector<16xf32>
        %parallel_loop3A_696 = arith.constant 1.500000e+00 : f32
        %parallel_loop3A_697 = vector.broadcast %parallel_loop3A_696 : f32 to vector<16xf32>
        %parallel_loop3A_698 = arith.subf %parallel_loop3A_697, %parallel_loop3A_695 : vector<16xf32>
        %parallel_loop3A_699 = arith.mulf %parallel_loop3A_690, %parallel_loop3A_698 : vector<16xf32>
        %parallel_loop3A_700 = vector.broadcast %parallel_loop3A_659 : f32 to vector<16xf32>
        %parallel_loop3A_701 = arith.subf %parallel_loop3A_610, %parallel_loop3A_700 : vector<16xf32>
        %parallel_loop3A_702 = arith.mulf %parallel_loop3A_701, %parallel_loop3A_699 : vector<16xf32>
        %parallel_loop3A_703 = arith.mulf %parallel_loop3A_702, %get3A_3 : vector<16xf32>
        %parallel_loop3A_704 = arith.addf %parallel_loop3A_703, %get3A_11 : vector<16xf32>
        %parallel_loop3A_705 = arith.constant 0 : i32
        %parallel_loop3A_706 = arith.constant 0 : i32
        %parallel_loop3A_707 = tpu.memref_slice %arg9[%parallel_loop3A_288, %parallel_loop3A_705, %parallel_loop3A_706] : memref<4x200x64xf32, #tpu.memory_space<vmem>> -> memref<1x200x64xf32, #tpu.memory_space<vmem>>
        %parallel_loop3A_708 = tpu.memref_squeeze %parallel_loop3A_707 : memref<1x200x64xf32, #tpu.memory_space<vmem>> -> memref<200x64xf32, #tpu.memory_space<vmem>>
        %parallel_loop3A_709 = arith.index_cast %parallel_loop3A_599 : i32 to index
        %parallel_loop3A_710 = arith.constant 0 : index
        %parallel_loop3A_711 = tpu.vector_load %parallel_loop3A_708[%parallel_loop3A_709, %parallel_loop3A_710] {strides = array<i32>} : memref<200x64xf32, #tpu.memory_space<vmem>>, vector<16xf32>,
        tpu.vector_store %parallel_loop3A_708[%parallel_loop3A_709, %parallel_loop3A_710], %parallel_loop3A_704 {strides = array<i32>} : memref<200x64xf32, #tpu.memory_space<vmem>>, vector<16xf32>,
        %parallel_loop3A_712 = vector.broadcast %parallel_loop3A_659 : f32 to vector<16xf32>
        %parallel_loop3A_713 = arith.subf %parallel_loop3A_621, %parallel_loop3A_712 : vector<16xf32>
        %parallel_loop3A_714 = arith.mulf %parallel_loop3A_713, %parallel_loop3A_699 : vector<16xf32>
        %parallel_loop3A_715 = arith.mulf %parallel_loop3A_714, %get3A_5 : vector<16xf32>
        %parallel_loop3A_716 = arith.addf %parallel_loop3A_715, %get3A_13 : vector<16xf32>
        %parallel_loop3A_717 = arith.constant 0 : i32
        %parallel_loop3A_718 = arith.constant 0 : i32
        %parallel_loop3A_719 = tpu.memref_slice %arg9[%parallel_loop3A_288, %parallel_loop3A_717, %parallel_loop3A_718] : memref<4x200x64xf32, #tpu.memory_space<vmem>> -> memref<1x200x64xf32, #tpu.memory_space<vmem>>
        %parallel_loop3A_720 = tpu.memref_squeeze %parallel_loop3A_719 : memref<1x200x64xf32, #tpu.memory_space<vmem>> -> memref<200x64xf32, #tpu.memory_space<vmem>>
        %parallel_loop3A_721 = arith.index_cast %parallel_loop3A_599 : i32 to index
        %parallel_loop3A_722 = arith.constant 16 : index
        %parallel_loop3A_723 = tpu.vector_load %parallel_loop3A_720[%parallel_loop3A_721, %parallel_loop3A_722] {strides = array<i32>} : memref<200x64xf32, #tpu.memory_space<vmem>>, vector<16xf32>,
        tpu.vector_store %parallel_loop3A_720[%parallel_loop3A_721, %parallel_loop3A_722], %parallel_loop3A_716 {strides = array<i32>} : memref<200x64xf32, #tpu.memory_space<vmem>>, vector<16xf32>,
        %parallel_loop3A_724 = vector.broadcast %parallel_loop3A_659 : f32 to vector<16xf32>
        %parallel_loop3A_725 = arith.subf %parallel_loop3A_632, %parallel_loop3A_724 : vector<16xf32>
        %parallel_loop3A_726 = arith.mulf %parallel_loop3A_725, %parallel_loop3A_699 : vector<16xf32>
        %parallel_loop3A_727 = arith.mulf %parallel_loop3A_726, %get3A_7 : vector<16xf32>
        %parallel_loop3A_728 = arith.addf %parallel_loop3A_727, %get3A_15 : vector<16xf32>
        %parallel_loop3A_729 = arith.constant 0 : i32
        %parallel_loop3A_730 = arith.constant 0 : i32
        %parallel_loop3A_731 = tpu.memref_slice %arg9[%parallel_loop3A_288, %parallel_loop3A_729, %parallel_loop3A_730] : memref<4x200x64xf32, #tpu.memory_space<vmem>> -> memref<1x200x64xf32, #tpu.memory_space<vmem>>
        %parallel_loop3A_732 = tpu.memref_squeeze %parallel_loop3A_731 : memref<1x200x64xf32, #tpu.memory_space<vmem>> -> memref<200x64xf32, #tpu.memory_space<vmem>>
        %parallel_loop3A_733 = arith.index_cast %parallel_loop3A_599 : i32 to index
        %parallel_loop3A_734 = arith.constant 32 : index
        %parallel_loop3A_735 = tpu.vector_load %parallel_loop3A_732[%parallel_loop3A_733, %parallel_loop3A_734] {strides = array<i32>} : memref<200x64xf32, #tpu.memory_space<vmem>>, vector<16xf32>,
        tpu.vector_store %parallel_loop3A_732[%parallel_loop3A_733, %parallel_loop3A_734], %parallel_loop3A_728 {strides = array<i32>} : memref<200x64xf32, #tpu.memory_space<vmem>>, vector<16xf32>,
        %parallel_loop3A_736 = vector.broadcast %parallel_loop3A_659 : f32 to vector<16xf32>
        %parallel_loop3A_737 = arith.subf %parallel_loop3A_643, %parallel_loop3A_736 : vector<16xf32>
        %parallel_loop3A_738 = arith.mulf %parallel_loop3A_737, %parallel_loop3A_699 : vector<16xf32>
        %parallel_loop3A_739 = arith.mulf %parallel_loop3A_738, %get3A_9 : vector<16xf32>
        %parallel_loop3A_740 = arith.addf %parallel_loop3A_739, %get3A_17 : vector<16xf32>
        %parallel_loop3A_741 = arith.constant 0 : i32
        %parallel_loop3A_742 = arith.constant 0 : i32
        %parallel_loop3A_743 = tpu.memref_slice %arg9[%parallel_loop3A_288, %parallel_loop3A_741, %parallel_loop3A_742] : memref<4x200x64xf32, #tpu.memory_space<vmem>> -> memref<1x200x64xf32, #tpu.memory_space<vmem>>
        %parallel_loop3A_744 = tpu.memref_squeeze %parallel_loop3A_743 : memref<1x200x64xf32, #tpu.memory_space<vmem>> -> memref<200x64xf32, #tpu.memory_space<vmem>>
        %parallel_loop3A_745 = arith.index_cast %parallel_loop3A_599 : i32 to index
        %parallel_loop3A_746 = arith.constant 48 : index
        %parallel_loop3A_747 = tpu.vector_load %parallel_loop3A_744[%parallel_loop3A_745, %parallel_loop3A_746] {strides = array<i32>} : memref<200x64xf32, #tpu.memory_space<vmem>>, vector<16xf32>,
        tpu.vector_store %parallel_loop3A_744[%parallel_loop3A_745, %parallel_loop3A_746], %parallel_loop3A_740 {strides = array<i32>} : memref<200x64xf32, #tpu.memory_space<vmem>>, vector<16xf32>,
      } {sc.loop_unroll_factor = 2 : i64, sc.parallel_access}
      %add3A_289 = arith.addi %mul3A_2, %add3A_260 : i32
      %dma_start3A_290 = arith.constant 1 : i32
      %dma_start3A_291 = arith.constant 0 : i32
      %dma_start3A_292 = arith.constant 0 : i32
      %dma_start3A_293 = tpu.memref_slice %arg9[%dma_start3A_290, %dma_start3A_291, %dma_start3A_292] : memref<4x200x64xf32, #tpu.memory_space<vmem>> -> memref<1x200x64xf32, #tpu.memory_space<vmem>>
      %dma_start3A_294 = tpu.memref_squeeze %dma_start3A_293 : memref<1x200x64xf32, #tpu.memory_space<vmem>> -> memref<200x64xf32, #tpu.memory_space<vmem>>
      %dma_start3A_295 = arith.constant 0 : i32
      %dma_start3A_296 = arith.constant 0 : i32
      %dma_start3A_297 = tpu.memref_slice %arg7[%add3A_289, %dma_start3A_295, %dma_start3A_296] : memref<4096x200x64xf32, #tpu.memory_space<hbm>> -> memref<1x200x64xf32, #tpu.memory_space<hbm>>
      %dma_start3A_298 = tpu.memref_squeeze %dma_start3A_297 : memref<1x200x64xf32, #tpu.memory_space<hbm>> -> memref<200x64xf32, #tpu.memory_space<hbm>>
      %dma_start3A_299 = arith.constant 0 : i32
      %dma_start3A_300 = arith.constant 0 : i32
      %dma_start3A_301 = tpu.memref_slice %arg7[%add3A_289, %dma_start3A_299, %dma_start3A_300] : memref<4096x200x64xf32, #tpu.memory_space<hbm>> -> memref<1x200x64xf32, #tpu.memory_space<hbm>>
      %dma_start3A_302 = tpu.memref_squeeze %dma_start3A_301 : memref<1x200x64xf32, #tpu.memory_space<hbm>> -> memref<200x64xf32, #tpu.memory_space<hbm>>
      %dma_start3A_303 = arith.constant 0 : i32
      %dma_start3A_304 = arith.constant 0 : i32
      %dma_start3A_305 = tpu.memref_slice %arg9[%dma_start3A_290, %dma_start3A_303, %dma_start3A_304] : memref<4x200x64xf32, #tpu.memory_space<vmem>> -> memref<1x200x64xf32, #tpu.memory_space<vmem>>
      %dma_start3A_306 = tpu.memref_squeeze %dma_start3A_305 : memref<1x200x64xf32, #tpu.memory_space<vmem>> -> memref<200x64xf32, #tpu.memory_space<vmem>>
      tpu.enqueue_dma source(%dma_start3A_306 : memref<200x64xf32, #tpu.memory_space<vmem>>) target(%dma_start3A_302 : memref<200x64xf32, #tpu.memory_space<hbm>>) target_semaphore(%arg18 : memref<!tpu.dma_semaphore, #tpu.memory_space<semaphore_mem>>)
      %ge3A_307 = arith.constant 1 : i32
      %ge3A_308 = arith.cmpi sge, %add3A_260, %ge3A_307 : i32
      %add3A_309 = arith.constant 4 : i32
      %add3A_310 = arith.addi %add3A_260, %add3A_309 : i32
      %sub3A_311 = arith.constant 1 : i32
      %sub3A_312 = arith.subi %add3A_310, %sub3A_311 : i32
      %lt3A_313 = arith.constant 128 : i32
      %lt3A_314 = arith.cmpi slt, %sub3A_312, %lt3A_313 : i32
      %and3A_315 = arith.andi %ge3A_308, %lt3A_314 : i1
      %convert_element_type3A_316 = arith.extui %and3A_315 : i1 to i32
      %cond3A_317 = arith.constant 0 : i32
      %cond3A_318 = arith.cmpi ne, %convert_element_type3A_316, %cond3A_317 : i32
      scf.if %cond3A_318 {
        %sub3A_443 = arith.constant 1 : i32
        %sub3A_444 = arith.subi %add3A_260, %sub3A_443 : i32
        %add3A_445 = arith.addi %mul3A_2, %sub3A_444 : i32
        %dma_wait3A_446 = arith.constant 0 : i32
        %dma_wait3A_447 = arith.constant 0 : i32
        %dma_wait3A_448 = arith.constant 0 : i32
        %dma_wait3A_449 = tpu.memref_slice %arg9[%dma_wait3A_446, %dma_wait3A_447, %dma_wait3A_448] : memref<4x200x64xf32, #tpu.memory_space<vmem>> -> memref<1x200x64xf32, #tpu.memory_space<vmem>>
        %dma_wait3A_450 = tpu.memref_squeeze %dma_wait3A_449 : memref<1x200x64xf32, #tpu.memory_space<vmem>> -> memref<200x64xf32, #tpu.memory_space<vmem>>
        %dma_wait3A_451 = arith.constant 0 : i32
        %dma_wait3A_452 = arith.constant 0 : i32
        %dma_wait3A_453 = tpu.memref_slice %arg7[%add3A_445, %dma_wait3A_451, %dma_wait3A_452] : memref<4096x200x64xf32, #tpu.memory_space<hbm>> -> memref<1x200x64xf32, #tpu.memory_space<hbm>>
        %dma_wait3A_454 = tpu.memref_squeeze %dma_wait3A_453 : memref<1x200x64xf32, #tpu.memory_space<hbm>> -> memref<200x64xf32, #tpu.memory_space<hbm>>
        %dma_wait3A_455 = arith.constant 0 : i32
        %dma_wait3A_456 = arith.constant 0 : i32
        %dma_wait3A_457 = tpu.memref_slice %arg7[%add3A_445, %dma_wait3A_455, %dma_wait3A_456] : memref<4096x200x64xf32, #tpu.memory_space<hbm>> -> memref<1x200x64xf32, #tpu.memory_space<hbm>>
        %dma_wait3A_458 = tpu.memref_squeeze %dma_wait3A_457 : memref<1x200x64xf32, #tpu.memory_space<hbm>> -> memref<200x64xf32, #tpu.memory_space<hbm>>
        %dma_wait3A_459 = arith.constant 0 : i32
        %dma_wait3A_460 = arith.constant 0 : i32
        %dma_wait3A_461 = tpu.memref_slice %arg9[%dma_wait3A_446, %dma_wait3A_459, %dma_wait3A_460] : memref<4x200x64xf32, #tpu.memory_space<vmem>> -> memref<1x200x64xf32, #tpu.memory_space<vmem>>
        %dma_wait3A_462 = tpu.memref_squeeze %dma_wait3A_461 : memref<1x200x64xf32, #tpu.memory_space<vmem>> -> memref<200x64xf32, #tpu.memory_space<vmem>>
        tpu.wait_dma2 semaphore(%arg17 : memref<!tpu.dma_semaphore, #tpu.memory_space<semaphore_mem>>) src(%dma_wait3A_462 : memref<200x64xf32, #tpu.memory_space<vmem>>) dst(%dma_wait3A_458 : memref<200x64xf32, #tpu.memory_space<hbm>>)
        %add3A_463 = arith.constant 4 : i32
        %add3A_464 = arith.addi %add3A_260, %add3A_463 : i32
        %sub3A_465 = arith.constant 1 : i32
        %sub3A_466 = arith.subi %add3A_464, %sub3A_465 : i32
        %dma_start3A_467 = arith.constant 0 : i32
        %dma_start3A_468 = arith.constant 0 : i32
        %dma_start3A_469 = arith.constant 0 : i32
        %dma_start3A_470 = arith.constant 0 : i32
        %dma_start3A_471 = tpu.memref_slice %arg9[%dma_start3A_468, %dma_start3A_469, %dma_start3A_470] : memref<4x200x64xf32, #tpu.memory_space<vmem>> -> memref<1x100x64xf32, #tpu.memory_space<vmem>>
        %dma_start3A_472 = tpu.memref_squeeze %dma_start3A_471 : memref<1x100x64xf32, #tpu.memory_space<vmem>> -> memref<100x64xf32, #tpu.memory_space<vmem>>
        %dma_start3A_473 = arith.constant 0 : i32
        %dma_start3A_474 = tpu.memref_slice %arg8[%sub3A_466, %dma_start3A_467, %dma_start3A_473] : memref<128x2x100xi32, #tpu.memory_space<vmem>> -> memref<1x1x100xi32, #tpu.memory_space<vmem>>
        %dma_start3A_475 = tpu.memref_squeeze %dma_start3A_474 : memref<1x1x100xi32, #tpu.memory_space<vmem>> -> memref<100xi32, #tpu.memory_space<vmem>>
        %dma_start3A_476 = arith.constant 0 : i32
        %dma_start3A_477 = arith.constant 0 : i32
        %dma_start3A_478 = tpu.memref_slice %arg3[%dma_start3A_476, %dma_start3A_477] : memref<1000000x64xf32, #tpu.memory_space<hbm>> -> memref<1000000x64xf32, #tpu.memory_space<hbm>>
        tpu.enqueue_indirect_dma source(%dma_start3A_478 : memref<1000000x64xf32, #tpu.memory_space<hbm>>) target(%dma_start3A_472 : memref<100x64xf32, #tpu.memory_space<vmem>>) offsets(%dma_start3A_475 : memref<100xi32, #tpu.memory_space<vmem>>) semaphore(%arg13 : memref<!tpu.dma_semaphore, #tpu.memory_space<semaphore_mem>>)
        %dma_start3A_479 = arith.constant 1 : i32
        %dma_start3A_480 = arith.constant 0 : i32
        %dma_start3A_481 = arith.constant 100 : i32
        %dma_start3A_482 = arith.constant 0 : i32
        %dma_start3A_483 = tpu.memref_slice %arg9[%dma_start3A_480, %dma_start3A_481, %dma_start3A_482] : memref<4x200x64xf32, #tpu.memory_space<vmem>> -> memref<1x100x64xf32, #tpu.memory_space<vmem>>
        %dma_start3A_484 = tpu.memref_squeeze %dma_start3A_483 : memref<1x100x64xf32, #tpu.memory_space<vmem>> -> memref<100x64xf32, #tpu.memory_space<vmem>>
        %dma_start3A_485 = arith.constant 0 : i32
        %dma_start3A_486 = tpu.memref_slice %arg8[%sub3A_466, %dma_start3A_479, %dma_start3A_485] : memref<128x2x100xi32, #tpu.memory_space<vmem>> -> memref<1x1x100xi32, #tpu.memory_space<vmem>>
        %dma_start3A_487 = tpu.memref_squeeze %dma_start3A_486 : memref<1x1x100xi32, #tpu.memory_space<vmem>> -> memref<100xi32, #tpu.memory_space<vmem>>
        %dma_start3A_488 = arith.constant 0 : i32
        %dma_start3A_489 = arith.constant 0 : i32
        %dma_start3A_490 = tpu.memref_slice %arg3[%dma_start3A_488, %dma_start3A_489] : memref<1000000x64xf32, #tpu.memory_space<hbm>> -> memref<1000000x64xf32, #tpu.memory_space<hbm>>
        tpu.enqueue_indirect_dma source(%dma_start3A_490 : memref<1000000x64xf32, #tpu.memory_space<hbm>>) target(%dma_start3A_484 : memref<100x64xf32, #tpu.memory_space<vmem>>) offsets(%dma_start3A_487 : memref<100xi32, #tpu.memory_space<vmem>>) semaphore(%arg13 : memref<!tpu.dma_semaphore, #tpu.memory_space<semaphore_mem>>)
      } else {
      }
      %mul3A_319 = arith.constant 4 : i32
      %mul3A_320 = arith.muli %scan3A_201, %mul3A_319 : i32
      %add3A_321 = arith.constant 2 : i32
      %add3A_322 = arith.addi %mul3A_320, %add3A_321 : i32
      %dma_wait3A_323 = arith.constant 0 : i32
      %dma_wait3A_324 = arith.constant 2 : i32
      %dma_wait3A_325 = arith.constant 0 : i32
      %dma_wait3A_326 = arith.constant 0 : i32
      %dma_wait3A_327 = tpu.memref_slice %arg9[%dma_wait3A_324, %dma_wait3A_325, %dma_wait3A_326] : memref<4x200x64xf32, #tpu.memory_space<vmem>> -> memref<1x100x64xf32, #tpu.memory_space<vmem>>
      %dma_wait3A_328 = tpu.memref_squeeze %dma_wait3A_327 : memref<1x100x64xf32, #tpu.memory_space<vmem>> -> memref<100x64xf32, #tpu.memory_space<vmem>>
      %dma_wait3A_329 = arith.constant 0 : i32
      %dma_wait3A_330 = tpu.memref_slice %arg8[%add3A_322, %dma_wait3A_323, %dma_wait3A_329] : memref<128x2x100xi32, #tpu.memory_space<vmem>> -> memref<1x1x100xi32, #tpu.memory_space<vmem>>
      %dma_wait3A_331 = tpu.memref_squeeze %dma_wait3A_330 : memref<1x1x100xi32, #tpu.memory_space<vmem>> -> memref<100xi32, #tpu.memory_space<vmem>>
      %dma_wait3A_332 = arith.constant 0 : i32
      %dma_wait3A_333 = arith.constant 0 : i32
      %dma_wait3A_334 = tpu.memref_slice %arg3[%dma_wait3A_332, %dma_wait3A_333] : memref<1000000x64xf32, #tpu.memory_space<hbm>> -> memref<1000000x64xf32, #tpu.memory_space<hbm>>
      tpu.wait_indirect_dma semaphore(%arg15 : memref<!tpu.dma_semaphore, #tpu.memory_space<semaphore_mem>>) src(%dma_wait3A_334 : memref<1000000x64xf32, #tpu.memory_space<hbm>>) dst(%dma_wait3A_328 : memref<100x64xf32, #tpu.memory_space<vmem>>)
      %dma_wait3A_335 = arith.constant 1 : i32
      %dma_wait3A_336 = arith.constant 2 : i32
      %dma_wait3A_337 = arith.constant 100 : i32
      %dma_wait3A_338 = arith.constant 0 : i32
      %dma_wait3A_339 = tpu.memref_slice %arg9[%dma_wait3A_336, %dma_wait3A_337, %dma_wait3A_338] : memref<4x200x64xf32, #tpu.memory_space<vmem>> -> memref<1x100x64xf32, #tpu.memory_space<vmem>>
      %dma_wait3A_340 = tpu.memref_squeeze %dma_wait3A_339 : memref<1x100x64xf32, #tpu.memory_space<vmem>> -> memref<100x64xf32, #tpu.memory_space<vmem>>
      %dma_wait3A_341 = arith.constant 0 : i32
      %dma_wait3A_342 = tpu.memref_slice %arg8[%add3A_322, %dma_wait3A_335, %dma_wait3A_341] : memref<128x2x100xi32, #tpu.memory_space<vmem>> -> memref<1x1x100xi32, #tpu.memory_space<vmem>>
      %dma_wait3A_343 = tpu.memref_squeeze %dma_wait3A_342 : memref<1x1x100xi32, #tpu.memory_space<vmem>> -> memref<100xi32, #tpu.memory_space<vmem>>
      %dma_wait3A_344 = arith.constant 0 : i32
      %dma_wait3A_345 = arith.constant 0 : i32
      %dma_wait3A_346 = tpu.memref_slice %arg3[%dma_wait3A_344, %dma_wait3A_345] : memref<1000000x64xf32, #tpu.memory_space<hbm>> -> memref<1000000x64xf32, #tpu.memory_space<hbm>>
      tpu.wait_indirect_dma semaphore(%arg15 : memref<!tpu.dma_semaphore, #tpu.memory_space<semaphore_mem>>) src(%dma_wait3A_346 : memref<1000000x64xf32, #tpu.memory_space<hbm>>) dst(%dma_wait3A_340 : memref<100x64xf32, #tpu.memory_space<vmem>>)
      %parallel_loop3A_347 = arith.constant 0 : i32
      %parallel_loop3A_348 = arith.constant 100 : i32
      %parallel_loop3A_349 = arith.constant 1 : i32
      %parallel_loop3A_350 = arith.constant 2 : i32
      scf.for %parallel_loop3A_443 = %parallel_loop3A_347 to %parallel_loop3A_348 step %parallel_loop3A_349  : i32 {
        %parallel_loop3A_444 = arith.constant 2 : i32
        %parallel_loop3A_445 = arith.muli %parallel_loop3A_443, %parallel_loop3A_444 : i32
        %parallel_loop3A_446 = arith.constant 0 : i32
        %parallel_loop3A_447 = arith.addi %parallel_loop3A_445, %parallel_loop3A_446 : i32
        %parallel_loop3A_448 = arith.constant 0 : i32
        %parallel_loop3A_449 = arith.constant 0 : i32
        %parallel_loop3A_450 = tpu.memref_slice %arg9[%parallel_loop3A_350, %parallel_loop3A_448, %parallel_loop3A_449] : memref<4x200x64xf32, #tpu.memory_space<vmem>> -> memref<1x200x64xf32, #tpu.memory_space<vmem>>
        %parallel_loop3A_451 = tpu.memref_squeeze %parallel_loop3A_450 : memref<1x200x64xf32, #tpu.memory_space<vmem>> -> memref<200x64xf32, #tpu.memory_space<vmem>>
        %parallel_loop3A_452 = arith.index_cast %parallel_loop3A_447 : i32 to index
        %parallel_loop3A_453 = arith.constant 0 : index
        %parallel_loop3A_454 = tpu.vector_load %parallel_loop3A_451[%parallel_loop3A_452, %parallel_loop3A_453] {strides = array<i32>} : memref<200x64xf32, #tpu.memory_space<vmem>>, vector<16xf32>,
        %parallel_loop3A_455 = arith.index_cast %parallel_loop3A_447 : i32 to index
        %parallel_loop3A_456 = arith.constant 0 : index
        %parallel_loop3A_457 = tpu.vector_load %arg10[%parallel_loop3A_455, %parallel_loop3A_456] {strides = array<i32>} : memref<200x64xf32, #tpu.memory_space<vmem>>, vector<16xf32>,
        %parallel_loop3A_458 = arith.addf %parallel_loop3A_454, %parallel_loop3A_457 : vector<16xf32>
        %parallel_loop3A_459 = arith.constant 0 : i32
        %parallel_loop3A_460 = arith.constant 0 : i32
        %parallel_loop3A_461 = tpu.memref_slice %arg9[%parallel_loop3A_350, %parallel_loop3A_459, %parallel_loop3A_460] : memref<4x200x64xf32, #tpu.memory_space<vmem>> -> memref<1x200x64xf32, #tpu.memory_space<vmem>>
        %parallel_loop3A_462 = tpu.memref_squeeze %parallel_loop3A_461 : memref<1x200x64xf32, #tpu.memory_space<vmem>> -> memref<200x64xf32, #tpu.memory_space<vmem>>
        %parallel_loop3A_463 = arith.index_cast %parallel_loop3A_447 : i32 to index
        %parallel_loop3A_464 = arith.constant 16 : index
        %parallel_loop3A_465 = tpu.vector_load %parallel_loop3A_462[%parallel_loop3A_463, %parallel_loop3A_464] {strides = array<i32>} : memref<200x64xf32, #tpu.memory_space<vmem>>, vector<16xf32>,
        %parallel_loop3A_466 = arith.index_cast %parallel_loop3A_447 : i32 to index
        %parallel_loop3A_467 = arith.constant 16 : index
        %parallel_loop3A_468 = tpu.vector_load %arg10[%parallel_loop3A_466, %parallel_loop3A_467] {strides = array<i32>} : memref<200x64xf32, #tpu.memory_space<vmem>>, vector<16xf32>,
        %parallel_loop3A_469 = arith.addf %parallel_loop3A_465, %parallel_loop3A_468 : vector<16xf32>
        %parallel_loop3A_470 = arith.constant 0 : i32
        %parallel_loop3A_471 = arith.constant 0 : i32
        %parallel_loop3A_472 = tpu.memref_slice %arg9[%parallel_loop3A_350, %parallel_loop3A_470, %parallel_loop3A_471] : memref<4x200x64xf32, #tpu.memory_space<vmem>> -> memref<1x200x64xf32, #tpu.memory_space<vmem>>
        %parallel_loop3A_473 = tpu.memref_squeeze %parallel_loop3A_472 : memref<1x200x64xf32, #tpu.memory_space<vmem>> -> memref<200x64xf32, #tpu.memory_space<vmem>>
        %parallel_loop3A_474 = arith.index_cast %parallel_loop3A_447 : i32 to index
        %parallel_loop3A_475 = arith.constant 32 : index
        %parallel_loop3A_476 = tpu.vector_load %parallel_loop3A_473[%parallel_loop3A_474, %parallel_loop3A_475] {strides = array<i32>} : memref<200x64xf32, #tpu.memory_space<vmem>>, vector<16xf32>,
        %parallel_loop3A_477 = arith.index_cast %parallel_loop3A_447 : i32 to index
        %parallel_loop3A_478 = arith.constant 32 : index
        %parallel_loop3A_479 = tpu.vector_load %arg10[%parallel_loop3A_477, %parallel_loop3A_478] {strides = array<i32>} : memref<200x64xf32, #tpu.memory_space<vmem>>, vector<16xf32>,
        %parallel_loop3A_480 = arith.addf %parallel_loop3A_476, %parallel_loop3A_479 : vector<16xf32>
        %parallel_loop3A_481 = arith.constant 0 : i32
        %parallel_loop3A_482 = arith.constant 0 : i32
        %parallel_loop3A_483 = tpu.memref_slice %arg9[%parallel_loop3A_350, %parallel_loop3A_481, %parallel_loop3A_482] : memref<4x200x64xf32, #tpu.memory_space<vmem>> -> memref<1x200x64xf32, #tpu.memory_space<vmem>>
        %parallel_loop3A_484 = tpu.memref_squeeze %parallel_loop3A_483 : memref<1x200x64xf32, #tpu.memory_space<vmem>> -> memref<200x64xf32, #tpu.memory_space<vmem>>
        %parallel_loop3A_485 = arith.index_cast %parallel_loop3A_447 : i32 to index
        %parallel_loop3A_486 = arith.constant 48 : index
        %parallel_loop3A_487 = tpu.vector_load %parallel_loop3A_484[%parallel_loop3A_485, %parallel_loop3A_486] {strides = array<i32>} : memref<200x64xf32, #tpu.memory_space<vmem>>, vector<16xf32>,
        %parallel_loop3A_488 = arith.index_cast %parallel_loop3A_447 : i32 to index
        %parallel_loop3A_489 = arith.constant 48 : index
        %parallel_loop3A_490 = tpu.vector_load %arg10[%parallel_loop3A_488, %parallel_loop3A_489] {strides = array<i32>} : memref<200x64xf32, #tpu.memory_space<vmem>>, vector<16xf32>,
        %parallel_loop3A_491 = arith.addf %parallel_loop3A_487, %parallel_loop3A_490 : vector<16xf32>
        %parallel_loop3A_492 = arith.addf %parallel_loop3A_458, %parallel_loop3A_469 : vector<16xf32>
        %parallel_loop3A_493 = arith.addf %parallel_loop3A_480, %parallel_loop3A_491 : vector<16xf32>
        %parallel_loop3A_494 = arith.addf %parallel_loop3A_492, %parallel_loop3A_493 : vector<16xf32>
        %parallel_loop3A_495 = arith.mulf %parallel_loop3A_458, %parallel_loop3A_458 : vector<16xf32>
        %parallel_loop3A_496 = arith.mulf %parallel_loop3A_469, %parallel_loop3A_469 : vector<16xf32>
        %parallel_loop3A_497 = arith.addf %parallel_loop3A_495, %parallel_loop3A_496 : vector<16xf32>
        %parallel_loop3A_498 = arith.mulf %parallel_loop3A_480, %parallel_loop3A_480 : vector<16xf32>
        %parallel_loop3A_499 = arith.mulf %parallel_loop3A_491, %parallel_loop3A_491 : vector<16xf32>
        %parallel_loop3A_500 = arith.addf %parallel_loop3A_498, %parallel_loop3A_499 : vector<16xf32>
        %parallel_loop3A_501 = arith.addf %parallel_loop3A_497, %parallel_loop3A_500 : vector<16xf32>
        %parallel_loop3A_502 = arith.constant true
        %parallel_loop3A_503 = vector.broadcast %parallel_loop3A_502 : i1 to vector<16xi1>
        %parallel_loop3A_504 = tpu.scan <sum>, %parallel_loop3A_494 masked %parallel_loop3A_503 : vector<16xf32>, vector<16xi1> -> vector<16xf32>
        %parallel_loop3A_505 = vector.extract %parallel_loop3A_504[15] : f32 from vector<16xf32>
        %parallel_loop3A_506 = arith.constant 1.562500e-02 : f32
        %parallel_loop3A_507 = arith.mulf %parallel_loop3A_505, %parallel_loop3A_506 : f32
        %parallel_loop3A_508 = arith.constant true
        %parallel_loop3A_509 = vector.broadcast %parallel_loop3A_508 : i1 to vector<16xi1>
        %parallel_loop3A_510 = tpu.scan <sum>, %parallel_loop3A_501 masked %parallel_loop3A_509 : vector<16xf32>, vector<16xi1> -> vector<16xf32>
        %parallel_loop3A_511 = vector.extract %parallel_loop3A_510[15] : f32 from vector<16xf32>
        %parallel_loop3A_512 = arith.constant 1.562500e-02 : f32
        %parallel_loop3A_513 = arith.mulf %parallel_loop3A_511, %parallel_loop3A_512 : f32
        %parallel_loop3A_514 = arith.mulf %parallel_loop3A_507, %parallel_loop3A_507 : f32
        %parallel_loop3A_515 = arith.subf %parallel_loop3A_513, %parallel_loop3A_514 : f32
        %parallel_loop3A_516 = arith.constant 0.000000e+00 : f32
        %parallel_loop3A_517 = vector.broadcast %parallel_loop3A_516 : f32 to vector<16xf32>
        %parallel_loop3A_518 = arith.constant 9.99999996E-13 : f32
        %parallel_loop3A_519 = arith.addf %parallel_loop3A_515, %parallel_loop3A_518 : f32
        %parallel_loop3A_520 = vector.broadcast %parallel_loop3A_519 : f32 to vector<16xf32>
        %parallel_loop3A_521 = arith.addf %parallel_loop3A_517, %parallel_loop3A_520 : vector<16xf32>
        %parallel_loop3A_522 = vector.bitcast %parallel_loop3A_521 : vector<16xf32> to vector<16xi32>
        %parallel_loop3A_523 = arith.constant 1 : i32
        %parallel_loop3A_524 = vector.broadcast %parallel_loop3A_523 : i32 to vector<16xi32>
        %parallel_loop3A_525 = arith.shrsi %parallel_loop3A_522, %parallel_loop3A_524 : vector<16xi32>
        %parallel_loop3A_526 = arith.constant 1597463007 : i32
        %parallel_loop3A_527 = vector.broadcast %parallel_loop3A_526 : i32 to vector<16xi32>
        %parallel_loop3A_528 = arith.subi %parallel_loop3A_527, %parallel_loop3A_525 : vector<16xi32>
        %parallel_loop3A_529 = vector.bitcast %parallel_loop3A_528 : vector<16xi32> to vector<16xf32>
        %parallel_loop3A_530 = arith.constant 5.000000e-01 : f32
        %parallel_loop3A_531 = vector.broadcast %parallel_loop3A_530 : f32 to vector<16xf32>
        %parallel_loop3A_532 = arith.mulf %parallel_loop3A_531, %parallel_loop3A_521 : vector<16xf32>
        %parallel_loop3A_533 = arith.mulf %parallel_loop3A_532, %parallel_loop3A_529 : vector<16xf32>
        %parallel_loop3A_534 = arith.mulf %parallel_loop3A_533, %parallel_loop3A_529 : vector<16xf32>
        %parallel_loop3A_535 = arith.constant 1.500000e+00 : f32
        %parallel_loop3A_536 = vector.broadcast %parallel_loop3A_535 : f32 to vector<16xf32>
        %parallel_loop3A_537 = arith.subf %parallel_loop3A_536, %parallel_loop3A_534 : vector<16xf32>
        %parallel_loop3A_538 = arith.mulf %parallel_loop3A_529, %parallel_loop3A_537 : vector<16xf32>
        %parallel_loop3A_539 = arith.constant 5.000000e-01 : f32
        %parallel_loop3A_540 = vector.broadcast %parallel_loop3A_539 : f32 to vector<16xf32>
        %parallel_loop3A_541 = arith.mulf %parallel_loop3A_540, %parallel_loop3A_521 : vector<16xf32>
        %parallel_loop3A_542 = arith.mulf %parallel_loop3A_541, %parallel_loop3A_538 : vector<16xf32>
        %parallel_loop3A_543 = arith.mulf %parallel_loop3A_542, %parallel_loop3A_538 : vector<16xf32>
        %parallel_loop3A_544 = arith.constant 1.500000e+00 : f32
        %parallel_loop3A_545 = vector.broadcast %parallel_loop3A_544 : f32 to vector<16xf32>
        %parallel_loop3A_546 = arith.subf %parallel_loop3A_545, %parallel_loop3A_543 : vector<16xf32>
        %parallel_loop3A_547 = arith.mulf %parallel_loop3A_538, %parallel_loop3A_546 : vector<16xf32>
        %parallel_loop3A_548 = vector.broadcast %parallel_loop3A_507 : f32 to vector<16xf32>
        %parallel_loop3A_549 = arith.subf %parallel_loop3A_458, %parallel_loop3A_548 : vector<16xf32>
        %parallel_loop3A_550 = arith.mulf %parallel_loop3A_549, %parallel_loop3A_547 : vector<16xf32>
        %parallel_loop3A_551 = arith.mulf %parallel_loop3A_550, %get3A_3 : vector<16xf32>
        %parallel_loop3A_552 = arith.addf %parallel_loop3A_551, %get3A_11 : vector<16xf32>
        %parallel_loop3A_553 = arith.constant 0 : i32
        %parallel_loop3A_554 = arith.constant 0 : i32
        %parallel_loop3A_555 = tpu.memref_slice %arg9[%parallel_loop3A_350, %parallel_loop3A_553, %parallel_loop3A_554] : memref<4x200x64xf32, #tpu.memory_space<vmem>> -> memref<1x200x64xf32, #tpu.memory_space<vmem>>
        %parallel_loop3A_556 = tpu.memref_squeeze %parallel_loop3A_555 : memref<1x200x64xf32, #tpu.memory_space<vmem>> -> memref<200x64xf32, #tpu.memory_space<vmem>>
        %parallel_loop3A_557 = arith.index_cast %parallel_loop3A_447 : i32 to index
        %parallel_loop3A_558 = arith.constant 0 : index
        %parallel_loop3A_559 = tpu.vector_load %parallel_loop3A_556[%parallel_loop3A_557, %parallel_loop3A_558] {strides = array<i32>} : memref<200x64xf32, #tpu.memory_space<vmem>>, vector<16xf32>,
        tpu.vector_store %parallel_loop3A_556[%parallel_loop3A_557, %parallel_loop3A_558], %parallel_loop3A_552 {strides = array<i32>} : memref<200x64xf32, #tpu.memory_space<vmem>>, vector<16xf32>,
        %parallel_loop3A_560 = vector.broadcast %parallel_loop3A_507 : f32 to vector<16xf32>
        %parallel_loop3A_561 = arith.subf %parallel_loop3A_469, %parallel_loop3A_560 : vector<16xf32>
        %parallel_loop3A_562 = arith.mulf %parallel_loop3A_561, %parallel_loop3A_547 : vector<16xf32>
        %parallel_loop3A_563 = arith.mulf %parallel_loop3A_562, %get3A_5 : vector<16xf32>
        %parallel_loop3A_564 = arith.addf %parallel_loop3A_563, %get3A_13 : vector<16xf32>
        %parallel_loop3A_565 = arith.constant 0 : i32
        %parallel_loop3A_566 = arith.constant 0 : i32
        %parallel_loop3A_567 = tpu.memref_slice %arg9[%parallel_loop3A_350, %parallel_loop3A_565, %parallel_loop3A_566] : memref<4x200x64xf32, #tpu.memory_space<vmem>> -> memref<1x200x64xf32, #tpu.memory_space<vmem>>
        %parallel_loop3A_568 = tpu.memref_squeeze %parallel_loop3A_567 : memref<1x200x64xf32, #tpu.memory_space<vmem>> -> memref<200x64xf32, #tpu.memory_space<vmem>>
        %parallel_loop3A_569 = arith.index_cast %parallel_loop3A_447 : i32 to index
        %parallel_loop3A_570 = arith.constant 16 : index
        %parallel_loop3A_571 = tpu.vector_load %parallel_loop3A_568[%parallel_loop3A_569, %parallel_loop3A_570] {strides = array<i32>} : memref<200x64xf32, #tpu.memory_space<vmem>>, vector<16xf32>,
        tpu.vector_store %parallel_loop3A_568[%parallel_loop3A_569, %parallel_loop3A_570], %parallel_loop3A_564 {strides = array<i32>} : memref<200x64xf32, #tpu.memory_space<vmem>>, vector<16xf32>,
        %parallel_loop3A_572 = vector.broadcast %parallel_loop3A_507 : f32 to vector<16xf32>
        %parallel_loop3A_573 = arith.subf %parallel_loop3A_480, %parallel_loop3A_572 : vector<16xf32>
        %parallel_loop3A_574 = arith.mulf %parallel_loop3A_573, %parallel_loop3A_547 : vector<16xf32>
        %parallel_loop3A_575 = arith.mulf %parallel_loop3A_574, %get3A_7 : vector<16xf32>
        %parallel_loop3A_576 = arith.addf %parallel_loop3A_575, %get3A_15 : vector<16xf32>
        %parallel_loop3A_577 = arith.constant 0 : i32
        %parallel_loop3A_578 = arith.constant 0 : i32
        %parallel_loop3A_579 = tpu.memref_slice %arg9[%parallel_loop3A_350, %parallel_loop3A_577, %parallel_loop3A_578] : memref<4x200x64xf32, #tpu.memory_space<vmem>> -> memref<1x200x64xf32, #tpu.memory_space<vmem>>
        %parallel_loop3A_580 = tpu.memref_squeeze %parallel_loop3A_579 : memref<1x200x64xf32, #tpu.memory_space<vmem>> -> memref<200x64xf32, #tpu.memory_space<vmem>>
        %parallel_loop3A_581 = arith.index_cast %parallel_loop3A_447 : i32 to index
        %parallel_loop3A_582 = arith.constant 32 : index
        %parallel_loop3A_583 = tpu.vector_load %parallel_loop3A_580[%parallel_loop3A_581, %parallel_loop3A_582] {strides = array<i32>} : memref<200x64xf32, #tpu.memory_space<vmem>>, vector<16xf32>,
        tpu.vector_store %parallel_loop3A_580[%parallel_loop3A_581, %parallel_loop3A_582], %parallel_loop3A_576 {strides = array<i32>} : memref<200x64xf32, #tpu.memory_space<vmem>>, vector<16xf32>,
        %parallel_loop3A_584 = vector.broadcast %parallel_loop3A_507 : f32 to vector<16xf32>
        %parallel_loop3A_585 = arith.subf %parallel_loop3A_491, %parallel_loop3A_584 : vector<16xf32>
        %parallel_loop3A_586 = arith.mulf %parallel_loop3A_585, %parallel_loop3A_547 : vector<16xf32>
        %parallel_loop3A_587 = arith.mulf %parallel_loop3A_586, %get3A_9 : vector<16xf32>
        %parallel_loop3A_588 = arith.addf %parallel_loop3A_587, %get3A_17 : vector<16xf32>
        %parallel_loop3A_589 = arith.constant 0 : i32
        %parallel_loop3A_590 = arith.constant 0 : i32
        %parallel_loop3A_591 = tpu.memref_slice %arg9[%parallel_loop3A_350, %parallel_loop3A_589, %parallel_loop3A_590] : memref<4x200x64xf32, #tpu.memory_space<vmem>> -> memref<1x200x64xf32, #tpu.memory_space<vmem>>
        %parallel_loop3A_592 = tpu.memref_squeeze %parallel_loop3A_591 : memref<1x200x64xf32, #tpu.memory_space<vmem>> -> memref<200x64xf32, #tpu.memory_space<vmem>>
        %parallel_loop3A_593 = arith.index_cast %parallel_loop3A_447 : i32 to index
        %parallel_loop3A_594 = arith.constant 48 : index
        %parallel_loop3A_595 = tpu.vector_load %parallel_loop3A_592[%parallel_loop3A_593, %parallel_loop3A_594] {strides = array<i32>} : memref<200x64xf32, #tpu.memory_space<vmem>>, vector<16xf32>,
        tpu.vector_store %parallel_loop3A_592[%parallel_loop3A_593, %parallel_loop3A_594], %parallel_loop3A_588 {strides = array<i32>} : memref<200x64xf32, #tpu.memory_space<vmem>>, vector<16xf32>,
        %parallel_loop3A_596 = arith.constant 2 : i32
        %parallel_loop3A_597 = arith.muli %parallel_loop3A_443, %parallel_loop3A_596 : i32
        %parallel_loop3A_598 = arith.constant 1 : i32
        %parallel_loop3A_599 = arith.addi %parallel_loop3A_597, %parallel_loop3A_598 : i32
        %parallel_loop3A_600 = arith.constant 0 : i32
        %parallel_loop3A_601 = arith.constant 0 : i32
        %parallel_loop3A_602 = tpu.memref_slice %arg9[%parallel_loop3A_350, %parallel_loop3A_600, %parallel_loop3A_601] : memref<4x200x64xf32, #tpu.memory_space<vmem>> -> memref<1x200x64xf32, #tpu.memory_space<vmem>>
        %parallel_loop3A_603 = tpu.memref_squeeze %parallel_loop3A_602 : memref<1x200x64xf32, #tpu.memory_space<vmem>> -> memref<200x64xf32, #tpu.memory_space<vmem>>
        %parallel_loop3A_604 = arith.index_cast %parallel_loop3A_599 : i32 to index
        %parallel_loop3A_605 = arith.constant 0 : index
        %parallel_loop3A_606 = tpu.vector_load %parallel_loop3A_603[%parallel_loop3A_604, %parallel_loop3A_605] {strides = array<i32>} : memref<200x64xf32, #tpu.memory_space<vmem>>, vector<16xf32>,
        %parallel_loop3A_607 = arith.index_cast %parallel_loop3A_599 : i32 to index
        %parallel_loop3A_608 = arith.constant 0 : index
        %parallel_loop3A_609 = tpu.vector_load %arg10[%parallel_loop3A_607, %parallel_loop3A_608] {strides = array<i32>} : memref<200x64xf32, #tpu.memory_space<vmem>>, vector<16xf32>,
        %parallel_loop3A_610 = arith.addf %parallel_loop3A_606, %parallel_loop3A_609 : vector<16xf32>
        %parallel_loop3A_611 = arith.constant 0 : i32
        %parallel_loop3A_612 = arith.constant 0 : i32
        %parallel_loop3A_613 = tpu.memref_slice %arg9[%parallel_loop3A_350, %parallel_loop3A_611, %parallel_loop3A_612] : memref<4x200x64xf32, #tpu.memory_space<vmem>> -> memref<1x200x64xf32, #tpu.memory_space<vmem>>
        %parallel_loop3A_614 = tpu.memref_squeeze %parallel_loop3A_613 : memref<1x200x64xf32, #tpu.memory_space<vmem>> -> memref<200x64xf32, #tpu.memory_space<vmem>>
        %parallel_loop3A_615 = arith.index_cast %parallel_loop3A_599 : i32 to index
        %parallel_loop3A_616 = arith.constant 16 : index
        %parallel_loop3A_617 = tpu.vector_load %parallel_loop3A_614[%parallel_loop3A_615, %parallel_loop3A_616] {strides = array<i32>} : memref<200x64xf32, #tpu.memory_space<vmem>>, vector<16xf32>,
        %parallel_loop3A_618 = arith.index_cast %parallel_loop3A_599 : i32 to index
        %parallel_loop3A_619 = arith.constant 16 : index
        %parallel_loop3A_620 = tpu.vector_load %arg10[%parallel_loop3A_618, %parallel_loop3A_619] {strides = array<i32>} : memref<200x64xf32, #tpu.memory_space<vmem>>, vector<16xf32>,
        %parallel_loop3A_621 = arith.addf %parallel_loop3A_617, %parallel_loop3A_620 : vector<16xf32>
        %parallel_loop3A_622 = arith.constant 0 : i32
        %parallel_loop3A_623 = arith.constant 0 : i32
        %parallel_loop3A_624 = tpu.memref_slice %arg9[%parallel_loop3A_350, %parallel_loop3A_622, %parallel_loop3A_623] : memref<4x200x64xf32, #tpu.memory_space<vmem>> -> memref<1x200x64xf32, #tpu.memory_space<vmem>>
        %parallel_loop3A_625 = tpu.memref_squeeze %parallel_loop3A_624 : memref<1x200x64xf32, #tpu.memory_space<vmem>> -> memref<200x64xf32, #tpu.memory_space<vmem>>
        %parallel_loop3A_626 = arith.index_cast %parallel_loop3A_599 : i32 to index
        %parallel_loop3A_627 = arith.constant 32 : index
        %parallel_loop3A_628 = tpu.vector_load %parallel_loop3A_625[%parallel_loop3A_626, %parallel_loop3A_627] {strides = array<i32>} : memref<200x64xf32, #tpu.memory_space<vmem>>, vector<16xf32>,
        %parallel_loop3A_629 = arith.index_cast %parallel_loop3A_599 : i32 to index
        %parallel_loop3A_630 = arith.constant 32 : index
        %parallel_loop3A_631 = tpu.vector_load %arg10[%parallel_loop3A_629, %parallel_loop3A_630] {strides = array<i32>} : memref<200x64xf32, #tpu.memory_space<vmem>>, vector<16xf32>,
        %parallel_loop3A_632 = arith.addf %parallel_loop3A_628, %parallel_loop3A_631 : vector<16xf32>
        %parallel_loop3A_633 = arith.constant 0 : i32
        %parallel_loop3A_634 = arith.constant 0 : i32
        %parallel_loop3A_635 = tpu.memref_slice %arg9[%parallel_loop3A_350, %parallel_loop3A_633, %parallel_loop3A_634] : memref<4x200x64xf32, #tpu.memory_space<vmem>> -> memref<1x200x64xf32, #tpu.memory_space<vmem>>
        %parallel_loop3A_636 = tpu.memref_squeeze %parallel_loop3A_635 : memref<1x200x64xf32, #tpu.memory_space<vmem>> -> memref<200x64xf32, #tpu.memory_space<vmem>>
        %parallel_loop3A_637 = arith.index_cast %parallel_loop3A_599 : i32 to index
        %parallel_loop3A_638 = arith.constant 48 : index
        %parallel_loop3A_639 = tpu.vector_load %parallel_loop3A_636[%parallel_loop3A_637, %parallel_loop3A_638] {strides = array<i32>} : memref<200x64xf32, #tpu.memory_space<vmem>>, vector<16xf32>,
        %parallel_loop3A_640 = arith.index_cast %parallel_loop3A_599 : i32 to index
        %parallel_loop3A_641 = arith.constant 48 : index
        %parallel_loop3A_642 = tpu.vector_load %arg10[%parallel_loop3A_640, %parallel_loop3A_641] {strides = array<i32>} : memref<200x64xf32, #tpu.memory_space<vmem>>, vector<16xf32>,
        %parallel_loop3A_643 = arith.addf %parallel_loop3A_639, %parallel_loop3A_642 : vector<16xf32>
        %parallel_loop3A_644 = arith.addf %parallel_loop3A_610, %parallel_loop3A_621 : vector<16xf32>
        %parallel_loop3A_645 = arith.addf %parallel_loop3A_632, %parallel_loop3A_643 : vector<16xf32>
        %parallel_loop3A_646 = arith.addf %parallel_loop3A_644, %parallel_loop3A_645 : vector<16xf32>
        %parallel_loop3A_647 = arith.mulf %parallel_loop3A_610, %parallel_loop3A_610 : vector<16xf32>
        %parallel_loop3A_648 = arith.mulf %parallel_loop3A_621, %parallel_loop3A_621 : vector<16xf32>
        %parallel_loop3A_649 = arith.addf %parallel_loop3A_647, %parallel_loop3A_648 : vector<16xf32>
        %parallel_loop3A_650 = arith.mulf %parallel_loop3A_632, %parallel_loop3A_632 : vector<16xf32>
        %parallel_loop3A_651 = arith.mulf %parallel_loop3A_643, %parallel_loop3A_643 : vector<16xf32>
        %parallel_loop3A_652 = arith.addf %parallel_loop3A_650, %parallel_loop3A_651 : vector<16xf32>
        %parallel_loop3A_653 = arith.addf %parallel_loop3A_649, %parallel_loop3A_652 : vector<16xf32>
        %parallel_loop3A_654 = arith.constant true
        %parallel_loop3A_655 = vector.broadcast %parallel_loop3A_654 : i1 to vector<16xi1>
        %parallel_loop3A_656 = tpu.scan <sum>, %parallel_loop3A_646 masked %parallel_loop3A_655 : vector<16xf32>, vector<16xi1> -> vector<16xf32>
        %parallel_loop3A_657 = vector.extract %parallel_loop3A_656[15] : f32 from vector<16xf32>
        %parallel_loop3A_658 = arith.constant 1.562500e-02 : f32
        %parallel_loop3A_659 = arith.mulf %parallel_loop3A_657, %parallel_loop3A_658 : f32
        %parallel_loop3A_660 = arith.constant true
        %parallel_loop3A_661 = vector.broadcast %parallel_loop3A_660 : i1 to vector<16xi1>
        %parallel_loop3A_662 = tpu.scan <sum>, %parallel_loop3A_653 masked %parallel_loop3A_661 : vector<16xf32>, vector<16xi1> -> vector<16xf32>
        %parallel_loop3A_663 = vector.extract %parallel_loop3A_662[15] : f32 from vector<16xf32>
        %parallel_loop3A_664 = arith.constant 1.562500e-02 : f32
        %parallel_loop3A_665 = arith.mulf %parallel_loop3A_663, %parallel_loop3A_664 : f32
        %parallel_loop3A_666 = arith.mulf %parallel_loop3A_659, %parallel_loop3A_659 : f32
        %parallel_loop3A_667 = arith.subf %parallel_loop3A_665, %parallel_loop3A_666 : f32
        %parallel_loop3A_668 = arith.constant 0.000000e+00 : f32
        %parallel_loop3A_669 = vector.broadcast %parallel_loop3A_668 : f32 to vector<16xf32>
        %parallel_loop3A_670 = arith.constant 9.99999996E-13 : f32
        %parallel_loop3A_671 = arith.addf %parallel_loop3A_667, %parallel_loop3A_670 : f32
        %parallel_loop3A_672 = vector.broadcast %parallel_loop3A_671 : f32 to vector<16xf32>
        %parallel_loop3A_673 = arith.addf %parallel_loop3A_669, %parallel_loop3A_672 : vector<16xf32>
        %parallel_loop3A_674 = vector.bitcast %parallel_loop3A_673 : vector<16xf32> to vector<16xi32>
        %parallel_loop3A_675 = arith.constant 1 : i32
        %parallel_loop3A_676 = vector.broadcast %parallel_loop3A_675 : i32 to vector<16xi32>
        %parallel_loop3A_677 = arith.shrsi %parallel_loop3A_674, %parallel_loop3A_676 : vector<16xi32>
        %parallel_loop3A_678 = arith.constant 1597463007 : i32
        %parallel_loop3A_679 = vector.broadcast %parallel_loop3A_678 : i32 to vector<16xi32>
        %parallel_loop3A_680 = arith.subi %parallel_loop3A_679, %parallel_loop3A_677 : vector<16xi32>
        %parallel_loop3A_681 = vector.bitcast %parallel_loop3A_680 : vector<16xi32> to vector<16xf32>
        %parallel_loop3A_682 = arith.constant 5.000000e-01 : f32
        %parallel_loop3A_683 = vector.broadcast %parallel_loop3A_682 : f32 to vector<16xf32>
        %parallel_loop3A_684 = arith.mulf %parallel_loop3A_683, %parallel_loop3A_673 : vector<16xf32>
        %parallel_loop3A_685 = arith.mulf %parallel_loop3A_684, %parallel_loop3A_681 : vector<16xf32>
        %parallel_loop3A_686 = arith.mulf %parallel_loop3A_685, %parallel_loop3A_681 : vector<16xf32>
        %parallel_loop3A_687 = arith.constant 1.500000e+00 : f32
        %parallel_loop3A_688 = vector.broadcast %parallel_loop3A_687 : f32 to vector<16xf32>
        %parallel_loop3A_689 = arith.subf %parallel_loop3A_688, %parallel_loop3A_686 : vector<16xf32>
        %parallel_loop3A_690 = arith.mulf %parallel_loop3A_681, %parallel_loop3A_689 : vector<16xf32>
        %parallel_loop3A_691 = arith.constant 5.000000e-01 : f32
        %parallel_loop3A_692 = vector.broadcast %parallel_loop3A_691 : f32 to vector<16xf32>
        %parallel_loop3A_693 = arith.mulf %parallel_loop3A_692, %parallel_loop3A_673 : vector<16xf32>
        %parallel_loop3A_694 = arith.mulf %parallel_loop3A_693, %parallel_loop3A_690 : vector<16xf32>
        %parallel_loop3A_695 = arith.mulf %parallel_loop3A_694, %parallel_loop3A_690 : vector<16xf32>
        %parallel_loop3A_696 = arith.constant 1.500000e+00 : f32
        %parallel_loop3A_697 = vector.broadcast %parallel_loop3A_696 : f32 to vector<16xf32>
        %parallel_loop3A_698 = arith.subf %parallel_loop3A_697, %parallel_loop3A_695 : vector<16xf32>
        %parallel_loop3A_699 = arith.mulf %parallel_loop3A_690, %parallel_loop3A_698 : vector<16xf32>
        %parallel_loop3A_700 = vector.broadcast %parallel_loop3A_659 : f32 to vector<16xf32>
        %parallel_loop3A_701 = arith.subf %parallel_loop3A_610, %parallel_loop3A_700 : vector<16xf32>
        %parallel_loop3A_702 = arith.mulf %parallel_loop3A_701, %parallel_loop3A_699 : vector<16xf32>
        %parallel_loop3A_703 = arith.mulf %parallel_loop3A_702, %get3A_3 : vector<16xf32>
        %parallel_loop3A_704 = arith.addf %parallel_loop3A_703, %get3A_11 : vector<16xf32>
        %parallel_loop3A_705 = arith.constant 0 : i32
        %parallel_loop3A_706 = arith.constant 0 : i32
        %parallel_loop3A_707 = tpu.memref_slice %arg9[%parallel_loop3A_350, %parallel_loop3A_705, %parallel_loop3A_706] : memref<4x200x64xf32, #tpu.memory_space<vmem>> -> memref<1x200x64xf32, #tpu.memory_space<vmem>>
        %parallel_loop3A_708 = tpu.memref_squeeze %parallel_loop3A_707 : memref<1x200x64xf32, #tpu.memory_space<vmem>> -> memref<200x64xf32, #tpu.memory_space<vmem>>
        %parallel_loop3A_709 = arith.index_cast %parallel_loop3A_599 : i32 to index
        %parallel_loop3A_710 = arith.constant 0 : index
        %parallel_loop3A_711 = tpu.vector_load %parallel_loop3A_708[%parallel_loop3A_709, %parallel_loop3A_710] {strides = array<i32>} : memref<200x64xf32, #tpu.memory_space<vmem>>, vector<16xf32>,
        tpu.vector_store %parallel_loop3A_708[%parallel_loop3A_709, %parallel_loop3A_710], %parallel_loop3A_704 {strides = array<i32>} : memref<200x64xf32, #tpu.memory_space<vmem>>, vector<16xf32>,
        %parallel_loop3A_712 = vector.broadcast %parallel_loop3A_659 : f32 to vector<16xf32>
        %parallel_loop3A_713 = arith.subf %parallel_loop3A_621, %parallel_loop3A_712 : vector<16xf32>
        %parallel_loop3A_714 = arith.mulf %parallel_loop3A_713, %parallel_loop3A_699 : vector<16xf32>
        %parallel_loop3A_715 = arith.mulf %parallel_loop3A_714, %get3A_5 : vector<16xf32>
        %parallel_loop3A_716 = arith.addf %parallel_loop3A_715, %get3A_13 : vector<16xf32>
        %parallel_loop3A_717 = arith.constant 0 : i32
        %parallel_loop3A_718 = arith.constant 0 : i32
        %parallel_loop3A_719 = tpu.memref_slice %arg9[%parallel_loop3A_350, %parallel_loop3A_717, %parallel_loop3A_718] : memref<4x200x64xf32, #tpu.memory_space<vmem>> -> memref<1x200x64xf32, #tpu.memory_space<vmem>>
        %parallel_loop3A_720 = tpu.memref_squeeze %parallel_loop3A_719 : memref<1x200x64xf32, #tpu.memory_space<vmem>> -> memref<200x64xf32, #tpu.memory_space<vmem>>
        %parallel_loop3A_721 = arith.index_cast %parallel_loop3A_599 : i32 to index
        %parallel_loop3A_722 = arith.constant 16 : index
        %parallel_loop3A_723 = tpu.vector_load %parallel_loop3A_720[%parallel_loop3A_721, %parallel_loop3A_722] {strides = array<i32>} : memref<200x64xf32, #tpu.memory_space<vmem>>, vector<16xf32>,
        tpu.vector_store %parallel_loop3A_720[%parallel_loop3A_721, %parallel_loop3A_722], %parallel_loop3A_716 {strides = array<i32>} : memref<200x64xf32, #tpu.memory_space<vmem>>, vector<16xf32>,
        %parallel_loop3A_724 = vector.broadcast %parallel_loop3A_659 : f32 to vector<16xf32>
        %parallel_loop3A_725 = arith.subf %parallel_loop3A_632, %parallel_loop3A_724 : vector<16xf32>
        %parallel_loop3A_726 = arith.mulf %parallel_loop3A_725, %parallel_loop3A_699 : vector<16xf32>
        %parallel_loop3A_727 = arith.mulf %parallel_loop3A_726, %get3A_7 : vector<16xf32>
        %parallel_loop3A_728 = arith.addf %parallel_loop3A_727, %get3A_15 : vector<16xf32>
        %parallel_loop3A_729 = arith.constant 0 : i32
        %parallel_loop3A_730 = arith.constant 0 : i32
        %parallel_loop3A_731 = tpu.memref_slice %arg9[%parallel_loop3A_350, %parallel_loop3A_729, %parallel_loop3A_730] : memref<4x200x64xf32, #tpu.memory_space<vmem>> -> memref<1x200x64xf32, #tpu.memory_space<vmem>>
        %parallel_loop3A_732 = tpu.memref_squeeze %parallel_loop3A_731 : memref<1x200x64xf32, #tpu.memory_space<vmem>> -> memref<200x64xf32, #tpu.memory_space<vmem>>
        %parallel_loop3A_733 = arith.index_cast %parallel_loop3A_599 : i32 to index
        %parallel_loop3A_734 = arith.constant 32 : index
        %parallel_loop3A_735 = tpu.vector_load %parallel_loop3A_732[%parallel_loop3A_733, %parallel_loop3A_734] {strides = array<i32>} : memref<200x64xf32, #tpu.memory_space<vmem>>, vector<16xf32>,
        tpu.vector_store %parallel_loop3A_732[%parallel_loop3A_733, %parallel_loop3A_734], %parallel_loop3A_728 {strides = array<i32>} : memref<200x64xf32, #tpu.memory_space<vmem>>, vector<16xf32>,
        %parallel_loop3A_736 = vector.broadcast %parallel_loop3A_659 : f32 to vector<16xf32>
        %parallel_loop3A_737 = arith.subf %parallel_loop3A_643, %parallel_loop3A_736 : vector<16xf32>
        %parallel_loop3A_738 = arith.mulf %parallel_loop3A_737, %parallel_loop3A_699 : vector<16xf32>
        %parallel_loop3A_739 = arith.mulf %parallel_loop3A_738, %get3A_9 : vector<16xf32>
        %parallel_loop3A_740 = arith.addf %parallel_loop3A_739, %get3A_17 : vector<16xf32>
        %parallel_loop3A_741 = arith.constant 0 : i32
        %parallel_loop3A_742 = arith.constant 0 : i32
        %parallel_loop3A_743 = tpu.memref_slice %arg9[%parallel_loop3A_350, %parallel_loop3A_741, %parallel_loop3A_742] : memref<4x200x64xf32, #tpu.memory_space<vmem>> -> memref<1x200x64xf32, #tpu.memory_space<vmem>>
        %parallel_loop3A_744 = tpu.memref_squeeze %parallel_loop3A_743 : memref<1x200x64xf32, #tpu.memory_space<vmem>> -> memref<200x64xf32, #tpu.memory_space<vmem>>
        %parallel_loop3A_745 = arith.index_cast %parallel_loop3A_599 : i32 to index
        %parallel_loop3A_746 = arith.constant 48 : index
        %parallel_loop3A_747 = tpu.vector_load %parallel_loop3A_744[%parallel_loop3A_745, %parallel_loop3A_746] {strides = array<i32>} : memref<200x64xf32, #tpu.memory_space<vmem>>, vector<16xf32>,
        tpu.vector_store %parallel_loop3A_744[%parallel_loop3A_745, %parallel_loop3A_746], %parallel_loop3A_740 {strides = array<i32>} : memref<200x64xf32, #tpu.memory_space<vmem>>, vector<16xf32>,
      } {sc.loop_unroll_factor = 2 : i64, sc.parallel_access}
      %add3A_351 = arith.addi %mul3A_2, %add3A_322 : i32
      %dma_start3A_352 = arith.constant 2 : i32
      %dma_start3A_353 = arith.constant 0 : i32
      %dma_start3A_354 = arith.constant 0 : i32
      %dma_start3A_355 = tpu.memref_slice %arg9[%dma_start3A_352, %dma_start3A_353, %dma_start3A_354] : memref<4x200x64xf32, #tpu.memory_space<vmem>> -> memref<1x200x64xf32, #tpu.memory_space<vmem>>
      %dma_start3A_356 = tpu.memref_squeeze %dma_start3A_355 : memref<1x200x64xf32, #tpu.memory_space<vmem>> -> memref<200x64xf32, #tpu.memory_space<vmem>>
      %dma_start3A_357 = arith.constant 0 : i32
      %dma_start3A_358 = arith.constant 0 : i32
      %dma_start3A_359 = tpu.memref_slice %arg7[%add3A_351, %dma_start3A_357, %dma_start3A_358] : memref<4096x200x64xf32, #tpu.memory_space<hbm>> -> memref<1x200x64xf32, #tpu.memory_space<hbm>>
      %dma_start3A_360 = tpu.memref_squeeze %dma_start3A_359 : memref<1x200x64xf32, #tpu.memory_space<hbm>> -> memref<200x64xf32, #tpu.memory_space<hbm>>
      %dma_start3A_361 = arith.constant 0 : i32
      %dma_start3A_362 = arith.constant 0 : i32
      %dma_start3A_363 = tpu.memref_slice %arg7[%add3A_351, %dma_start3A_361, %dma_start3A_362] : memref<4096x200x64xf32, #tpu.memory_space<hbm>> -> memref<1x200x64xf32, #tpu.memory_space<hbm>>
      %dma_start3A_364 = tpu.memref_squeeze %dma_start3A_363 : memref<1x200x64xf32, #tpu.memory_space<hbm>> -> memref<200x64xf32, #tpu.memory_space<hbm>>
      %dma_start3A_365 = arith.constant 0 : i32
      %dma_start3A_366 = arith.constant 0 : i32
      %dma_start3A_367 = tpu.memref_slice %arg9[%dma_start3A_352, %dma_start3A_365, %dma_start3A_366] : memref<4x200x64xf32, #tpu.memory_space<vmem>> -> memref<1x200x64xf32, #tpu.memory_space<vmem>>
      %dma_start3A_368 = tpu.memref_squeeze %dma_start3A_367 : memref<1x200x64xf32, #tpu.memory_space<vmem>> -> memref<200x64xf32, #tpu.memory_space<vmem>>
      tpu.enqueue_dma source(%dma_start3A_368 : memref<200x64xf32, #tpu.memory_space<vmem>>) target(%dma_start3A_364 : memref<200x64xf32, #tpu.memory_space<hbm>>) target_semaphore(%arg19 : memref<!tpu.dma_semaphore, #tpu.memory_space<semaphore_mem>>)
      %ge3A_369 = arith.constant 1 : i32
      %ge3A_370 = arith.cmpi sge, %add3A_322, %ge3A_369 : i32
      %add3A_371 = arith.constant 4 : i32
      %add3A_372 = arith.addi %add3A_322, %add3A_371 : i32
      %sub3A_373 = arith.constant 1 : i32
      %sub3A_374 = arith.subi %add3A_372, %sub3A_373 : i32
      %lt3A_375 = arith.constant 128 : i32
      %lt3A_376 = arith.cmpi slt, %sub3A_374, %lt3A_375 : i32
      %and3A_377 = arith.andi %ge3A_370, %lt3A_376 : i1
      %convert_element_type3A_378 = arith.extui %and3A_377 : i1 to i32
      %cond3A_379 = arith.constant 0 : i32
      %cond3A_380 = arith.cmpi ne, %convert_element_type3A_378, %cond3A_379 : i32
      scf.if %cond3A_380 {
        %sub3A_443 = arith.constant 1 : i32
        %sub3A_444 = arith.subi %add3A_322, %sub3A_443 : i32
        %add3A_445 = arith.addi %mul3A_2, %sub3A_444 : i32
        %dma_wait3A_446 = arith.constant 1 : i32
        %dma_wait3A_447 = arith.constant 0 : i32
        %dma_wait3A_448 = arith.constant 0 : i32
        %dma_wait3A_449 = tpu.memref_slice %arg9[%dma_wait3A_446, %dma_wait3A_447, %dma_wait3A_448] : memref<4x200x64xf32, #tpu.memory_space<vmem>> -> memref<1x200x64xf32, #tpu.memory_space<vmem>>
        %dma_wait3A_450 = tpu.memref_squeeze %dma_wait3A_449 : memref<1x200x64xf32, #tpu.memory_space<vmem>> -> memref<200x64xf32, #tpu.memory_space<vmem>>
        %dma_wait3A_451 = arith.constant 0 : i32
        %dma_wait3A_452 = arith.constant 0 : i32
        %dma_wait3A_453 = tpu.memref_slice %arg7[%add3A_445, %dma_wait3A_451, %dma_wait3A_452] : memref<4096x200x64xf32, #tpu.memory_space<hbm>> -> memref<1x200x64xf32, #tpu.memory_space<hbm>>
        %dma_wait3A_454 = tpu.memref_squeeze %dma_wait3A_453 : memref<1x200x64xf32, #tpu.memory_space<hbm>> -> memref<200x64xf32, #tpu.memory_space<hbm>>
        %dma_wait3A_455 = arith.constant 0 : i32
        %dma_wait3A_456 = arith.constant 0 : i32
        %dma_wait3A_457 = tpu.memref_slice %arg7[%add3A_445, %dma_wait3A_455, %dma_wait3A_456] : memref<4096x200x64xf32, #tpu.memory_space<hbm>> -> memref<1x200x64xf32, #tpu.memory_space<hbm>>
        %dma_wait3A_458 = tpu.memref_squeeze %dma_wait3A_457 : memref<1x200x64xf32, #tpu.memory_space<hbm>> -> memref<200x64xf32, #tpu.memory_space<hbm>>
        %dma_wait3A_459 = arith.constant 0 : i32
        %dma_wait3A_460 = arith.constant 0 : i32
        %dma_wait3A_461 = tpu.memref_slice %arg9[%dma_wait3A_446, %dma_wait3A_459, %dma_wait3A_460] : memref<4x200x64xf32, #tpu.memory_space<vmem>> -> memref<1x200x64xf32, #tpu.memory_space<vmem>>
        %dma_wait3A_462 = tpu.memref_squeeze %dma_wait3A_461 : memref<1x200x64xf32, #tpu.memory_space<vmem>> -> memref<200x64xf32, #tpu.memory_space<vmem>>
        tpu.wait_dma2 semaphore(%arg18 : memref<!tpu.dma_semaphore, #tpu.memory_space<semaphore_mem>>) src(%dma_wait3A_462 : memref<200x64xf32, #tpu.memory_space<vmem>>) dst(%dma_wait3A_458 : memref<200x64xf32, #tpu.memory_space<hbm>>)
        %add3A_463 = arith.constant 4 : i32
        %add3A_464 = arith.addi %add3A_322, %add3A_463 : i32
        %sub3A_465 = arith.constant 1 : i32
        %sub3A_466 = arith.subi %add3A_464, %sub3A_465 : i32
        %dma_start3A_467 = arith.constant 0 : i32
        %dma_start3A_468 = arith.constant 1 : i32
        %dma_start3A_469 = arith.constant 0 : i32
        %dma_start3A_470 = arith.constant 0 : i32
        %dma_start3A_471 = tpu.memref_slice %arg9[%dma_start3A_468, %dma_start3A_469, %dma_start3A_470] : memref<4x200x64xf32, #tpu.memory_space<vmem>> -> memref<1x100x64xf32, #tpu.memory_space<vmem>>
        %dma_start3A_472 = tpu.memref_squeeze %dma_start3A_471 : memref<1x100x64xf32, #tpu.memory_space<vmem>> -> memref<100x64xf32, #tpu.memory_space<vmem>>
        %dma_start3A_473 = arith.constant 0 : i32
        %dma_start3A_474 = tpu.memref_slice %arg8[%sub3A_466, %dma_start3A_467, %dma_start3A_473] : memref<128x2x100xi32, #tpu.memory_space<vmem>> -> memref<1x1x100xi32, #tpu.memory_space<vmem>>
        %dma_start3A_475 = tpu.memref_squeeze %dma_start3A_474 : memref<1x1x100xi32, #tpu.memory_space<vmem>> -> memref<100xi32, #tpu.memory_space<vmem>>
        %dma_start3A_476 = arith.constant 0 : i32
        %dma_start3A_477 = arith.constant 0 : i32
        %dma_start3A_478 = tpu.memref_slice %arg3[%dma_start3A_476, %dma_start3A_477] : memref<1000000x64xf32, #tpu.memory_space<hbm>> -> memref<1000000x64xf32, #tpu.memory_space<hbm>>
        tpu.enqueue_indirect_dma source(%dma_start3A_478 : memref<1000000x64xf32, #tpu.memory_space<hbm>>) target(%dma_start3A_472 : memref<100x64xf32, #tpu.memory_space<vmem>>) offsets(%dma_start3A_475 : memref<100xi32, #tpu.memory_space<vmem>>) semaphore(%arg14 : memref<!tpu.dma_semaphore, #tpu.memory_space<semaphore_mem>>)
        %dma_start3A_479 = arith.constant 1 : i32
        %dma_start3A_480 = arith.constant 1 : i32
        %dma_start3A_481 = arith.constant 100 : i32
        %dma_start3A_482 = arith.constant 0 : i32
        %dma_start3A_483 = tpu.memref_slice %arg9[%dma_start3A_480, %dma_start3A_481, %dma_start3A_482] : memref<4x200x64xf32, #tpu.memory_space<vmem>> -> memref<1x100x64xf32, #tpu.memory_space<vmem>>
        %dma_start3A_484 = tpu.memref_squeeze %dma_start3A_483 : memref<1x100x64xf32, #tpu.memory_space<vmem>> -> memref<100x64xf32, #tpu.memory_space<vmem>>
        %dma_start3A_485 = arith.constant 0 : i32
        %dma_start3A_486 = tpu.memref_slice %arg8[%sub3A_466, %dma_start3A_479, %dma_start3A_485] : memref<128x2x100xi32, #tpu.memory_space<vmem>> -> memref<1x1x100xi32, #tpu.memory_space<vmem>>
        %dma_start3A_487 = tpu.memref_squeeze %dma_start3A_486 : memref<1x1x100xi32, #tpu.memory_space<vmem>> -> memref<100xi32, #tpu.memory_space<vmem>>
        %dma_start3A_488 = arith.constant 0 : i32
        %dma_start3A_489 = arith.constant 0 : i32
        %dma_start3A_490 = tpu.memref_slice %arg3[%dma_start3A_488, %dma_start3A_489] : memref<1000000x64xf32, #tpu.memory_space<hbm>> -> memref<1000000x64xf32, #tpu.memory_space<hbm>>
        tpu.enqueue_indirect_dma source(%dma_start3A_490 : memref<1000000x64xf32, #tpu.memory_space<hbm>>) target(%dma_start3A_484 : memref<100x64xf32, #tpu.memory_space<vmem>>) offsets(%dma_start3A_487 : memref<100xi32, #tpu.memory_space<vmem>>) semaphore(%arg14 : memref<!tpu.dma_semaphore, #tpu.memory_space<semaphore_mem>>)
      } else {
      }
      %mul3A_381 = arith.constant 4 : i32
      %mul3A_382 = arith.muli %scan3A_201, %mul3A_381 : i32
      %add3A_383 = arith.constant 3 : i32
      %add3A_384 = arith.addi %mul3A_382, %add3A_383 : i32
      %dma_wait3A_385 = arith.constant 0 : i32
      %dma_wait3A_386 = arith.constant 3 : i32
      %dma_wait3A_387 = arith.constant 0 : i32
      %dma_wait3A_388 = arith.constant 0 : i32
      %dma_wait3A_389 = tpu.memref_slice %arg9[%dma_wait3A_386, %dma_wait3A_387, %dma_wait3A_388] : memref<4x200x64xf32, #tpu.memory_space<vmem>> -> memref<1x100x64xf32, #tpu.memory_space<vmem>>
      %dma_wait3A_390 = tpu.memref_squeeze %dma_wait3A_389 : memref<1x100x64xf32, #tpu.memory_space<vmem>> -> memref<100x64xf32, #tpu.memory_space<vmem>>
      %dma_wait3A_391 = arith.constant 0 : i32
      %dma_wait3A_392 = tpu.memref_slice %arg8[%add3A_384, %dma_wait3A_385, %dma_wait3A_391] : memref<128x2x100xi32, #tpu.memory_space<vmem>> -> memref<1x1x100xi32, #tpu.memory_space<vmem>>
      %dma_wait3A_393 = tpu.memref_squeeze %dma_wait3A_392 : memref<1x1x100xi32, #tpu.memory_space<vmem>> -> memref<100xi32, #tpu.memory_space<vmem>>
      %dma_wait3A_394 = arith.constant 0 : i32
      %dma_wait3A_395 = arith.constant 0 : i32
      %dma_wait3A_396 = tpu.memref_slice %arg3[%dma_wait3A_394, %dma_wait3A_395] : memref<1000000x64xf32, #tpu.memory_space<hbm>> -> memref<1000000x64xf32, #tpu.memory_space<hbm>>
      tpu.wait_indirect_dma semaphore(%arg16 : memref<!tpu.dma_semaphore, #tpu.memory_space<semaphore_mem>>) src(%dma_wait3A_396 : memref<1000000x64xf32, #tpu.memory_space<hbm>>) dst(%dma_wait3A_390 : memref<100x64xf32, #tpu.memory_space<vmem>>)
      %dma_wait3A_397 = arith.constant 1 : i32
      %dma_wait3A_398 = arith.constant 3 : i32
      %dma_wait3A_399 = arith.constant 100 : i32
      %dma_wait3A_400 = arith.constant 0 : i32
      %dma_wait3A_401 = tpu.memref_slice %arg9[%dma_wait3A_398, %dma_wait3A_399, %dma_wait3A_400] : memref<4x200x64xf32, #tpu.memory_space<vmem>> -> memref<1x100x64xf32, #tpu.memory_space<vmem>>
      %dma_wait3A_402 = tpu.memref_squeeze %dma_wait3A_401 : memref<1x100x64xf32, #tpu.memory_space<vmem>> -> memref<100x64xf32, #tpu.memory_space<vmem>>
      %dma_wait3A_403 = arith.constant 0 : i32
      %dma_wait3A_404 = tpu.memref_slice %arg8[%add3A_384, %dma_wait3A_397, %dma_wait3A_403] : memref<128x2x100xi32, #tpu.memory_space<vmem>> -> memref<1x1x100xi32, #tpu.memory_space<vmem>>
      %dma_wait3A_405 = tpu.memref_squeeze %dma_wait3A_404 : memref<1x1x100xi32, #tpu.memory_space<vmem>> -> memref<100xi32, #tpu.memory_space<vmem>>
      %dma_wait3A_406 = arith.constant 0 : i32
      %dma_wait3A_407 = arith.constant 0 : i32
      %dma_wait3A_408 = tpu.memref_slice %arg3[%dma_wait3A_406, %dma_wait3A_407] : memref<1000000x64xf32, #tpu.memory_space<hbm>> -> memref<1000000x64xf32, #tpu.memory_space<hbm>>
      tpu.wait_indirect_dma semaphore(%arg16 : memref<!tpu.dma_semaphore, #tpu.memory_space<semaphore_mem>>) src(%dma_wait3A_408 : memref<1000000x64xf32, #tpu.memory_space<hbm>>) dst(%dma_wait3A_402 : memref<100x64xf32, #tpu.memory_space<vmem>>)
      %parallel_loop3A_409 = arith.constant 0 : i32
      %parallel_loop3A_410 = arith.constant 100 : i32
      %parallel_loop3A_411 = arith.constant 1 : i32
      %parallel_loop3A_412 = arith.constant 3 : i32
      scf.for %parallel_loop3A_443 = %parallel_loop3A_409 to %parallel_loop3A_410 step %parallel_loop3A_411  : i32 {
        %parallel_loop3A_444 = arith.constant 2 : i32
        %parallel_loop3A_445 = arith.muli %parallel_loop3A_443, %parallel_loop3A_444 : i32
        %parallel_loop3A_446 = arith.constant 0 : i32
        %parallel_loop3A_447 = arith.addi %parallel_loop3A_445, %parallel_loop3A_446 : i32
        %parallel_loop3A_448 = arith.constant 0 : i32
        %parallel_loop3A_449 = arith.constant 0 : i32
        %parallel_loop3A_450 = tpu.memref_slice %arg9[%parallel_loop3A_412, %parallel_loop3A_448, %parallel_loop3A_449] : memref<4x200x64xf32, #tpu.memory_space<vmem>> -> memref<1x200x64xf32, #tpu.memory_space<vmem>>
        %parallel_loop3A_451 = tpu.memref_squeeze %parallel_loop3A_450 : memref<1x200x64xf32, #tpu.memory_space<vmem>> -> memref<200x64xf32, #tpu.memory_space<vmem>>
        %parallel_loop3A_452 = arith.index_cast %parallel_loop3A_447 : i32 to index
        %parallel_loop3A_453 = arith.constant 0 : index
        %parallel_loop3A_454 = tpu.vector_load %parallel_loop3A_451[%parallel_loop3A_452, %parallel_loop3A_453] {strides = array<i32>} : memref<200x64xf32, #tpu.memory_space<vmem>>, vector<16xf32>,
        %parallel_loop3A_455 = arith.index_cast %parallel_loop3A_447 : i32 to index
        %parallel_loop3A_456 = arith.constant 0 : index
        %parallel_loop3A_457 = tpu.vector_load %arg10[%parallel_loop3A_455, %parallel_loop3A_456] {strides = array<i32>} : memref<200x64xf32, #tpu.memory_space<vmem>>, vector<16xf32>,
        %parallel_loop3A_458 = arith.addf %parallel_loop3A_454, %parallel_loop3A_457 : vector<16xf32>
        %parallel_loop3A_459 = arith.constant 0 : i32
        %parallel_loop3A_460 = arith.constant 0 : i32
        %parallel_loop3A_461 = tpu.memref_slice %arg9[%parallel_loop3A_412, %parallel_loop3A_459, %parallel_loop3A_460] : memref<4x200x64xf32, #tpu.memory_space<vmem>> -> memref<1x200x64xf32, #tpu.memory_space<vmem>>
        %parallel_loop3A_462 = tpu.memref_squeeze %parallel_loop3A_461 : memref<1x200x64xf32, #tpu.memory_space<vmem>> -> memref<200x64xf32, #tpu.memory_space<vmem>>
        %parallel_loop3A_463 = arith.index_cast %parallel_loop3A_447 : i32 to index
        %parallel_loop3A_464 = arith.constant 16 : index
        %parallel_loop3A_465 = tpu.vector_load %parallel_loop3A_462[%parallel_loop3A_463, %parallel_loop3A_464] {strides = array<i32>} : memref<200x64xf32, #tpu.memory_space<vmem>>, vector<16xf32>,
        %parallel_loop3A_466 = arith.index_cast %parallel_loop3A_447 : i32 to index
        %parallel_loop3A_467 = arith.constant 16 : index
        %parallel_loop3A_468 = tpu.vector_load %arg10[%parallel_loop3A_466, %parallel_loop3A_467] {strides = array<i32>} : memref<200x64xf32, #tpu.memory_space<vmem>>, vector<16xf32>,
        %parallel_loop3A_469 = arith.addf %parallel_loop3A_465, %parallel_loop3A_468 : vector<16xf32>
        %parallel_loop3A_470 = arith.constant 0 : i32
        %parallel_loop3A_471 = arith.constant 0 : i32
        %parallel_loop3A_472 = tpu.memref_slice %arg9[%parallel_loop3A_412, %parallel_loop3A_470, %parallel_loop3A_471] : memref<4x200x64xf32, #tpu.memory_space<vmem>> -> memref<1x200x64xf32, #tpu.memory_space<vmem>>
        %parallel_loop3A_473 = tpu.memref_squeeze %parallel_loop3A_472 : memref<1x200x64xf32, #tpu.memory_space<vmem>> -> memref<200x64xf32, #tpu.memory_space<vmem>>
        %parallel_loop3A_474 = arith.index_cast %parallel_loop3A_447 : i32 to index
        %parallel_loop3A_475 = arith.constant 32 : index
        %parallel_loop3A_476 = tpu.vector_load %parallel_loop3A_473[%parallel_loop3A_474, %parallel_loop3A_475] {strides = array<i32>} : memref<200x64xf32, #tpu.memory_space<vmem>>, vector<16xf32>,
        %parallel_loop3A_477 = arith.index_cast %parallel_loop3A_447 : i32 to index
        %parallel_loop3A_478 = arith.constant 32 : index
        %parallel_loop3A_479 = tpu.vector_load %arg10[%parallel_loop3A_477, %parallel_loop3A_478] {strides = array<i32>} : memref<200x64xf32, #tpu.memory_space<vmem>>, vector<16xf32>,
        %parallel_loop3A_480 = arith.addf %parallel_loop3A_476, %parallel_loop3A_479 : vector<16xf32>
        %parallel_loop3A_481 = arith.constant 0 : i32
        %parallel_loop3A_482 = arith.constant 0 : i32
        %parallel_loop3A_483 = tpu.memref_slice %arg9[%parallel_loop3A_412, %parallel_loop3A_481, %parallel_loop3A_482] : memref<4x200x64xf32, #tpu.memory_space<vmem>> -> memref<1x200x64xf32, #tpu.memory_space<vmem>>
        %parallel_loop3A_484 = tpu.memref_squeeze %parallel_loop3A_483 : memref<1x200x64xf32, #tpu.memory_space<vmem>> -> memref<200x64xf32, #tpu.memory_space<vmem>>
        %parallel_loop3A_485 = arith.index_cast %parallel_loop3A_447 : i32 to index
        %parallel_loop3A_486 = arith.constant 48 : index
        %parallel_loop3A_487 = tpu.vector_load %parallel_loop3A_484[%parallel_loop3A_485, %parallel_loop3A_486] {strides = array<i32>} : memref<200x64xf32, #tpu.memory_space<vmem>>, vector<16xf32>,
        %parallel_loop3A_488 = arith.index_cast %parallel_loop3A_447 : i32 to index
        %parallel_loop3A_489 = arith.constant 48 : index
        %parallel_loop3A_490 = tpu.vector_load %arg10[%parallel_loop3A_488, %parallel_loop3A_489] {strides = array<i32>} : memref<200x64xf32, #tpu.memory_space<vmem>>, vector<16xf32>,
        %parallel_loop3A_491 = arith.addf %parallel_loop3A_487, %parallel_loop3A_490 : vector<16xf32>
        %parallel_loop3A_492 = arith.addf %parallel_loop3A_458, %parallel_loop3A_469 : vector<16xf32>
        %parallel_loop3A_493 = arith.addf %parallel_loop3A_480, %parallel_loop3A_491 : vector<16xf32>
        %parallel_loop3A_494 = arith.addf %parallel_loop3A_492, %parallel_loop3A_493 : vector<16xf32>
        %parallel_loop3A_495 = arith.mulf %parallel_loop3A_458, %parallel_loop3A_458 : vector<16xf32>
        %parallel_loop3A_496 = arith.mulf %parallel_loop3A_469, %parallel_loop3A_469 : vector<16xf32>
        %parallel_loop3A_497 = arith.addf %parallel_loop3A_495, %parallel_loop3A_496 : vector<16xf32>
        %parallel_loop3A_498 = arith.mulf %parallel_loop3A_480, %parallel_loop3A_480 : vector<16xf32>
        %parallel_loop3A_499 = arith.mulf %parallel_loop3A_491, %parallel_loop3A_491 : vector<16xf32>
        %parallel_loop3A_500 = arith.addf %parallel_loop3A_498, %parallel_loop3A_499 : vector<16xf32>
        %parallel_loop3A_501 = arith.addf %parallel_loop3A_497, %parallel_loop3A_500 : vector<16xf32>
        %parallel_loop3A_502 = arith.constant true
        %parallel_loop3A_503 = vector.broadcast %parallel_loop3A_502 : i1 to vector<16xi1>
        %parallel_loop3A_504 = tpu.scan <sum>, %parallel_loop3A_494 masked %parallel_loop3A_503 : vector<16xf32>, vector<16xi1> -> vector<16xf32>
        %parallel_loop3A_505 = vector.extract %parallel_loop3A_504[15] : f32 from vector<16xf32>
        %parallel_loop3A_506 = arith.constant 1.562500e-02 : f32
        %parallel_loop3A_507 = arith.mulf %parallel_loop3A_505, %parallel_loop3A_506 : f32
        %parallel_loop3A_508 = arith.constant true
        %parallel_loop3A_509 = vector.broadcast %parallel_loop3A_508 : i1 to vector<16xi1>
        %parallel_loop3A_510 = tpu.scan <sum>, %parallel_loop3A_501 masked %parallel_loop3A_509 : vector<16xf32>, vector<16xi1> -> vector<16xf32>
        %parallel_loop3A_511 = vector.extract %parallel_loop3A_510[15] : f32 from vector<16xf32>
        %parallel_loop3A_512 = arith.constant 1.562500e-02 : f32
        %parallel_loop3A_513 = arith.mulf %parallel_loop3A_511, %parallel_loop3A_512 : f32
        %parallel_loop3A_514 = arith.mulf %parallel_loop3A_507, %parallel_loop3A_507 : f32
        %parallel_loop3A_515 = arith.subf %parallel_loop3A_513, %parallel_loop3A_514 : f32
        %parallel_loop3A_516 = arith.constant 0.000000e+00 : f32
        %parallel_loop3A_517 = vector.broadcast %parallel_loop3A_516 : f32 to vector<16xf32>
        %parallel_loop3A_518 = arith.constant 9.99999996E-13 : f32
        %parallel_loop3A_519 = arith.addf %parallel_loop3A_515, %parallel_loop3A_518 : f32
        %parallel_loop3A_520 = vector.broadcast %parallel_loop3A_519 : f32 to vector<16xf32>
        %parallel_loop3A_521 = arith.addf %parallel_loop3A_517, %parallel_loop3A_520 : vector<16xf32>
        %parallel_loop3A_522 = vector.bitcast %parallel_loop3A_521 : vector<16xf32> to vector<16xi32>
        %parallel_loop3A_523 = arith.constant 1 : i32
        %parallel_loop3A_524 = vector.broadcast %parallel_loop3A_523 : i32 to vector<16xi32>
        %parallel_loop3A_525 = arith.shrsi %parallel_loop3A_522, %parallel_loop3A_524 : vector<16xi32>
        %parallel_loop3A_526 = arith.constant 1597463007 : i32
        %parallel_loop3A_527 = vector.broadcast %parallel_loop3A_526 : i32 to vector<16xi32>
        %parallel_loop3A_528 = arith.subi %parallel_loop3A_527, %parallel_loop3A_525 : vector<16xi32>
        %parallel_loop3A_529 = vector.bitcast %parallel_loop3A_528 : vector<16xi32> to vector<16xf32>
        %parallel_loop3A_530 = arith.constant 5.000000e-01 : f32
        %parallel_loop3A_531 = vector.broadcast %parallel_loop3A_530 : f32 to vector<16xf32>
        %parallel_loop3A_532 = arith.mulf %parallel_loop3A_531, %parallel_loop3A_521 : vector<16xf32>
        %parallel_loop3A_533 = arith.mulf %parallel_loop3A_532, %parallel_loop3A_529 : vector<16xf32>
        %parallel_loop3A_534 = arith.mulf %parallel_loop3A_533, %parallel_loop3A_529 : vector<16xf32>
        %parallel_loop3A_535 = arith.constant 1.500000e+00 : f32
        %parallel_loop3A_536 = vector.broadcast %parallel_loop3A_535 : f32 to vector<16xf32>
        %parallel_loop3A_537 = arith.subf %parallel_loop3A_536, %parallel_loop3A_534 : vector<16xf32>
        %parallel_loop3A_538 = arith.mulf %parallel_loop3A_529, %parallel_loop3A_537 : vector<16xf32>
        %parallel_loop3A_539 = arith.constant 5.000000e-01 : f32
        %parallel_loop3A_540 = vector.broadcast %parallel_loop3A_539 : f32 to vector<16xf32>
        %parallel_loop3A_541 = arith.mulf %parallel_loop3A_540, %parallel_loop3A_521 : vector<16xf32>
        %parallel_loop3A_542 = arith.mulf %parallel_loop3A_541, %parallel_loop3A_538 : vector<16xf32>
        %parallel_loop3A_543 = arith.mulf %parallel_loop3A_542, %parallel_loop3A_538 : vector<16xf32>
        %parallel_loop3A_544 = arith.constant 1.500000e+00 : f32
        %parallel_loop3A_545 = vector.broadcast %parallel_loop3A_544 : f32 to vector<16xf32>
        %parallel_loop3A_546 = arith.subf %parallel_loop3A_545, %parallel_loop3A_543 : vector<16xf32>
        %parallel_loop3A_547 = arith.mulf %parallel_loop3A_538, %parallel_loop3A_546 : vector<16xf32>
        %parallel_loop3A_548 = vector.broadcast %parallel_loop3A_507 : f32 to vector<16xf32>
        %parallel_loop3A_549 = arith.subf %parallel_loop3A_458, %parallel_loop3A_548 : vector<16xf32>
        %parallel_loop3A_550 = arith.mulf %parallel_loop3A_549, %parallel_loop3A_547 : vector<16xf32>
        %parallel_loop3A_551 = arith.mulf %parallel_loop3A_550, %get3A_3 : vector<16xf32>
        %parallel_loop3A_552 = arith.addf %parallel_loop3A_551, %get3A_11 : vector<16xf32>
        %parallel_loop3A_553 = arith.constant 0 : i32
        %parallel_loop3A_554 = arith.constant 0 : i32
        %parallel_loop3A_555 = tpu.memref_slice %arg9[%parallel_loop3A_412, %parallel_loop3A_553, %parallel_loop3A_554] : memref<4x200x64xf32, #tpu.memory_space<vmem>> -> memref<1x200x64xf32, #tpu.memory_space<vmem>>
        %parallel_loop3A_556 = tpu.memref_squeeze %parallel_loop3A_555 : memref<1x200x64xf32, #tpu.memory_space<vmem>> -> memref<200x64xf32, #tpu.memory_space<vmem>>
        %parallel_loop3A_557 = arith.index_cast %parallel_loop3A_447 : i32 to index
        %parallel_loop3A_558 = arith.constant 0 : index
        %parallel_loop3A_559 = tpu.vector_load %parallel_loop3A_556[%parallel_loop3A_557, %parallel_loop3A_558] {strides = array<i32>} : memref<200x64xf32, #tpu.memory_space<vmem>>, vector<16xf32>,
        tpu.vector_store %parallel_loop3A_556[%parallel_loop3A_557, %parallel_loop3A_558], %parallel_loop3A_552 {strides = array<i32>} : memref<200x64xf32, #tpu.memory_space<vmem>>, vector<16xf32>,
        %parallel_loop3A_560 = vector.broadcast %parallel_loop3A_507 : f32 to vector<16xf32>
        %parallel_loop3A_561 = arith.subf %parallel_loop3A_469, %parallel_loop3A_560 : vector<16xf32>
        %parallel_loop3A_562 = arith.mulf %parallel_loop3A_561, %parallel_loop3A_547 : vector<16xf32>
        %parallel_loop3A_563 = arith.mulf %parallel_loop3A_562, %get3A_5 : vector<16xf32>
        %parallel_loop3A_564 = arith.addf %parallel_loop3A_563, %get3A_13 : vector<16xf32>
        %parallel_loop3A_565 = arith.constant 0 : i32
        %parallel_loop3A_566 = arith.constant 0 : i32
        %parallel_loop3A_567 = tpu.memref_slice %arg9[%parallel_loop3A_412, %parallel_loop3A_565, %parallel_loop3A_566] : memref<4x200x64xf32, #tpu.memory_space<vmem>> -> memref<1x200x64xf32, #tpu.memory_space<vmem>>
        %parallel_loop3A_568 = tpu.memref_squeeze %parallel_loop3A_567 : memref<1x200x64xf32, #tpu.memory_space<vmem>> -> memref<200x64xf32, #tpu.memory_space<vmem>>
        %parallel_loop3A_569 = arith.index_cast %parallel_loop3A_447 : i32 to index
        %parallel_loop3A_570 = arith.constant 16 : index
        %parallel_loop3A_571 = tpu.vector_load %parallel_loop3A_568[%parallel_loop3A_569, %parallel_loop3A_570] {strides = array<i32>} : memref<200x64xf32, #tpu.memory_space<vmem>>, vector<16xf32>,
        tpu.vector_store %parallel_loop3A_568[%parallel_loop3A_569, %parallel_loop3A_570], %parallel_loop3A_564 {strides = array<i32>} : memref<200x64xf32, #tpu.memory_space<vmem>>, vector<16xf32>,
        %parallel_loop3A_572 = vector.broadcast %parallel_loop3A_507 : f32 to vector<16xf32>
        %parallel_loop3A_573 = arith.subf %parallel_loop3A_480, %parallel_loop3A_572 : vector<16xf32>
        %parallel_loop3A_574 = arith.mulf %parallel_loop3A_573, %parallel_loop3A_547 : vector<16xf32>
        %parallel_loop3A_575 = arith.mulf %parallel_loop3A_574, %get3A_7 : vector<16xf32>
        %parallel_loop3A_576 = arith.addf %parallel_loop3A_575, %get3A_15 : vector<16xf32>
        %parallel_loop3A_577 = arith.constant 0 : i32
        %parallel_loop3A_578 = arith.constant 0 : i32
        %parallel_loop3A_579 = tpu.memref_slice %arg9[%parallel_loop3A_412, %parallel_loop3A_577, %parallel_loop3A_578] : memref<4x200x64xf32, #tpu.memory_space<vmem>> -> memref<1x200x64xf32, #tpu.memory_space<vmem>>
        %parallel_loop3A_580 = tpu.memref_squeeze %parallel_loop3A_579 : memref<1x200x64xf32, #tpu.memory_space<vmem>> -> memref<200x64xf32, #tpu.memory_space<vmem>>
        %parallel_loop3A_581 = arith.index_cast %parallel_loop3A_447 : i32 to index
        %parallel_loop3A_582 = arith.constant 32 : index
        %parallel_loop3A_583 = tpu.vector_load %parallel_loop3A_580[%parallel_loop3A_581, %parallel_loop3A_582] {strides = array<i32>} : memref<200x64xf32, #tpu.memory_space<vmem>>, vector<16xf32>,
        tpu.vector_store %parallel_loop3A_580[%parallel_loop3A_581, %parallel_loop3A_582], %parallel_loop3A_576 {strides = array<i32>} : memref<200x64xf32, #tpu.memory_space<vmem>>, vector<16xf32>,
        %parallel_loop3A_584 = vector.broadcast %parallel_loop3A_507 : f32 to vector<16xf32>
        %parallel_loop3A_585 = arith.subf %parallel_loop3A_491, %parallel_loop3A_584 : vector<16xf32>
        %parallel_loop3A_586 = arith.mulf %parallel_loop3A_585, %parallel_loop3A_547 : vector<16xf32>
        %parallel_loop3A_587 = arith.mulf %parallel_loop3A_586, %get3A_9 : vector<16xf32>
        %parallel_loop3A_588 = arith.addf %parallel_loop3A_587, %get3A_17 : vector<16xf32>
        %parallel_loop3A_589 = arith.constant 0 : i32
        %parallel_loop3A_590 = arith.constant 0 : i32
        %parallel_loop3A_591 = tpu.memref_slice %arg9[%parallel_loop3A_412, %parallel_loop3A_589, %parallel_loop3A_590] : memref<4x200x64xf32, #tpu.memory_space<vmem>> -> memref<1x200x64xf32, #tpu.memory_space<vmem>>
        %parallel_loop3A_592 = tpu.memref_squeeze %parallel_loop3A_591 : memref<1x200x64xf32, #tpu.memory_space<vmem>> -> memref<200x64xf32, #tpu.memory_space<vmem>>
        %parallel_loop3A_593 = arith.index_cast %parallel_loop3A_447 : i32 to index
        %parallel_loop3A_594 = arith.constant 48 : index
        %parallel_loop3A_595 = tpu.vector_load %parallel_loop3A_592[%parallel_loop3A_593, %parallel_loop3A_594] {strides = array<i32>} : memref<200x64xf32, #tpu.memory_space<vmem>>, vector<16xf32>,
        tpu.vector_store %parallel_loop3A_592[%parallel_loop3A_593, %parallel_loop3A_594], %parallel_loop3A_588 {strides = array<i32>} : memref<200x64xf32, #tpu.memory_space<vmem>>, vector<16xf32>,
        %parallel_loop3A_596 = arith.constant 2 : i32
        %parallel_loop3A_597 = arith.muli %parallel_loop3A_443, %parallel_loop3A_596 : i32
        %parallel_loop3A_598 = arith.constant 1 : i32
        %parallel_loop3A_599 = arith.addi %parallel_loop3A_597, %parallel_loop3A_598 : i32
        %parallel_loop3A_600 = arith.constant 0 : i32
        %parallel_loop3A_601 = arith.constant 0 : i32
        %parallel_loop3A_602 = tpu.memref_slice %arg9[%parallel_loop3A_412, %parallel_loop3A_600, %parallel_loop3A_601] : memref<4x200x64xf32, #tpu.memory_space<vmem>> -> memref<1x200x64xf32, #tpu.memory_space<vmem>>
        %parallel_loop3A_603 = tpu.memref_squeeze %parallel_loop3A_602 : memref<1x200x64xf32, #tpu.memory_space<vmem>> -> memref<200x64xf32, #tpu.memory_space<vmem>>
        %parallel_loop3A_604 = arith.index_cast %parallel_loop3A_599 : i32 to index
        %parallel_loop3A_605 = arith.constant 0 : index
        %parallel_loop3A_606 = tpu.vector_load %parallel_loop3A_603[%parallel_loop3A_604, %parallel_loop3A_605] {strides = array<i32>} : memref<200x64xf32, #tpu.memory_space<vmem>>, vector<16xf32>,
        %parallel_loop3A_607 = arith.index_cast %parallel_loop3A_599 : i32 to index
        %parallel_loop3A_608 = arith.constant 0 : index
        %parallel_loop3A_609 = tpu.vector_load %arg10[%parallel_loop3A_607, %parallel_loop3A_608] {strides = array<i32>} : memref<200x64xf32, #tpu.memory_space<vmem>>, vector<16xf32>,
        %parallel_loop3A_610 = arith.addf %parallel_loop3A_606, %parallel_loop3A_609 : vector<16xf32>
        %parallel_loop3A_611 = arith.constant 0 : i32
        %parallel_loop3A_612 = arith.constant 0 : i32
        %parallel_loop3A_613 = tpu.memref_slice %arg9[%parallel_loop3A_412, %parallel_loop3A_611, %parallel_loop3A_612] : memref<4x200x64xf32, #tpu.memory_space<vmem>> -> memref<1x200x64xf32, #tpu.memory_space<vmem>>
        %parallel_loop3A_614 = tpu.memref_squeeze %parallel_loop3A_613 : memref<1x200x64xf32, #tpu.memory_space<vmem>> -> memref<200x64xf32, #tpu.memory_space<vmem>>
        %parallel_loop3A_615 = arith.index_cast %parallel_loop3A_599 : i32 to index
        %parallel_loop3A_616 = arith.constant 16 : index
        %parallel_loop3A_617 = tpu.vector_load %parallel_loop3A_614[%parallel_loop3A_615, %parallel_loop3A_616] {strides = array<i32>} : memref<200x64xf32, #tpu.memory_space<vmem>>, vector<16xf32>,
        %parallel_loop3A_618 = arith.index_cast %parallel_loop3A_599 : i32 to index
        %parallel_loop3A_619 = arith.constant 16 : index
        %parallel_loop3A_620 = tpu.vector_load %arg10[%parallel_loop3A_618, %parallel_loop3A_619] {strides = array<i32>} : memref<200x64xf32, #tpu.memory_space<vmem>>, vector<16xf32>,
        %parallel_loop3A_621 = arith.addf %parallel_loop3A_617, %parallel_loop3A_620 : vector<16xf32>
        %parallel_loop3A_622 = arith.constant 0 : i32
        %parallel_loop3A_623 = arith.constant 0 : i32
        %parallel_loop3A_624 = tpu.memref_slice %arg9[%parallel_loop3A_412, %parallel_loop3A_622, %parallel_loop3A_623] : memref<4x200x64xf32, #tpu.memory_space<vmem>> -> memref<1x200x64xf32, #tpu.memory_space<vmem>>
        %parallel_loop3A_625 = tpu.memref_squeeze %parallel_loop3A_624 : memref<1x200x64xf32, #tpu.memory_space<vmem>> -> memref<200x64xf32, #tpu.memory_space<vmem>>
        %parallel_loop3A_626 = arith.index_cast %parallel_loop3A_599 : i32 to index
        %parallel_loop3A_627 = arith.constant 32 : index
        %parallel_loop3A_628 = tpu.vector_load %parallel_loop3A_625[%parallel_loop3A_626, %parallel_loop3A_627] {strides = array<i32>} : memref<200x64xf32, #tpu.memory_space<vmem>>, vector<16xf32>,
        %parallel_loop3A_629 = arith.index_cast %parallel_loop3A_599 : i32 to index
        %parallel_loop3A_630 = arith.constant 32 : index
        %parallel_loop3A_631 = tpu.vector_load %arg10[%parallel_loop3A_629, %parallel_loop3A_630] {strides = array<i32>} : memref<200x64xf32, #tpu.memory_space<vmem>>, vector<16xf32>,
        %parallel_loop3A_632 = arith.addf %parallel_loop3A_628, %parallel_loop3A_631 : vector<16xf32>
        %parallel_loop3A_633 = arith.constant 0 : i32
        %parallel_loop3A_634 = arith.constant 0 : i32
        %parallel_loop3A_635 = tpu.memref_slice %arg9[%parallel_loop3A_412, %parallel_loop3A_633, %parallel_loop3A_634] : memref<4x200x64xf32, #tpu.memory_space<vmem>> -> memref<1x200x64xf32, #tpu.memory_space<vmem>>
        %parallel_loop3A_636 = tpu.memref_squeeze %parallel_loop3A_635 : memref<1x200x64xf32, #tpu.memory_space<vmem>> -> memref<200x64xf32, #tpu.memory_space<vmem>>
        %parallel_loop3A_637 = arith.index_cast %parallel_loop3A_599 : i32 to index
        %parallel_loop3A_638 = arith.constant 48 : index
        %parallel_loop3A_639 = tpu.vector_load %parallel_loop3A_636[%parallel_loop3A_637, %parallel_loop3A_638] {strides = array<i32>} : memref<200x64xf32, #tpu.memory_space<vmem>>, vector<16xf32>,
        %parallel_loop3A_640 = arith.index_cast %parallel_loop3A_599 : i32 to index
        %parallel_loop3A_641 = arith.constant 48 : index
        %parallel_loop3A_642 = tpu.vector_load %arg10[%parallel_loop3A_640, %parallel_loop3A_641] {strides = array<i32>} : memref<200x64xf32, #tpu.memory_space<vmem>>, vector<16xf32>,
        %parallel_loop3A_643 = arith.addf %parallel_loop3A_639, %parallel_loop3A_642 : vector<16xf32>
        %parallel_loop3A_644 = arith.addf %parallel_loop3A_610, %parallel_loop3A_621 : vector<16xf32>
        %parallel_loop3A_645 = arith.addf %parallel_loop3A_632, %parallel_loop3A_643 : vector<16xf32>
        %parallel_loop3A_646 = arith.addf %parallel_loop3A_644, %parallel_loop3A_645 : vector<16xf32>
        %parallel_loop3A_647 = arith.mulf %parallel_loop3A_610, %parallel_loop3A_610 : vector<16xf32>
        %parallel_loop3A_648 = arith.mulf %parallel_loop3A_621, %parallel_loop3A_621 : vector<16xf32>
        %parallel_loop3A_649 = arith.addf %parallel_loop3A_647, %parallel_loop3A_648 : vector<16xf32>
        %parallel_loop3A_650 = arith.mulf %parallel_loop3A_632, %parallel_loop3A_632 : vector<16xf32>
        %parallel_loop3A_651 = arith.mulf %parallel_loop3A_643, %parallel_loop3A_643 : vector<16xf32>
        %parallel_loop3A_652 = arith.addf %parallel_loop3A_650, %parallel_loop3A_651 : vector<16xf32>
        %parallel_loop3A_653 = arith.addf %parallel_loop3A_649, %parallel_loop3A_652 : vector<16xf32>
        %parallel_loop3A_654 = arith.constant true
        %parallel_loop3A_655 = vector.broadcast %parallel_loop3A_654 : i1 to vector<16xi1>
        %parallel_loop3A_656 = tpu.scan <sum>, %parallel_loop3A_646 masked %parallel_loop3A_655 : vector<16xf32>, vector<16xi1> -> vector<16xf32>
        %parallel_loop3A_657 = vector.extract %parallel_loop3A_656[15] : f32 from vector<16xf32>
        %parallel_loop3A_658 = arith.constant 1.562500e-02 : f32
        %parallel_loop3A_659 = arith.mulf %parallel_loop3A_657, %parallel_loop3A_658 : f32
        %parallel_loop3A_660 = arith.constant true
        %parallel_loop3A_661 = vector.broadcast %parallel_loop3A_660 : i1 to vector<16xi1>
        %parallel_loop3A_662 = tpu.scan <sum>, %parallel_loop3A_653 masked %parallel_loop3A_661 : vector<16xf32>, vector<16xi1> -> vector<16xf32>
        %parallel_loop3A_663 = vector.extract %parallel_loop3A_662[15] : f32 from vector<16xf32>
        %parallel_loop3A_664 = arith.constant 1.562500e-02 : f32
        %parallel_loop3A_665 = arith.mulf %parallel_loop3A_663, %parallel_loop3A_664 : f32
        %parallel_loop3A_666 = arith.mulf %parallel_loop3A_659, %parallel_loop3A_659 : f32
        %parallel_loop3A_667 = arith.subf %parallel_loop3A_665, %parallel_loop3A_666 : f32
        %parallel_loop3A_668 = arith.constant 0.000000e+00 : f32
        %parallel_loop3A_669 = vector.broadcast %parallel_loop3A_668 : f32 to vector<16xf32>
        %parallel_loop3A_670 = arith.constant 9.99999996E-13 : f32
        %parallel_loop3A_671 = arith.addf %parallel_loop3A_667, %parallel_loop3A_670 : f32
        %parallel_loop3A_672 = vector.broadcast %parallel_loop3A_671 : f32 to vector<16xf32>
        %parallel_loop3A_673 = arith.addf %parallel_loop3A_669, %parallel_loop3A_672 : vector<16xf32>
        %parallel_loop3A_674 = vector.bitcast %parallel_loop3A_673 : vector<16xf32> to vector<16xi32>
        %parallel_loop3A_675 = arith.constant 1 : i32
        %parallel_loop3A_676 = vector.broadcast %parallel_loop3A_675 : i32 to vector<16xi32>
        %parallel_loop3A_677 = arith.shrsi %parallel_loop3A_674, %parallel_loop3A_676 : vector<16xi32>
        %parallel_loop3A_678 = arith.constant 1597463007 : i32
        %parallel_loop3A_679 = vector.broadcast %parallel_loop3A_678 : i32 to vector<16xi32>
        %parallel_loop3A_680 = arith.subi %parallel_loop3A_679, %parallel_loop3A_677 : vector<16xi32>
        %parallel_loop3A_681 = vector.bitcast %parallel_loop3A_680 : vector<16xi32> to vector<16xf32>
        %parallel_loop3A_682 = arith.constant 5.000000e-01 : f32
        %parallel_loop3A_683 = vector.broadcast %parallel_loop3A_682 : f32 to vector<16xf32>
        %parallel_loop3A_684 = arith.mulf %parallel_loop3A_683, %parallel_loop3A_673 : vector<16xf32>
        %parallel_loop3A_685 = arith.mulf %parallel_loop3A_684, %parallel_loop3A_681 : vector<16xf32>
        %parallel_loop3A_686 = arith.mulf %parallel_loop3A_685, %parallel_loop3A_681 : vector<16xf32>
        %parallel_loop3A_687 = arith.constant 1.500000e+00 : f32
        %parallel_loop3A_688 = vector.broadcast %parallel_loop3A_687 : f32 to vector<16xf32>
        %parallel_loop3A_689 = arith.subf %parallel_loop3A_688, %parallel_loop3A_686 : vector<16xf32>
        %parallel_loop3A_690 = arith.mulf %parallel_loop3A_681, %parallel_loop3A_689 : vector<16xf32>
        %parallel_loop3A_691 = arith.constant 5.000000e-01 : f32
        %parallel_loop3A_692 = vector.broadcast %parallel_loop3A_691 : f32 to vector<16xf32>
        %parallel_loop3A_693 = arith.mulf %parallel_loop3A_692, %parallel_loop3A_673 : vector<16xf32>
        %parallel_loop3A_694 = arith.mulf %parallel_loop3A_693, %parallel_loop3A_690 : vector<16xf32>
        %parallel_loop3A_695 = arith.mulf %parallel_loop3A_694, %parallel_loop3A_690 : vector<16xf32>
        %parallel_loop3A_696 = arith.constant 1.500000e+00 : f32
        %parallel_loop3A_697 = vector.broadcast %parallel_loop3A_696 : f32 to vector<16xf32>
        %parallel_loop3A_698 = arith.subf %parallel_loop3A_697, %parallel_loop3A_695 : vector<16xf32>
        %parallel_loop3A_699 = arith.mulf %parallel_loop3A_690, %parallel_loop3A_698 : vector<16xf32>
        %parallel_loop3A_700 = vector.broadcast %parallel_loop3A_659 : f32 to vector<16xf32>
        %parallel_loop3A_701 = arith.subf %parallel_loop3A_610, %parallel_loop3A_700 : vector<16xf32>
        %parallel_loop3A_702 = arith.mulf %parallel_loop3A_701, %parallel_loop3A_699 : vector<16xf32>
        %parallel_loop3A_703 = arith.mulf %parallel_loop3A_702, %get3A_3 : vector<16xf32>
        %parallel_loop3A_704 = arith.addf %parallel_loop3A_703, %get3A_11 : vector<16xf32>
        %parallel_loop3A_705 = arith.constant 0 : i32
        %parallel_loop3A_706 = arith.constant 0 : i32
        %parallel_loop3A_707 = tpu.memref_slice %arg9[%parallel_loop3A_412, %parallel_loop3A_705, %parallel_loop3A_706] : memref<4x200x64xf32, #tpu.memory_space<vmem>> -> memref<1x200x64xf32, #tpu.memory_space<vmem>>
        %parallel_loop3A_708 = tpu.memref_squeeze %parallel_loop3A_707 : memref<1x200x64xf32, #tpu.memory_space<vmem>> -> memref<200x64xf32, #tpu.memory_space<vmem>>
        %parallel_loop3A_709 = arith.index_cast %parallel_loop3A_599 : i32 to index
        %parallel_loop3A_710 = arith.constant 0 : index
        %parallel_loop3A_711 = tpu.vector_load %parallel_loop3A_708[%parallel_loop3A_709, %parallel_loop3A_710] {strides = array<i32>} : memref<200x64xf32, #tpu.memory_space<vmem>>, vector<16xf32>,
        tpu.vector_store %parallel_loop3A_708[%parallel_loop3A_709, %parallel_loop3A_710], %parallel_loop3A_704 {strides = array<i32>} : memref<200x64xf32, #tpu.memory_space<vmem>>, vector<16xf32>,
        %parallel_loop3A_712 = vector.broadcast %parallel_loop3A_659 : f32 to vector<16xf32>
        %parallel_loop3A_713 = arith.subf %parallel_loop3A_621, %parallel_loop3A_712 : vector<16xf32>
        %parallel_loop3A_714 = arith.mulf %parallel_loop3A_713, %parallel_loop3A_699 : vector<16xf32>
        %parallel_loop3A_715 = arith.mulf %parallel_loop3A_714, %get3A_5 : vector<16xf32>
        %parallel_loop3A_716 = arith.addf %parallel_loop3A_715, %get3A_13 : vector<16xf32>
        %parallel_loop3A_717 = arith.constant 0 : i32
        %parallel_loop3A_718 = arith.constant 0 : i32
        %parallel_loop3A_719 = tpu.memref_slice %arg9[%parallel_loop3A_412, %parallel_loop3A_717, %parallel_loop3A_718] : memref<4x200x64xf32, #tpu.memory_space<vmem>> -> memref<1x200x64xf32, #tpu.memory_space<vmem>>
        %parallel_loop3A_720 = tpu.memref_squeeze %parallel_loop3A_719 : memref<1x200x64xf32, #tpu.memory_space<vmem>> -> memref<200x64xf32, #tpu.memory_space<vmem>>
        %parallel_loop3A_721 = arith.index_cast %parallel_loop3A_599 : i32 to index
        %parallel_loop3A_722 = arith.constant 16 : index
        %parallel_loop3A_723 = tpu.vector_load %parallel_loop3A_720[%parallel_loop3A_721, %parallel_loop3A_722] {strides = array<i32>} : memref<200x64xf32, #tpu.memory_space<vmem>>, vector<16xf32>,
        tpu.vector_store %parallel_loop3A_720[%parallel_loop3A_721, %parallel_loop3A_722], %parallel_loop3A_716 {strides = array<i32>} : memref<200x64xf32, #tpu.memory_space<vmem>>, vector<16xf32>,
        %parallel_loop3A_724 = vector.broadcast %parallel_loop3A_659 : f32 to vector<16xf32>
        %parallel_loop3A_725 = arith.subf %parallel_loop3A_632, %parallel_loop3A_724 : vector<16xf32>
        %parallel_loop3A_726 = arith.mulf %parallel_loop3A_725, %parallel_loop3A_699 : vector<16xf32>
        %parallel_loop3A_727 = arith.mulf %parallel_loop3A_726, %get3A_7 : vector<16xf32>
        %parallel_loop3A_728 = arith.addf %parallel_loop3A_727, %get3A_15 : vector<16xf32>
        %parallel_loop3A_729 = arith.constant 0 : i32
        %parallel_loop3A_730 = arith.constant 0 : i32
        %parallel_loop3A_731 = tpu.memref_slice %arg9[%parallel_loop3A_412, %parallel_loop3A_729, %parallel_loop3A_730] : memref<4x200x64xf32, #tpu.memory_space<vmem>> -> memref<1x200x64xf32, #tpu.memory_space<vmem>>
        %parallel_loop3A_732 = tpu.memref_squeeze %parallel_loop3A_731 : memref<1x200x64xf32, #tpu.memory_space<vmem>> -> memref<200x64xf32, #tpu.memory_space<vmem>>
        %parallel_loop3A_733 = arith.index_cast %parallel_loop3A_599 : i32 to index
        %parallel_loop3A_734 = arith.constant 32 : index
        %parallel_loop3A_735 = tpu.vector_load %parallel_loop3A_732[%parallel_loop3A_733, %parallel_loop3A_734] {strides = array<i32>} : memref<200x64xf32, #tpu.memory_space<vmem>>, vector<16xf32>,
        tpu.vector_store %parallel_loop3A_732[%parallel_loop3A_733, %parallel_loop3A_734], %parallel_loop3A_728 {strides = array<i32>} : memref<200x64xf32, #tpu.memory_space<vmem>>, vector<16xf32>,
        %parallel_loop3A_736 = vector.broadcast %parallel_loop3A_659 : f32 to vector<16xf32>
        %parallel_loop3A_737 = arith.subf %parallel_loop3A_643, %parallel_loop3A_736 : vector<16xf32>
        %parallel_loop3A_738 = arith.mulf %parallel_loop3A_737, %parallel_loop3A_699 : vector<16xf32>
        %parallel_loop3A_739 = arith.mulf %parallel_loop3A_738, %get3A_9 : vector<16xf32>
        %parallel_loop3A_740 = arith.addf %parallel_loop3A_739, %get3A_17 : vector<16xf32>
        %parallel_loop3A_741 = arith.constant 0 : i32
        %parallel_loop3A_742 = arith.constant 0 : i32
        %parallel_loop3A_743 = tpu.memref_slice %arg9[%parallel_loop3A_412, %parallel_loop3A_741, %parallel_loop3A_742] : memref<4x200x64xf32, #tpu.memory_space<vmem>> -> memref<1x200x64xf32, #tpu.memory_space<vmem>>
        %parallel_loop3A_744 = tpu.memref_squeeze %parallel_loop3A_743 : memref<1x200x64xf32, #tpu.memory_space<vmem>> -> memref<200x64xf32, #tpu.memory_space<vmem>>
        %parallel_loop3A_745 = arith.index_cast %parallel_loop3A_599 : i32 to index
        %parallel_loop3A_746 = arith.constant 48 : index
        %parallel_loop3A_747 = tpu.vector_load %parallel_loop3A_744[%parallel_loop3A_745, %parallel_loop3A_746] {strides = array<i32>} : memref<200x64xf32, #tpu.memory_space<vmem>>, vector<16xf32>,
        tpu.vector_store %parallel_loop3A_744[%parallel_loop3A_745, %parallel_loop3A_746], %parallel_loop3A_740 {strides = array<i32>} : memref<200x64xf32, #tpu.memory_space<vmem>>, vector<16xf32>,
      } {sc.loop_unroll_factor = 2 : i64, sc.parallel_access}
      %add3A_413 = arith.addi %mul3A_2, %add3A_384 : i32
      %dma_start3A_414 = arith.constant 3 : i32
      %dma_start3A_415 = arith.constant 0 : i32
      %dma_start3A_416 = arith.constant 0 : i32
      %dma_start3A_417 = tpu.memref_slice %arg9[%dma_start3A_414, %dma_start3A_415, %dma_start3A_416] : memref<4x200x64xf32, #tpu.memory_space<vmem>> -> memref<1x200x64xf32, #tpu.memory_space<vmem>>
      %dma_start3A_418 = tpu.memref_squeeze %dma_start3A_417 : memref<1x200x64xf32, #tpu.memory_space<vmem>> -> memref<200x64xf32, #tpu.memory_space<vmem>>
      %dma_start3A_419 = arith.constant 0 : i32
      %dma_start3A_420 = arith.constant 0 : i32
      %dma_start3A_421 = tpu.memref_slice %arg7[%add3A_413, %dma_start3A_419, %dma_start3A_420] : memref<4096x200x64xf32, #tpu.memory_space<hbm>> -> memref<1x200x64xf32, #tpu.memory_space<hbm>>
      %dma_start3A_422 = tpu.memref_squeeze %dma_start3A_421 : memref<1x200x64xf32, #tpu.memory_space<hbm>> -> memref<200x64xf32, #tpu.memory_space<hbm>>
      %dma_start3A_423 = arith.constant 0 : i32
      %dma_start3A_424 = arith.constant 0 : i32
      %dma_start3A_425 = tpu.memref_slice %arg7[%add3A_413, %dma_start3A_423, %dma_start3A_424] : memref<4096x200x64xf32, #tpu.memory_space<hbm>> -> memref<1x200x64xf32, #tpu.memory_space<hbm>>
      %dma_start3A_426 = tpu.memref_squeeze %dma_start3A_425 : memref<1x200x64xf32, #tpu.memory_space<hbm>> -> memref<200x64xf32, #tpu.memory_space<hbm>>
      %dma_start3A_427 = arith.constant 0 : i32
      %dma_start3A_428 = arith.constant 0 : i32
      %dma_start3A_429 = tpu.memref_slice %arg9[%dma_start3A_414, %dma_start3A_427, %dma_start3A_428] : memref<4x200x64xf32, #tpu.memory_space<vmem>> -> memref<1x200x64xf32, #tpu.memory_space<vmem>>
      %dma_start3A_430 = tpu.memref_squeeze %dma_start3A_429 : memref<1x200x64xf32, #tpu.memory_space<vmem>> -> memref<200x64xf32, #tpu.memory_space<vmem>>
      tpu.enqueue_dma source(%dma_start3A_430 : memref<200x64xf32, #tpu.memory_space<vmem>>) target(%dma_start3A_426 : memref<200x64xf32, #tpu.memory_space<hbm>>) target_semaphore(%arg20 : memref<!tpu.dma_semaphore, #tpu.memory_space<semaphore_mem>>)
      %ge3A_431 = arith.constant 1 : i32
      %ge3A_432 = arith.cmpi sge, %add3A_384, %ge3A_431 : i32
      %add3A_433 = arith.constant 4 : i32
      %add3A_434 = arith.addi %add3A_384, %add3A_433 : i32
      %sub3A_435 = arith.constant 1 : i32
      %sub3A_436 = arith.subi %add3A_434, %sub3A_435 : i32
      %lt3A_437 = arith.constant 128 : i32
      %lt3A_438 = arith.cmpi slt, %sub3A_436, %lt3A_437 : i32
      %and3A_439 = arith.andi %ge3A_432, %lt3A_438 : i1
      %convert_element_type3A_440 = arith.extui %and3A_439 : i1 to i32
      %cond3A_441 = arith.constant 0 : i32
      %cond3A_442 = arith.cmpi ne, %convert_element_type3A_440, %cond3A_441 : i32
      scf.if %cond3A_442 {
        %sub3A_443 = arith.constant 1 : i32
        %sub3A_444 = arith.subi %add3A_384, %sub3A_443 : i32
        %add3A_445 = arith.addi %mul3A_2, %sub3A_444 : i32
        %dma_wait3A_446 = arith.constant 2 : i32
        %dma_wait3A_447 = arith.constant 0 : i32
        %dma_wait3A_448 = arith.constant 0 : i32
        %dma_wait3A_449 = tpu.memref_slice %arg9[%dma_wait3A_446, %dma_wait3A_447, %dma_wait3A_448] : memref<4x200x64xf32, #tpu.memory_space<vmem>> -> memref<1x200x64xf32, #tpu.memory_space<vmem>>
        %dma_wait3A_450 = tpu.memref_squeeze %dma_wait3A_449 : memref<1x200x64xf32, #tpu.memory_space<vmem>> -> memref<200x64xf32, #tpu.memory_space<vmem>>
        %dma_wait3A_451 = arith.constant 0 : i32
        %dma_wait3A_452 = arith.constant 0 : i32
        %dma_wait3A_453 = tpu.memref_slice %arg7[%add3A_445, %dma_wait3A_451, %dma_wait3A_452] : memref<4096x200x64xf32, #tpu.memory_space<hbm>> -> memref<1x200x64xf32, #tpu.memory_space<hbm>>
        %dma_wait3A_454 = tpu.memref_squeeze %dma_wait3A_453 : memref<1x200x64xf32, #tpu.memory_space<hbm>> -> memref<200x64xf32, #tpu.memory_space<hbm>>
        %dma_wait3A_455 = arith.constant 0 : i32
        %dma_wait3A_456 = arith.constant 0 : i32
        %dma_wait3A_457 = tpu.memref_slice %arg7[%add3A_445, %dma_wait3A_455, %dma_wait3A_456] : memref<4096x200x64xf32, #tpu.memory_space<hbm>> -> memref<1x200x64xf32, #tpu.memory_space<hbm>>
        %dma_wait3A_458 = tpu.memref_squeeze %dma_wait3A_457 : memref<1x200x64xf32, #tpu.memory_space<hbm>> -> memref<200x64xf32, #tpu.memory_space<hbm>>
        %dma_wait3A_459 = arith.constant 0 : i32
        %dma_wait3A_460 = arith.constant 0 : i32
        %dma_wait3A_461 = tpu.memref_slice %arg9[%dma_wait3A_446, %dma_wait3A_459, %dma_wait3A_460] : memref<4x200x64xf32, #tpu.memory_space<vmem>> -> memref<1x200x64xf32, #tpu.memory_space<vmem>>
        %dma_wait3A_462 = tpu.memref_squeeze %dma_wait3A_461 : memref<1x200x64xf32, #tpu.memory_space<vmem>> -> memref<200x64xf32, #tpu.memory_space<vmem>>
        tpu.wait_dma2 semaphore(%arg19 : memref<!tpu.dma_semaphore, #tpu.memory_space<semaphore_mem>>) src(%dma_wait3A_462 : memref<200x64xf32, #tpu.memory_space<vmem>>) dst(%dma_wait3A_458 : memref<200x64xf32, #tpu.memory_space<hbm>>)
        %add3A_463 = arith.constant 4 : i32
        %add3A_464 = arith.addi %add3A_384, %add3A_463 : i32
        %sub3A_465 = arith.constant 1 : i32
        %sub3A_466 = arith.subi %add3A_464, %sub3A_465 : i32
        %dma_start3A_467 = arith.constant 0 : i32
        %dma_start3A_468 = arith.constant 2 : i32
        %dma_start3A_469 = arith.constant 0 : i32
        %dma_start3A_470 = arith.constant 0 : i32
        %dma_start3A_471 = tpu.memref_slice %arg9[%dma_start3A_468, %dma_start3A_469, %dma_start3A_470] : memref<4x200x64xf32, #tpu.memory_space<vmem>> -> memref<1x100x64xf32, #tpu.memory_space<vmem>>
        %dma_start3A_472 = tpu.memref_squeeze %dma_start3A_471 : memref<1x100x64xf32, #tpu.memory_space<vmem>> -> memref<100x64xf32, #tpu.memory_space<vmem>>
        %dma_start3A_473 = arith.constant 0 : i32
        %dma_start3A_474 = tpu.memref_slice %arg8[%sub3A_466, %dma_start3A_467, %dma_start3A_473] : memref<128x2x100xi32, #tpu.memory_space<vmem>> -> memref<1x1x100xi32, #tpu.memory_space<vmem>>
        %dma_start3A_475 = tpu.memref_squeeze %dma_start3A_474 : memref<1x1x100xi32, #tpu.memory_space<vmem>> -> memref<100xi32, #tpu.memory_space<vmem>>
        %dma_start3A_476 = arith.constant 0 : i32
        %dma_start3A_477 = arith.constant 0 : i32
        %dma_start3A_478 = tpu.memref_slice %arg3[%dma_start3A_476, %dma_start3A_477] : memref<1000000x64xf32, #tpu.memory_space<hbm>> -> memref<1000000x64xf32, #tpu.memory_space<hbm>>
        tpu.enqueue_indirect_dma source(%dma_start3A_478 : memref<1000000x64xf32, #tpu.memory_space<hbm>>) target(%dma_start3A_472 : memref<100x64xf32, #tpu.memory_space<vmem>>) offsets(%dma_start3A_475 : memref<100xi32, #tpu.memory_space<vmem>>) semaphore(%arg15 : memref<!tpu.dma_semaphore, #tpu.memory_space<semaphore_mem>>)
        %dma_start3A_479 = arith.constant 1 : i32
        %dma_start3A_480 = arith.constant 2 : i32
        %dma_start3A_481 = arith.constant 100 : i32
        %dma_start3A_482 = arith.constant 0 : i32
        %dma_start3A_483 = tpu.memref_slice %arg9[%dma_start3A_480, %dma_start3A_481, %dma_start3A_482] : memref<4x200x64xf32, #tpu.memory_space<vmem>> -> memref<1x100x64xf32, #tpu.memory_space<vmem>>
        %dma_start3A_484 = tpu.memref_squeeze %dma_start3A_483 : memref<1x100x64xf32, #tpu.memory_space<vmem>> -> memref<100x64xf32, #tpu.memory_space<vmem>>
        %dma_start3A_485 = arith.constant 0 : i32
        %dma_start3A_486 = tpu.memref_slice %arg8[%sub3A_466, %dma_start3A_479, %dma_start3A_485] : memref<128x2x100xi32, #tpu.memory_space<vmem>> -> memref<1x1x100xi32, #tpu.memory_space<vmem>>
        %dma_start3A_487 = tpu.memref_squeeze %dma_start3A_486 : memref<1x1x100xi32, #tpu.memory_space<vmem>> -> memref<100xi32, #tpu.memory_space<vmem>>
        %dma_start3A_488 = arith.constant 0 : i32
        %dma_start3A_489 = arith.constant 0 : i32
        %dma_start3A_490 = tpu.memref_slice %arg3[%dma_start3A_488, %dma_start3A_489] : memref<1000000x64xf32, #tpu.memory_space<hbm>> -> memref<1000000x64xf32, #tpu.memory_space<hbm>>
        tpu.enqueue_indirect_dma source(%dma_start3A_490 : memref<1000000x64xf32, #tpu.memory_space<hbm>>) target(%dma_start3A_484 : memref<100x64xf32, #tpu.memory_space<vmem>>) offsets(%dma_start3A_487 : memref<100xi32, #tpu.memory_space<vmem>>) semaphore(%arg15 : memref<!tpu.dma_semaphore, #tpu.memory_space<semaphore_mem>>)
      } else {
      }
    }
    %scan3A_125 = arith.constant 32 : i32
    %add3A_126 = arith.constant 124 : i32
    %add3A_127 = arith.addi %mul3A_2, %add3A_126 : i32
    %dma_wait3A = arith.constant 0 : i32
    %dma_wait3A_128 = arith.constant 0 : i32
    %dma_wait3A_129 = arith.constant 0 : i32
    %dma_wait3A_130 = tpu.memref_slice %arg9[%dma_wait3A, %dma_wait3A_128, %dma_wait3A_129] : memref<4x200x64xf32, #tpu.memory_space<vmem>> -> memref<1x200x64xf32, #tpu.memory_space<vmem>>
    %dma_wait3A_131 = tpu.memref_squeeze %dma_wait3A_130 : memref<1x200x64xf32, #tpu.memory_space<vmem>> -> memref<200x64xf32, #tpu.memory_space<vmem>>
    %dma_wait3A_132 = arith.constant 0 : i32
    %dma_wait3A_133 = arith.constant 0 : i32
    %dma_wait3A_134 = tpu.memref_slice %arg7[%add3A_127, %dma_wait3A_132, %dma_wait3A_133] : memref<4096x200x64xf32, #tpu.memory_space<hbm>> -> memref<1x200x64xf32, #tpu.memory_space<hbm>>
    %dma_wait3A_135 = tpu.memref_squeeze %dma_wait3A_134 : memref<1x200x64xf32, #tpu.memory_space<hbm>> -> memref<200x64xf32, #tpu.memory_space<hbm>>
    %dma_wait3A_136 = arith.constant 0 : i32
    %dma_wait3A_137 = arith.constant 0 : i32
    %dma_wait3A_138 = tpu.memref_slice %arg7[%add3A_127, %dma_wait3A_136, %dma_wait3A_137] : memref<4096x200x64xf32, #tpu.memory_space<hbm>> -> memref<1x200x64xf32, #tpu.memory_space<hbm>>
    %dma_wait3A_139 = tpu.memref_squeeze %dma_wait3A_138 : memref<1x200x64xf32, #tpu.memory_space<hbm>> -> memref<200x64xf32, #tpu.memory_space<hbm>>
    %dma_wait3A_140 = arith.constant 0 : i32
    %dma_wait3A_141 = arith.constant 0 : i32
    %dma_wait3A_142 = tpu.memref_slice %arg9[%dma_wait3A, %dma_wait3A_140, %dma_wait3A_141] : memref<4x200x64xf32, #tpu.memory_space<vmem>> -> memref<1x200x64xf32, #tpu.memory_space<vmem>>
    %dma_wait3A_143 = tpu.memref_squeeze %dma_wait3A_142 : memref<1x200x64xf32, #tpu.memory_space<vmem>> -> memref<200x64xf32, #tpu.memory_space<vmem>>
    tpu.wait_dma2 semaphore(%arg17 : memref<!tpu.dma_semaphore, #tpu.memory_space<semaphore_mem>>) src(%dma_wait3A_143 : memref<200x64xf32, #tpu.memory_space<vmem>>) dst(%dma_wait3A_139 : memref<200x64xf32, #tpu.memory_space<hbm>>)
    %add3A_144 = arith.constant 125 : i32
    %add3A_145 = arith.addi %mul3A_2, %add3A_144 : i32
    %dma_wait3A_146 = arith.constant 1 : i32
    %dma_wait3A_147 = arith.constant 0 : i32
    %dma_wait3A_148 = arith.constant 0 : i32
    %dma_wait3A_149 = tpu.memref_slice %arg9[%dma_wait3A_146, %dma_wait3A_147, %dma_wait3A_148] : memref<4x200x64xf32, #tpu.memory_space<vmem>> -> memref<1x200x64xf32, #tpu.memory_space<vmem>>
    %dma_wait3A_150 = tpu.memref_squeeze %dma_wait3A_149 : memref<1x200x64xf32, #tpu.memory_space<vmem>> -> memref<200x64xf32, #tpu.memory_space<vmem>>
    %dma_wait3A_151 = arith.constant 0 : i32
    %dma_wait3A_152 = arith.constant 0 : i32
    %dma_wait3A_153 = tpu.memref_slice %arg7[%add3A_145, %dma_wait3A_151, %dma_wait3A_152] : memref<4096x200x64xf32, #tpu.memory_space<hbm>> -> memref<1x200x64xf32, #tpu.memory_space<hbm>>
    %dma_wait3A_154 = tpu.memref_squeeze %dma_wait3A_153 : memref<1x200x64xf32, #tpu.memory_space<hbm>> -> memref<200x64xf32, #tpu.memory_space<hbm>>
    %dma_wait3A_155 = arith.constant 0 : i32
    %dma_wait3A_156 = arith.constant 0 : i32
    %dma_wait3A_157 = tpu.memref_slice %arg7[%add3A_145, %dma_wait3A_155, %dma_wait3A_156] : memref<4096x200x64xf32, #tpu.memory_space<hbm>> -> memref<1x200x64xf32, #tpu.memory_space<hbm>>
    %dma_wait3A_158 = tpu.memref_squeeze %dma_wait3A_157 : memref<1x200x64xf32, #tpu.memory_space<hbm>> -> memref<200x64xf32, #tpu.memory_space<hbm>>
    %dma_wait3A_159 = arith.constant 0 : i32
    %dma_wait3A_160 = arith.constant 0 : i32
    %dma_wait3A_161 = tpu.memref_slice %arg9[%dma_wait3A_146, %dma_wait3A_159, %dma_wait3A_160] : memref<4x200x64xf32, #tpu.memory_space<vmem>> -> memref<1x200x64xf32, #tpu.memory_space<vmem>>
    %dma_wait3A_162 = tpu.memref_squeeze %dma_wait3A_161 : memref<1x200x64xf32, #tpu.memory_space<vmem>> -> memref<200x64xf32, #tpu.memory_space<vmem>>
    tpu.wait_dma2 semaphore(%arg18 : memref<!tpu.dma_semaphore, #tpu.memory_space<semaphore_mem>>) src(%dma_wait3A_162 : memref<200x64xf32, #tpu.memory_space<vmem>>) dst(%dma_wait3A_158 : memref<200x64xf32, #tpu.memory_space<hbm>>)
    %add3A_163 = arith.constant 126 : i32
    %add3A_164 = arith.addi %mul3A_2, %add3A_163 : i32
    %dma_wait3A_165 = arith.constant 2 : i32
    %dma_wait3A_166 = arith.constant 0 : i32
    %dma_wait3A_167 = arith.constant 0 : i32
    %dma_wait3A_168 = tpu.memref_slice %arg9[%dma_wait3A_165, %dma_wait3A_166, %dma_wait3A_167] : memref<4x200x64xf32, #tpu.memory_space<vmem>> -> memref<1x200x64xf32, #tpu.memory_space<vmem>>
    %dma_wait3A_169 = tpu.memref_squeeze %dma_wait3A_168 : memref<1x200x64xf32, #tpu.memory_space<vmem>> -> memref<200x64xf32, #tpu.memory_space<vmem>>
    %dma_wait3A_170 = arith.constant 0 : i32
    %dma_wait3A_171 = arith.constant 0 : i32
    %dma_wait3A_172 = tpu.memref_slice %arg7[%add3A_164, %dma_wait3A_170, %dma_wait3A_171] : memref<4096x200x64xf32, #tpu.memory_space<hbm>> -> memref<1x200x64xf32, #tpu.memory_space<hbm>>
    %dma_wait3A_173 = tpu.memref_squeeze %dma_wait3A_172 : memref<1x200x64xf32, #tpu.memory_space<hbm>> -> memref<200x64xf32, #tpu.memory_space<hbm>>
    %dma_wait3A_174 = arith.constant 0 : i32
    %dma_wait3A_175 = arith.constant 0 : i32
    %dma_wait3A_176 = tpu.memref_slice %arg7[%add3A_164, %dma_wait3A_174, %dma_wait3A_175] : memref<4096x200x64xf32, #tpu.memory_space<hbm>> -> memref<1x200x64xf32, #tpu.memory_space<hbm>>
    %dma_wait3A_177 = tpu.memref_squeeze %dma_wait3A_176 : memref<1x200x64xf32, #tpu.memory_space<hbm>> -> memref<200x64xf32, #tpu.memory_space<hbm>>
    %dma_wait3A_178 = arith.constant 0 : i32
    %dma_wait3A_179 = arith.constant 0 : i32
    %dma_wait3A_180 = tpu.memref_slice %arg9[%dma_wait3A_165, %dma_wait3A_178, %dma_wait3A_179] : memref<4x200x64xf32, #tpu.memory_space<vmem>> -> memref<1x200x64xf32, #tpu.memory_space<vmem>>
    %dma_wait3A_181 = tpu.memref_squeeze %dma_wait3A_180 : memref<1x200x64xf32, #tpu.memory_space<vmem>> -> memref<200x64xf32, #tpu.memory_space<vmem>>
    tpu.wait_dma2 semaphore(%arg19 : memref<!tpu.dma_semaphore, #tpu.memory_space<semaphore_mem>>) src(%dma_wait3A_181 : memref<200x64xf32, #tpu.memory_space<vmem>>) dst(%dma_wait3A_177 : memref<200x64xf32, #tpu.memory_space<hbm>>)
    %add3A_182 = arith.constant 127 : i32
    %add3A_183 = arith.addi %mul3A_2, %add3A_182 : i32
    %dma_wait3A_184 = arith.constant 3 : i32
    %dma_wait3A_185 = arith.constant 0 : i32
    %dma_wait3A_186 = arith.constant 0 : i32
    %dma_wait3A_187 = tpu.memref_slice %arg9[%dma_wait3A_184, %dma_wait3A_185, %dma_wait3A_186] : memref<4x200x64xf32, #tpu.memory_space<vmem>> -> memref<1x200x64xf32, #tpu.memory_space<vmem>>
    %dma_wait3A_188 = tpu.memref_squeeze %dma_wait3A_187 : memref<1x200x64xf32, #tpu.memory_space<vmem>> -> memref<200x64xf32, #tpu.memory_space<vmem>>
    %dma_wait3A_189 = arith.constant 0 : i32
    %dma_wait3A_190 = arith.constant 0 : i32
    %dma_wait3A_191 = tpu.memref_slice %arg7[%add3A_183, %dma_wait3A_189, %dma_wait3A_190] : memref<4096x200x64xf32, #tpu.memory_space<hbm>> -> memref<1x200x64xf32, #tpu.memory_space<hbm>>
    %dma_wait3A_192 = tpu.memref_squeeze %dma_wait3A_191 : memref<1x200x64xf32, #tpu.memory_space<hbm>> -> memref<200x64xf32, #tpu.memory_space<hbm>>
    %dma_wait3A_193 = arith.constant 0 : i32
    %dma_wait3A_194 = arith.constant 0 : i32
    %dma_wait3A_195 = tpu.memref_slice %arg7[%add3A_183, %dma_wait3A_193, %dma_wait3A_194] : memref<4096x200x64xf32, #tpu.memory_space<hbm>> -> memref<1x200x64xf32, #tpu.memory_space<hbm>>
    %dma_wait3A_196 = tpu.memref_squeeze %dma_wait3A_195 : memref<1x200x64xf32, #tpu.memory_space<hbm>> -> memref<200x64xf32, #tpu.memory_space<hbm>>
    %dma_wait3A_197 = arith.constant 0 : i32
    %dma_wait3A_198 = arith.constant 0 : i32
    %dma_wait3A_199 = tpu.memref_slice %arg9[%dma_wait3A_184, %dma_wait3A_197, %dma_wait3A_198] : memref<4x200x64xf32, #tpu.memory_space<vmem>> -> memref<1x200x64xf32, #tpu.memory_space<vmem>>
    %dma_wait3A_200 = tpu.memref_squeeze %dma_wait3A_199 : memref<1x200x64xf32, #tpu.memory_space<vmem>> -> memref<200x64xf32, #tpu.memory_space<vmem>>
    tpu.wait_dma2 semaphore(%arg20 : memref<!tpu.dma_semaphore, #tpu.memory_space<semaphore_mem>>) src(%dma_wait3A_200 : memref<200x64xf32, #tpu.memory_space<vmem>>) dst(%dma_wait3A_196 : memref<200x64xf32, #tpu.memory_space<hbm>>)
    return
  }
}

</mosaic_0001>

<sc_bundles>
// kernel: kernel.3.cloned.1.call-start
scs
__scs_entry_jumppad:
0x0: {  	(pc) =	sbr.rel $0x88, $3  }
0x1: {  	(tag) =	ssettag $0x0;
	lr =	simm.s32 $0x1  }
0x2: {  	[smem:$0x3F9C] =	sst lr;
	_ =	strace $0xD0000000  }
0x3: {  	_ = 	snop  }
0x4: {  	_ = 	snop  }
0x5: {  	_ = 	snop  }
0x6: {  	_ = 	snop  }
0x7: {  	_ = 	snop  }
__scs_overlays_trampoline_lowered:
0x8: {  	[smem:$0x3FAB] =	sst s0  }
0x9: {  	[smem:$0x3FAC] =	sst s1  }
0xa: {  	[smem:$0x3FAD] =	sst s2  }
0xb: {  	[smem:$0x3FAE] =	sst s3  }
0xc: {  	[smem:$0x3FAF] =	sst s4  }
0xd: {  	[smem:$0x3FB0] =	sst s5  }
0xe: {  	[smem:$0x3FB1] =	sst s6  }
0xf: {  	[smem:$0x3FB2] =	sst s7  }
0x10: {  	[smem:$0x3FB3] =	sst s8  }
0x11: {  	[smem:$0x3FB4] =	sst s9;
	s0 =	simm.s32 @!p0 $0x0  }
0x12: {  	s1 =	sld [smem:$0x3F9A];
	s0 =	simm.s32 @p0 $0x1  }
0x13: {  	[smem:$0x3FB5] =	sst s0;
	s0 =	simm.s32 @!p1 $0x0  }
0x14: {  	s2 =	sld [smem:$0x3F99];
	s0 =	simm.s32 @p1 $0x1  }
0x15: {  	[smem:$0x3FB6] =	sst s0;
	s0 =	simm.s32 @!p2 $0x0  }
0x16: {  	s3 =	sld [smem:$0x3FDB];
	s0 =	simm.s32 @p2 $0x1  }
0x17: {  	s4 =	simm.s32 $0x1BF5;
	[smem:$0x3FB8] =	sst s0  }
0x18: {  	s0 =	sld [smem:$0x3F9B];
	_ =	swait.ge [sflag:s4], $0x0  }
0x19: {  	s7 =	sld [smem:$0x3F9C]  }
0x1a: {  	s8 =	sadd.s32 $0xFFFFE003, lr  }
0x1b: {  	s9 =	sadd.s32 $0xFFFFFEF7, lr;
	s5 =	simm.s32 $0xFFFFFFFF;
	p2 =	slt.u32 s8, $0xFFFFF086  }
0x1c: {  	p1 =	slt.u32 s9, $0xF7A;
	s5 =	simm.s32 @!p2 $0x0  }
0x1d: {  	s5 =	simm.s32 @p1 $0x1;
	p0 =	seq.s32 s7, s2  }
0x1e: {  	s7 =	smul.u32 @!p0 $0xF7A, s2;
	p2 =	seq.s32 @!p0 s5, $0x0  }
0x1f: {  	s9 =	smul.u32 $0xF7A, s1;
	s8 =	simm.s32 @!p0 $0x1BF5;
	p2 =	por !p2, p0  }
0x20: {  	[sflag:s8] =	ssyncset.s32 @!p0 $0xFFFFF086;
	s6 =	sadd.s32 @!p0 s3, s7;
	s7 =	simm.s32 @!p0 $0x108  }
0x21: {  	s3 =	sadd.s32 s3, s9;
	s6 =	sadd.s32 @!p0 $0x88, s6;
	s7 =	simm.s32 @p2 $0x1082  }
0x22: {  	[simem:s7], [sflag:s8] =	dma.local @!p0 [hbm:s6], $0xF7A  }
0x23: {  	s9 =	sor.u32 $0xD0000000, s2;
	s6 =	simm.s32 $0x108;
	_ =	swait.ge @!p0 [sflag:s8], $0x0  }
0x24: {  	s3 =	sadd.s32 $0x88, s3;
	s6 =	simm.s32 @!p1 $0x1082;
	[sflag:s4] =	ssyncset.s32 $0xFFFFF086  }
0x25: {  	[simem:s6], [sflag:s4] =	dma.local [hbm:s3], $0xF7A  }
0x26: {  	[smem:$0x3F9C] =	sst s1;
	(tag) =	ssettag s2;
	_ =	strace s9  }
0x27: {  	s1 =	sld [smem:$0x3FAC]  }
0x28: {  	s2 =	sld [smem:$0x3FAD]  }
0x29: {  	s4 =	sld [smem:$0x3FAF]  }
0x2a: {  	p0 =	seq.s32 s5, $0x0;
	s5 =	sld [smem:$0x3FB0]  }
0x2b: {  	s6 =	sld [smem:$0x3FB1]  }
0x2c: {  	s7 =	sld [smem:$0x3FB2]  }
0x2d: {  	s3 =	simm.s32 $0x108;
	s8 =	sld [smem:$0x3FB3]  }
0x2e: {  	s3 =	simm.s32 @!p0 $0x1082;
	s9 =	sld [smem:$0x3FB4]  }
0x2f: {  	lr =	sadd.s32 s0, s3;
	s0 =	sld [smem:$0x3FAB]  }
0x30: {  	s3 =	sld [smem:$0x3FAE]  }
0x31: {  	[smem:$0x3FB7] =	sst s10  }
0x32: {  	s10 =	sld [smem:$0x3FB5];
	_ =	sdelay $0x3  }
0x33: {  	p0 =	seq.s32 s10, $0x1;
	s10 =	sld [smem:$0x3FB7];
	_ =	sdelay $0x3  }
0x34: {  	[smem:$0x3FB7] =	sst s10  }
0x35: {  	s10 =	sld [smem:$0x3FB6];
	_ =	sdelay $0x3  }
0x36: {  	p1 =	seq.s32 s10, $0x1;
	s10 =	sld [smem:$0x3FB7];
	_ =	sdelay $0x3  }
0x37: {  	[smem:$0x3FB7] =	sst s10  }
0x38: {  	s10 =	sld [smem:$0x3FB8]  }
0x39: {  	_ = 	snop;
	(pc) =	sbr.ind lr, $3  }
0x3a: {  	_ = 	snop  }
0x3b: {  	_ = 	snop  }
0x3c: {  	p2 =	seq.s32 s10, $0x1;
	s10 =	sld [smem:$0x3FB7]  }
0x3d: {  	_ =	shalt  }
0x3e: {  	_ =	shalt  }
0x3f: {  	_ =	shalt  }
0x40: {  	_ =	shalt  }
0x41: {  	_ =	shalt  }
0x42: {  	_ =	shalt  }
0x43: {  	_ =	shalt  }
0x44: {  	_ =	shalt  }
0x45: {  	_ =	shalt  }
0x46: {  	_ =	shalt  }
0x47: {  	_ =	shalt  }
0x48: {  	_ =	shalt  }
0x49: {  	_ =	shalt  }
0x4a: {  	_ =	shalt  }
0x4b: {  	_ =	shalt  }
0x4c: {  	_ =	shalt  }
0x4d: {  	_ =	shalt  }
0x4e: {  	_ =	shalt  }
0x4f: {  	_ =	shalt  }
0x50: {  	_ =	shalt  }
0x51: {  	_ =	shalt  }
0x52: {  	_ =	shalt  }
0x53: {  	_ =	shalt  }
0x54: {  	_ =	shalt  }
0x55: {  	_ =	shalt  }
0x56: {  	_ =	shalt  }
0x57: {  	_ =	shalt  }
0x58: {  	_ =	shalt  }
0x59: {  	_ =	shalt  }
0x5a: {  	_ =	shalt  }
0x5b: {  	_ =	shalt  }
0x5c: {  	_ =	shalt  }
0x5d: {  	_ =	shalt  }
0x5e: {  	_ =	shalt  }
0x5f: {  	_ =	shalt  }
0x60: {  	_ =	shalt  }
0x61: {  	_ =	shalt  }
0x62: {  	_ =	shalt  }
0x63: {  	_ =	shalt  }
0x64: {  	_ =	shalt  }
0x65: {  	_ =	shalt  }
0x66: {  	_ =	shalt  }
0x67: {  	_ =	shalt  }
0x68: {  	_ =	shalt  }
0x69: {  	_ =	shalt  }
0x6a: {  	_ =	shalt  }
0x6b: {  	_ =	shalt  }
0x6c: {  	_ =	shalt  }
0x6d: {  	_ =	shalt  }
0x6e: {  	_ =	shalt  }
0x6f: {  	_ =	shalt  }
0x70: {  	_ =	shalt  }
0x71: {  	_ =	shalt  }
0x72: {  	_ =	shalt  }
0x73: {  	_ =	shalt  }
0x74: {  	_ =	shalt  }
0x75: {  	_ =	shalt  }
0x76: {  	_ =	shalt  }
0x77: {  	_ =	shalt  }
0x78: {  	_ =	shalt  }
0x79: {  	_ =	shalt  }
0x7a: {  	_ =	shalt  }
0x7b: {  	_ =	shalt  }
0x7c: {  	_ =	shalt  }
0x7d: {  	_ =	shalt  }
0x7e: {  	_ =	shalt  }
0x7f: {  	_ =	shalt  }
0x80: {  	_ =	shalt  }
0x81: {  	_ =	shalt  }
0x82: {  	_ =	shalt  }
0x83: {  	_ =	shalt  }
0x84: {  	_ =	shalt  }
0x85: {  	_ =	shalt  }
0x86: {  	_ =	shalt  }
0x87: {  	_ =	shalt  }
.Lfunc_end0:
.L_simem_size_0:
called_computation.1_lowered:
.L_overlay_start_0:
0x88: {  	s2 =	sld [smem:$0x3FD9]  }
0x89: {  	s3 =	sld [smem:$0x3FFE];
	_ =	sdelay $0x1  }
0x8a: {  	s1 =	srdreg.scid  }
0x8b: {  	s0 =	sand.u32 $0x1, s1  }
0x8c: {  	s17 =	sshll.u32 s0, $0xA;
	s2 =	sadd.s32 s3, s2  }
0x8d: {  	s2 =	sadd.s32 s2, s17  }
0x8e: {  	[smem:$0x3FC3] =	sst s2  }
0x8f: {  	_ = 	snop  }
0x90: {  	s2 =	sld [smem:$0x3FC6]  }
0x91: {  	s18 =	sld [smem:$0x3FC5]  }
0x92: {  	s4 =	sld [smem:$0x3FD0];
	(tm) =	ssettm $0x1  }
0x93: {  	s5 =	sld [smem:$0x3FFB];
	_ =	sdelay $0x3  }
0x94: {  	_ =	strace s5  }
0x95: {  	s5 =	sld [smem:$0x3FFC];
	_ =	sdelay $0x3  }
0x96: {  	_ =	strace s5  }
0x97: {  	s5 =	sld [smem:$0x3FFD];
	_ =	sdelay $0x3  }
0x98: {  	_ =	strace s5  }
0x99: {  	_ =	strace $0x8FFFFFFF  }
0x9a: {  	s19 =	sld [smem:$0x3FDB];
	_ =	sdelay $0x1  }
0x9b: {  	s6 =	simm.s32 $_scs_section_size  }
0x9c: {  	s7 =	simm.s32 $_size__tile_overlayer_lowered;
	s8 =	simm.s32 $_tile_overlayer_lowered  }
0x9d: {  	s22 =	simm.s32 $0x1BFF;
	s21 =	sshll.u32 s8, $0x1;
	s5 =	sadd.s32 s6, s19  }
0x9e: {  	s9 =	simm.s32 $0x0;
	s20 =	sshll.u32 s7, $0x1;
	s7 =	sadd.s32 s21, s5  }
0x9f: {  	[timem:s9], [sflag:s22] =	dma.local [hbm:s7], s20  }
0xa0: {  	_ =	swait.ge [sflag:s22], s20  }
0xa1: {  	s6 =	ssub.s32 $0x0, s20;
	[sflag:s22] =	ssyncset.done $0x0  }
0xa2: {  	[sflag:s22] =	ssyncadd.s32 s6;
	_ =	sdelay $0x1  }
0xa3: {  	s23 =	simm.s32 $0x1B8B  }
0xa4: {  	_ =	swait.ge [sflag:s23], $0x1  }
0xa5: {  	[sflag:s23] =	ssyncset.done $0x0  }
0xa6: {  	s25 =	simm.s32 $0x1B8E;
	s24 =	sld [smem:$0x3FFE];
	[sflag:s23] =	ssyncadd.s32 $0xFFFFFFFF  }
0xa7: {  	s26 =	simm.s32 $execute0_lowered;
	[smem:$0x3FD2] =	sst s25  }
0xa8: {  	s7 =	sshll.u32 s26, $0x1;
	_ =	strace $0x80000046;
	[dreg:$0x1] =	wrdreg $0xFFFFFFFF  }
0xa9: {  	s28 =	simm.s32 $_size_execute0_lowered;
	s5 =	sadd.s32 s5, s7;
	[dreg:$0x0] =	wrdreg $0x0  }
0xaa: {  	s7 =	sshll.u32 s28, $0x1;
	[dreg:$0x2] =	wrdreg s5  }
0xab: {  	[dreg:$0x3] =	wrdreg s7  }
0xac: {  	[dreg:$0x4] =	wrdreg $0xC0  }
0xad: {  	_ =	task [dreg:s9], $0x5FFFF  }
0xae: {  	[dreg:$0x1] =	wrdreg $0xFFFFFFFF  }
0xaf: {  	[dreg:$0x0] =	wrdreg $0x60  }
0xb0: {  	[dreg:$0x2] =	wrdreg s24  }
0xb1: {  	[dreg:$0x3] =	wrdreg s2  }
0xb2: {  	[dreg:$0x4] =	wrdreg s18  }
0xb3: {  	[dreg:$0x5] =	wrdreg s4  }
0xb4: {  	[dreg:$0x6] =	wrdreg $0x9  }
0xb5: {  	_ =	task.clear_ibuf [dreg:s9], $0x7FFFF;
	_ =	strace $0x90000046  }
0xb6: {  	s29 =	simm.s32 $0x9;
	_ =	strace $0x80000048  }
0xb7: {  	_ =	swait.ge [sflag:s29], $0x1  }
0xb8: {  	[sflag:s29] =	ssyncadd.s32 $0xFFFFFFFF  }
0xb9: {  	_ =	strace $0x90000048  }
0xba: {  	_ =	sfence  }
0xbb: {  	s30 =	sld [smem:$0x0];
	_ =	sdelay $0x2  }
0xbc: {  	s31 =	sshll.u32 s1, $0xD;
	s1 =	sshrl.u32 s1, $0x2  }
0xbd: {  	s3 =	sand.u32 $0x4000, s31;
	s1 =	sadd.s32 s1, s30  }
0xbe: {  	s0 =	sor.u32 s3, s0;
	s1 =	sshll.u32 s1, $0x11  }
0xbf: {  	s0 =	sor.u32 s1, s0  }
0xc0: {  	s0 =	sadd.s32 $0x8F2B, s0  }
0xc1: {  	[sflag:s0] =	ssyncadd.remote.s32 $0x1  }
0xc2: {  	_ =	sfence.sel $0xFFFF  }
0xc3: {  	[dreg:$0x0] =	wrdreg $0xFFFFFFFF;
	(pc) =	sbr.abs _section_cstart, $3  }
0xc4: {  	[dreg:$0x1] =	wrdreg $0xFFFFFFFF  }
0xc5: {  	_ =	task.clear_ibuf [dreg:s9], $0x2FFFF;
	_ =	strace $0x9FFFFFFF  }
0xc6: {  	(tm) =	ssettm $0x7FFFFFFF  }
0xc7: {  	_ =	shalt  }
tec
execute0_lowered:
.L_overlay_start_1:
0x0: {  	(tag) =	ssettag $0x1  }
0x1: {  	s0 =	rddreg [dreg:$0x0]  }
0x2: {  	s1 =	srdreg.scid;
	s2 =	stileid.u32  }
0x3: {  	s4 =	rddreg [dreg:$0x3];
	s5 =	simm.s32 $0x0;
	s15 =	simm.s32 $0x64  }
0x4: {  	s16 =	simm.s32 $0x6800;
	s20 =	simm.s32 $0x9A00;
	s24 =	simm.s32 $0xCC00  }
0x5: {  	s26 =	simm.s32 $0xE500;
	s29 =	simm.s32 $0xFE00;
	s14 =	simm.s32 $0x7  }
0x6: {  	s10 =	simm.s32 $0x0;
	s1 =	sand.u32 $0x1, s1;
	s2 =	sshll.u32 s2, $0x1  }
0x7: {  	[smem:$0x7FF] =	sst s5;
	s6 =	sadd.s32 $0xF43000, s0;
	s2 =	sor.u32 s1, s2  }
0x8: {  	_ =	strace $0x80000047;
	s1 =	ssub.s32 $0x2, s1;
	s3 =	smul.u32 $0xD00, s2  }
.Ltmp0:
0x9: {  	s30 =	sshrl.u32 s1, $0x1;
	s8 =	sshll.u32 s2, $0x7;
	(pc) =	sbr.rel .LBB2_1-.Ltmp0, $4  }
0xa: {  	s2 =	simm.s32 $0x1;
	s3 =	sadd.s32 s3, s0;
	s0 =	sadd.s32 $0x1AC00, s0  }
0xb: {  	[dreg:$0x5] =	wrdreg s0;
	s0 =	ssub.s32 s1, s30;
	s31 =	sadd.s32 $0xC00, s3  }
0xc: {  	s1 =	simm.s32 $0x3;
	[dreg:$0x6] =	wrdreg s31;
	s0 =	smax.u32 s0, $0x1  }
0xd: {  	s3 =	simm.s32 $0x4;
	[dreg:$0x7] =	wrdreg s0;
	s0 =	simm.s32 $0x2  }
.LBB2_12:
0xe: {  	s7 =	simm.s32 $0x5  }
0xf: {  	_ =	swait.ge [sflag:s7], $0x3200  }
0x10: {  	[sflag:s7] =	ssyncset.done $0x0  }
0x11: {  	s30 =	simm.s32 $0x6;
	[sflag:s7] =	ssyncadd.s32 $0xFFFFCE00  }
0x12: {  	_ =	swait.ge [sflag:s30], $0x3200  }
0x13: {  	[sflag:s30] =	ssyncset.done $0x0  }
0x14: {  	[sflag:s30] =	ssyncadd.s32 $0xFFFFCE00  }
0x15: {  	_ =	swait.ge [sflag:s14], $0x3200  }
0x16: {  	[sflag:s14] =	ssyncset.done $0x0  }
0x17: {  	s9 =	simm.s32 $0x8;
	[sflag:s14] =	ssyncadd.s32 $0xFFFFCE00  }
0x18: {  	_ =	swait.ge [sflag:s9], $0x3200  }
0x19: {  	s10 =	rddreg [dreg:$0x8]  }
0x1a: {  	s31 =	rddreg [dreg:$0x7];
	s10 =	sadd.s32 $0x1, s10  }
0x1b: {  	p0 =	sne.s32 s10, s31  }
.Ltmp1:
0x1c: {  	_ = 	snop;
	(pc) =	sbr.rel @!p0 .LBB2_13-.Ltmp1, $3  }
0x1d: {  	_ =	sdelay $0x1  }
0x1e: {  	[sflag:s9] =	ssyncset.done $0x0  }
0x1f: {  	[sflag:s9] =	ssyncadd.s32 $0xFFFFCE00  }
.LBB2_1:
0x20: {  	[dreg:$0x8] =	wrdreg s10  }
0x21: {  	s7 =	rddreg [dreg:$0x5];
	s9 =	simm.s32 $0x13000;
	s28 =	simm.s32 $0x9  }
0x22: {  	[tilespmem:s9], [sflag:$0x9] =	stream.linear.gather [hbm4b:s7+s5], $0x3200, $0x38;
	[tilespmem:$0x16280] =	vst v63  }
0x23: {  	_ =	swait.ge [sflag:s28], $0x3200  }
0x24: {  	[sflag:s28] =	ssyncset.done $0x0  }
0x25: {  	[sflag:s28] =	ssyncadd.s32 $0xFFFFCE00  }
0x26: {  	s31 =	simm.s32 $0x16200;
	s30 =	rddreg [dreg:$0x1]  }
0x27: {  	[tilespmem:s31], [sflag:$0x9] =	stream.linear.gather [hbm4b:s30+s5], $0x40, $0x38;
	[tilespmem:$0x16280] =	vst v63  }
0x28: {  	_ =	swait.ge [sflag:s28], $0x40  }
0x29: {  	[sflag:s28] =	ssyncset.done $0x0  }
0x2a: {  	[sflag:s28] =	ssyncadd.s32 $0xFFFFFFC0  }
0x2b: {  	s12 =	simm.s32 $0x16240;
	s11 =	rddreg [dreg:$0x2]  }
0x2c: {  	[tilespmem:s12], [sflag:$0x9] =	stream.linear.gather [hbm4b:s11+s5], $0x40, $0x38;
	[tilespmem:$0x16280] =	vst v63  }
0x2d: {  	_ =	swait.ge [sflag:s28], $0x40  }
0x2e: {  	[sflag:s28] =	ssyncset.done $0x0  }
0x2f: {  	s13 =	rddreg [dreg:$0x6];
	[sflag:s28] =	ssyncadd.s32 $0xFFFFFFC0  }
0x30: {  	[tilespmem:s5], [sflag:$0x9] =	stream.linear.gather [hbm4b:s13+s5], $0x6800, $0x38;
	[tilespmem:$0x16280] =	vst v63  }
0x31: {  	_ =	swait.ge [sflag:s28], $0x6800  }
0x32: {  	[sflag:s28] =	ssyncset.done $0x0  }
0x33: {  	[sflag:s28] =	ssyncadd.s32 $0xFFFF9800  }
0x34: {  	v0 =	vld [tilespmem:$0x16200]  }
0x35: {  	v1 =	vld [tilespmem:$0x16210]  }
0x36: {  	v2 =	vld [tilespmem:$0x16220]  }
0x37: {  	v3 =	vld [tilespmem:$0x16230]  }
0x38: {  	v4 =	vld [tilespmem:$0x16240]  }
0x39: {  	v5 =	vld [tilespmem:$0x16250]  }
0x3a: {  	v6 =	vld [tilespmem:$0x16260]  }
0x3b: {  	v7 =	vld [tilespmem:$0x16270];
	[tilespmem:s16], [sflag:$0x1] =	stream.indirect.gather [hbm4b:s6+s15], $0x40, s5, s15, $0xb8  }
0x3c: {  	s17 =	simm.s32 $0x68;
	s18 =	simm.s32 $0x8100  }
0x3d: {  	[tilespmem:s18], [sflag:$0x1] =	stream.indirect.gather [hbm4b:s6+s15], $0x40, s17, s15, $0xb8;
	[tilespmem:$0x16280] =	vst v63  }
0x3e: {  	s19 =	simm.s32 $0xD0  }
0x3f: {  	[tilespmem:s20], [sflag:$0x2] =	stream.indirect.gather [hbm4b:s6+s15], $0x40, s19, s15, $0xb8;
	[tilespmem:$0x16280] =	vst v63  }
0x40: {  	s21 =	simm.s32 $0x138;
	s22 =	simm.s32 $0xB300  }
0x41: {  	[tilespmem:s22], [sflag:$0x2] =	stream.indirect.gather [hbm4b:s6+s15], $0x40, s21, s15, $0xb8;
	[tilespmem:$0x16280] =	vst v63  }
0x42: {  	s23 =	simm.s32 $0x1A0  }
0x43: {  	[tilespmem:s24], [sflag:$0x3] =	stream.indirect.gather [hbm4b:s6+s15], $0x40, s23, s15, $0xb8;
	[tilespmem:$0x16280] =	vst v63  }
0x44: {  	s25 =	simm.s32 $0x208  }
0x45: {  	[tilespmem:s26], [sflag:$0x3] =	stream.indirect.gather [hbm4b:s6+s15], $0x40, s25, s15, $0xb8;
	[tilespmem:$0x16280] =	vst v63  }
0x46: {  	s28 =	simm.s32 $0x270  }
0x47: {  	[tilespmem:s29], [sflag:$0x4] =	stream.indirect.gather [hbm4b:s6+s15], $0x40, s28, s15, $0xb8;
	[tilespmem:$0x16280] =	vst v63  }
0x48: {  	s30 =	simm.s32 $0x2D8;
	s31 =	simm.s32 $0x11700;
	s19 =	simm.s32 $0x0  }
0x49: {  	[tilespmem:s31], [sflag:$0x4] =	stream.indirect.gather [hbm4b:s6+s15], $0x40, s30, s15, $0xb8;
	[tilespmem:$0x16280] =	vst v63  }
.LBB2_2:
0x4a: {  	_ =	swait.ge [sflag:s2], $0x1900  }
0x4b: {  	[sflag:s2] =	ssyncset.done $0x0  }
0x4c: {  	[sflag:s2] =	ssyncadd.s32 $0xFFFFE700  }
0x4d: {  	_ =	swait.ge [sflag:s2], $0x1900  }
0x4e: {  	[sflag:s2] =	ssyncset.done $0x0  }
0x4f: {  	s21 =	simm.s32 $0x6880;
	[sflag:s2] =	ssyncadd.s32 $0xFFFFE700  }
0x50: {  	s9 =	simm.s32 $0x13080;
	v8 =	vld [tilespmem:s21+$0x0]  }
0x51: {  	v9 =	vld [tilespmem:s9+$0x0]  }
0x52: {  	v10 =	vld [tilespmem:s21+$0x10]  }
0x53: {  	v11 =	vld [tilespmem:s9+$0x10]  }
0x54: {  	v12 =	vld [tilespmem:s21+$0x20]  }
0x55: {  	v13 =	vld [tilespmem:s9+$0x20]  }
0x56: {  	v14 =	vld [tilespmem:s21+$0x30]  }
0x57: {  	v15 =	vld [tilespmem:s9+$0x30];
	_ =	sdelay $0x3  }
0x58: {  	v17 =	vadd.f32 v9, v8;
	v20 =	vadd.f32 v11, v10  }
0x59: {  	v12 =	vadd.f32 v13, v12;
	v13 =	vadd.f32 v15, v14  }
0x5a: {  	v8 =	vmul.f32 v17, v17;
	v9 =	vmul.f32 v20, v20  }
0x5b: {  	v10 =	vmul.f32 v12, v12;
	v11 =	vmul.f32 v13, v13  }
0x5c: {  	v14 =	vadd.f32 v20, v17;
	v15 =	vadd.f32 v13, v12  }
0x5d: {  	v8 =	vadd.f32 v9, v8;
	v9 =	vadd.f32 v11, v10  }
0x5e: {  	v10 =	vadd.f32 v15, v14  }
0x5f: {  	v8 =	vadd.f32 v9, v8  }
0x60: {  	(xrf2) =	vadd.scan.msk.f32 $0xffff, v10  }
0x61: {  	(xrf2) =	vadd.scan.msk.f32 $0xffff, v8;
	_ =	sdelay $0x5  }
0x62: {  	v16 =	vld [tilespmem:s21+$0xFFFFFFB0]  }
0x63: {  	v18 =	vld [tilespmem:s21+$0xFFFFFF80]  }
0x64: {  	v19 =	vld [tilespmem:s9+$0xFFFFFFB0]  }
0x65: {  	v11 =	vld [tilespmem:s9+$0xFFFFFF90];
	v10, _, _ =	vpop (xrf2)  }
0x66: {  	v14 =	vld [tilespmem:s21+$0xFFFFFFA0];
	(v2sf) =	vpush v10, $0xF;
	v10, _, _ =	vpop (xrf2)  }
0x67: {  	v9 =	vld [tilespmem:s21+$0xFFFFFF90];
	(v2sf) =	vpush v10, $0xF  }
0x68: {  	v8 =	vld [tilespmem:s9+$0xFFFFFF80]  }
0x69: {  	v15 =	vld [tilespmem:s9+$0xFFFFFFA0];
	_ =	sdelay $0x3  }
0x6a: {  	v10 =	vadd.f32 v11, v9;
	v11 =	vadd.f32 v8, v18  }
0x6b: {  	v9 =	vadd.f32 v15, v14;
	v8 =	vadd.f32 v19, v16  }
0x6c: {  	v14 =	vmul.f32 v10, v10  }
0x6d: {  	v15 =	vmul.f32 v11, v11;
	v16 =	vadd.f32 v10, v11;
	v18 =	vadd.f32 v8, v9  }
0x6e: {  	v19 =	vmul.f32 v9, v9;
	v21 =	vmul.f32 v8, v8  }
0x6f: {  	v16 =	vadd.f32 v18, v16  }
0x70: {  	v14 =	vadd.f32 v14, v15;
	v15 =	vadd.f32 v21, v19;
	_ =	sdelay $0x1  }
0x71: {  	(xrf2) =	vadd.scan.msk.f32 $0xffff, v16;
	v14 =	vadd.f32 v15, v14;
	s7 =	spop (v2sf)  }
0x72: {  	s11 =	smul.f32 $1.562500000e-02, s7;
	s10 =	spop (v2sf)  }
0x73: {  	(xrf2) =	vadd.scan.msk.f32 $0xffff, v14;
	s22 =	smul.f32 $1.562500000e-02, s10  }
0x74: {  	s23 =	smul.f32 s11, s11;
	_ =	sdelay $0x1  }
0x75: {  	s7 =	ssub.f32 s22, s23;
	_ =	sdelay $0x1  }
0x76: {  	s7 =	sadd.f32 $9.999999960e-13, s7;
	_ =	sdelay $0x1  }
0x77: {  	v14 =	vmov s7  }
0x78: {  	v16, _, _ =	vpop (xrf2);
	s22 =	simm.s32 $0x6980;
	v15 =	vshra.s32 v14, $0x1;
	v14 =	vmul.f32 $5.000000000e-01, v14  }
0x79: {  	(v2sf) =	vpush v16, $0xF;
	v18 =	vld [tilespmem:s22+$0x0];
	v15 =	vsub.s32 $0x5F3759DF, v15  }
0x7a: {  	v22, _, _ =	vpop (xrf2);
	v21 =	vld [tilespmem:s22+$0x10];
	v19 =	vmul.f32 v15, v14  }
0x7b: {  	(v2sf) =	vpush v22, $0xF;
	v22 =	vld [tilespmem:s22+$0x20]  }
0x7c: {  	v26 =	vld [tilespmem:s22+$0x30];
	s7 =	simm.s32 $0x13180;
	v19 =	vmul.f32 v15, v19  }
0x7d: {  	v16 =	vld [tilespmem:s7+$0x0]  }
0x7e: {  	v24 =	vld [tilespmem:s7+$0x10];
	v19 =	vsub.f32 $1.500000000e+00, v19  }
0x7f: {  	v25 =	vld [tilespmem:s7+$0x20]  }
0x80: {  	v27 =	vld [tilespmem:s7+$0x30];
	v15 =	vmul.f32 v15, v19;
	_ =	sdelay $0x1  }
0x81: {  	v14 =	vmul.f32 v15, v14;
	_ =	sdelay $0x1  }
0x82: {  	v23 =	vadd.f32 v16, v18;
	v18 =	vadd.f32 v25, v22;
	v14 =	vmul.f32 v14, v15  }
0x83: {  	v16 =	vadd.f32 v27, v26;
	v26 =	vmov s11;
	v19 =	vadd.f32 v24, v21  }
0x84: {  	v22 =	vmul.f32 v23, v23;
	v25 =	vmul.f32 v18, v18;
	v14 =	vsub.f32 $1.500000000e+00, v14  }
0x85: {  	v27 =	vmul.f32 v16, v16;
	v21 =	vadd.f32 v19, v23;
	v24 =	vmul.f32 v19, v19  }
0x86: {  	s25 =	spop (v2sf);
	v14 =	vmul.f32 v14, v15;
	v15 =	vsub.f32 v17, v26;
	v17 =	vadd.f32 v16, v18  }
0x87: {  	s10 =	smul.f32 $1.562500000e-02, s25;
	v22 =	vadd.f32 v24, v22;
	v24 =	vadd.f32 v27, v25  }
0x88: {  	v20 =	vsub.f32 v20, v26;
	v17 =	vadd.f32 v17, v21  }
0x89: {  	v29 =	vld [tilespmem:s7+$0xFFFFFFB0];
	s12 =	spop (v2sf);
	s30 =	smul.f32 s10, s10;
	v22 =	vadd.f32 v24, v22  }
0x8a: {  	v12 =	vsub.f32 v12, v26;
	v25 =	vld [tilespmem:s7+$0xFFFFFF80];
	s12 =	smul.f32 $1.562500000e-02, s12;
	v20 =	vmul.f32 v14, v20;
	(xrf2) =	vadd.scan.msk.f32 $0xffff, v17  }
0x8b: {  	v13 =	vsub.f32 v13, v26;
	v27 =	vld [tilespmem:s21+$0x50];
	v15 =	vmul.f32 v14, v15;
	(xrf2) =	vadd.scan.msk.f32 $0xffff, v22  }
0x8c: {  	v24 =	vld [tilespmem:s7+$0xFFFFFF90];
	s11 =	ssub.f32 s12, s30;
	v12 =	vmul.f32 v14, v12;
	v20 =	vmul.f32 v20, v1  }
0x8d: {  	v26 =	vld [tilespmem:s22+$0xFFFFFFB0];
	v13 =	vmul.f32 v14, v13;
	v15 =	vmul.f32 v15, v0  }
0x8e: {  	s11 =	sadd.f32 $9.999999960e-13, s11;
	v21 =	vld [tilespmem:s22+$0xFFFFFF90];
	v12 =	vmul.f32 v12, v2;
	v14 =	vadd.f32 v20, v5  }
0x8f: {  	v17 =	vld [tilespmem:s22+$0xFFFFFFA0];
	v13 =	vmul.f32 v13, v3;
	v15 =	vadd.f32 v15, v4  }
0x90: {  	v20 =	vld [tilespmem:s22+$0xFFFFFF80];
	v12 =	vadd.f32 v12, v6;
	[tilespmem:s21+$0x10] =	vst v14;
	v14 =	vmov s11  }
0x91: {  	v22 =	vld [tilespmem:s7+$0xFFFFFFA0];
	v13 =	vadd.f32 v13, v7;
	[tilespmem:s21+$0x0] =	vst v15;
	v28 =	vshra.s32 v14, $0x1;
	v14 =	vmul.f32 $5.000000000e-01, v14  }
0x92: {  	v15 =	vld [tilespmem:s21+$0x40];
	[tilespmem:s21+$0x20] =	vst v12;
	v12 =	vsub.s32 $0x5F3759DF, v28  }
0x93: {  	v47 =	vmov s10;
	[tilespmem:s21+$0x30] =	vst v13;
	v13 =	vadd.f32 v24, v21;
	v24 =	vld [tilespmem:s21+$0x70];
	v30 =	vmul.f32 v12, v14  }
0x94: {  	v11 =	vsub.f32 v11, v47;
	v34 =	vld [tilespmem:s9+$0x70];
	v31, _, _ =	vpop (xrf2)  }
0x95: {  	v21 =	vadd.f32 v25, v20;
	v25 =	vld [tilespmem:s9+$0x40];
	v30 =	vmul.f32 v12, v30;
	(v2sf) =	vpush v31, $0xF;
	v20, _, _ =	vpop (xrf2)  }
0x96: {  	v28 =	vld [tilespmem:s21+$0x60];
	v17 =	vadd.f32 v22, v17;
	(v2sf) =	vpush v20, $0xF  }
0x97: {  	v22 =	vld [tilespmem:s9+$0x50];
	v20 =	vadd.f32 v29, v26;
	v26 =	vsub.f32 $1.500000000e+00, v30  }
0x98: {  	v10 =	vsub.f32 v10, v47;
	v32 =	vadd.f32 v13, v21;
	v31 =	vmul.f32 v13, v13;
	v29 =	vld [tilespmem:s9+$0x60]  }
0x99: {  	v30 =	vmul.f32 v21, v21;
	v35 =	vadd.f32 v20, v17;
	v26 =	vmul.f32 v12, v26  }
0x9a: {  	v33 =	vmul.f32 v17, v17;
	v15 =	vadd.f32 v25, v15;
	v36 =	vmul.f32 v20, v20  }
0x9b: {  	v30 =	vadd.f32 v31, v30;
	v31 =	vadd.f32 v35, v32;
	v12 =	vmul.f32 v26, v14  }
0x9c: {  	v45 =	vadd.f32 v36, v33;
	v14 =	vadd.f32 v22, v27  }
0x9d: {  	v22 =	vadd.f32 v34, v24;
	v25 =	vmul.f32 v12, v26;
	v12 =	vadd.f32 v29, v28  }
0x9e: {  	v27 =	vmul.f32 v15, v15;
	v24 =	vadd.f32 v45, v30;
	v28 =	vmul.f32 v14, v14  }
0x9f: {  	v46 =	vmul.f32 v22, v22;
	(xrf2) =	vadd.scan.msk.f32 $0xffff, v31;
	v30 =	vmul.f32 v12, v12;
	v25 =	vsub.f32 $1.500000000e+00, v25  }
0xa0: {  	v29 =	vadd.f32 v14, v15;
	v31 =	vadd.f32 v22, v12  }
0xa1: {  	v27 =	vadd.f32 v28, v27;
	v28 =	vadd.f32 v46, v30;
	v25 =	vmul.f32 v25, v26  }
0xa2: {  	v9 =	vsub.f32 v9, v47;
	(xrf2) =	vadd.scan.msk.f32 $0xffff, v24;
	v29 =	vadd.f32 v31, v29  }
0xa3: {  	v8 =	vsub.f32 v8, v47;
	v24 =	vadd.f32 v28, v27;
	v11 =	vmul.f32 v25, v11  }
0xa4: {  	(xrf2) =	vadd.scan.msk.f32 $0xffff, v29;
	v10 =	vmul.f32 v25, v10;
	v9 =	vmul.f32 v25, v9;
	s12 =	spop (v2sf)  }
0xa5: {  	v8 =	vmul.f32 v25, v8;
	(xrf2) =	vadd.scan.msk.f32 $0xffff, v24;
	v11 =	vmul.f32 v11, v0;
	s13 =	spop (v2sf);
	s10 =	smul.f32 $1.562500000e-02, s12  }
0xa6: {  	v10 =	vmul.f32 v10, v1;
	v9 =	vmul.f32 v9, v2;
	s11 =	smul.f32 $1.562500000e-02, s13  }
0xa7: {  	s23 =	simm.s32 $0x6A80;
	v11 =	vadd.f32 v11, v4;
	s17 =	smul.f32 s10, s10  }
0xa8: {  	v48 =	vld [tilespmem:s23+$0x0];
	v8 =	vmul.f32 v8, v3;
	v10 =	vadd.f32 v10, v5;
	v9 =	vadd.f32 v9, v6  }
0xa9: {  	v26 =	vld [tilespmem:s21+$0xFFFFFFD0];
	v27, _, _ =	vpop (xrf2);
	[tilespmem:s21+$0xFFFFFF80] =	vst v11;
	s11 =	ssub.f32 s11, s17  }
0xaa: {  	v25 =	vld [tilespmem:s21+$0xFFFFFFE0];
	v8 =	vadd.f32 v8, v7;
	(v2sf) =	vpush v27, $0xF;
	[tilespmem:s21+$0xFFFFFF90] =	vst v10  }
0xab: {  	v29 =	vld [tilespmem:s21+$0xFFFFFFF0];
	[tilespmem:s21+$0xFFFFFFA0] =	vst v9;
	s11 =	sadd.f32 $9.999999960e-13, s11  }
0xac: {  	v24 =	vld [tilespmem:s21+$0xFFFFFFC0];
	[tilespmem:s21+$0xFFFFFFB0] =	vst v8;
	v9, _, _ =	vpop (xrf2)  }
0xad: {  	v10 =	vld [tilespmem:s9+$0xFFFFFFC0];
	(v2sf) =	vpush v9, $0xF;
	v8 =	vmov s11  }
0xae: {  	v27 =	vld [tilespmem:s9+$0xFFFFFFD0];
	v9, _, _ =	vpop (xrf2);
	v11 =	vshra.s32 v8, $0x1;
	v8 =	vmul.f32 $5.000000000e-01, v8  }
0xaf: {  	v30 =	vld [tilespmem:s9+$0xFFFFFFE0];
	(v2sf) =	vpush v9, $0xF;
	v9, _, _ =	vpop (xrf2);
	v11 =	vsub.s32 $0x5F3759DF, v11  }
0xb0: {  	v31 =	vld [tilespmem:s9+$0xFFFFFFF0];
	(v2sf) =	vpush v9, $0xF;
	v9 =	vmul.f32 v11, v8  }
0xb1: {  	v50 =	vld [tilespmem:s23+$0x10]  }
0xb2: {  	v52 =	vld [tilespmem:s23+$0x20];
	v9 =	vmul.f32 v11, v9  }
0xb3: {  	v54 =	vld [tilespmem:s23+$0xFFFFFF90];
	s30 =	simm.s32 $0x13280;
	v28 =	vadd.f32 v10, v24  }
0xb4: {  	v49 =	vld [tilespmem:s30+$0x0];
	v27 =	vadd.f32 v27, v26;
	v9 =	vsub.f32 $1.500000000e+00, v9  }
0xb5: {  	v51 =	vld [tilespmem:s30+$0x10];
	v26 =	vadd.f32 v30, v25;
	v24 =	vadd.f32 v31, v29  }
0xb6: {  	v25 =	vld [tilespmem:s23+$0x30];
	v37 =	vmul.f32 v11, v9  }
0xb7: {  	v53 =	vmov s10;
	v10 =	vadd.f32 v27, v28;
	v9 =	vld [tilespmem:s30+$0x20];
	v11 =	vadd.f32 v24, v26  }
0xb8: {  	v23 =	vsub.f32 v23, v53;
	v19 =	vsub.f32 v19, v53;
	v29 =	vld [tilespmem:s30+$0x30];
	v8 =	vmul.f32 v37, v8  }
0xb9: {  	v57 =	vld [tilespmem:s23+$0xFFFFFFB0];
	s18 =	spop (v2sf);
	v30 =	vadd.f32 v11, v10;
	v11 =	vadd.f32 v49, v48  }
0xba: {  	v55 =	vld [tilespmem:s30+$0xFFFFFF90];
	v18 =	vsub.f32 v18, v53;
	s9 =	smul.f32 $1.562500000e-02, s18;
	v10 =	vadd.f32 v51, v50;
	v8 =	vmul.f32 v8, v37  }
0xbb: {  	v16 =	vsub.f32 v16, v53;
	v40 =	vmul.f32 v28, v28;
	v33 =	vmul.f32 v11, v11;
	(xrf2) =	vadd.scan.msk.f32 $0xffff, v30;
	v30 =	vld [tilespmem:s30+$0xFFFFFFB0]  }
0xbc: {  	s25 =	smul.f32 s9, s9;
	s13 =	spop (v2sf);
	v34 =	vmul.f32 v10, v10;
	v9 =	vadd.f32 v9, v52;
	v31 =	vsub.f32 $1.500000000e+00, v8  }
0xbd: {  	v53 =	vmul.f32 v26, v26;
	v49 =	vmul.f32 v24, v24;
	s12 =	smul.f32 $1.562500000e-02, s13;
	v8 =	vadd.f32 v29, v25  }
0xbe: {  	v33 =	vadd.f32 v34, v33;
	v38 =	vmul.f32 v9, v9;
	v25 =	vmul.f32 v31, v37  }
0xbf: {  	s17 =	spop (v2sf);
	s11 =	ssub.f32 s12, s25;
	v31 =	vadd.f32 v10, v11;
	v36 =	vadd.f32 v8, v9;
	v39 =	vmul.f32 v8, v8  }
0xc0: {  	v56 =	vld [tilespmem:s23+$0xFFFFFFA0];
	s10 =	smul.f32 $1.562500000e-02, s17;
	s13 =	spop (v2sf);
	v37 =	vadd.f32 v55, v54;
	v30 =	vadd.f32 v30, v57;
	v23 =	vmul.f32 v25, v23  }
0xc1: {  	v41 =	vld [tilespmem:s30+$0xFFFFFFA0];
	s18 =	smul.f32 $1.562500000e-02, s13;
	s11 =	sadd.f32 $9.999999960e-13, s11;
	v19 =	vmul.f32 v25, v19;
	v38 =	vadd.f32 v39, v38;
	v18 =	vmul.f32 v25, v18  }
0xc2: {  	v29 =	vld [tilespmem:s30+$0xFFFFFF80];
	s25 =	smul.f32 s10, s10;
	v31 =	vadd.f32 v36, v31;
	v16 =	vmul.f32 v25, v16;
	v23 =	vmul.f32 v23, v0  }
0xc3: {  	v25 =	vld [tilespmem:s23+$0xFFFFFF80];
	v58 =	vmov s11;
	v19 =	vmul.f32 v19, v1;
	v33 =	vadd.f32 v38, v33  }
0xc4: {  	s12 =	ssub.f32 s18, s25;
	v46 =	vmul.f32 v30, v30;
	v18 =	vmul.f32 v18, v2;
	(xrf2) =	vadd.scan.msk.f32 $0xffff, v31;
	v23 =	vadd.f32 v23, v4  }
0xc5: {  	v59 =	vshra.s32 v58, $0x1;
	v16 =	vmul.f32 v16, v3;
	v19 =	vadd.f32 v19, v5;
	(xrf2) =	vadd.scan.msk.f32 $0xffff, v33  }
0xc6: {  	v43 =	vld [tilespmem:s22+$0x50];
	v38 =	vadd.f32 v41, v56;
	s12 =	sadd.f32 $9.999999960e-13, s12;
	v36 =	vsub.s32 $0x5F3759DF, v59;
	v18 =	vadd.f32 v18, v6;
	[tilespmem:s22+$0x0] =	vst v23  }
0xc7: {  	v61 =	vld [tilespmem:s22+$0x70];
	v59 =	vadd.f32 v49, v53;
	v33 =	vmul.f32 $5.000000000e-01, v58;
	v16 =	vadd.f32 v16, v7;
	[tilespmem:s22+$0x10] =	vst v19  }
0xc8: {  	v31 =	vld [tilespmem:s22+$0x40];
	v45 =	vmul.f32 v38, v38;
	v60 =	vmov s12;
	v39 =	vadd.f32 v29, v25;
	[tilespmem:s22+$0x20] =	vst v18  }
0xc9: {  	v25 =	vld [tilespmem:s22+$0x60];
	v19 =	vshra.s32 v60, $0x1;
	v42 =	vmul.f32 $5.000000000e-01, v60;
	v29 =	vmul.f32 v36, v33;
	[tilespmem:s22+$0x30] =	vst v16  }
0xca: {  	v16 =	vmul.f32 v37, v37;
	v19 =	vsub.s32 $0x5F3759DF, v19;
	v62 =	vmul.f32 v39, v39;
	v44 =	vld [tilespmem:s7+$0x40]  }
0xcb: {  	v41 =	vadd.f32 v30, v38;
	v35 =	vadd.f32 v37, v39;
	v52 =	vld [tilespmem:s7+$0x60];
	v18 =	vmul.f32 v19, v42  }
0xcc: {  	v48, _, _ =	vpop (xrf2);
	v45 =	vadd.f32 v46, v45;
	v55 =	vld [tilespmem:s7+$0x70];
	v29 =	vmul.f32 v36, v29;
	v16 =	vadd.f32 v16, v62  }
0xcd: {  	(v2sf) =	vpush v48, $0xF;
	v47 =	vld [tilespmem:s7+$0x50];
	v63 =	vadd.f32 v41, v35;
	v18 =	vmul.f32 v19, v18  }
0xce: {  	v23 =	vmul.f32 v27, v27;
	v29 =	vsub.f32 $1.500000000e+00, v29;
	v16 =	vadd.f32 v45, v16;
	v54, _, _ =	vpop (xrf2)  }
0xcf: {  	v18 =	vsub.f32 $1.500000000e+00, v18;
	(xrf2) =	vadd.scan.msk.f32 $0xffff, v63;
	(v2sf) =	vpush v54, $0xF;
	v56, _, _ =	vpop (xrf2)  }
0xd0: {  	v58 =	vadd.f32 v23, v40;
	v29 =	vmul.f32 v36, v29;
	(v2sf) =	vpush v56, $0xF  }
0xd1: {  	v23 =	vadd.f32 v55, v61;
	(xrf2) =	vadd.scan.msk.f32 $0xffff, v16;
	v16 =	vadd.f32 v52, v25;
	v57 =	vmul.f32 v19, v18  }
0xd2: {  	v19 =	vadd.f32 v44, v31;
	v18 =	vadd.f32 v47, v43;
	v31 =	vmul.f32 v29, v33  }
0xd3: {  	v44 =	vmul.f32 v23, v23;
	v63 =	vmul.f32 v16, v16  }
0xd4: {  	v62 =	vadd.f32 v59, v58;
	v25 =	vmul.f32 v19, v19;
	v61 =	vmul.f32 v18, v18  }
0xd5: {  	v47 =	vadd.f32 v23, v16;
	v45 =	vadd.f32 v18, v19;
	v31 =	vmul.f32 v31, v29  }
0xd6: {  	v48 =	vadd.f32 v44, v63;
	v25 =	vadd.f32 v61, v25  }
0xd7: {  	v51 =	vadd.f32 v47, v45;
	v31 =	vsub.f32 $1.500000000e+00, v31  }
0xd8: {  	v49 =	vmov s9;
	(xrf2) =	vadd.scan.msk.f32 $0xffff, v62;
	v25 =	vadd.f32 v48, v25  }
0xd9: {  	v21 =	vsub.f32 v21, v49;
	v13 =	vsub.f32 v13, v49;
	(xrf2) =	vadd.scan.msk.f32 $0xffff, v51;
	v29 =	vmul.f32 v31, v29;
	v53, _, _ =	vpop (xrf2)  }
0xda: {  	v17 =	vsub.f32 v17, v49;
	v60 =	vmul.f32 v57, v42;
	(xrf2) =	vadd.scan.msk.f32 $0xffff, v25;
	(v2sf) =	vpush v53, $0xF  }
0xdb: {  	v20 =	vsub.f32 v20, v49;
	v21 =	vmul.f32 v29, v21;
	v13 =	vmul.f32 v29, v13  }
0xdc: {  	v52 =	vmov s10;
	v36 =	vmul.f32 v60, v57;
	v17 =	vmul.f32 v29, v17  }
0xdd: {  	v22 =	vsub.f32 v22, v52;
	s13 =	spop (v2sf);
	v25, _, _ =	vpop (xrf2);
	v21 =	vmul.f32 v21, v0;
	v13 =	vmul.f32 v13, v1  }
0xde: {  	v50 =	vsub.f32 $1.500000000e+00, v36;
	v20 =	vmul.f32 v29, v20;
	(v2sf) =	vpush v25, $0xF;
	s17 =	spop (v2sf)  }
0xdf: {  	v17 =	vmul.f32 v17, v2;
	v21 =	vadd.f32 v21, v4;
	v13 =	vadd.f32 v13, v5;
	s10 =	smul.f32 $1.562500000e-02, s17;
	s18 =	spop (v2sf)  }
0xe0: {  	v12 =	vsub.f32 v12, v52;
	v35 =	vmul.f32 v50, v57;
	v20 =	vmul.f32 v20, v3;
	s11 =	smul.f32 $1.562500000e-02, s18  }
0xe1: {  	v55 =	vld [tilespmem:s22+$0xFFFFFFF0];
	v14 =	vsub.f32 v14, v52;
	v17 =	vadd.f32 v17, v6;
	[tilespmem:s22+$0xFFFFFF80] =	vst v21;
	s25 =	smul.f32 s10, s10  }
0xe2: {  	v54 =	vld [tilespmem:s22+$0xFFFFFFD0];
	v22 =	vmul.f32 v35, v22;
	v12 =	vmul.f32 v35, v12;
	v29, _, _ =	vpop (xrf2);
	v20 =	vadd.f32 v20, v7;
	[tilespmem:s22+$0xFFFFFF90] =	vst v13  }
0xe3: {  	s28 =	simm.s32 $0x13380;
	v31 =	vld [tilespmem:s22+$0xFFFFFFC0];
	v14 =	vmul.f32 v35, v14;
	(v2sf) =	vpush v29, $0xF;
	[tilespmem:s22+$0xFFFFFFA0] =	vst v17;
	v13, _, _ =	vpop (xrf2);
	s11 =	ssub.f32 s11, s25  }
0xe4: {  	s9 =	smul.f32 $1.562500000e-02, s13;
	v53 =	vld [tilespmem:s28+$0x30];
	v22 =	vmul.f32 v22, v3;
	v12 =	vmul.f32 v12, v2;
	[tilespmem:s22+$0xFFFFFFB0] =	vst v20;
	(v2sf) =	vpush v13, $0xF;
	v13, _, _ =	vpop (xrf2)  }
0xe5: {  	v15 =	vsub.f32 v15, v52;
	v14 =	vmul.f32 v14, v1;
	v20 =	vld [tilespmem:s7+$0xFFFFFFD0];
	(v2sf) =	vpush v13, $0xF;
	s11 =	sadd.f32 $9.999999960e-13, s11  }
0xe6: {  	v25 =	vadd.f32 v22, v7;
	v22 =	vld [tilespmem:s22+$0xFFFFFFE0];
	v21 =	vmov s9;
	v36 =	vadd.f32 v12, v6  }
0xe7: {  	v32 =	vsub.f32 v28, v21;
	v13 =	vmul.f32 v35, v15;
	v15 =	vld [tilespmem:s7+$0xFFFFFFC0];
	v17 =	vmov s11  }
0xe8: {  	v33 =	vsub.f32 v27, v21;
	v56 =	vld [tilespmem:s7+$0xFFFFFFE0];
	v27 =	vshra.s32 v17, $0x1;
	v17 =	vmul.f32 $5.000000000e-01, v17  }
0xe9: {  	v12 =	vld [tilespmem:s28+$0x0];
	v34 =	vsub.f32 v26, v21;
	v13 =	vmul.f32 v13, v0;
	s13 =	spop (v2sf);
	v57 =	vsub.s32 $0x5F3759DF, v27  }
0xea: {  	v58 =	vld [tilespmem:s7+$0xFFFFFFF0];
	s25 =	simm.s32 $0x6B80;
	v35 =	vsub.f32 v24, v21;
	v29 =	vadd.f32 v20, v54;
	s17 =	smul.f32 $1.562500000e-02, s13;
	v26 =	vmul.f32 v57, v17  }
0xeb: {  	v28 =	vadd.f32 v13, v4;
	v13 =	vld [tilespmem:s25+$0x0];
	v27 =	vadd.f32 v14, v5  }
0xec: {  	v63 =	vld [tilespmem:s25+$0x30];
	v21 =	vmov s17;
	v14 =	vmul.f32 v57, v26;
	v26 =	vadd.f32 v15, v31  }
0xed: {  	s18 =	spop (v2sf);
	s11 =	smul.f32 s17, s17;
	v31 =	vadd.f32 v56, v22;
	v39 =	vsub.f32 v39, v21  }
0xee: {  	v60 =	vld [tilespmem:s28+$0x20];
	s12 =	smul.f32 $1.562500000e-02, s18;
	v20 =	vsub.f32 v37, v21;
	v38 =	vsub.f32 v38, v21  }
0xef: {  	v62 =	vmul.f32 v29, v29;
	v15 =	vld [tilespmem:s25+$0x10];
	v37 =	vadd.f32 v58, v55;
	v30 =	vsub.f32 v30, v21  }
0xf0: {  	v22 =	vld [tilespmem:s28+$0x10];
	v12 =	vadd.f32 v12, v13;
	s12 =	ssub.f32 s12, s11;
	v14 =	vsub.f32 $1.500000000e+00, v14;
	v24 =	vmul.f32 v26, v26  }
0xf1: {  	v59 =	vld [tilespmem:s25+$0x20];
	v13 =	vadd.f32 v53, v63;
	v52 =	vmul.f32 v31, v31;
	v55 =	vmul.f32 v37, v37  }
0xf2: {  	s11 =	spop (v2sf);
	v54 =	vadd.f32 v37, v31;
	s7 =	sadd.f32 $9.999999960e-13, s12;
	v61 =	vmul.f32 v57, v14;
	v14 =	vadd.f32 v29, v26  }
0xf3: {  	v51 =	vmul.f32 v13, v13;
	v43 =	vadd.f32 v62, v24;
	v45 =	vadd.f32 v55, v52;
	s13 =	spop (v2sf)  }
0xf4: {  	v63 =	vld [tilespmem:s28+$0xFFFFFFA0];
	v21 =	vmov s7;
	s7 =	smul.f32 $1.562500000e-02, s13;
	v17 =	vmul.f32 v61, v17;
	v24 =	vadd.f32 v54, v14;
	s17 =	spop (v2sf)  }
0xf5: {  	v62 =	vld [tilespmem:s25+$0xFFFFFFA0];
	v56 =	vshra.s32 v21, $0x1;
	v48 =	vmul.f32 $5.000000000e-01, v21;
	v14 =	vadd.f32 v22, v15;
	s12 =	smul.f32 $1.562500000e-02, s17  }
0xf6: {  	v15 =	vadd.f32 v60, v59;
	v21 =	vmov s10;
	v54 =	vld [tilespmem:s28+$0xFFFFFFB0];
	v43 =	vadd.f32 v45, v43;
	s18 =	smul.f32 s7, s7  }
0xf7: {  	v11 =	vsub.f32 v11, v21;
	v10 =	vsub.f32 v10, v21;
	v17 =	vmul.f32 v17, v61;
	(xrf2) =	vadd.scan.msk.f32 $0xffff, v24;
	v24 =	vld [tilespmem:s25+$0xFFFFFFB0]  }
0xf8: {  	v57 =	vmul.f32 v12, v12;
	v22 =	vadd.f32 v14, v12;
	v58 =	vadd.f32 v13, v15;
	s17 =	ssub.f32 s12, s18  }
0xf9: {  	v50 =	vld [tilespmem:s28+$0xFFFFFF90];
	v9 =	vsub.f32 v9, v21;
	v59 =	vmul.f32 v14, v14;
	v17 =	vsub.f32 $1.500000000e+00, v17  }
0xfa: {  	v60 =	vld [tilespmem:s25+$0xFFFFFF90];
	v47 =	vsub.s32 $0x5F3759DF, v56;
	v8 =	vsub.f32 v8, v21;
	v22 =	vadd.f32 v58, v22;
	s10 =	sadd.f32 $9.999999960e-13, s17  }
0xfb: {  	v41 =	vadd.f32 v59, v57;
	v17 =	vmul.f32 v17, v61;
	v61 =	vmul.f32 v15, v15  }
0xfc: {  	v40 =	vld [tilespmem:s28+$0xFFFFFF80];
	(xrf2) =	vadd.scan.msk.f32 $0xffff, v22;
	v22 =	vadd.f32 v63, v62;
	v21 =	vmov s10;
	v24 =	vadd.f32 v54, v24  }
0xfd: {  	v57 =	vld [tilespmem:s25+$0xFFFFFF80];
	v11 =	vmul.f32 v17, v11;
	v10 =	vmul.f32 v17, v10;
	v49 =	vadd.f32 v51, v61  }
0xfe: {  	v9 =	vmul.f32 v17, v9;
	v52 =	vshra.s32 v21, $0x1;
	v53 =	vmul.f32 $5.000000000e-01, v21  }
0xff: {  	s9 =	smul.f32 s9, s9;
	v8 =	vmul.f32 v17, v8;
	v17 =	vadd.f32 v50, v60;
	v10 =	vmul.f32 v10, v1  }
0x100: {  	s18 =	smul.f32 $1.562500000e-02, s11;
	v52 =	vsub.s32 $0x5F3759DF, v52;
	v11 =	vmul.f32 v11, v0;
	v41 =	vadd.f32 v49, v41  }
0x101: {  	v58 =	vmul.f32 v52, v53;
	v8 =	vmul.f32 v8, v3;
	v10 =	vadd.f32 v10, v5  }
0x102: {  	s9 =	ssub.f32 s18, s9;
	v21 =	vadd.f32 v40, v57;
	v9 =	vmul.f32 v9, v2;
	v11 =	vadd.f32 v11, v4  }
0x103: {  	(xrf2) =	vadd.scan.msk.f32 $0xffff, v41;
	v8 =	vadd.f32 v8, v7;
	[tilespmem:s23+$0x10] =	vst v10;
	v10 =	vmul.f32 v52, v58  }
0x104: {  	v46 =	vld [tilespmem:s23+$0x70];
	s9 =	sadd.f32 $9.999999960e-13, s9;
	v62 =	vmul.f32 v22, v22;
	v61 =	vadd.f32 v24, v22;
	v9 =	vadd.f32 v9, v6;
	[tilespmem:s23+$0x0] =	vst v11  }
0x105: {  	v55 =	vld [tilespmem:s23+$0x40];
	v11 =	vmul.f32 v47, v48;
	[tilespmem:s23+$0x30] =	vst v8;
	v8 =	vadd.f32 v17, v21;
	v10 =	vsub.f32 $1.500000000e+00, v10  }
0x106: {  	v40 =	vld [tilespmem:s23+$0x50];
	v44 =	vmov s9;
	v59 =	vmul.f32 v17, v17;
	v60 =	vmul.f32 v21, v21;
	[tilespmem:s23+$0x20] =	vst v9  }
0x107: {  	v56 =	vld [tilespmem:s30+$0x40];
	v9 =	vmul.f32 v47, v11;
	v8 =	vadd.f32 v61, v8;
	v10 =	vmul.f32 v52, v10  }
0x108: {  	v63 =	vmul.f32 v24, v24;
	v41 =	vadd.f32 v59, v60;
	v60 =	vshra.s32 v44, $0x1;
	v57 =	vld [tilespmem:s30+$0x50]  }
0x109: {  	v44 =	vmul.f32 $5.000000000e-01, v44;
	v58, _, _ =	vpop (xrf2);
	v59 =	vld [tilespmem:s30+$0x60];
	v9 =	vsub.f32 $1.500000000e+00, v9;
	v53 =	vmul.f32 v10, v53  }
0x10a: {  	v49 =	vsub.s32 $0x5F3759DF, v60;
	(v2sf) =	vpush v58, $0xF;
	v11 =	vld [tilespmem:s23+$0x60];
	v52 =	vmov s7  }
0x10b: {  	v61 =	vld [tilespmem:s30+$0x70];
	(xrf2) =	vadd.scan.msk.f32 $0xffff, v8;
	v45 =	vmul.f32 v47, v9;
	v9 =	vadd.f32 v63, v62;
	v8, _, _ =	vpop (xrf2);
	v62 =	vmul.f32 v53, v10  }
0x10c: {  	v23 =	vsub.f32 v23, v52;
	v63 =	vmul.f32 v49, v44;
	(v2sf) =	vpush v8, $0xF  }
0x10d: {  	v48 =	vmul.f32 v45, v48;
	v41 =	vadd.f32 v9, v41;
	v8, _, _ =	vpop (xrf2);
	v51 =	vsub.f32 $1.500000000e+00, v62  }
0x10e: {  	v9 =	vadd.f32 v57, v40;
	v42 =	vmul.f32 v49, v63;
	(v2sf) =	vpush v8, $0xF  }
0x10f: {  	v8 =	vadd.f32 v56, v55;
	v48 =	vmul.f32 v48, v45;
	(xrf2) =	vadd.scan.msk.f32 $0xffff, v41;
	v40 =	vmul.f32 v51, v10  }
0x110: {  	v55 =	vmul.f32 v9, v9;
	v10 =	vadd.f32 v59, v11;
	v11 =	vadd.f32 v61, v46  }
0x111: {  	v54 =	vmul.f32 v8, v8;
	v23 =	vmul.f32 v40, v23  }
0x112: {  	(xrf2) =	vadd.scan.msk.f32 $0xffff, v43;
	v56 =	vsub.f32 $1.500000000e+00, v48;
	v47 =	vmul.f32 v10, v10;
	v57 =	vmul.f32 v11, v11  }
0x113: {  	v58 =	vadd.f32 v9, v8;
	v41 =	vadd.f32 v55, v54;
	v23 =	vmul.f32 v23, v3  }
0x114: {  	v59 =	vadd.f32 v11, v10;
	v43 =	vmul.f32 v56, v45;
	v60 =	vadd.f32 v57, v47  }
0x115: {  	v62, _, _ =	vpop (xrf2);
	v45 =	vadd.f32 v23, v7;
	v23 =	vsub.f32 $1.500000000e+00, v42  }
0x116: {  	(v2sf) =	vpush v62, $0xF;
	v61 =	vadd.f32 v59, v58;
	v39 =	vmul.f32 v43, v39  }
0x117: {  	v20 =	vmul.f32 v43, v20;
	v38 =	vmul.f32 v43, v38;
	v41 =	vadd.f32 v60, v41  }
0x118: {  	v30 =	vmul.f32 v43, v30;
	(xrf2) =	vadd.scan.msk.f32 $0xffff, v61;
	v39 =	vmul.f32 v39, v0  }
0x119: {  	v51 =	vmul.f32 v20, v1;
	(xrf2) =	vadd.scan.msk.f32 $0xffff, v41;
	v53 =	vmul.f32 v49, v23;
	v23, _, _ =	vpop (xrf2)  }
0x11a: {  	[tilespmem:s21+$0x70] =	vst v25;
	s11 =	spop (v2sf);
	v38 =	vmul.f32 v38, v2;
	v39 =	vadd.f32 v39, v4;
	(v2sf) =	vpush v23, $0xF  }
0x11b: {  	[tilespmem:s21+$0x50] =	vst v27;
	v27 =	vld [tilespmem:s25+$0xFFFFFFE0];
	v16 =	vsub.f32 v16, v52;
	v25 =	vmul.f32 v30, v3;
	v30 =	vadd.f32 v51, v5  }
0x11c: {  	v63 =	vsub.f32 v19, v52;
	v19 =	vld [tilespmem:s23+$0xFFFFFFD0];
	s7 =	smul.f32 $1.562500000e-02, s11;
	v38 =	vadd.f32 v38, v6;
	[tilespmem:s23+$0xFFFFFF80] =	vst v39;
	v23, _, _ =	vpop (xrf2)  }
0x11d: {  	v48 =	vld [tilespmem:s23+$0xFFFFFFC0];
	v25 =	vadd.f32 v25, v7;
	v54 =	vmul.f32 v53, v44;
	[tilespmem:s23+$0xFFFFFF90] =	vst v30;
	(v2sf) =	vpush v23, $0xF  }
0x11e: {  	v50 =	vsub.f32 v18, v52;
	v56 =	vmul.f32 v40, v63;
	v20 =	vld [tilespmem:s23+$0xFFFFFFE0];
	v55 =	vmov s7;
	[tilespmem:s23+$0xFFFFFFA0] =	vst v38  }
0x11f: {  	v16 =	vmul.f32 v40, v16;
	s12 =	spop (v2sf);
	v30 =	vsub.f32 v26, v55;
	v26 =	vld [tilespmem:s25+$0xFFFFFFD0];
	[tilespmem:s23+$0xFFFFFFB0] =	vst v25;
	v57 =	vmul.f32 v54, v53  }
0x120: {  	v59 =	vmul.f32 v56, v0;
	v25 =	vmul.f32 v40, v50;
	s11 =	smul.f32 $1.562500000e-02, s12;
	v58 =	vld [tilespmem:s30+$0xFFFFFFC0];
	s13 =	spop (v2sf)  }
0x121: {  	[tilespmem:s21+$0x40] =	vst v28;
	v16 =	vmul.f32 v16, v2;
	v28 =	vsub.f32 v37, v55;
	v37 =	vld [tilespmem:s30+$0xFFFFFFD0];
	s17 =	smul.f32 $1.562500000e-02, s13;
	v38 =	vsub.f32 $1.500000000e+00, v57  }
0x122: {  	v29 =	vsub.f32 v29, v55;
	v31 =	vsub.f32 v31, v55;
	v44 =	vld [tilespmem:s30+$0xFFFFFFE0];
	v41 =	vmul.f32 v25, v1;
	s18 =	smul.f32 s11, s11;
	v60, _, _ =	vpop (xrf2)  }
0x123: {  	[tilespmem:s21+$0x60] =	vst v36;
	v40 =	vadd.f32 v59, v4;
	v23 =	vld [tilespmem:s25+$0xFFFFFFC0];
	v62 =	vmul.f32 v38, v53;
	(v2sf) =	vpush v60, $0xF;
	v61, _, _ =	vpop (xrf2)  }
0x124: {  	v18 =	vld [tilespmem:s23+$0xFFFFFFF0];
	[tilespmem:s22+$0x70] =	vst v45;
	v63 =	vadd.f32 v41, v5;
	s9 =	ssub.f32 s17, s18;
	(v2sf) =	vpush v61, $0xF  }
0x125: {  	s31 =	simm.s32 $0x6;
	s10 =	smul.f32 s7, s7;
	s7 =	simm.s32 $0x13380;
	v43 =	vld [tilespmem:s30+$0xFFFFFFF0];
	[tilespmem:s22+$0x40] =	vst v40;
	v38 =	vadd.f32 v16, v6;
	v41 =	vmul.f32 v62, v32;
	v33 =	vmul.f32 v62, v33  }
0x126: {  	v25 =	vld [tilespmem:s25+$0xFFFFFFF0];
	v16 =	vadd.f32 v58, v48;
	[tilespmem:s22+$0x50] =	vst v63;
	s13 =	sadd.f32 $9.999999960e-13, s9;
	s9 =	simm.s32 $0x6C80;
	s17 =	spop (v2sf);
	v40 =	vmul.f32 v62, v34;
	v39 =	vmul.f32 v62, v35  }
.LBB2_3:
0x127: {  	v45 =	vld [tilespmem:s9+$0x0];
	s12 =	smul.f32 $1.562500000e-02, s17;
	s28 =	sadd.s32 $0x100, s28;
	v37 =	vadd.f32 v37, v19;
	[tilespmem:s22+$0x60] =	vst v38;
	v46 =	vmul.f32 v41, v0;
	v42 =	vmul.f32 v33, v1  }
0x128: {  	v32 =	vmovc v23;
	v19 =	vmovc v26;
	v47 =	vld [tilespmem:s28+$0x0];
	v35 =	vmov s13;
	v38 =	vadd.f32 v44, v20;
	v44 =	vmul.f32 v16, v16  }
0x129: {  	v33 =	vmovc v30;
	v20 =	vmovc v27;
	v23 =	vld [tilespmem:s9+$0x10];
	s13 =	smul.f32 s12, s12;
	v26 =	vmov s12;
	v49 =	vshra.s32 v35, $0x1;
	v48 =	vmul.f32 $5.000000000e-01, v35;
	s12 =	spop (v2sf)  }
0x12a: {  	v36 =	vmovc v29;
	v34 =	vmovc v31;
	v27 =	vld [tilespmem:s28+$0x10];
	s12 =	smul.f32 $1.562500000e-02, s12;
	v41 =	vsub.f32 v21, v26;
	v30 =	vsub.f32 v17, v26;
	v17 =	vsub.s32 $0x5F3759DF, v49  }
0x12b: {  	v31 =	vsub.f32 v22, v26;
	v29 =	vsub.f32 v24, v26;
	v21 =	vld [tilespmem:s9+$0x20];
	v22 =	vmul.f32 v17, v48;
	v35 =	vmovc v28  }
0x12c: {  	v26 =	vadd.f32 v37, v16;
	v28 =	vadd.f32 v43, v18;
	v43 =	vmul.f32 v37, v37;
	v18 =	vmovc v25;
	v24 =	vld [tilespmem:s28+$0x20];
	s12 =	ssub.f32 s12, s13;
	s13 =	spop (v2sf)  }
0x12d: {  	v46 =	vadd.f32 v46, v4;
	v49 =	vmul.f32 v38, v38;
	v25 =	vld [tilespmem:s9+$0x30];
	v22 =	vmul.f32 v17, v22;
	s13 =	smul.f32 $1.562500000e-02, s13  }
0x12e: {  	v51 =	vadd.f32 v28, v38;
	v43 =	vadd.f32 v43, v44;
	v44 =	vmul.f32 v28, v28;
	v50 =	vld [tilespmem:s28+$0x30];
	s12 =	sadd.f32 $9.999999960e-13, s12  }
0x12f: {  	v40 =	vmul.f32 v40, v2;
	v39 =	vmul.f32 v39, v3;
	v52 =	vld [tilespmem:s28+$0xFFFFFF80];
	v22 =	vsub.f32 $1.500000000e+00, v22;
	s10 =	ssub.f32 s13, s10;
	[tilespmem:s21+$0xFFFFFFC0] =	vst v46  }
0x130: {  	v26 =	vadd.f32 v51, v26;
	v49 =	vadd.f32 v44, v49;
	v46 =	vld [tilespmem:s9+$0xFFFFFF90];
	v53 =	vmov s12  }
0x131: {  	v51 =	vld [tilespmem:s28+$0xFFFFFF90];
	v54 =	vshra.s32 v53, $0x1;
	v44 =	vmul.f32 $5.000000000e-01, v53;
	v22 =	vmul.f32 v17, v22;
	s13 =	sadd.f32 $9.999999960e-13, s10  }
0x132: {  	v45 =	vadd.f32 v47, v45;
	v47 =	vadd.f32 v27, v23;
	v53 =	vld [tilespmem:s9+$0xFFFFFFA0];
	v54 =	vsub.s32 $0x5F3759DF, v54;
	(xrf2) =	vadd.scan.msk.f32 $0xffff, v26;
	s10 =	spop (v2sf)  }
0x133: {  	v21 =	vadd.f32 v24, v21;
	v55 =	vld [tilespmem:s28+$0xFFFFFFA0];
	v24 =	vadd.f32 v50, v25;
	v17 =	vmul.f32 v22, v48;
	s10 =	smul.f32 $1.562500000e-02, s10;
	s12 =	spop (v2sf)  }
0x134: {  	v27 =	vmul.f32 v45, v45;
	v25 =	vadd.f32 v47, v45;
	v26 =	vmul.f32 v54, v44;
	v48 =	vld [tilespmem:s9+$0xFFFFFFB0];
	s12 =	smul.f32 $1.562500000e-02, s12  }
0x135: {  	v57 =	vmul.f32 v47, v47;
	v50 =	vld [tilespmem:s28+$0xFFFFFFB0];
	v56 =	vadd.f32 v24, v21;
	v58 =	vmul.f32 v17, v22;
	s17 =	smul.f32 s10, s10  }
0x136: {  	v59 =	vld [tilespmem:s9+$0xFFFFFF80];
	v17 =	vadd.f32 v51, v46;
	v46 =	vmul.f32 v21, v21;
	v51 =	vmul.f32 v24, v24  }
0x137: {  	v60 =	vmul.f32 v54, v26;
	v23 =	vld [tilespmem:s9+$0xFFFFFFC0];
	v56 =	vadd.f32 v56, v25;
	v25 =	vsub.f32 $1.500000000e+00, v58;
	s12 =	ssub.f32 s12, s17  }
0x138: {  	v57 =	vadd.f32 v57, v27;
	v26 =	vld [tilespmem:s9+$0xFFFFFFD0];
	v46 =	vadd.f32 v51, v46;
	v51 =	vmov s11  }
0x139: {  	v27 =	vld [tilespmem:s9+$0xFFFFFFE0];
	v22 =	vmul.f32 v25, v22;
	v58 =	vsub.f32 v12, v51;
	v61 =	vsub.f32 v14, v51;
	s11 =	sadd.f32 $9.999999960e-13, s12;
	v12 =	vmovc v45  }
0x13a: {  	v45 =	vmul.f32 v17, v17;
	v63 =	vsub.f32 v15, v51;
	v51 =	vsub.f32 v13, v51;
	v14 =	vmovc v47;
	v25 =	vld [tilespmem:s9+$0xFFFFFFF0]  }
0x13b: {  	v15 =	vmovc v21;
	v13 =	vmovc v24;
	v47 =	vmul.f32 v22, v58;
	v58 =	vmul.f32 v22, v61;
	v61 =	vmov s11  }
0x13c: {  	v24 =	vmul.f32 v22, v63;
	v21 =	vshra.s32 v61, $0x1;
	v61 =	vmul.f32 $5.000000000e-01, v61;
	v62, _, _ =	vpop (xrf2)  }
0x13d: {  	v22 =	vmul.f32 v22, v51;
	(xrf2) =	vadd.scan.msk.f32 $0xffff, v56;
	v47 =	vmul.f32 v47, v0;
	v51 =	vsub.s32 $0x5F3759DF, v21  }
0x13e: {  	v46 =	vadd.f32 v46, v57;
	v56 =	vmul.f32 v58, v1;
	v57 =	vmul.f32 v51, v61  }
0x13f: {  	s31 =	sadd.s32 $0x2, s31;
	v21 =	vadd.f32 v52, v59;
	v24 =	vmul.f32 v24, v2;
	v47 =	vadd.f32 v47, v4  }
0x140: {  	p0 =	slt.u32 s31, $0x62;
	v52 =	vmul.f32 v22, v3;
	(xrf2) =	vadd.scan.msk.f32 $0xffff, v46;
	v46 =	vadd.f32 v56, v5;
	v56 =	vmul.f32 v51, v57  }
0x141: {  	v22 =	vadd.f32 v55, v53;
	v53 =	vmul.f32 v21, v21;
	[tilespmem:s25+$0x0] =	vst v47;
	v47 =	vadd.f32 v24, v6;
	v55 =	vld [tilespmem:s25+$0x40]  }
0x142: {  	v57 =	vmov s13;
	[tilespmem:s25+$0x10] =	vst v46;
	v46 =	vadd.f32 v52, v7;
	v52 =	vld [tilespmem:s25+$0x50];
	v56 =	vsub.f32 $1.500000000e+00, v56  }
0x143: {  	v24 =	vadd.f32 v50, v48;
	v48 =	vadd.f32 v17, v21;
	v50 =	vmul.f32 v22, v22;
	[tilespmem:s25+$0x20] =	vst v47;
	v47 =	vld [tilespmem:s25+$0x60]  }
0x144: {  	v45 =	vadd.f32 v45, v53;
	v53 =	vsub.f32 $1.500000000e+00, v60;
	[tilespmem:s25+$0x30] =	vst v46;
	v46 =	vld [tilespmem:s25+$0x70];
	v51 =	vmul.f32 v51, v56  }
0x145: {  	v43 =	vadd.f32 v49, v43;
	v60 =	vadd.f32 v24, v22;
	v58 =	vmul.f32 v24, v24;
	v59 =	vld [tilespmem:s7+$0x40]  }
0x146: {  	v49 =	vmul.f32 v54, v53;
	v53 =	vld [tilespmem:s7+$0x50];
	v54 =	vmul.f32 v51, v61;
	(v2sf) =	vpush v62, $0xF  }
0x147: {  	v48 =	vadd.f32 v60, v48;
	v60 =	vshra.s32 v57, $0x1;
	v62 =	vadd.f32 v58, v50;
	v56, _, _ =	vpop (xrf2);
	v58 =	vld [tilespmem:s7+$0x60]  }
0x148: {  	v44 =	vmul.f32 v49, v44;
	v60 =	vsub.s32 $0x5F3759DF, v60;
	v61 =	vld [tilespmem:s7+$0x70];
	v54 =	vmul.f32 v54, v51  }
0x149: {  	v42 =	vadd.f32 v42, v5;
	v45 =	vadd.f32 v62, v45;
	(xrf2) =	vadd.scan.msk.f32 $0xffff, v48;
	v48 =	vmul.f32 $5.000000000e-01, v57  }
0x14a: {  	v44 =	vmul.f32 v44, v49;
	(v2sf) =	vpush v56, $0xF;
	v50, _, _ =	vpop (xrf2);
	v54 =	vsub.f32 $1.500000000e+00, v54  }
0x14b: {  	(v2sf) =	vpush v50, $0xF;
	v50 =	vadd.f32 v59, v55;
	v55 =	vmov s10;
	[tilespmem:s21+$0xFFFFFFD0] =	vst v42  }
0x14c: {  	v42 =	vadd.f32 v53, v52;
	(xrf2) =	vadd.scan.msk.f32 $0xffff, v45;
	v45 =	vmul.f32 v54, v51;
	v51 =	vsub.f32 v11, v55  }
0x14d: {  	v47 =	vadd.f32 v58, v47;
	v11 =	vadd.f32 v61, v46;
	v46 =	vmul.f32 v60, v48  }
0x14e: {  	v52 =	vadd.f32 v42, v50;
	v53 =	vmul.f32 v50, v50;
	v51 =	vmul.f32 v45, v51  }
0x14f: {  	v56 =	vmul.f32 v42, v42;
	v57 =	vmul.f32 v47, v47;
	v54 =	vadd.f32 v11, v47;
	(xrf2) =	vadd.scan.msk.f32 $0xffff, v43  }
0x150: {  	v43 =	vsub.f32 $1.500000000e+00, v44;
	v44 =	vmul.f32 v11, v11;
	v58 =	vmul.f32 v51, v3  }
0x151: {  	v53 =	vadd.f32 v56, v53;
	v46 =	vmul.f32 v60, v46;
	v52 =	vadd.f32 v54, v52  }
0x152: {  	v43 =	vmul.f32 v43, v49;
	v44 =	vadd.f32 v44, v57;
	v49 =	vadd.f32 v58, v7  }
0x153: {  	v46 =	vsub.f32 $1.500000000e+00, v46;
	v51, _, _ =	vpop (xrf2);
	(xrf2) =	vadd.scan.msk.f32 $0xffff, v52;
	v52 =	vsub.f32 v8, v55;
	v8 =	vmov v50  }
0x154: {  	v41 =	vmul.f32 v43, v41;
	v44 =	vadd.f32 v44, v53;
	(v2sf) =	vpush v51, $0xF;
	[tilespmem:s23+$0x70] =	vst v49  }
0x155: {  	v30 =	vmul.f32 v43, v30;
	v31 =	vmul.f32 v43, v31;
	v49 =	vsub.f32 v9, v55;
	v9 =	vmovc v42;
	s10 =	spop (v2sf)  }
0x156: {  	v29 =	vmul.f32 v43, v29;
	v43 =	vsub.f32 v10, v55;
	v41 =	vmul.f32 v41, v0;
	v42, _, _ =	vpop (xrf2);
	(xrf2) =	vadd.scan.msk.f32 $0xffff, v44;
	s11 =	smul.f32 $1.562500000e-02, s10  }
0x157: {  	v10 =	vmovc v47;
	v30 =	vmul.f32 v30, v1;
	v31 =	vmul.f32 v31, v2;
	(v2sf) =	vpush v42, $0xF  }
0x158: {  	v29 =	vmul.f32 v29, v3;
	v41 =	vadd.f32 v41, v4;
	v42 =	vmul.f32 v60, v46;
	s10 =	smul.f32 s11, s11  }
0x159: {  	v30 =	vadd.f32 v30, v5;
	v31 =	vadd.f32 v31, v6;
	v44 =	vmov s11;
	s12 =	spop (v2sf);
	v46, _, _ =	vpop (xrf2)  }
0x15a: {  	s13 =	spop (v2sf);
	[tilespmem:s25+$0xFFFFFF80] =	vst v41;
	v41 =	vadd.f32 v29, v7;
	(v2sf) =	vpush v46, $0xF;
	v46 =	vmul.f32 v42, v48  }
0x15b: {  	v29 =	vsub.f32 v37, v44;
	[tilespmem:s25+$0xFFFFFF90] =	vst v30;
	v30 =	vsub.f32 v16, v44;
	v16 =	vmul.f32 v45, v52  }
0x15c: {  	v28 =	vsub.f32 v28, v44;
	s11 =	smul.f32 $1.562500000e-02, s12;
	[tilespmem:s25+$0xFFFFFFA0] =	vst v31;
	v31 =	vsub.f32 v38, v44;
	v37 =	vmul.f32 v46, v42  }
0x15d: {  	v40 =	vadd.f32 v40, v6;
	v43 =	vmul.f32 v45, v43;
	s12 =	smul.f32 $1.562500000e-02, s13;
	[tilespmem:s25+$0xFFFFFFB0] =	vst v41;
	v38, _, _ =	vpop (xrf2);
	v41 =	vmul.f32 v45, v49  }
0x15e: {  	v39 =	vadd.f32 v39, v7;
	s13 =	smul.f32 s11, s11;
	v16 =	vmul.f32 v16, v0;
	v45 =	vld [tilespmem:s7+$0xFFFFFFC0];
	v46 =	vsub.f32 $1.500000000e+00, v37  }
.Ltmp2:
0x15f: {  	v47 =	vmul.f32 v43, v2;
	v37 =	vld [tilespmem:s7+$0xFFFFFFD0];
	v41 =	vmul.f32 v41, v1;
	[tilespmem:s21+$0xFFFFFFE0] =	vst v40;
	(pc) =	sbr.rel @p0 .LBB2_3-.Ltmp2, $4  }
0x160: {  	v16 =	vadd.f32 v16, v4;
	v44 =	vld [tilespmem:s7+$0xFFFFFFE0];
	(v2sf) =	vpush v38, $0xF;
	v38, _, _ =	vpop (xrf2);
	v42 =	vmul.f32 v46, v42;
	[tilespmem:s21+$0xFFFFFFF0] =	vst v39;
	s21 =	smov.u32 s22;
	s22 =	smov.u32 s23;
	s23 =	smov.u32 s25  }
0x161: {  	s12 =	ssub.f32 s12, s13;
	s25 =	smov.u32 s9;
	v43 =	vld [tilespmem:s7+$0xFFFFFFF0];
	(v2sf) =	vpush v38, $0xF;
	v39 =	vadd.f32 v41, v5;
	s7 =	smov.u32 s28  }
0x162: {  	v38 =	vadd.f32 v47, v6;
	[tilespmem:s22+$0x40] =	vst v16;
	v41 =	vmul.f32 v42, v33;
	v33 =	vmul.f32 v42, v36  }
0x163: {  	s13 =	sadd.f32 $9.999999960e-13, s12;
	s9 =	sadd.s32 $0x100, s9;
	v40 =	vmul.f32 v42, v34;
	s17 =	spop (v2sf);
	v16 =	vadd.f32 v45, v32;
	[tilespmem:s22+$0x50] =	vst v39;
	v39 =	vmul.f32 v42, v35  }
0x164: {  	_ = 	snop  }
0x165: {  	v32 =	vmov s13  }
0x166: {  	v34 =	vshra.s32 v32, $0x1;
	v32 =	vmul.f32 $5.000000000e-01, v32  }
0x167: {  	v34 =	vsub.s32 $0x5F3759DF, v34  }
0x168: {  	v35 =	vmul.f32 v34, v32;
	_ =	sdelay $0x1  }
0x169: {  	v35 =	vmul.f32 v34, v35;
	_ =	sdelay $0x1  }
0x16a: {  	v35 =	vsub.f32 $1.500000000e+00, v35;
	_ =	sdelay $0x1  }
0x16b: {  	v34 =	vmul.f32 v34, v35;
	_ =	sdelay $0x1  }
0x16c: {  	v32 =	vmul.f32 v34, v32;
	_ =	sdelay $0x1  }
0x16d: {  	s9 =	smul.f32 $1.562500000e-02, s17;
	v32 =	vmul.f32 v32, v34;
	_ =	sdelay $0x1  }
0x16e: {  	s12 =	smul.f32 s9, s9;
	s18 =	spop (v2sf);
	v32 =	vsub.f32 $1.500000000e+00, v32  }
0x16f: {  	v51 =	vmov s11;
	s13 =	smul.f32 $1.562500000e-02, s18  }
0x170: {  	v12 =	vsub.f32 v12, v51;
	v32 =	vmul.f32 v32, v34  }
0x171: {  	s12 =	ssub.f32 s13, s12  }
0x172: {  	v12 =	vmul.f32 v32, v12  }
0x173: {  	v14 =	vsub.f32 v14, v51;
	s11 =	sadd.f32 $9.999999960e-13, s12  }
0x174: {  	v12 =	vmul.f32 v12, v0  }
0x175: {  	v15 =	vsub.f32 v15, v51;
	v52 =	vmov s11;
	v14 =	vmul.f32 v32, v14  }
0x176: {  	v13 =	vsub.f32 v13, v51;
	v34 =	vmul.f32 $5.000000000e-01, v52;
	v12 =	vadd.f32 v12, v4  }
0x177: {  	v53 =	vshra.s32 v52, $0x1;
	v15 =	vmul.f32 v32, v15;
	v14 =	vmul.f32 v14, v1  }
0x178: {  	v13 =	vmul.f32 v32, v13;
	[tilespmem:s25+$0x0] =	vst v12;
	v12 =	vsub.s32 $0x5F3759DF, v53  }
0x179: {  	v15 =	vmul.f32 v15, v2;
	v14 =	vadd.f32 v14, v5;
	v55 =	vmul.f32 v12, v34  }
0x17a: {  	v13 =	vmul.f32 v13, v3  }
0x17b: {  	v54 =	vld [tilespmem:s25+$0x40];
	v15 =	vadd.f32 v15, v6;
	[tilespmem:s25+$0x10] =	vst v14;
	v14 =	vmul.f32 v12, v55  }
0x17c: {  	v36 =	vld [tilespmem:s25+$0x50];
	v13 =	vadd.f32 v13, v7  }
0x17d: {  	v57 =	vld [tilespmem:s25+$0x70];
	[tilespmem:s25+$0x20] =	vst v15;
	v14 =	vsub.f32 $1.500000000e+00, v14  }
0x17e: {  	v56 =	vadd.f32 v37, v19;
	v19 =	vadd.f32 v44, v20;
	v15 =	vld [tilespmem:s25+$0x60];
	[tilespmem:s25+$0x30] =	vst v13;
	v13 =	vmov s9  }
0x17f: {  	v20 =	vsub.f32 v21, v13;
	v21 =	vadd.f32 v43, v18;
	v59 =	vld [tilespmem:s7+$0x60];
	v58 =	vmul.f32 v12, v14  }
0x180: {  	v46 =	vmul.f32 v19, v19;
	v17 =	vsub.f32 v17, v13;
	v22 =	vsub.f32 v22, v13;
	v48 =	vld [tilespmem:s7+$0x70]  }
0x181: {  	v42 =	vld [tilespmem:s7+$0x40];
	v24 =	vsub.f32 v24, v13;
	v13 =	vmul.f32 v21, v21;
	v34 =	vmul.f32 v58, v34  }
0x182: {  	v45 =	vmul.f32 v56, v56;
	v18 =	vld [tilespmem:s7+$0x50]  }
0x183: {  	v47 =	vadd.f32 v21, v19;
	v46 =	vadd.f32 v13, v46;
	v34 =	vmul.f32 v34, v58  }
0x184: {  	v13 =	vadd.f32 v59, v15;
	v12 =	vmul.f32 v16, v16;
	v14 =	vadd.f32 v56, v16  }
0x185: {  	v15 =	vadd.f32 v48, v57;
	v34 =	vsub.f32 $1.500000000e+00, v34  }
0x186: {  	v45 =	vadd.f32 v45, v12;
	v47 =	vadd.f32 v47, v14  }
0x187: {  	v14 =	vadd.f32 v42, v54;
	v12 =	vadd.f32 v18, v36;
	v18 =	vmul.f32 v34, v58  }
0x188: {  	v61 =	vmul.f32 v13, v13  }
0x189: {  	v37 =	vadd.f32 v15, v13;
	v35 =	vmul.f32 v14, v14;
	v20 =	vmul.f32 v18, v20  }
0x18a: {  	v60 =	vadd.f32 v12, v14;
	v36 =	vmul.f32 v12, v12;
	v17 =	vmul.f32 v18, v17  }
0x18b: {  	v62 =	vadd.f32 v46, v45;
	v22 =	vmul.f32 v18, v22;
	v20 =	vmul.f32 v20, v0  }
0x18c: {  	(xrf2) =	vadd.scan.msk.f32 $0xffff, v47;
	v34 =	vadd.f32 v37, v60;
	v18 =	vmul.f32 v18, v24;
	v17 =	vmul.f32 v17, v1  }
0x18d: {  	v63 =	vmul.f32 v15, v15;
	(xrf2) =	vadd.scan.msk.f32 $0xffff, v62;
	v22 =	vmul.f32 v22, v2;
	v20 =	vadd.f32 v20, v4  }
0x18e: {  	v35 =	vadd.f32 v36, v35;
	(xrf2) =	vadd.scan.msk.f32 $0xffff, v34;
	v18 =	vmul.f32 v18, v3;
	v17 =	vadd.f32 v17, v5  }
0x18f: {  	v24 =	vadd.f32 v63, v61;
	v22 =	vadd.f32 v22, v6;
	[tilespmem:s25+$0xFFFFFF80] =	vst v20  }
0x190: {  	v18 =	vadd.f32 v18, v7;
	[tilespmem:s25+$0xFFFFFF90] =	vst v17  }
0x191: {  	v24 =	vadd.f32 v24, v35;
	[tilespmem:s25+$0xFFFFFFA0] =	vst v22  }
0x192: {  	[tilespmem:s25+$0xFFFFFFB0] =	vst v18  }
0x193: {  	(xrf2) =	vadd.scan.msk.f32 $0xffff, v24;
	v17 =	vld [tilespmem:s7+$0xFFFFFFC0]  }
0x194: {  	v18 =	vld [tilespmem:s7+$0xFFFFFFD0]  }
0x195: {  	v20 =	vld [tilespmem:s7+$0xFFFFFFE0]  }
0x196: {  	v24 =	vld [tilespmem:s7+$0xFFFFFFF0];
	s7 =	spop (v2sf);
	v22, _, _ =	vpop (xrf2)  }
0x197: {  	s13 =	spop (v2sf);
	(v2sf) =	vpush v22, $0xF;
	v22, _, _ =	vpop (xrf2)  }
0x198: {  	s9 =	smul.f32 $1.562500000e-02, s13;
	s17 =	spop (v2sf);
	(v2sf) =	vpush v22, $0xF;
	v22, _, _ =	vpop (xrf2)  }
0x199: {  	s11 =	smul.f32 $1.562500000e-02, s17;
	(v2sf) =	vpush v22, $0xF  }
0x19a: {  	s18 =	smul.f32 s9, s9;
	v22 =	vadd.f32 v17, v23;
	v18 =	vadd.f32 v18, v26  }
0x19b: {  	v20 =	vadd.f32 v20, v27;
	v17 =	vadd.f32 v24, v25  }
0x19c: {  	s11 =	ssub.f32 s11, s18  }
0x19d: {  	v23, _, _ =	vpop (xrf2);
	v24 =	vadd.f32 v18, v22;
	v26 =	vadd.f32 v17, v20  }
0x19e: {  	v25 =	vmul.f32 v18, v18;
	(v2sf) =	vpush v23, $0xF;
	v23 =	vmul.f32 v22, v22;
	s11 =	sadd.f32 $9.999999960e-13, s11  }
0x19f: {  	v27 =	vmul.f32 v20, v20;
	v45 =	vmul.f32 v17, v17;
	v24 =	vadd.f32 v26, v24  }
0x1a0: {  	v23 =	vadd.f32 v25, v23;
	v26 =	vmov s11  }
0x1a1: {  	v25 =	vadd.f32 v45, v27;
	(xrf2) =	vadd.scan.msk.f32 $0xffff, v24;
	v24 =	vshra.s32 v26, $0x1;
	v26 =	vmul.f32 $5.000000000e-01, v26  }
0x1a2: {  	v24 =	vsub.s32 $0x5F3759DF, v24  }
0x1a3: {  	v23 =	vadd.f32 v25, v23;
	v25 =	vmul.f32 v24, v26;
	_ =	sdelay $0x1  }
0x1a4: {  	(xrf2) =	vadd.scan.msk.f32 $0xffff, v23;
	v23 =	vmul.f32 v24, v25;
	_ =	sdelay $0x1  }
0x1a5: {  	v23 =	vsub.f32 $1.500000000e+00, v23;
	_ =	sdelay $0x1  }
0x1a6: {  	s11 =	spop (v2sf);
	v23 =	vmul.f32 v24, v23  }
0x1a7: {  	s7 =	smul.f32 $1.562500000e-02, s7;
	s12 =	spop (v2sf)  }
0x1a8: {  	s13 =	spop (v2sf);
	v25 =	vmul.f32 v23, v26  }
0x1a9: {  	s10 =	ssub.f32 s7, s10;
	s7 =	smul.f32 $1.562500000e-02, s13;
	v24, _, _ =	vpop (xrf2)  }
0x1aa: {  	(v2sf) =	vpush v24, $0xF  }
0x1ab: {  	v33 =	vmul.f32 v33, v1;
	s18 =	smul.f32 s7, s7;
	s17 =	spop (v2sf)  }
0x1ac: {  	v39 =	vmul.f32 v39, v3;
	s10 =	sadd.f32 $9.999999960e-13, s10;
	v24 =	vmul.f32 v25, v23;
	s13 =	smul.f32 $1.562500000e-02, s17;
	v25, _, _ =	vpop (xrf2)  }
0x1ad: {  	(v2sf) =	vpush v25, $0xF  }
0x1ae: {  	v33 =	vadd.f32 v33, v5;
	v52 =	vadd.f32 v39, v7;
	v26 =	vmov s10;
	s18 =	ssub.f32 s13, s18  }
0x1af: {  	v24 =	vsub.f32 $1.500000000e+00, v24;
	v25 =	vshra.s32 v26, $0x1;
	v26 =	vmul.f32 $5.000000000e-01, v26  }
0x1b0: {  	v48 =	vmul.f32 v40, v2;
	v46 =	vmov s9;
	v25 =	vsub.s32 $0x5F3759DF, v25;
	s10 =	sadd.f32 $9.999999960e-13, s18  }
0x1b1: {  	v11 =	vsub.f32 v11, v46;
	v23 =	vmul.f32 v24, v23;
	v24 =	vmul.f32 v25, v26  }
0x1b2: {  	v8 =	vsub.f32 v8, v46;
	v9 =	vsub.f32 v9, v46;
	v47 =	vmov s10  }
0x1b3: {  	v24 =	vmul.f32 v25, v24;
	v49 =	vshra.s32 v47, $0x1;
	v35 =	vmul.f32 $5.000000000e-01, v47  }
0x1b4: {  	v10 =	vsub.f32 v10, v46;
	v27 =	vmul.f32 v41, v0;
	v37 =	vsub.s32 $0x5F3759DF, v49  }
0x1b5: {  	v11 =	vmul.f32 v23, v11;
	v24 =	vsub.f32 $1.500000000e+00, v24;
	v50 =	vmul.f32 v37, v35  }
0x1b6: {  	v27 =	vadd.f32 v27, v4;
	s13 =	smul.f32 $1.562500000e-02, s11;
	v8 =	vmul.f32 v23, v8;
	v9 =	vmul.f32 v23, v9  }
0x1b7: {  	v54 =	vmov s7;
	v24 =	vmul.f32 v25, v24;
	v40 =	vmul.f32 v37, v50  }
0x1b8: {  	v15 =	vsub.f32 v15, v54;
	s17 =	smul.f32 s13, s13;
	v10 =	vmul.f32 v23, v10;
	v11 =	vmul.f32 v11, v3  }
0x1b9: {  	s18 =	smul.f32 $1.562500000e-02, s12;
	v8 =	vmul.f32 v8, v0;
	v26 =	vmul.f32 v24, v26;
	v51 =	vsub.f32 $1.500000000e+00, v40;
	s12 =	spop (v2sf)  }
0x1ba: {  	v12 =	vsub.f32 v12, v54;
	v9 =	vmul.f32 v9, v1;
	v10 =	vmul.f32 v10, v2;
	s9 =	smul.f32 $1.562500000e-02, s12  }
0x1bb: {  	v13 =	vsub.f32 v13, v54;
	s10 =	ssub.f32 s18, s17;
	v26 =	vmul.f32 v26, v24;
	v23 =	vmul.f32 v37, v51  }
0x1bc: {  	v11 =	vadd.f32 v11, v7;
	v8 =	vadd.f32 v8, v4;
	v25 =	vmov s13;
	s13 =	smul.f32 s9, s9;
	s17 =	spop (v2sf)  }
0x1bd: {  	s10 =	sadd.f32 $9.999999960e-13, s10;
	v9 =	vadd.f32 v9, v5;
	v26 =	vsub.f32 $1.500000000e+00, v26;
	v35 =	vmul.f32 v23, v35;
	s12 =	smul.f32 $1.562500000e-02, s17  }
0x1be: {  	v10 =	vadd.f32 v10, v6;
	v16 =	vsub.f32 v16, v25  }
0x1bf: {  	v24 =	vmul.f32 v26, v24;
	v26 =	vmov s10;
	v35 =	vmul.f32 v35, v23;
	s18 =	ssub.f32 s12, s13  }
0x1c0: {  	v32 =	vsub.f32 v56, v25;
	v53 =	vshra.s32 v26, $0x1;
	v26 =	vmul.f32 $5.000000000e-01, v26  }
0x1c1: {  	v19 =	vsub.f32 v19, v25;
	v36 =	vsub.s32 $0x5F3759DF, v53;
	v35 =	vsub.f32 $1.500000000e+00, v35;
	s10 =	sadd.f32 $9.999999960e-13, s18  }
0x1c2: {  	v21 =	vsub.f32 v21, v25;
	v30 =	vmul.f32 v24, v30;
	v55 =	vmul.f32 v36, v26  }
0x1c3: {  	v29 =	vmul.f32 v24, v29;
	v23 =	vmul.f32 v35, v23;
	v56 =	vmov s10  }
0x1c4: {  	v39 =	vmul.f32 v36, v55;
	v57 =	vshra.s32 v56, $0x1;
	v35 =	vmul.f32 $5.000000000e-01, v56  }
0x1c5: {  	v31 =	vmul.f32 v24, v31;
	v24 =	vmul.f32 v24, v28;
	v28 =	vsub.s32 $0x5F3759DF, v57  }
0x1c6: {  	v30 =	vmul.f32 v30, v0;
	v39 =	vsub.f32 $1.500000000e+00, v39;
	v40 =	vmul.f32 v28, v35  }
0x1c7: {  	v25 =	vadd.f32 v48, v6;
	[tilespmem:s23+$0x70] =	vst v11;
	v11 =	vsub.f32 v14, v54  }
0x1c8: {  	[tilespmem:s21+$0xFFFFFFC0] =	vst v27;
	v27 =	vadd.f32 v30, v4;
	v30 =	vmul.f32 v36, v39;
	v58 =	vmul.f32 v28, v40  }
0x1c9: {  	[tilespmem:s21+$0xFFFFFFE0] =	vst v25;
	v25 =	vmov s9;
	v29 =	vmul.f32 v29, v1;
	v31 =	vmul.f32 v31, v2  }
0x1ca: {  	[tilespmem:s22+$0x60] =	vst v38;
	v24 =	vmul.f32 v24, v3;
	v14 =	vmul.f32 v30, v26;
	v26 =	vsub.f32 $1.500000000e+00, v58  }
0x1cb: {  	[tilespmem:s23+$0x40] =	vst v8;
	v8 =	vsub.f32 v22, v25;
	v15 =	vmul.f32 v23, v15;
	v11 =	vmul.f32 v23, v11  }
0x1cc: {  	[tilespmem:s23+$0x50] =	vst v9;
	v9 =	vsub.f32 v20, v25;
	v14 =	vmul.f32 v14, v30;
	v26 =	vmul.f32 v28, v26  }
0x1cd: {  	[tilespmem:s23+$0x60] =	vst v10;
	v10 =	vsub.f32 v17, v25;
	v12 =	vmul.f32 v23, v12;
	v13 =	vmul.f32 v23, v13  }
0x1ce: {  	[tilespmem:s21+$0xFFFFFFD0] =	vst v33;
	v15 =	vmul.f32 v15, v3;
	v14 =	vsub.f32 $1.500000000e+00, v14;
	v20 =	vmul.f32 v26, v35  }
0x1cf: {  	[tilespmem:s21+$0xFFFFFFF0] =	vst v52;
	v17 =	vadd.f32 v31, v6;
	v11 =	vmul.f32 v11, v0;
	v12 =	vmul.f32 v12, v1  }
0x1d0: {  	[tilespmem:s22+$0xFFFFFFC0] =	vst v27;
	v15 =	vadd.f32 v15, v7;
	v14 =	vmul.f32 v14, v30;
	v20 =	vmul.f32 v20, v26  }
0x1d1: {  	v29 =	vadd.f32 v29, v5;
	[tilespmem:s22+$0xFFFFFFE0] =	vst v17;
	v13 =	vmul.f32 v13, v2;
	v11 =	vadd.f32 v11, v4  }
0x1d2: {  	v12 =	vadd.f32 v12, v5;
	[tilespmem:s25+$0x70] =	vst v15;
	v15 =	vmul.f32 v14, v16;
	v16 =	vsub.f32 $1.500000000e+00, v20  }
0x1d3: {  	[tilespmem:s25+$0x40] =	vst v11;
	v11 =	vadd.f32 v13, v6;
	v17 =	vmul.f32 v14, v32;
	v13 =	vmul.f32 v14, v21  }
0x1d4: {  	v18 =	vsub.f32 v18, v25;
	[tilespmem:s22+$0xFFFFFFD0] =	vst v29;
	v15 =	vmul.f32 v15, v0;
	v16 =	vmul.f32 v16, v26  }
0x1d5: {  	v22 =	vadd.f32 v24, v7;
	[tilespmem:s25+$0x50] =	vst v12;
	v19 =	vmul.f32 v14, v19;
	v14 =	vmul.f32 v17, v1  }
0x1d6: {  	[tilespmem:s25+$0x60] =	vst v11;
	v11 =	vmul.f32 v13, v3;
	v12 =	vadd.f32 v15, v4;
	v8 =	vmul.f32 v16, v8  }
0x1d7: {  	[tilespmem:s22+$0xFFFFFFF0] =	vst v22;
	v15 =	vmul.f32 v19, v2;
	v13 =	vadd.f32 v14, v5;
	v14 =	vmul.f32 v16, v18  }
0x1d8: {  	v11 =	vadd.f32 v11, v7;
	[tilespmem:s23+$0xFFFFFFC0] =	vst v12;
	v9 =	vmul.f32 v16, v9;
	v8 =	vmul.f32 v8, v0  }
0x1d9: {  	v12 =	vadd.f32 v15, v6;
	[tilespmem:s23+$0xFFFFFFD0] =	vst v13;
	v10 =	vmul.f32 v16, v10;
	v13 =	vmul.f32 v14, v1  }
0x1da: {  	[tilespmem:s23+$0xFFFFFFF0] =	vst v11;
	v9 =	vmul.f32 v9, v2;
	v8 =	vadd.f32 v8, v4  }
0x1db: {  	s22 =	sshll.u32 s19, $0x2;
	[tilespmem:s23+$0xFFFFFFE0] =	vst v12;
	v10 =	vmul.f32 v10, v3;
	v11 =	vadd.f32 v13, v5  }
0x1dc: {  	s9 =	sadd.s32 s8, s22;
	[tilespmem:s25+$0xFFFFFFC0] =	vst v8;
	v8 =	vadd.f32 v9, v6  }
0x1dd: {  	s7 =	smul.u32 $0x640, s9;
	[tilespmem:s25+$0xFFFFFFD0] =	vst v11;
	v9 =	vadd.f32 v10, v7  }
0x1de: {  	[tilespmem:s25+$0xFFFFFFE0] =	vst v8  }
0x1df: {  	p0 =	seq.s32 s19, $0x0;
	s7 =	sadd.s32 s4, s7;
	[tilespmem:s25+$0xFFFFFFF0] =	vst v9  }
0x1e0: {  	[hbm4b:s7+s5] =	stream.linear.scatter [tilespmem:s16], [sflag:$0x5], $0x3200, $0x38;
	[tilespmem:$0x16280] =	vst v63  }
0x1e1: {  	s21 =	sshllo.u32 s19, $0x2;
	s7 =	simm.s32 @!p0 $0x8  }
0x1e2: {  	s9 =	smul.u32 @!p0 $0x340, s21;
	_ =	swait.ge @!p0 [sflag:s7], $0x3200  }
0x1e3: {  	s10 =	simm.s32 @!p0 $0xFE00;
	[sflag:s7] =	ssyncset.done @!p0 $0x0  }
0x1e4: {  	[sflag:s7] =	ssyncadd.s32 @!p0 $0xFFFFCE00;
	s7 =	sshra.s32 @!p0 s9, $0x2;
	s9 =	simm.s32 @!p0 $0x64  }
0x1e5: {  	[tilespmem:s10], [sflag:$0x4] =	stream.indirect.gather @!p0 [hbm4b:s6+s9], $0x40, s7, s9, $0xb8;
	[tilespmem:$0x16280] =	vst v63  }
0x1e6: {  	s7 =	sadd.s32 @!p0 $0x68, s7;
	s10 =	simm.s32 @!p0 $0x11700  }
0x1e7: {  	[tilespmem:s10], [sflag:$0x4] =	stream.indirect.gather @!p0 [hbm4b:s6+s9], $0x40, s7, s9, $0xb8;
	[tilespmem:$0x16280] =	vst v63  }
0x1e8: {  	_ =	swait.ge [sflag:s0], $0x1900  }
0x1e9: {  	[sflag:s0] =	ssyncset.done $0x0  }
0x1ea: {  	[sflag:s0] =	ssyncadd.s32 $0xFFFFE700  }
0x1eb: {  	_ =	swait.ge [sflag:s0], $0x1900  }
0x1ec: {  	[sflag:s0] =	ssyncset.done $0x0  }
0x1ed: {  	s23 =	simm.s32 $0x9AF0;
	[sflag:s0] =	ssyncadd.s32 $0xFFFFE700  }
0x1ee: {  	s7 =	simm.s32 $0x13080;
	v8 =	vld [tilespmem:s23+$0xFFFFFF90]  }
0x1ef: {  	v9 =	vld [tilespmem:s7+$0x0]  }
0x1f0: {  	v10 =	vld [tilespmem:s23+$0xFFFFFFA0]  }
0x1f1: {  	v11 =	vld [tilespmem:s7+$0x10]  }
0x1f2: {  	v12 =	vld [tilespmem:s23+$0xFFFFFFB0]  }
0x1f3: {  	v13 =	vld [tilespmem:s7+$0x20]  }
0x1f4: {  	v14 =	vld [tilespmem:s23+$0xFFFFFFC0]  }
0x1f5: {  	v15 =	vld [tilespmem:s7+$0x30];
	_ =	sdelay $0x3  }
0x1f6: {  	v17 =	vadd.f32 v9, v8;
	v20 =	vadd.f32 v11, v10  }
0x1f7: {  	v12 =	vadd.f32 v13, v12;
	v13 =	vadd.f32 v15, v14  }
0x1f8: {  	v8 =	vmul.f32 v17, v17;
	v9 =	vmul.f32 v20, v20  }
0x1f9: {  	v10 =	vmul.f32 v12, v12;
	v11 =	vmul.f32 v13, v13  }
0x1fa: {  	v14 =	vadd.f32 v20, v17;
	v15 =	vadd.f32 v13, v12  }
0x1fb: {  	v8 =	vadd.f32 v9, v8;
	v9 =	vadd.f32 v11, v10  }
0x1fc: {  	v10 =	vadd.f32 v15, v14  }
0x1fd: {  	v8 =	vadd.f32 v9, v8  }
0x1fe: {  	(xrf2) =	vadd.scan.msk.f32 $0xffff, v10  }
0x1ff: {  	(xrf2) =	vadd.scan.msk.f32 $0xffff, v8;
	_ =	sdelay $0x6  }
0x200: {  	v16 =	vld [tilespmem:s23+$0xFFFFFF40]  }
0x201: {  	v18 =	vld [tilespmem:s23+$0xFFFFFF10]  }
0x202: {  	v19 =	vld [tilespmem:s7+$0xFFFFFFB0];
	v10, _, _ =	vpop (xrf2)  }
0x203: {  	v11 =	vld [tilespmem:s7+$0xFFFFFF90];
	(v2sf) =	vpush v10, $0xF;
	v10, _, _ =	vpop (xrf2)  }
0x204: {  	v14 =	vld [tilespmem:s23+$0xFFFFFF30];
	(v2sf) =	vpush v10, $0xF  }
0x205: {  	v9 =	vld [tilespmem:s23+$0xFFFFFF20]  }
0x206: {  	v8 =	vld [tilespmem:s7+$0xFFFFFF80]  }
0x207: {  	v15 =	vld [tilespmem:s7+$0xFFFFFFA0];
	_ =	sdelay $0x3  }
0x208: {  	v10 =	vadd.f32 v11, v9;
	v11 =	vadd.f32 v8, v18  }
0x209: {  	v9 =	vadd.f32 v15, v14;
	v8 =	vadd.f32 v19, v16  }
0x20a: {  	v14 =	vmul.f32 v10, v10  }
0x20b: {  	v15 =	vmul.f32 v11, v11;
	v16 =	vadd.f32 v10, v11;
	v18 =	vadd.f32 v8, v9  }
0x20c: {  	v19 =	vmul.f32 v9, v9;
	v21 =	vmul.f32 v8, v8  }
0x20d: {  	v16 =	vadd.f32 v18, v16  }
0x20e: {  	v14 =	vadd.f32 v14, v15;
	v15 =	vadd.f32 v21, v19  }
0x20f: {  	(xrf2) =	vadd.scan.msk.f32 $0xffff, v16;
	s10 =	spop (v2sf)  }
0x210: {  	v14 =	vadd.f32 v15, v14;
	s9 =	smul.f32 $1.562500000e-02, s10;
	s11 =	spop (v2sf)  }
0x211: {  	s10 =	smul.f32 $1.562500000e-02, s11  }
0x212: {  	(xrf2) =	vadd.scan.msk.f32 $0xffff, v14;
	s12 =	smul.f32 s9, s9;
	_ =	sdelay $0x1  }
0x213: {  	s10 =	ssub.f32 s10, s12;
	_ =	sdelay $0x1  }
0x214: {  	s10 =	sadd.f32 $9.999999960e-13, s10;
	_ =	sdelay $0x1  }
0x215: {  	v14 =	vmov s10  }
0x216: {  	s30 =	simm.s32 $0x13180;
	v16, _, _ =	vpop (xrf2);
	v15 =	vshra.s32 v14, $0x1;
	v14 =	vmul.f32 $5.000000000e-01, v14  }
0x217: {  	v24 =	vld [tilespmem:s30+$0x10];
	(v2sf) =	vpush v16, $0xF;
	v15 =	vsub.s32 $0x5F3759DF, v15  }
0x218: {  	s25 =	simm.s32 $0x9BF0;
	v25 =	vld [tilespmem:s30+$0x20];
	v19 =	vmul.f32 v15, v14  }
0x219: {  	v26 =	vld [tilespmem:s25+$0xFFFFFFC0];
	v22, _, _ =	vpop (xrf2)  }
0x21a: {  	v27 =	vld [tilespmem:s30+$0x30];
	(v2sf) =	vpush v22, $0xF;
	v19 =	vmul.f32 v15, v19  }
0x21b: {  	v18 =	vld [tilespmem:s25+$0xFFFFFF90]  }
0x21c: {  	v21 =	vld [tilespmem:s25+$0xFFFFFFA0];
	v19 =	vsub.f32 $1.500000000e+00, v19  }
0x21d: {  	v16 =	vld [tilespmem:s30+$0x0]  }
0x21e: {  	v22 =	vld [tilespmem:s25+$0xFFFFFFB0];
	v15 =	vmul.f32 v15, v19;
	_ =	sdelay $0x1  }
0x21f: {  	v14 =	vmul.f32 v15, v14;
	_ =	sdelay $0x1  }
0x220: {  	v23 =	vadd.f32 v16, v18;
	v16 =	vadd.f32 v27, v26;
	v14 =	vmul.f32 v14, v15  }
0x221: {  	v26 =	vmov s9;
	v18 =	vadd.f32 v25, v22;
	v19 =	vadd.f32 v24, v21  }
0x222: {  	v22 =	vmul.f32 v23, v23;
	v27 =	vmul.f32 v16, v16;
	v14 =	vsub.f32 $1.500000000e+00, v14  }
0x223: {  	v25 =	vmul.f32 v18, v18;
	v21 =	vadd.f32 v19, v23;
	v24 =	vmul.f32 v19, v19  }
0x224: {  	s13 =	spop (v2sf);
	v14 =	vmul.f32 v14, v15;
	v15 =	vsub.f32 v17, v26;
	v17 =	vadd.f32 v16, v18  }
0x225: {  	s9 =	smul.f32 $1.562500000e-02, s13;
	v22 =	vadd.f32 v24, v22;
	v24 =	vadd.f32 v27, v25  }
0x226: {  	v20 =	vsub.f32 v20, v26;
	v17 =	vadd.f32 v17, v21  }
0x227: {  	v29 =	vld [tilespmem:s30+$0xFFFFFFB0];
	s18 =	spop (v2sf);
	s17 =	smul.f32 s9, s9;
	v22 =	vadd.f32 v24, v22  }
0x228: {  	v12 =	vsub.f32 v12, v26;
	v25 =	vld [tilespmem:s30+$0xFFFFFF80];
	s11 =	smul.f32 $1.562500000e-02, s18;
	v20 =	vmul.f32 v14, v20;
	(xrf2) =	vadd.scan.msk.f32 $0xffff, v17  }
0x229: {  	v13 =	vsub.f32 v13, v26;
	v27 =	vld [tilespmem:s23+$0xFFFFFFE0];
	v15 =	vmul.f32 v14, v15;
	(xrf2) =	vadd.scan.msk.f32 $0xffff, v22  }
0x22a: {  	v24 =	vld [tilespmem:s30+$0xFFFFFF90];
	s10 =	ssub.f32 s11, s17;
	v12 =	vmul.f32 v14, v12;
	v20 =	vmul.f32 v20, v1  }
0x22b: {  	v26 =	vld [tilespmem:s25+$0xFFFFFF40];
	v13 =	vmul.f32 v14, v13;
	v15 =	vmul.f32 v15, v0  }
0x22c: {  	s10 =	sadd.f32 $9.999999960e-13, s10;
	v21 =	vld [tilespmem:s25+$0xFFFFFF20];
	v12 =	vmul.f32 v12, v2;
	v14 =	vadd.f32 v20, v5  }
0x22d: {  	v17 =	vld [tilespmem:s25+$0xFFFFFF30];
	v13 =	vmul.f32 v13, v3;
	v15 =	vadd.f32 v15, v4  }
0x22e: {  	v20 =	vld [tilespmem:s25+$0xFFFFFF10];
	v12 =	vadd.f32 v12, v6;
	[tilespmem:s23+$0xFFFFFFA0] =	vst v14;
	v14 =	vmov s10  }
0x22f: {  	v22 =	vld [tilespmem:s30+$0xFFFFFFA0];
	v13 =	vadd.f32 v13, v7;
	[tilespmem:s23+$0xFFFFFF90] =	vst v15;
	v28 =	vshra.s32 v14, $0x1;
	v14 =	vmul.f32 $5.000000000e-01, v14  }
0x230: {  	v15 =	vld [tilespmem:s23+$0xFFFFFFD0];
	[tilespmem:s23+$0xFFFFFFB0] =	vst v12;
	v12 =	vsub.s32 $0x5F3759DF, v28  }
0x231: {  	v40 =	vmov s9;
	[tilespmem:s23+$0xFFFFFFC0] =	vst v13;
	v13 =	vadd.f32 v24, v21;
	v24 =	vld [tilespmem:s23+$0x0];
	v30 =	vmul.f32 v12, v14  }
0x232: {  	v11 =	vsub.f32 v11, v40;
	v61 =	vld [tilespmem:s7+$0x70];
	v31, _, _ =	vpop (xrf2)  }
0x233: {  	v21 =	vadd.f32 v25, v20;
	v25 =	vld [tilespmem:s7+$0x40];
	v30 =	vmul.f32 v12, v30;
	(v2sf) =	vpush v31, $0xF;
	v20, _, _ =	vpop (xrf2)  }
0x234: {  	v28 =	vld [tilespmem:s23+$0xFFFFFFF0];
	v17 =	vadd.f32 v22, v17;
	(v2sf) =	vpush v20, $0xF  }
0x235: {  	v22 =	vld [tilespmem:s7+$0x50];
	v20 =	vadd.f32 v29, v26;
	v26 =	vsub.f32 $1.500000000e+00, v30  }
0x236: {  	v9 =	vsub.f32 v9, v40;
	v59 =	vadd.f32 v13, v21;
	v31 =	vmul.f32 v13, v13;
	v29 =	vld [tilespmem:s7+$0x60]  }
0x237: {  	v30 =	vmul.f32 v21, v21;
	v62 =	vadd.f32 v20, v17;
	v26 =	vmul.f32 v12, v26  }
0x238: {  	v60 =	vmul.f32 v17, v17;
	v15 =	vadd.f32 v25, v15;
	v63 =	vmul.f32 v20, v20  }
0x239: {  	v30 =	vadd.f32 v31, v30;
	v31 =	vadd.f32 v62, v59;
	v12 =	vmul.f32 v26, v14  }
0x23a: {  	v38 =	vadd.f32 v63, v60;
	v14 =	vadd.f32 v22, v27  }
0x23b: {  	v22 =	vadd.f32 v61, v24;
	v25 =	vmul.f32 v12, v26;
	v12 =	vadd.f32 v29, v28  }
0x23c: {  	v27 =	vmul.f32 v15, v15;
	v24 =	vadd.f32 v38, v30;
	v28 =	vmul.f32 v14, v14;
	(xrf2) =	vadd.scan.msk.f32 $0xffff, v31  }
0x23d: {  	v39 =	vmul.f32 v22, v22;
	v30 =	vmul.f32 v12, v12;
	v25 =	vsub.f32 $1.500000000e+00, v25  }
0x23e: {  	v29 =	vadd.f32 v14, v15;
	v31 =	vadd.f32 v22, v12  }
0x23f: {  	v27 =	vadd.f32 v28, v27;
	(xrf2) =	vadd.scan.msk.f32 $0xffff, v24;
	v28 =	vadd.f32 v39, v30;
	v25 =	vmul.f32 v25, v26  }
0x240: {  	v10 =	vsub.f32 v10, v40;
	v29 =	vadd.f32 v31, v29  }
0x241: {  	v24 =	vadd.f32 v28, v27;
	v11 =	vmul.f32 v25, v11;
	v9 =	vmul.f32 v25, v9  }
0x242: {  	v8 =	vsub.f32 v8, v40;
	(xrf2) =	vadd.scan.msk.f32 $0xffff, v29;
	v10 =	vmul.f32 v25, v10;
	s12 =	spop (v2sf)  }
0x243: {  	(xrf2) =	vadd.scan.msk.f32 $0xffff, v24;
	v11 =	vmul.f32 v11, v0;
	v9 =	vmul.f32 v9, v2;
	s13 =	spop (v2sf);
	s10 =	smul.f32 $1.562500000e-02, s12  }
0x244: {  	s28 =	simm.s32 $0x9CF0;
	v8 =	vmul.f32 v25, v8;
	v10 =	vmul.f32 v10, v1;
	s17 =	smul.f32 $1.562500000e-02, s13  }
0x245: {  	v41 =	vld [tilespmem:s28+$0xFFFFFF90];
	v11 =	vadd.f32 v11, v4;
	v9 =	vadd.f32 v9, v6;
	s18 =	smul.f32 s10, s10  }
0x246: {  	v43 =	vld [tilespmem:s28+$0xFFFFFFA0];
	v8 =	vmul.f32 v8, v3;
	v10 =	vadd.f32 v10, v5;
	v27, _, _ =	vpop (xrf2)  }
0x247: {  	v26 =	vld [tilespmem:s23+$0xFFFFFF60];
	(v2sf) =	vpush v27, $0xF;
	[tilespmem:s23+$0xFFFFFF10] =	vst v11;
	s9 =	ssub.f32 s17, s18  }
0x248: {  	v25 =	vld [tilespmem:s23+$0xFFFFFF70];
	v8 =	vadd.f32 v8, v7;
	[tilespmem:s23+$0xFFFFFF20] =	vst v10  }
0x249: {  	v29 =	vld [tilespmem:s23+$0xFFFFFF80];
	[tilespmem:s23+$0xFFFFFF30] =	vst v9;
	v9, _, _ =	vpop (xrf2);
	s9 =	sadd.f32 $9.999999960e-13, s9  }
0x24a: {  	v24 =	vld [tilespmem:s23+$0xFFFFFF50];
	[tilespmem:s23+$0xFFFFFF40] =	vst v8;
	(v2sf) =	vpush v9, $0xF  }
0x24b: {  	v10 =	vld [tilespmem:s7+$0xFFFFFFC0];
	v8 =	vmov s9  }
0x24c: {  	v27 =	vld [tilespmem:s7+$0xFFFFFFD0];
	v9, _, _ =	vpop (xrf2);
	v11 =	vshra.s32 v8, $0x1;
	v8 =	vmul.f32 $5.000000000e-01, v8  }
0x24d: {  	v30 =	vld [tilespmem:s7+$0xFFFFFFE0];
	(v2sf) =	vpush v9, $0xF;
	v9, _, _ =	vpop (xrf2);
	v11 =	vsub.s32 $0x5F3759DF, v11  }
0x24e: {  	v31 =	vld [tilespmem:s7+$0xFFFFFFF0];
	(v2sf) =	vpush v9, $0xF;
	v9 =	vmul.f32 v11, v8  }
0x24f: {  	v45 =	vld [tilespmem:s28+$0xFFFFFFB0]  }
0x250: {  	v48 =	vld [tilespmem:s28+$0xFFFFFF20];
	s7 =	simm.s32 $0x13280;
	v9 =	vmul.f32 v11, v9  }
0x251: {  	v42 =	vld [tilespmem:s7+$0x0];
	v28 =	vadd.f32 v10, v24  }
0x252: {  	v44 =	vld [tilespmem:s7+$0x10];
	v27 =	vadd.f32 v27, v26;
	v9 =	vsub.f32 $1.500000000e+00, v9  }
0x253: {  	v49 =	vld [tilespmem:s7+$0xFFFFFF90];
	v26 =	vadd.f32 v30, v25;
	v24 =	vadd.f32 v31, v29  }
0x254: {  	v25 =	vld [tilespmem:s28+$0xFFFFFFC0];
	v46 =	vmul.f32 v11, v9  }
0x255: {  	v47 =	vmov s10;
	v10 =	vadd.f32 v27, v28;
	v9 =	vld [tilespmem:s7+$0x20];
	v11 =	vadd.f32 v24, v26  }
0x256: {  	v23 =	vsub.f32 v23, v47;
	v19 =	vsub.f32 v19, v47;
	v29 =	vld [tilespmem:s7+$0x30];
	s12 =	spop (v2sf);
	v8 =	vmul.f32 v46, v8  }
0x257: {  	s9 =	smul.f32 $1.562500000e-02, s12;
	v30 =	vadd.f32 v11, v10;
	v11 =	vadd.f32 v42, v41  }
0x258: {  	v54 =	vld [tilespmem:s28+$0xFFFFFF40];
	v18 =	vsub.f32 v18, v47;
	v10 =	vadd.f32 v44, v43;
	v8 =	vmul.f32 v8, v46  }
0x259: {  	v16 =	vsub.f32 v16, v47;
	v37 =	vadd.f32 v49, v48;
	s11 =	smul.f32 s9, s9;
	s13 =	spop (v2sf);
	v33 =	vmul.f32 v11, v11;
	(xrf2) =	vadd.scan.msk.f32 $0xffff, v30;
	v30 =	vld [tilespmem:s7+$0xFFFFFFB0]  }
0x25a: {  	v34 =	vmul.f32 v10, v10;
	v9 =	vadd.f32 v9, v45;
	s12 =	smul.f32 $1.562500000e-02, s13;
	v31 =	vsub.f32 $1.500000000e+00, v8  }
0x25b: {  	v40 =	vmul.f32 v28, v28;
	v49 =	vmul.f32 v24, v24;
	v8 =	vadd.f32 v29, v25  }
0x25c: {  	s17 =	spop (v2sf);
	v33 =	vadd.f32 v34, v33;
	s11 =	ssub.f32 s12, s11;
	v50 =	vmul.f32 v9, v9;
	v25 =	vmul.f32 v31, v46  }
0x25d: {  	v52 =	vld [tilespmem:s28+$0xFFFFFF30];
	s10 =	smul.f32 $1.562500000e-02, s17;
	v31 =	vadd.f32 v10, v11;
	v36 =	vadd.f32 v8, v9;
	v51 =	vmul.f32 v8, v8  }
0x25e: {  	v53 =	vld [tilespmem:s7+$0xFFFFFFA0];
	s18 =	spop (v2sf);
	s11 =	sadd.f32 $9.999999960e-13, s11;
	v30 =	vadd.f32 v30, v54;
	v23 =	vmul.f32 v25, v23;
	v19 =	vmul.f32 v25, v19  }
0x25f: {  	s13 =	smul.f32 $1.562500000e-02, s18;
	v38 =	vadd.f32 v51, v50;
	v18 =	vmul.f32 v25, v18;
	v31 =	vadd.f32 v36, v31  }
0x260: {  	v29 =	vld [tilespmem:s7+$0xFFFFFF80];
	s17 =	smul.f32 s10, s10;
	v16 =	vmul.f32 v25, v16;
	v55 =	vmov s11;
	v23 =	vmul.f32 v23, v0  }
0x261: {  	v25 =	vld [tilespmem:s28+$0xFFFFFF10];
	v60 =	vmul.f32 v30, v30;
	v19 =	vmul.f32 v19, v1;
	v33 =	vadd.f32 v38, v33  }
0x262: {  	s12 =	ssub.f32 s13, s17;
	v18 =	vmul.f32 v18, v2;
	v56 =	vshra.s32 v55, $0x1;
	(xrf2) =	vadd.scan.msk.f32 $0xffff, v31;
	v23 =	vadd.f32 v23, v4  }
0x263: {  	v16 =	vmul.f32 v16, v3;
	v38 =	vadd.f32 v53, v52;
	v19 =	vadd.f32 v19, v5;
	(xrf2) =	vadd.scan.msk.f32 $0xffff, v33  }
0x264: {  	v32 =	vld [tilespmem:s25+$0x0];
	v53 =	vmul.f32 v26, v26;
	s18 =	sadd.f32 $9.999999960e-13, s12;
	v36 =	vsub.s32 $0x5F3759DF, v56;
	v18 =	vadd.f32 v18, v6;
	[tilespmem:s25+$0xFFFFFF90] =	vst v23  }
0x265: {  	v43 =	vld [tilespmem:s25+$0xFFFFFFE0];
	v33 =	vmul.f32 $5.000000000e-01, v55;
	v16 =	vadd.f32 v16, v7;
	v41 =	vadd.f32 v30, v38;
	[tilespmem:s25+$0xFFFFFFA0] =	vst v19  }
0x266: {  	v31 =	vld [tilespmem:s25+$0xFFFFFFD0];
	v59 =	vmul.f32 v38, v38;
	v57 =	vmov s18;
	v39 =	vadd.f32 v29, v25;
	[tilespmem:s25+$0xFFFFFFB0] =	vst v18  }
0x267: {  	v25 =	vld [tilespmem:s25+$0xFFFFFFF0];
	v19 =	vshra.s32 v57, $0x1;
	v42 =	vmul.f32 $5.000000000e-01, v57;
	v29 =	vmul.f32 v36, v33;
	[tilespmem:s25+$0xFFFFFFC0] =	vst v16  }
0x268: {  	v62, _, _ =	vpop (xrf2);
	v16 =	vmul.f32 v37, v37;
	v19 =	vsub.s32 $0x5F3759DF, v19;
	v58 =	vmul.f32 v39, v39;
	v44 =	vld [tilespmem:s30+$0x40]  }
0x269: {  	(v2sf) =	vpush v62, $0xF;
	v35 =	vadd.f32 v37, v39;
	v52 =	vld [tilespmem:s30+$0x60];
	v18 =	vmul.f32 v19, v42  }
0x26a: {  	v45 =	vadd.f32 v60, v59;
	v55 =	vld [tilespmem:s30+$0x70];
	v29 =	vmul.f32 v36, v29;
	v16 =	vadd.f32 v16, v58  }
0x26b: {  	v59 =	vadd.f32 v49, v53;
	v61 =	vld [tilespmem:s30+$0x50];
	v63 =	vadd.f32 v41, v35;
	v18 =	vmul.f32 v19, v18  }
0x26c: {  	v23 =	vmul.f32 v27, v27;
	v29 =	vsub.f32 $1.500000000e+00, v29;
	v16 =	vadd.f32 v45, v16;
	v54, _, _ =	vpop (xrf2)  }
0x26d: {  	v18 =	vsub.f32 $1.500000000e+00, v18;
	(xrf2) =	vadd.scan.msk.f32 $0xffff, v63;
	(v2sf) =	vpush v54, $0xF;
	v56, _, _ =	vpop (xrf2)  }
0x26e: {  	v58 =	vadd.f32 v23, v40;
	v29 =	vmul.f32 v36, v29;
	(v2sf) =	vpush v56, $0xF  }
0x26f: {  	v23 =	vadd.f32 v55, v32;
	(xrf2) =	vadd.scan.msk.f32 $0xffff, v16;
	v16 =	vadd.f32 v52, v25;
	v57 =	vmul.f32 v19, v18  }
0x270: {  	v19 =	vadd.f32 v44, v31;
	v18 =	vadd.f32 v61, v43;
	v31 =	vmul.f32 v29, v33  }
0x271: {  	v44 =	vmul.f32 v23, v23;
	v63 =	vmul.f32 v16, v16  }
0x272: {  	v62 =	vadd.f32 v59, v58;
	v25 =	vmul.f32 v19, v19;
	v61 =	vmul.f32 v18, v18  }
0x273: {  	v47 =	vadd.f32 v23, v16;
	v45 =	vadd.f32 v18, v19;
	v31 =	vmul.f32 v31, v29  }
0x274: {  	v48 =	vadd.f32 v44, v63;
	v25 =	vadd.f32 v61, v25  }
0x275: {  	v51 =	vadd.f32 v47, v45;
	v31 =	vsub.f32 $1.500000000e+00, v31  }
0x276: {  	v49 =	vmov s9;
	(xrf2) =	vadd.scan.msk.f32 $0xffff, v62;
	v25 =	vadd.f32 v48, v25  }
0x277: {  	v21 =	vsub.f32 v21, v49;
	v13 =	vsub.f32 v13, v49;
	(xrf2) =	vadd.scan.msk.f32 $0xffff, v51;
	v29 =	vmul.f32 v31, v29;
	v53, _, _ =	vpop (xrf2)  }
0x278: {  	v17 =	vsub.f32 v17, v49;
	v60 =	vmul.f32 v57, v42;
	(xrf2) =	vadd.scan.msk.f32 $0xffff, v25;
	(v2sf) =	vpush v53, $0xF  }
0x279: {  	v20 =	vsub.f32 v20, v49;
	v21 =	vmul.f32 v29, v21;
	v13 =	vmul.f32 v29, v13  }
0x27a: {  	v52 =	vmov s10;
	v36 =	vmul.f32 v60, v57;
	v17 =	vmul.f32 v29, v17  }
0x27b: {  	v22 =	vsub.f32 v22, v52;
	s9 =	spop (v2sf);
	v25, _, _ =	vpop (xrf2);
	v21 =	vmul.f32 v21, v0;
	v13 =	vmul.f32 v13, v1  }
0x27c: {  	v50 =	vsub.f32 $1.500000000e+00, v36;
	v20 =	vmul.f32 v29, v20;
	(v2sf) =	vpush v25, $0xF;
	s12 =	spop (v2sf)  }
0x27d: {  	v17 =	vmul.f32 v17, v2;
	v21 =	vadd.f32 v21, v4;
	v13 =	vadd.f32 v13, v5;
	s11 =	smul.f32 $1.562500000e-02, s12;
	s13 =	spop (v2sf)  }
0x27e: {  	v12 =	vsub.f32 v12, v52;
	v35 =	vmul.f32 v50, v57;
	v20 =	vmul.f32 v20, v3;
	s17 =	smul.f32 $1.562500000e-02, s13  }
0x27f: {  	v55 =	vld [tilespmem:s25+$0xFFFFFF80];
	v14 =	vsub.f32 v14, v52;
	v17 =	vadd.f32 v17, v6;
	[tilespmem:s25+$0xFFFFFF10] =	vst v21;
	s18 =	smul.f32 s11, s11  }
0x280: {  	v54 =	vld [tilespmem:s25+$0xFFFFFF60];
	v22 =	vmul.f32 v35, v22;
	v12 =	vmul.f32 v35, v12;
	v29, _, _ =	vpop (xrf2);
	v20 =	vadd.f32 v20, v7;
	[tilespmem:s25+$0xFFFFFF20] =	vst v13  }
0x281: {  	s31 =	simm.s32 $0x13380;
	v31 =	vld [tilespmem:s25+$0xFFFFFF50];
	v14 =	vmul.f32 v35, v14;
	(v2sf) =	vpush v29, $0xF;
	[tilespmem:s25+$0xFFFFFF30] =	vst v17;
	v13, _, _ =	vpop (xrf2);
	s10 =	ssub.f32 s17, s18  }
0x282: {  	s9 =	smul.f32 $1.562500000e-02, s9;
	v53 =	vld [tilespmem:s31+$0x30];
	v22 =	vmul.f32 v22, v3;
	v12 =	vmul.f32 v12, v2;
	[tilespmem:s25+$0xFFFFFF40] =	vst v20;
	(v2sf) =	vpush v13, $0xF;
	v13, _, _ =	vpop (xrf2)  }
0x283: {  	v15 =	vsub.f32 v15, v52;
	v14 =	vmul.f32 v14, v1;
	v20 =	vld [tilespmem:s30+$0xFFFFFFD0];
	(v2sf) =	vpush v13, $0xF;
	s10 =	sadd.f32 $9.999999960e-13, s10  }
0x284: {  	v25 =	vadd.f32 v22, v7;
	v22 =	vld [tilespmem:s25+$0xFFFFFF70];
	v21 =	vmov s9;
	v36 =	vadd.f32 v12, v6  }
0x285: {  	v32 =	vsub.f32 v28, v21;
	v13 =	vmul.f32 v35, v15;
	v15 =	vld [tilespmem:s30+$0xFFFFFFC0];
	v17 =	vmov s10  }
0x286: {  	v33 =	vsub.f32 v27, v21;
	v56 =	vld [tilespmem:s30+$0xFFFFFFE0];
	v27 =	vshra.s32 v17, $0x1;
	v17 =	vmul.f32 $5.000000000e-01, v17  }
0x287: {  	v12 =	vld [tilespmem:s31+$0x0];
	v34 =	vsub.f32 v26, v21;
	v13 =	vmul.f32 v13, v0;
	s13 =	spop (v2sf);
	v57 =	vsub.s32 $0x5F3759DF, v27  }
0x288: {  	v58 =	vld [tilespmem:s30+$0xFFFFFFF0];
	s30 =	simm.s32 $0x9DF0;
	v35 =	vsub.f32 v24, v21;
	v29 =	vadd.f32 v20, v54;
	s10 =	smul.f32 $1.562500000e-02, s13;
	v26 =	vmul.f32 v57, v17  }
0x289: {  	v28 =	vadd.f32 v13, v4;
	v13 =	vld [tilespmem:s30+$0xFFFFFF90];
	v27 =	vadd.f32 v14, v5  }
0x28a: {  	v63 =	vld [tilespmem:s30+$0xFFFFFFC0];
	v21 =	vmov s10;
	v14 =	vmul.f32 v57, v26;
	v26 =	vadd.f32 v15, v31  }
0x28b: {  	s18 =	spop (v2sf);
	s17 =	smul.f32 s10, s10;
	v31 =	vadd.f32 v56, v22;
	v39 =	vsub.f32 v39, v21  }
0x28c: {  	v60 =	vld [tilespmem:s31+$0x20];
	s13 =	smul.f32 $1.562500000e-02, s18;
	v20 =	vsub.f32 v37, v21;
	v38 =	vsub.f32 v38, v21  }
0x28d: {  	v62 =	vmul.f32 v29, v29;
	v15 =	vld [tilespmem:s30+$0xFFFFFFA0];
	v37 =	vadd.f32 v58, v55;
	v30 =	vsub.f32 v30, v21  }
0x28e: {  	v22 =	vld [tilespmem:s31+$0x10];
	v12 =	vadd.f32 v12, v13;
	s12 =	ssub.f32 s13, s17;
	v14 =	vsub.f32 $1.500000000e+00, v14;
	v24 =	vmul.f32 v26, v26  }
0x28f: {  	v59 =	vld [tilespmem:s30+$0xFFFFFFB0];
	v13 =	vadd.f32 v53, v63;
	v52 =	vmul.f32 v31, v31;
	v55 =	vmul.f32 v37, v37  }
0x290: {  	v54 =	vadd.f32 v37, v31;
	s10 =	sadd.f32 $9.999999960e-13, s12;
	s12 =	spop (v2sf);
	v61 =	vmul.f32 v57, v14;
	v14 =	vadd.f32 v29, v26  }
0x291: {  	v51 =	vmul.f32 v13, v13;
	v43 =	vadd.f32 v62, v24;
	v45 =	vadd.f32 v55, v52;
	s13 =	spop (v2sf)  }
0x292: {  	v63 =	vld [tilespmem:s31+$0xFFFFFFA0];
	v21 =	vmov s10;
	s10 =	smul.f32 $1.562500000e-02, s13;
	v17 =	vmul.f32 v61, v17;
	v24 =	vadd.f32 v54, v14;
	s17 =	spop (v2sf)  }
0x293: {  	v62 =	vld [tilespmem:s30+$0xFFFFFF30];
	v56 =	vshra.s32 v21, $0x1;
	v48 =	vmul.f32 $5.000000000e-01, v21;
	v14 =	vadd.f32 v22, v15;
	s13 =	smul.f32 $1.562500000e-02, s17  }
0x294: {  	v15 =	vadd.f32 v60, v59;
	v21 =	vmov s11;
	v54 =	vld [tilespmem:s31+$0xFFFFFFB0];
	v43 =	vadd.f32 v45, v43;
	s18 =	smul.f32 s10, s10  }
0x295: {  	v11 =	vsub.f32 v11, v21;
	v10 =	vsub.f32 v10, v21;
	v17 =	vmul.f32 v17, v61;
	(xrf2) =	vadd.scan.msk.f32 $0xffff, v24;
	v24 =	vld [tilespmem:s30+$0xFFFFFF40]  }
0x296: {  	v57 =	vmul.f32 v12, v12;
	v22 =	vadd.f32 v14, v12;
	v58 =	vadd.f32 v13, v15;
	s18 =	ssub.f32 s13, s18  }
0x297: {  	v50 =	vld [tilespmem:s31+$0xFFFFFF90];
	v9 =	vsub.f32 v9, v21;
	v59 =	vmul.f32 v14, v14;
	v17 =	vsub.f32 $1.500000000e+00, v17  }
0x298: {  	v60 =	vld [tilespmem:s30+$0xFFFFFF20];
	v47 =	vsub.s32 $0x5F3759DF, v56;
	v8 =	vsub.f32 v8, v21;
	v22 =	vadd.f32 v58, v22;
	s11 =	sadd.f32 $9.999999960e-13, s18  }
0x299: {  	v41 =	vadd.f32 v59, v57;
	v17 =	vmul.f32 v17, v61;
	v61 =	vmul.f32 v15, v15  }
0x29a: {  	v40 =	vld [tilespmem:s31+$0xFFFFFF80];
	(xrf2) =	vadd.scan.msk.f32 $0xffff, v22;
	v22 =	vadd.f32 v63, v62;
	v21 =	vmov s11;
	v24 =	vadd.f32 v54, v24  }
0x29b: {  	v57 =	vld [tilespmem:s30+$0xFFFFFF10];
	v11 =	vmul.f32 v17, v11;
	v10 =	vmul.f32 v17, v10;
	v49 =	vadd.f32 v51, v61  }
0x29c: {  	v9 =	vmul.f32 v17, v9;
	v52 =	vshra.s32 v21, $0x1;
	v53 =	vmul.f32 $5.000000000e-01, v21  }
0x29d: {  	s9 =	smul.f32 s9, s9;
	v8 =	vmul.f32 v17, v8;
	v17 =	vadd.f32 v50, v60;
	v10 =	vmul.f32 v10, v1  }
0x29e: {  	s12 =	smul.f32 $1.562500000e-02, s12;
	v52 =	vsub.s32 $0x5F3759DF, v52;
	v11 =	vmul.f32 v11, v0;
	v41 =	vadd.f32 v49, v41  }
0x29f: {  	v58 =	vmul.f32 v52, v53;
	v8 =	vmul.f32 v8, v3;
	v10 =	vadd.f32 v10, v5  }
0x2a0: {  	s9 =	ssub.f32 s12, s9;
	v21 =	vadd.f32 v40, v57;
	v9 =	vmul.f32 v9, v2;
	v11 =	vadd.f32 v11, v4  }
0x2a1: {  	(xrf2) =	vadd.scan.msk.f32 $0xffff, v41;
	v8 =	vadd.f32 v8, v7;
	[tilespmem:s28+$0xFFFFFFA0] =	vst v10;
	v10 =	vmul.f32 v52, v58  }
0x2a2: {  	v46 =	vld [tilespmem:s28+$0x0];
	s9 =	sadd.f32 $9.999999960e-13, s9;
	v62 =	vmul.f32 v22, v22;
	v61 =	vadd.f32 v24, v22;
	v9 =	vadd.f32 v9, v6;
	[tilespmem:s28+$0xFFFFFF90] =	vst v11  }
0x2a3: {  	v55 =	vld [tilespmem:s28+$0xFFFFFFD0];
	v11 =	vmul.f32 v47, v48;
	[tilespmem:s28+$0xFFFFFFC0] =	vst v8;
	v8 =	vadd.f32 v17, v21;
	v10 =	vsub.f32 $1.500000000e+00, v10  }
0x2a4: {  	v44 =	vmov s9;
	v40 =	vld [tilespmem:s28+$0xFFFFFFE0];
	v59 =	vmul.f32 v17, v17;
	v60 =	vmul.f32 v21, v21;
	[tilespmem:s28+$0xFFFFFFB0] =	vst v9  }
0x2a5: {  	v56 =	vld [tilespmem:s7+$0x40];
	v9 =	vmul.f32 v47, v11;
	v8 =	vadd.f32 v61, v8;
	v10 =	vmul.f32 v52, v10  }
0x2a6: {  	v63 =	vmul.f32 v24, v24;
	v41 =	vadd.f32 v59, v60;
	v60 =	vshra.s32 v44, $0x1;
	v57 =	vld [tilespmem:s7+$0x50]  }
0x2a7: {  	v44 =	vmul.f32 $5.000000000e-01, v44;
	v58, _, _ =	vpop (xrf2);
	v59 =	vld [tilespmem:s7+$0x60];
	v9 =	vsub.f32 $1.500000000e+00, v9;
	v53 =	vmul.f32 v10, v53  }
0x2a8: {  	v49 =	vsub.s32 $0x5F3759DF, v60;
	(v2sf) =	vpush v58, $0xF;
	v11 =	vld [tilespmem:s28+$0xFFFFFFF0];
	v52 =	vmov s10  }
0x2a9: {  	v61 =	vld [tilespmem:s7+$0x70];
	(xrf2) =	vadd.scan.msk.f32 $0xffff, v8;
	v45 =	vmul.f32 v47, v9;
	v9 =	vadd.f32 v63, v62;
	v8, _, _ =	vpop (xrf2);
	v62 =	vmul.f32 v53, v10  }
0x2aa: {  	v23 =	vsub.f32 v23, v52;
	v63 =	vmul.f32 v49, v44;
	(v2sf) =	vpush v8, $0xF  }
0x2ab: {  	v48 =	vmul.f32 v45, v48;
	v41 =	vadd.f32 v9, v41;
	v8, _, _ =	vpop (xrf2);
	v51 =	vsub.f32 $1.500000000e+00, v62  }
0x2ac: {  	v9 =	vadd.f32 v57, v40;
	v42 =	vmul.f32 v49, v63;
	(v2sf) =	vpush v8, $0xF  }
0x2ad: {  	v8 =	vadd.f32 v56, v55;
	v48 =	vmul.f32 v48, v45;
	(xrf2) =	vadd.scan.msk.f32 $0xffff, v41;
	v40 =	vmul.f32 v51, v10  }
0x2ae: {  	v55 =	vmul.f32 v9, v9;
	v10 =	vadd.f32 v59, v11;
	v11 =	vadd.f32 v61, v46  }
0x2af: {  	v54 =	vmul.f32 v8, v8;
	v23 =	vmul.f32 v40, v23  }
0x2b0: {  	(xrf2) =	vadd.scan.msk.f32 $0xffff, v43;
	v56 =	vsub.f32 $1.500000000e+00, v48;
	v47 =	vmul.f32 v10, v10;
	v57 =	vmul.f32 v11, v11  }
0x2b1: {  	v58 =	vadd.f32 v9, v8;
	v41 =	vadd.f32 v55, v54;
	v23 =	vmul.f32 v23, v3  }
0x2b2: {  	v59 =	vadd.f32 v11, v10;
	v43 =	vmul.f32 v56, v45;
	v60 =	vadd.f32 v57, v47  }
0x2b3: {  	v62, _, _ =	vpop (xrf2);
	v45 =	vadd.f32 v23, v7;
	v23 =	vsub.f32 $1.500000000e+00, v42  }
0x2b4: {  	(v2sf) =	vpush v62, $0xF;
	v61 =	vadd.f32 v59, v58;
	v39 =	vmul.f32 v43, v39  }
0x2b5: {  	v20 =	vmul.f32 v43, v20;
	v38 =	vmul.f32 v43, v38;
	v41 =	vadd.f32 v60, v41  }
0x2b6: {  	v30 =	vmul.f32 v43, v30;
	(xrf2) =	vadd.scan.msk.f32 $0xffff, v61;
	v39 =	vmul.f32 v39, v0  }
0x2b7: {  	v51 =	vmul.f32 v20, v1;
	(xrf2) =	vadd.scan.msk.f32 $0xffff, v41;
	v53 =	vmul.f32 v49, v23;
	v23, _, _ =	vpop (xrf2)  }
0x2b8: {  	[tilespmem:s23+$0x0] =	vst v25;
	s13 =	spop (v2sf);
	v38 =	vmul.f32 v38, v2;
	v39 =	vadd.f32 v39, v4;
	(v2sf) =	vpush v23, $0xF  }
0x2b9: {  	[tilespmem:s23+$0xFFFFFFE0] =	vst v27;
	v27 =	vld [tilespmem:s30+$0xFFFFFF70];
	v16 =	vsub.f32 v16, v52;
	v25 =	vmul.f32 v30, v3;
	v30 =	vadd.f32 v51, v5  }
0x2ba: {  	v63 =	vsub.f32 v19, v52;
	v19 =	vld [tilespmem:s28+$0xFFFFFF60];
	s10 =	smul.f32 $1.562500000e-02, s13;
	v38 =	vadd.f32 v38, v6;
	[tilespmem:s28+$0xFFFFFF10] =	vst v39;
	v23, _, _ =	vpop (xrf2)  }
0x2bb: {  	v48 =	vld [tilespmem:s28+$0xFFFFFF50];
	v25 =	vadd.f32 v25, v7;
	v54 =	vmul.f32 v53, v44;
	[tilespmem:s28+$0xFFFFFF20] =	vst v30;
	(v2sf) =	vpush v23, $0xF  }
0x2bc: {  	v50 =	vsub.f32 v18, v52;
	v56 =	vmul.f32 v40, v63;
	v20 =	vld [tilespmem:s28+$0xFFFFFF70];
	v55 =	vmov s10;
	[tilespmem:s28+$0xFFFFFF30] =	vst v38  }
0x2bd: {  	v16 =	vmul.f32 v40, v16;
	s17 =	spop (v2sf);
	v30 =	vsub.f32 v26, v55;
	v26 =	vld [tilespmem:s30+$0xFFFFFF60];
	[tilespmem:s28+$0xFFFFFF40] =	vst v25;
	v57 =	vmul.f32 v54, v53  }
0x2be: {  	v59 =	vmul.f32 v56, v0;
	v25 =	vmul.f32 v40, v50;
	s13 =	smul.f32 $1.562500000e-02, s17;
	v58 =	vld [tilespmem:s7+$0xFFFFFFC0];
	s18 =	spop (v2sf)  }
0x2bf: {  	[tilespmem:s23+$0xFFFFFFD0] =	vst v28;
	v16 =	vmul.f32 v16, v2;
	v28 =	vsub.f32 v37, v55;
	v37 =	vld [tilespmem:s7+$0xFFFFFFD0];
	s12 =	smul.f32 $1.562500000e-02, s18;
	v38 =	vsub.f32 $1.500000000e+00, v57  }
0x2c0: {  	v29 =	vsub.f32 v29, v55;
	v31 =	vsub.f32 v31, v55;
	v44 =	vld [tilespmem:s7+$0xFFFFFFE0];
	v41 =	vmul.f32 v25, v1;
	s17 =	smul.f32 s13, s13;
	v60, _, _ =	vpop (xrf2)  }
0x2c1: {  	[tilespmem:s23+$0xFFFFFFF0] =	vst v36;
	v40 =	vadd.f32 v59, v4;
	v23 =	vld [tilespmem:s30+$0xFFFFFF50];
	v62 =	vmul.f32 v38, v53;
	(v2sf) =	vpush v60, $0xF;
	v61, _, _ =	vpop (xrf2)  }
0x2c2: {  	v18 =	vld [tilespmem:s28+$0xFFFFFF80];
	[tilespmem:s25+$0x0] =	vst v45;
	v63 =	vadd.f32 v41, v5;
	s18 =	ssub.f32 s12, s17;
	(v2sf) =	vpush v61, $0xF  }
0x2c3: {  	s9 =	simm.s32 $0x6;
	s11 =	smul.f32 s10, s10;
	s10 =	simm.s32 $0x9EF0;
	v43 =	vld [tilespmem:s7+$0xFFFFFFF0];
	[tilespmem:s25+$0xFFFFFFD0] =	vst v40;
	v38 =	vadd.f32 v16, v6;
	v41 =	vmul.f32 v62, v32;
	v33 =	vmul.f32 v62, v33  }
0x2c4: {  	s7 =	simm.s32 $0x13380;
	v25 =	vld [tilespmem:s30+$0xFFFFFF80];
	v16 =	vadd.f32 v58, v48;
	[tilespmem:s25+$0xFFFFFFE0] =	vst v63;
	s17 =	sadd.f32 $9.999999960e-13, s18;
	s12 =	spop (v2sf);
	v40 =	vmul.f32 v62, v34;
	v39 =	vmul.f32 v62, v35  }
.LBB2_5:
0x2c5: {  	v45 =	vld [tilespmem:s10+$0xFFFFFF90];
	s12 =	smul.f32 $1.562500000e-02, s12;
	s31 =	sadd.s32 $0x100, s31;
	v37 =	vadd.f32 v37, v19;
	[tilespmem:s25+$0xFFFFFFF0] =	vst v38;
	v46 =	vmul.f32 v41, v0;
	v42 =	vmul.f32 v33, v1  }
0x2c6: {  	v32 =	vmovc v23;
	v19 =	vmovc v26;
	v47 =	vld [tilespmem:s31+$0x0];
	v35 =	vmov s17;
	v38 =	vadd.f32 v44, v20;
	v44 =	vmul.f32 v16, v16  }
0x2c7: {  	v33 =	vmovc v30;
	v20 =	vmovc v27;
	v23 =	vld [tilespmem:s10+$0xFFFFFFA0];
	s17 =	smul.f32 s12, s12;
	v26 =	vmov s12;
	v49 =	vshra.s32 v35, $0x1;
	v48 =	vmul.f32 $5.000000000e-01, v35;
	s12 =	spop (v2sf)  }
0x2c8: {  	v36 =	vmovc v29;
	v34 =	vmovc v31;
	v27 =	vld [tilespmem:s31+$0x10];
	s12 =	smul.f32 $1.562500000e-02, s12;
	v41 =	vsub.f32 v21, v26;
	v30 =	vsub.f32 v17, v26;
	v17 =	vsub.s32 $0x5F3759DF, v49  }
0x2c9: {  	v31 =	vsub.f32 v22, v26;
	v29 =	vsub.f32 v24, v26;
	v21 =	vld [tilespmem:s10+$0xFFFFFFB0];
	v22 =	vmul.f32 v17, v48;
	v35 =	vmovc v28  }
0x2ca: {  	v26 =	vadd.f32 v37, v16;
	v28 =	vadd.f32 v43, v18;
	v43 =	vmul.f32 v37, v37;
	v18 =	vmovc v25;
	v24 =	vld [tilespmem:s31+$0x20];
	s12 =	ssub.f32 s12, s17;
	s17 =	spop (v2sf)  }
0x2cb: {  	v46 =	vadd.f32 v46, v4;
	v49 =	vmul.f32 v38, v38;
	v25 =	vld [tilespmem:s10+$0xFFFFFFC0];
	v22 =	vmul.f32 v17, v22;
	s17 =	smul.f32 $1.562500000e-02, s17  }
0x2cc: {  	v51 =	vadd.f32 v28, v38;
	v43 =	vadd.f32 v43, v44;
	v44 =	vmul.f32 v28, v28;
	v50 =	vld [tilespmem:s31+$0x30];
	s12 =	sadd.f32 $9.999999960e-13, s12  }
0x2cd: {  	v40 =	vmul.f32 v40, v2;
	v39 =	vmul.f32 v39, v3;
	v52 =	vld [tilespmem:s31+$0xFFFFFF80];
	v22 =	vsub.f32 $1.500000000e+00, v22;
	s11 =	ssub.f32 s17, s11;
	[tilespmem:s23+$0xFFFFFF50] =	vst v46  }
0x2ce: {  	v26 =	vadd.f32 v51, v26;
	v49 =	vadd.f32 v44, v49;
	v46 =	vld [tilespmem:s10+$0xFFFFFF20];
	v53 =	vmov s12  }
0x2cf: {  	v51 =	vld [tilespmem:s31+$0xFFFFFF90];
	v54 =	vshra.s32 v53, $0x1;
	v44 =	vmul.f32 $5.000000000e-01, v53;
	v22 =	vmul.f32 v17, v22;
	s17 =	sadd.f32 $9.999999960e-13, s11  }
0x2d0: {  	v45 =	vadd.f32 v47, v45;
	v47 =	vadd.f32 v27, v23;
	v53 =	vld [tilespmem:s10+$0xFFFFFF30];
	v54 =	vsub.s32 $0x5F3759DF, v54;
	(xrf2) =	vadd.scan.msk.f32 $0xffff, v26;
	s11 =	spop (v2sf)  }
0x2d1: {  	v21 =	vadd.f32 v24, v21;
	v55 =	vld [tilespmem:s31+$0xFFFFFFA0];
	v24 =	vadd.f32 v50, v25;
	v17 =	vmul.f32 v22, v48;
	s11 =	smul.f32 $1.562500000e-02, s11;
	s12 =	spop (v2sf)  }
0x2d2: {  	v27 =	vmul.f32 v45, v45;
	v25 =	vadd.f32 v47, v45;
	v26 =	vmul.f32 v54, v44;
	v48 =	vld [tilespmem:s10+$0xFFFFFF40];
	s12 =	smul.f32 $1.562500000e-02, s12  }
0x2d3: {  	v57 =	vmul.f32 v47, v47;
	v50 =	vld [tilespmem:s31+$0xFFFFFFB0];
	v56 =	vadd.f32 v24, v21;
	v58 =	vmul.f32 v17, v22;
	s18 =	smul.f32 s11, s11  }
0x2d4: {  	v59 =	vld [tilespmem:s10+$0xFFFFFF10];
	v17 =	vadd.f32 v51, v46;
	v46 =	vmul.f32 v21, v21;
	v51 =	vmul.f32 v24, v24  }
0x2d5: {  	v60 =	vmul.f32 v54, v26;
	v23 =	vld [tilespmem:s10+$0xFFFFFF50];
	v56 =	vadd.f32 v56, v25;
	v25 =	vsub.f32 $1.500000000e+00, v58;
	s12 =	ssub.f32 s12, s18  }
0x2d6: {  	v57 =	vadd.f32 v57, v27;
	v26 =	vld [tilespmem:s10+$0xFFFFFF60];
	v46 =	vadd.f32 v51, v46;
	v51 =	vmov s13  }
0x2d7: {  	v27 =	vld [tilespmem:s10+$0xFFFFFF70];
	v22 =	vmul.f32 v25, v22;
	v58 =	vsub.f32 v12, v51;
	v61 =	vsub.f32 v14, v51;
	s12 =	sadd.f32 $9.999999960e-13, s12;
	v12 =	vmovc v45  }
0x2d8: {  	v45 =	vmul.f32 v17, v17;
	v63 =	vsub.f32 v15, v51;
	v51 =	vsub.f32 v13, v51;
	v14 =	vmovc v47;
	v25 =	vld [tilespmem:s10+$0xFFFFFF80]  }
0x2d9: {  	v15 =	vmovc v21;
	v13 =	vmovc v24;
	v47 =	vmul.f32 v22, v58;
	v58 =	vmul.f32 v22, v61;
	v61 =	vmov s12  }
0x2da: {  	v24 =	vmul.f32 v22, v63;
	v21 =	vshra.s32 v61, $0x1;
	v61 =	vmul.f32 $5.000000000e-01, v61;
	v62, _, _ =	vpop (xrf2)  }
0x2db: {  	v22 =	vmul.f32 v22, v51;
	(xrf2) =	vadd.scan.msk.f32 $0xffff, v56;
	v47 =	vmul.f32 v47, v0;
	v51 =	vsub.s32 $0x5F3759DF, v21  }
0x2dc: {  	v46 =	vadd.f32 v46, v57;
	v56 =	vmul.f32 v58, v1;
	v57 =	vmul.f32 v51, v61  }
0x2dd: {  	s9 =	sadd.s32 $0x2, s9;
	v21 =	vadd.f32 v52, v59;
	v24 =	vmul.f32 v24, v2;
	v47 =	vadd.f32 v47, v4  }
0x2de: {  	p0 =	slt.u32 s9, $0x62;
	v52 =	vmul.f32 v22, v3;
	(xrf2) =	vadd.scan.msk.f32 $0xffff, v46;
	v46 =	vadd.f32 v56, v5;
	v56 =	vmul.f32 v51, v57  }
0x2df: {  	v22 =	vadd.f32 v55, v53;
	v53 =	vmul.f32 v21, v21;
	[tilespmem:s30+$0xFFFFFF90] =	vst v47;
	v47 =	vadd.f32 v24, v6;
	v55 =	vld [tilespmem:s30+$0xFFFFFFD0]  }
0x2e0: {  	v57 =	vmov s17;
	[tilespmem:s30+$0xFFFFFFA0] =	vst v46;
	v46 =	vadd.f32 v52, v7;
	v52 =	vld [tilespmem:s30+$0xFFFFFFE0];
	v56 =	vsub.f32 $1.500000000e+00, v56  }
0x2e1: {  	v24 =	vadd.f32 v50, v48;
	v48 =	vadd.f32 v17, v21;
	v50 =	vmul.f32 v22, v22;
	[tilespmem:s30+$0xFFFFFFB0] =	vst v47;
	v47 =	vld [tilespmem:s30+$0xFFFFFFF0]  }
0x2e2: {  	v45 =	vadd.f32 v45, v53;
	v53 =	vsub.f32 $1.500000000e+00, v60;
	[tilespmem:s30+$0xFFFFFFC0] =	vst v46;
	v46 =	vld [tilespmem:s30+$0x0];
	v51 =	vmul.f32 v51, v56  }
0x2e3: {  	v43 =	vadd.f32 v49, v43;
	v60 =	vadd.f32 v24, v22;
	v58 =	vmul.f32 v24, v24;
	v59 =	vld [tilespmem:s7+$0x40]  }
0x2e4: {  	v49 =	vmul.f32 v54, v53;
	v53 =	vld [tilespmem:s7+$0x50];
	v54 =	vmul.f32 v51, v61;
	(v2sf) =	vpush v62, $0xF  }
0x2e5: {  	v48 =	vadd.f32 v60, v48;
	v60 =	vshra.s32 v57, $0x1;
	v62 =	vadd.f32 v58, v50;
	v56, _, _ =	vpop (xrf2);
	v58 =	vld [tilespmem:s7+$0x60]  }
0x2e6: {  	v44 =	vmul.f32 v49, v44;
	v60 =	vsub.s32 $0x5F3759DF, v60;
	v61 =	vld [tilespmem:s7+$0x70];
	v54 =	vmul.f32 v54, v51  }
0x2e7: {  	v42 =	vadd.f32 v42, v5;
	v45 =	vadd.f32 v62, v45;
	(xrf2) =	vadd.scan.msk.f32 $0xffff, v48;
	v48 =	vmul.f32 $5.000000000e-01, v57  }
0x2e8: {  	v44 =	vmul.f32 v44, v49;
	(v2sf) =	vpush v56, $0xF;
	v50, _, _ =	vpop (xrf2);
	v54 =	vsub.f32 $1.500000000e+00, v54  }
0x2e9: {  	(v2sf) =	vpush v50, $0xF;
	v50 =	vadd.f32 v59, v55;
	v55 =	vmov s11;
	[tilespmem:s23+$0xFFFFFF60] =	vst v42  }
0x2ea: {  	v42 =	vadd.f32 v53, v52;
	(xrf2) =	vadd.scan.msk.f32 $0xffff, v45;
	v45 =	vmul.f32 v54, v51;
	v51 =	vsub.f32 v11, v55  }
0x2eb: {  	v47 =	vadd.f32 v58, v47;
	v11 =	vadd.f32 v61, v46;
	v46 =	vmul.f32 v60, v48  }
0x2ec: {  	v52 =	vadd.f32 v42, v50;
	v53 =	vmul.f32 v50, v50;
	v51 =	vmul.f32 v45, v51  }
0x2ed: {  	v56 =	vmul.f32 v42, v42;
	v57 =	vmul.f32 v47, v47;
	v54 =	vadd.f32 v11, v47;
	(xrf2) =	vadd.scan.msk.f32 $0xffff, v43  }
0x2ee: {  	v43 =	vsub.f32 $1.500000000e+00, v44;
	v44 =	vmul.f32 v11, v11;
	v58 =	vmul.f32 v51, v3  }
0x2ef: {  	v53 =	vadd.f32 v56, v53;
	v46 =	vmul.f32 v60, v46;
	v52 =	vadd.f32 v54, v52  }
0x2f0: {  	v43 =	vmul.f32 v43, v49;
	v44 =	vadd.f32 v44, v57;
	v49 =	vadd.f32 v58, v7  }
0x2f1: {  	v46 =	vsub.f32 $1.500000000e+00, v46;
	v51, _, _ =	vpop (xrf2);
	(xrf2) =	vadd.scan.msk.f32 $0xffff, v52;
	v52 =	vsub.f32 v8, v55;
	v8 =	vmov v50  }
0x2f2: {  	v41 =	vmul.f32 v43, v41;
	v44 =	vadd.f32 v44, v53;
	(v2sf) =	vpush v51, $0xF;
	[tilespmem:s28+$0x0] =	vst v49  }
0x2f3: {  	v30 =	vmul.f32 v43, v30;
	v31 =	vmul.f32 v43, v31;
	v49 =	vsub.f32 v9, v55;
	v9 =	vmovc v42;
	s11 =	spop (v2sf)  }
0x2f4: {  	v29 =	vmul.f32 v43, v29;
	v43 =	vsub.f32 v10, v55;
	v41 =	vmul.f32 v41, v0;
	v42, _, _ =	vpop (xrf2);
	(xrf2) =	vadd.scan.msk.f32 $0xffff, v44;
	s12 =	smul.f32 $1.562500000e-02, s11  }
0x2f5: {  	v10 =	vmovc v47;
	v30 =	vmul.f32 v30, v1;
	v31 =	vmul.f32 v31, v2;
	(v2sf) =	vpush v42, $0xF  }
0x2f6: {  	v29 =	vmul.f32 v29, v3;
	v41 =	vadd.f32 v41, v4;
	v42 =	vmul.f32 v60, v46;
	s11 =	smul.f32 s12, s12  }
0x2f7: {  	v30 =	vadd.f32 v30, v5;
	v31 =	vadd.f32 v31, v6;
	v44 =	vmov s12;
	s13 =	spop (v2sf);
	v46, _, _ =	vpop (xrf2)  }
0x2f8: {  	s12 =	spop (v2sf);
	[tilespmem:s30+$0xFFFFFF10] =	vst v41;
	v41 =	vadd.f32 v29, v7;
	(v2sf) =	vpush v46, $0xF;
	v46 =	vmul.f32 v42, v48  }
0x2f9: {  	v29 =	vsub.f32 v37, v44;
	[tilespmem:s30+$0xFFFFFF20] =	vst v30;
	v30 =	vsub.f32 v16, v44;
	v16 =	vmul.f32 v45, v52  }
0x2fa: {  	v28 =	vsub.f32 v28, v44;
	s13 =	smul.f32 $1.562500000e-02, s13;
	[tilespmem:s30+$0xFFFFFF30] =	vst v31;
	v31 =	vsub.f32 v38, v44;
	v37 =	vmul.f32 v46, v42  }
0x2fb: {  	v40 =	vadd.f32 v40, v6;
	v43 =	vmul.f32 v45, v43;
	s12 =	smul.f32 $1.562500000e-02, s12;
	[tilespmem:s30+$0xFFFFFF40] =	vst v41;
	v38, _, _ =	vpop (xrf2);
	v41 =	vmul.f32 v45, v49  }
0x2fc: {  	v39 =	vadd.f32 v39, v7;
	s17 =	smul.f32 s13, s13;
	v16 =	vmul.f32 v16, v0;
	v45 =	vld [tilespmem:s7+$0xFFFFFFC0];
	v46 =	vsub.f32 $1.500000000e+00, v37  }
.Ltmp3:
0x2fd: {  	v47 =	vmul.f32 v43, v2;
	v37 =	vld [tilespmem:s7+$0xFFFFFFD0];
	v41 =	vmul.f32 v41, v1;
	[tilespmem:s23+$0xFFFFFF70] =	vst v40;
	(pc) =	sbr.rel @p0 .LBB2_5-.Ltmp3, $4  }
0x2fe: {  	v16 =	vadd.f32 v16, v4;
	v44 =	vld [tilespmem:s7+$0xFFFFFFE0];
	(v2sf) =	vpush v38, $0xF;
	v38, _, _ =	vpop (xrf2);
	v42 =	vmul.f32 v46, v42;
	[tilespmem:s23+$0xFFFFFF80] =	vst v39;
	s23 =	smov.u32 s25;
	s25 =	smov.u32 s28;
	s28 =	smov.u32 s30  }
0x2ff: {  	s12 =	ssub.f32 s12, s17;
	s30 =	smov.u32 s10;
	v43 =	vld [tilespmem:s7+$0xFFFFFFF0];
	(v2sf) =	vpush v38, $0xF;
	v39 =	vadd.f32 v41, v5;
	s7 =	smov.u32 s31  }
0x300: {  	v38 =	vadd.f32 v47, v6;
	[tilespmem:s25+$0xFFFFFFD0] =	vst v16;
	v41 =	vmul.f32 v42, v33;
	v33 =	vmul.f32 v42, v36  }
0x301: {  	s17 =	sadd.f32 $9.999999960e-13, s12;
	s10 =	sadd.s32 $0x100, s10;
	v40 =	vmul.f32 v42, v34;
	s12 =	spop (v2sf);
	v16 =	vadd.f32 v45, v32;
	[tilespmem:s25+$0xFFFFFFE0] =	vst v39;
	v39 =	vmul.f32 v42, v35  }
0x302: {  	_ = 	snop  }
0x303: {  	v32 =	vmov s17  }
0x304: {  	v34 =	vshra.s32 v32, $0x1;
	v32 =	vmul.f32 $5.000000000e-01, v32  }
0x305: {  	v34 =	vsub.s32 $0x5F3759DF, v34  }
0x306: {  	v35 =	vmul.f32 v34, v32;
	_ =	sdelay $0x1  }
0x307: {  	v35 =	vmul.f32 v34, v35;
	_ =	sdelay $0x1  }
0x308: {  	v35 =	vsub.f32 $1.500000000e+00, v35;
	_ =	sdelay $0x1  }
0x309: {  	v34 =	vmul.f32 v34, v35;
	_ =	sdelay $0x1  }
0x30a: {  	v32 =	vmul.f32 v34, v32;
	_ =	sdelay $0x1  }
0x30b: {  	s9 =	smul.f32 $1.562500000e-02, s12;
	v32 =	vmul.f32 v32, v34;
	_ =	sdelay $0x1  }
0x30c: {  	s10 =	smul.f32 s9, s9;
	s18 =	spop (v2sf);
	v32 =	vsub.f32 $1.500000000e+00, v32  }
0x30d: {  	v51 =	vmov s13;
	s12 =	smul.f32 $1.562500000e-02, s18  }
0x30e: {  	v12 =	vsub.f32 v12, v51;
	v32 =	vmul.f32 v32, v34  }
0x30f: {  	s10 =	ssub.f32 s12, s10  }
0x310: {  	v12 =	vmul.f32 v32, v12  }
0x311: {  	v14 =	vsub.f32 v14, v51;
	s10 =	sadd.f32 $9.999999960e-13, s10  }
0x312: {  	v12 =	vmul.f32 v12, v0  }
0x313: {  	v15 =	vsub.f32 v15, v51;
	v52 =	vmov s10;
	v14 =	vmul.f32 v32, v14  }
0x314: {  	v13 =	vsub.f32 v13, v51;
	v34 =	vmul.f32 $5.000000000e-01, v52;
	v12 =	vadd.f32 v12, v4  }
0x315: {  	v53 =	vshra.s32 v52, $0x1;
	v15 =	vmul.f32 v32, v15;
	v14 =	vmul.f32 v14, v1  }
0x316: {  	v13 =	vmul.f32 v32, v13;
	[tilespmem:s30+$0xFFFFFF90] =	vst v12;
	v12 =	vsub.s32 $0x5F3759DF, v53  }
0x317: {  	v15 =	vmul.f32 v15, v2;
	v14 =	vadd.f32 v14, v5;
	v55 =	vmul.f32 v12, v34  }
0x318: {  	v13 =	vmul.f32 v13, v3  }
0x319: {  	v54 =	vld [tilespmem:s30+$0xFFFFFFD0];
	v15 =	vadd.f32 v15, v6;
	[tilespmem:s30+$0xFFFFFFA0] =	vst v14;
	v14 =	vmul.f32 v12, v55  }
0x31a: {  	v36 =	vld [tilespmem:s30+$0xFFFFFFE0];
	v13 =	vadd.f32 v13, v7  }
0x31b: {  	v57 =	vld [tilespmem:s30+$0x0];
	[tilespmem:s30+$0xFFFFFFB0] =	vst v15;
	v14 =	vsub.f32 $1.500000000e+00, v14  }
0x31c: {  	v56 =	vadd.f32 v37, v19;
	v19 =	vadd.f32 v44, v20;
	v15 =	vld [tilespmem:s30+$0xFFFFFFF0];
	[tilespmem:s30+$0xFFFFFFC0] =	vst v13;
	v13 =	vmov s9  }
0x31d: {  	v20 =	vsub.f32 v21, v13;
	v21 =	vadd.f32 v43, v18;
	v59 =	vld [tilespmem:s7+$0x60];
	v58 =	vmul.f32 v12, v14  }
0x31e: {  	v46 =	vmul.f32 v19, v19;
	v17 =	vsub.f32 v17, v13;
	v22 =	vsub.f32 v22, v13;
	v48 =	vld [tilespmem:s7+$0x70]  }
0x31f: {  	v42 =	vld [tilespmem:s7+$0x40];
	v24 =	vsub.f32 v24, v13;
	v13 =	vmul.f32 v21, v21;
	v34 =	vmul.f32 v58, v34  }
0x320: {  	v45 =	vmul.f32 v56, v56;
	v18 =	vld [tilespmem:s7+$0x50]  }
0x321: {  	v47 =	vadd.f32 v21, v19;
	v46 =	vadd.f32 v13, v46;
	v34 =	vmul.f32 v34, v58  }
0x322: {  	v13 =	vadd.f32 v59, v15;
	v12 =	vmul.f32 v16, v16;
	v14 =	vadd.f32 v56, v16  }
0x323: {  	v15 =	vadd.f32 v48, v57;
	v34 =	vsub.f32 $1.500000000e+00, v34  }
0x324: {  	v45 =	vadd.f32 v45, v12;
	v47 =	vadd.f32 v47, v14  }
0x325: {  	v14 =	vadd.f32 v42, v54;
	v12 =	vadd.f32 v18, v36;
	v18 =	vmul.f32 v34, v58  }
0x326: {  	v61 =	vmul.f32 v13, v13  }
0x327: {  	v37 =	vadd.f32 v15, v13;
	v35 =	vmul.f32 v14, v14;
	v20 =	vmul.f32 v18, v20  }
0x328: {  	v60 =	vadd.f32 v12, v14;
	v36 =	vmul.f32 v12, v12;
	v17 =	vmul.f32 v18, v17  }
0x329: {  	v62 =	vadd.f32 v46, v45;
	v22 =	vmul.f32 v18, v22;
	v20 =	vmul.f32 v20, v0  }
0x32a: {  	(xrf2) =	vadd.scan.msk.f32 $0xffff, v47;
	v34 =	vadd.f32 v37, v60;
	v18 =	vmul.f32 v18, v24;
	v17 =	vmul.f32 v17, v1  }
0x32b: {  	v63 =	vmul.f32 v15, v15;
	(xrf2) =	vadd.scan.msk.f32 $0xffff, v62;
	v22 =	vmul.f32 v22, v2;
	v20 =	vadd.f32 v20, v4  }
0x32c: {  	v35 =	vadd.f32 v36, v35;
	(xrf2) =	vadd.scan.msk.f32 $0xffff, v34;
	v18 =	vmul.f32 v18, v3;
	v17 =	vadd.f32 v17, v5  }
0x32d: {  	v24 =	vadd.f32 v63, v61;
	v22 =	vadd.f32 v22, v6;
	[tilespmem:s30+$0xFFFFFF10] =	vst v20  }
0x32e: {  	v18 =	vadd.f32 v18, v7;
	[tilespmem:s30+$0xFFFFFF20] =	vst v17  }
0x32f: {  	v24 =	vadd.f32 v24, v35;
	[tilespmem:s30+$0xFFFFFF30] =	vst v22  }
0x330: {  	[tilespmem:s30+$0xFFFFFF40] =	vst v18  }
0x331: {  	(xrf2) =	vadd.scan.msk.f32 $0xffff, v24;
	v17 =	vld [tilespmem:s7+$0xFFFFFFC0]  }
0x332: {  	v18 =	vld [tilespmem:s7+$0xFFFFFFD0]  }
0x333: {  	v20 =	vld [tilespmem:s7+$0xFFFFFFE0]  }
0x334: {  	s31 =	spop (v2sf);
	v24 =	vld [tilespmem:s7+$0xFFFFFFF0];
	v22, _, _ =	vpop (xrf2)  }
0x335: {  	s10 =	spop (v2sf);
	(v2sf) =	vpush v22, $0xF;
	v22, _, _ =	vpop (xrf2)  }
0x336: {  	s12 =	spop (v2sf);
	s9 =	smul.f32 $1.562500000e-02, s10;
	(v2sf) =	vpush v22, $0xF;
	v22, _, _ =	vpop (xrf2)  }
0x337: {  	s10 =	smul.f32 $1.562500000e-02, s12;
	(v2sf) =	vpush v22, $0xF  }
0x338: {  	s13 =	smul.f32 s9, s9;
	v22 =	vadd.f32 v17, v23;
	v18 =	vadd.f32 v18, v26  }
0x339: {  	v20 =	vadd.f32 v20, v27;
	v17 =	vadd.f32 v24, v25  }
0x33a: {  	s10 =	ssub.f32 s10, s13  }
0x33b: {  	v23, _, _ =	vpop (xrf2);
	v24 =	vadd.f32 v18, v22;
	v26 =	vadd.f32 v17, v20  }
0x33c: {  	s10 =	sadd.f32 $9.999999960e-13, s10;
	v25 =	vmul.f32 v18, v18;
	(v2sf) =	vpush v23, $0xF;
	v23 =	vmul.f32 v22, v22  }
0x33d: {  	v27 =	vmul.f32 v20, v20;
	v45 =	vmul.f32 v17, v17;
	v24 =	vadd.f32 v26, v24  }
0x33e: {  	v26 =	vmov s10;
	v23 =	vadd.f32 v25, v23  }
0x33f: {  	v25 =	vadd.f32 v45, v27;
	(xrf2) =	vadd.scan.msk.f32 $0xffff, v24;
	v24 =	vshra.s32 v26, $0x1;
	v26 =	vmul.f32 $5.000000000e-01, v26  }
0x340: {  	v24 =	vsub.s32 $0x5F3759DF, v24  }
0x341: {  	v23 =	vadd.f32 v25, v23;
	v25 =	vmul.f32 v24, v26;
	_ =	sdelay $0x1  }
0x342: {  	(xrf2) =	vadd.scan.msk.f32 $0xffff, v23;
	v23 =	vmul.f32 v24, v25;
	_ =	sdelay $0x1  }
0x343: {  	v23 =	vsub.f32 $1.500000000e+00, v23;
	_ =	sdelay $0x1  }
0x344: {  	s10 =	spop (v2sf);
	v23 =	vmul.f32 v24, v23  }
0x345: {  	s7 =	smul.f32 $1.562500000e-02, s31;
	s12 =	spop (v2sf)  }
0x346: {  	s17 =	spop (v2sf);
	v25 =	vmul.f32 v23, v26  }
0x347: {  	s11 =	ssub.f32 s7, s11;
	s7 =	smul.f32 $1.562500000e-02, s17;
	v24, _, _ =	vpop (xrf2)  }
0x348: {  	(v2sf) =	vpush v24, $0xF  }
0x349: {  	v33 =	vmul.f32 v33, v1;
	s31 =	smul.f32 s7, s7;
	s18 =	spop (v2sf)  }
0x34a: {  	v39 =	vmul.f32 v39, v3;
	s11 =	sadd.f32 $9.999999960e-13, s11;
	v24 =	vmul.f32 v25, v23;
	s13 =	smul.f32 $1.562500000e-02, s18;
	v25, _, _ =	vpop (xrf2)  }
0x34b: {  	(v2sf) =	vpush v25, $0xF  }
0x34c: {  	v33 =	vadd.f32 v33, v5;
	v52 =	vadd.f32 v39, v7;
	v26 =	vmov s11;
	s18 =	ssub.f32 s13, s31  }
0x34d: {  	v24 =	vsub.f32 $1.500000000e+00, v24;
	v25 =	vshra.s32 v26, $0x1;
	v26 =	vmul.f32 $5.000000000e-01, v26  }
0x34e: {  	v48 =	vmul.f32 v40, v2;
	v46 =	vmov s9;
	v25 =	vsub.s32 $0x5F3759DF, v25;
	s31 =	sadd.f32 $9.999999960e-13, s18  }
0x34f: {  	v11 =	vsub.f32 v11, v46;
	v23 =	vmul.f32 v24, v23;
	v24 =	vmul.f32 v25, v26  }
0x350: {  	v8 =	vsub.f32 v8, v46;
	v27 =	vmul.f32 v41, v0;
	v47 =	vmov s31  }
0x351: {  	v24 =	vmul.f32 v25, v24;
	v49 =	vshra.s32 v47, $0x1;
	v35 =	vmul.f32 $5.000000000e-01, v47  }
0x352: {  	v9 =	vsub.f32 v9, v46;
	v10 =	vsub.f32 v10, v46;
	v37 =	vsub.s32 $0x5F3759DF, v49  }
0x353: {  	v27 =	vadd.f32 v27, v4;
	v24 =	vsub.f32 $1.500000000e+00, v24;
	v50 =	vmul.f32 v37, v35  }
0x354: {  	v54 =	vmov s7;
	v11 =	vmul.f32 v23, v11;
	v8 =	vmul.f32 v23, v8  }
0x355: {  	s11 =	smul.f32 $1.562500000e-02, s10;
	v15 =	vsub.f32 v15, v54;
	v24 =	vmul.f32 v25, v24;
	v40 =	vmul.f32 v37, v50  }
0x356: {  	s12 =	smul.f32 $1.562500000e-02, s12;
	v12 =	vsub.f32 v12, v54;
	v9 =	vmul.f32 v23, v9;
	v10 =	vmul.f32 v23, v10  }
0x357: {  	s10 =	smul.f32 s11, s11;
	v11 =	vmul.f32 v11, v3;
	v26 =	vmul.f32 v24, v26;
	v51 =	vsub.f32 $1.500000000e+00, v40;
	s13 =	spop (v2sf)  }
0x358: {  	v13 =	vsub.f32 v13, v54;
	v8 =	vmul.f32 v8, v0;
	v9 =	vmul.f32 v9, v1;
	s9 =	smul.f32 $1.562500000e-02, s13  }
0x359: {  	s10 =	ssub.f32 s12, s10;
	v11 =	vadd.f32 v11, v7;
	v26 =	vmul.f32 v26, v24;
	v23 =	vmul.f32 v37, v51  }
0x35a: {  	v10 =	vmul.f32 v10, v2;
	v8 =	vadd.f32 v8, v4;
	v9 =	vadd.f32 v9, v5;
	s17 =	smul.f32 s9, s9;
	s18 =	spop (v2sf)  }
0x35b: {  	s10 =	sadd.f32 $9.999999960e-13, s10;
	v25 =	vmov s11;
	v26 =	vsub.f32 $1.500000000e+00, v26;
	v35 =	vmul.f32 v23, v35;
	s12 =	smul.f32 $1.562500000e-02, s18  }
0x35c: {  	v10 =	vadd.f32 v10, v6;
	v16 =	vsub.f32 v16, v25  }
0x35d: {  	v24 =	vmul.f32 v26, v24;
	v26 =	vmov s10;
	v35 =	vmul.f32 v35, v23;
	s31 =	ssub.f32 s12, s17  }
0x35e: {  	v32 =	vsub.f32 v56, v25;
	v53 =	vshra.s32 v26, $0x1;
	v26 =	vmul.f32 $5.000000000e-01, v26  }
0x35f: {  	v19 =	vsub.f32 v19, v25;
	v36 =	vsub.s32 $0x5F3759DF, v53;
	v35 =	vsub.f32 $1.500000000e+00, v35;
	s10 =	sadd.f32 $9.999999960e-13, s31  }
0x360: {  	v21 =	vsub.f32 v21, v25;
	v30 =	vmul.f32 v24, v30;
	v55 =	vmul.f32 v36, v26  }
0x361: {  	v29 =	vmul.f32 v24, v29;
	v23 =	vmul.f32 v35, v23;
	v56 =	vmov s10  }
0x362: {  	v39 =	vmul.f32 v36, v55;
	v57 =	vshra.s32 v56, $0x1;
	v35 =	vmul.f32 $5.000000000e-01, v56  }
0x363: {  	v31 =	vmul.f32 v24, v31;
	v24 =	vmul.f32 v24, v28;
	v28 =	vsub.s32 $0x5F3759DF, v57  }
0x364: {  	v30 =	vmul.f32 v30, v0;
	v39 =	vsub.f32 $1.500000000e+00, v39;
	v40 =	vmul.f32 v28, v35  }
0x365: {  	v25 =	vadd.f32 v48, v6;
	[tilespmem:s28+$0x0] =	vst v11;
	v11 =	vsub.f32 v14, v54  }
0x366: {  	[tilespmem:s23+$0xFFFFFF50] =	vst v27;
	v27 =	vadd.f32 v30, v4;
	v30 =	vmul.f32 v36, v39;
	v58 =	vmul.f32 v28, v40  }
0x367: {  	[tilespmem:s23+$0xFFFFFF70] =	vst v25;
	v25 =	vmov s9;
	v29 =	vmul.f32 v29, v1;
	v31 =	vmul.f32 v31, v2  }
0x368: {  	[tilespmem:s25+$0xFFFFFFF0] =	vst v38;
	v24 =	vmul.f32 v24, v3;
	v14 =	vmul.f32 v30, v26;
	v26 =	vsub.f32 $1.500000000e+00, v58  }
0x369: {  	[tilespmem:s28+$0xFFFFFFD0] =	vst v8;
	v8 =	vsub.f32 v22, v25;
	v15 =	vmul.f32 v23, v15;
	v11 =	vmul.f32 v23, v11  }
0x36a: {  	[tilespmem:s28+$0xFFFFFFE0] =	vst v9;
	v9 =	vsub.f32 v20, v25;
	v14 =	vmul.f32 v14, v30;
	v26 =	vmul.f32 v28, v26  }
0x36b: {  	[tilespmem:s28+$0xFFFFFFF0] =	vst v10;
	v10 =	vsub.f32 v17, v25;
	v12 =	vmul.f32 v23, v12;
	v13 =	vmul.f32 v23, v13  }
0x36c: {  	[tilespmem:s23+$0xFFFFFF60] =	vst v33;
	v15 =	vmul.f32 v15, v3;
	v14 =	vsub.f32 $1.500000000e+00, v14;
	v20 =	vmul.f32 v26, v35  }
0x36d: {  	[tilespmem:s23+$0xFFFFFF80] =	vst v52;
	v17 =	vadd.f32 v31, v6;
	v11 =	vmul.f32 v11, v0;
	v12 =	vmul.f32 v12, v1  }
0x36e: {  	[tilespmem:s25+$0xFFFFFF50] =	vst v27;
	v15 =	vadd.f32 v15, v7;
	v14 =	vmul.f32 v14, v30;
	v20 =	vmul.f32 v20, v26  }
0x36f: {  	v29 =	vadd.f32 v29, v5;
	[tilespmem:s25+$0xFFFFFF70] =	vst v17;
	v13 =	vmul.f32 v13, v2;
	v11 =	vadd.f32 v11, v4  }
0x370: {  	v12 =	vadd.f32 v12, v5;
	[tilespmem:s30+$0x0] =	vst v15;
	v15 =	vmul.f32 v14, v16;
	v16 =	vsub.f32 $1.500000000e+00, v20  }
0x371: {  	[tilespmem:s30+$0xFFFFFFD0] =	vst v11;
	v11 =	vadd.f32 v13, v6;
	v17 =	vmul.f32 v14, v32;
	v13 =	vmul.f32 v14, v21  }
0x372: {  	v18 =	vsub.f32 v18, v25;
	[tilespmem:s25+$0xFFFFFF60] =	vst v29;
	v15 =	vmul.f32 v15, v0;
	v16 =	vmul.f32 v16, v26  }
0x373: {  	v22 =	vadd.f32 v24, v7;
	[tilespmem:s30+$0xFFFFFFE0] =	vst v12;
	v19 =	vmul.f32 v14, v19;
	v14 =	vmul.f32 v17, v1  }
0x374: {  	[tilespmem:s30+$0xFFFFFFF0] =	vst v11;
	v11 =	vmul.f32 v13, v3;
	v12 =	vadd.f32 v15, v4;
	v8 =	vmul.f32 v16, v8  }
0x375: {  	[tilespmem:s25+$0xFFFFFF80] =	vst v22;
	v15 =	vmul.f32 v19, v2;
	v13 =	vadd.f32 v14, v5;
	v14 =	vmul.f32 v16, v18  }
0x376: {  	v11 =	vadd.f32 v11, v7;
	[tilespmem:s28+$0xFFFFFF50] =	vst v12;
	v9 =	vmul.f32 v16, v9;
	v8 =	vmul.f32 v8, v0  }
0x377: {  	v12 =	vadd.f32 v15, v6;
	[tilespmem:s28+$0xFFFFFF60] =	vst v13;
	v10 =	vmul.f32 v16, v10;
	v13 =	vmul.f32 v14, v1  }
0x378: {  	[tilespmem:s28+$0xFFFFFF80] =	vst v11;
	v9 =	vmul.f32 v9, v2;
	v8 =	vadd.f32 v8, v4  }
0x379: {  	s9 =	sadd.s32 s22, s8;
	[tilespmem:s28+$0xFFFFFF70] =	vst v12;
	v10 =	vmul.f32 v10, v3;
	v11 =	vadd.f32 v13, v5  }
0x37a: {  	s7 =	smul.u32 $0x640, s9;
	[tilespmem:s30+$0xFFFFFF50] =	vst v8;
	v8 =	vadd.f32 v9, v6  }
0x37b: {  	[tilespmem:s30+$0xFFFFFF60] =	vst v11;
	v9 =	vadd.f32 v10, v7  }
0x37c: {  	s22 =	sadd.s32 s4, s7;
	[tilespmem:s30+$0xFFFFFF70] =	vst v8  }
0x37d: {  	p0 =	seq.s32 s19, $0x1F;
	s7 =	sadd.s32 $0x640, s22;
	[tilespmem:s30+$0xFFFFFF80] =	vst v9  }
0x37e: {  	[hbm4b:s7+s5] =	stream.linear.scatter [tilespmem:s20], [sflag:$0x6], $0x3200, $0x38;
	[tilespmem:$0x16280] =	vst v63  }
0x37f: {  	s9 =	smul.u32 @!p0 $0xD00, s19;
	s7 =	simm.s32 @!p0 $0x5  }
0x380: {  	_ =	swait.ge @!p0 [sflag:s7], $0x3200  }
0x381: {  	s23 =	sshra.s32 @!p0 s9, $0x2;
	s9 =	simm.s32 @!p0 $0x64;
	[sflag:s7] =	ssyncset.done @!p0 $0x0  }
0x382: {  	s10 =	simm.s32 @!p0 $0x6800;
	[sflag:s7] =	ssyncadd.s32 @!p0 $0xFFFFCE00;
	s7 =	sadd.s32 @!p0 $0x340, s23  }
0x383: {  	[tilespmem:s10], [sflag:$0x1] =	stream.indirect.gather @!p0 [hbm4b:s6+s9], $0x40, s7, s9, $0xb8;
	[tilespmem:$0x16280] =	vst v63  }
0x384: {  	s7 =	sadd.s32 @!p0 $0x3A8, s23;
	s10 =	simm.s32 @!p0 $0x8100  }
0x385: {  	[tilespmem:s10], [sflag:$0x1] =	stream.indirect.gather @!p0 [hbm4b:s6+s9], $0x40, s7, s9, $0xb8;
	[tilespmem:$0x16280] =	vst v63  }
0x386: {  	_ =	swait.ge [sflag:s1], $0x1900  }
0x387: {  	[sflag:s1] =	ssyncset.done $0x0  }
0x388: {  	[sflag:s1] =	ssyncadd.s32 $0xFFFFE700  }
0x389: {  	_ =	swait.ge [sflag:s1], $0x1900  }
0x38a: {  	[sflag:s1] =	ssyncset.done $0x0  }
0x38b: {  	s25 =	simm.s32 $0x0;
	[sflag:s1] =	ssyncadd.s32 $0xFFFFE700  }
0x38c: {  	v8 =	vld [tilespmem:s25+$0xCCC0]  }
0x38d: {  	v9 =	vld [tilespmem:s25+$0x130C0]  }
0x38e: {  	v10 =	vld [tilespmem:s25+$0xCCD0]  }
0x38f: {  	v11 =	vld [tilespmem:s25+$0x130D0]  }
0x390: {  	v12 =	vld [tilespmem:s25+$0xCCE0]  }
0x391: {  	v13 =	vld [tilespmem:s25+$0x130E0]  }
0x392: {  	v14 =	vld [tilespmem:s25+$0xCCF0]  }
0x393: {  	v15 =	vld [tilespmem:s25+$0x130F0]  }
0x394: {  	v16 =	vld [tilespmem:s25+$0xCC00]  }
0x395: {  	v17 =	vld [tilespmem:s25+$0x13000]  }
0x396: {  	v18 =	vld [tilespmem:s25+$0xCC10]  }
0x397: {  	v25 =	vld [tilespmem:s25+$0x13030]  }
0x398: {  	v26 =	vld [tilespmem:s25+$0xCC40];
	v22 =	vadd.f32 v9, v8;
	v21 =	vadd.f32 v11, v10  }
0x399: {  	v8 =	vld [tilespmem:s25+$0x13010];
	v20 =	vadd.f32 v13, v12;
	v9 =	vadd.f32 v15, v14  }
0x39a: {  	v10 =	vld [tilespmem:s25+$0xCC20];
	v12 =	vmul.f32 v22, v22;
	v13 =	vmul.f32 v21, v21  }
0x39b: {  	v11 =	vld [tilespmem:s25+$0x13020];
	v15 =	vmul.f32 v20, v20;
	v19 =	vmul.f32 v9, v9  }
0x39c: {  	v14 =	vld [tilespmem:s25+$0xCC30];
	v23 =	vadd.f32 v21, v22;
	v24 =	vadd.f32 v9, v20  }
0x39d: {  	v27 =	vld [tilespmem:s25+$0x13070];
	v12 =	vadd.f32 v13, v12;
	v13 =	vadd.f32 v19, v15  }
0x39e: {  	v30 =	vld [tilespmem:s25+$0xCC80];
	v15 =	vadd.f32 v24, v23  }
0x39f: {  	v19 =	vld [tilespmem:s25+$0x13040];
	v12 =	vadd.f32 v13, v12  }
0x3a0: {  	v23 =	vld [tilespmem:s25+$0xCC50];
	v8 =	vadd.f32 v8, v18;
	v10 =	vadd.f32 v11, v10;
	(xrf2) =	vadd.scan.msk.f32 $0xffff, v15  }
0x3a1: {  	v11 =	vadd.f32 v25, v14;
	v13 =	vld [tilespmem:s25+$0x13050];
	v15 =	vadd.f32 v17, v16;
	(xrf2) =	vadd.scan.msk.f32 $0xffff, v12  }
0x3a2: {  	v16 =	vld [tilespmem:s25+$0xCC60];
	v24 =	vmul.f32 v8, v8  }
0x3a3: {  	v17 =	vld [tilespmem:s25+$0xCC70];
	v25 =	vadd.f32 v11, v10;
	v28 =	vmul.f32 v10, v10;
	v18 =	vadd.f32 v8, v15  }
0x3a4: {  	v29 =	vmul.f32 v11, v11;
	v12 =	vld [tilespmem:s25+$0x13060];
	v14 =	vmul.f32 v15, v15  }
0x3a5: {  	v18 =	vadd.f32 v25, v18;
	v25 =	vld [tilespmem:s25+$0x13080]  }
0x3a6: {  	v14 =	vadd.f32 v24, v14;
	v24 =	vadd.f32 v29, v28;
	v28 =	vld [tilespmem:s25+$0xCC90]  }
0x3a7: {  	v19 =	vadd.f32 v19, v26;
	v29 =	vld [tilespmem:s25+$0x130A0];
	v13 =	vadd.f32 v13, v23;
	(xrf2) =	vadd.scan.msk.f32 $0xffff, v18  }
0x3a8: {  	v17 =	vadd.f32 v27, v17;
	v27 =	vld [tilespmem:s25+$0x130B0];
	v14 =	vadd.f32 v24, v14  }
0x3a9: {  	v18 =	vld [tilespmem:s25+$0x13090];
	v12 =	vadd.f32 v12, v16  }
0x3aa: {  	v23 =	vmul.f32 v19, v19;
	v24 =	vld [tilespmem:s25+$0xCCA0];
	v26 =	vmul.f32 v13, v13;
	v16, _, _ =	vpop (xrf2);
	(xrf2) =	vadd.scan.msk.f32 $0xffff, v14  }
0x3ab: {  	v61 =	vmul.f32 v17, v17;
	v31 =	vadd.f32 v17, v12;
	v14 =	vld [tilespmem:s25+$0xCCB0];
	(v2sf) =	vpush v16, $0xF;
	v16, _, _ =	vpop (xrf2)  }
0x3ac: {  	v59 =	vadd.f32 v26, v23;
	v60 =	vmul.f32 v12, v12;
	(v2sf) =	vpush v16, $0xF  }
0x3ad: {  	v26 =	vadd.f32 v25, v30;
	v16 =	vadd.f32 v13, v19  }
0x3ae: {  	v23 =	vadd.f32 v18, v28;
	v18 =	vadd.f32 v61, v60  }
0x3af: {  	v24 =	vadd.f32 v29, v24;
	v16 =	vadd.f32 v31, v16  }
0x3b0: {  	v18 =	vadd.f32 v18, v59;
	v25 =	vadd.f32 v27, v14  }
0x3b1: {  	v28 =	vmul.f32 v23, v23;
	v27, _, _ =	vpop (xrf2);
	(xrf2) =	vadd.scan.msk.f32 $0xffff, v16;
	v16 =	vadd.f32 v23, v26  }
0x3b2: {  	v14 =	vmul.f32 v26, v26;
	(v2sf) =	vpush v27, $0xF;
	v27 =	vadd.f32 v25, v24  }
0x3b3: {  	v29 =	vmul.f32 v24, v24;
	v30 =	vmul.f32 v25, v25  }
0x3b4: {  	v14 =	vadd.f32 v28, v14;
	(xrf2) =	vadd.scan.msk.f32 $0xffff, v18;
	v16 =	vadd.f32 v27, v16;
	v18, _, _ =	vpop (xrf2)  }
0x3b5: {  	v27 =	vadd.f32 v30, v29;
	(v2sf) =	vpush v18, $0xF;
	_ =	sdelay $0x1  }
0x3b6: {  	(xrf2) =	vadd.scan.msk.f32 $0xffff, v16;
	v14 =	vadd.f32 v27, v14;
	_ =	sdelay $0x2  }
0x3b7: {  	(xrf2) =	vadd.scan.msk.f32 $0xffff, v14;
	s10 =	spop (v2sf)  }
0x3b8: {  	v14, _, _ =	vpop (xrf2);
	s9 =	smul.f32 $1.562500000e-02, s10;
	s11 =	spop (v2sf)  }
0x3b9: {  	(v2sf) =	vpush v14, $0xF;
	s7 =	smul.f32 $1.562500000e-02, s11  }
0x3ba: {  	s12 =	smul.f32 s9, s9;
	_ =	sdelay $0x1  }
0x3bb: {  	v14, _, _ =	vpop (xrf2);
	s7 =	ssub.f32 s7, s12  }
0x3bc: {  	(v2sf) =	vpush v14, $0xF  }
0x3bd: {  	v14, _, _ =	vpop (xrf2);
	s13 =	spop (v2sf);
	s7 =	sadd.f32 $9.999999960e-13, s7  }
0x3be: {  	s28 =	simm.s32 $0x100;
	(v2sf) =	vpush v14, $0xF;
	s10 =	smul.f32 $1.562500000e-02, s13  }
0x3bf: {  	v54 =	vld [tilespmem:s28+$0xCC30];
	v14 =	vmov s7  }
0x3c0: {  	v57 =	vld [tilespmem:s28+$0x13030];
	v16, _, _ =	vpop (xrf2);
	s17 =	smul.f32 s10, s10;
	v18 =	vshra.s32 v14, $0x1;
	v14 =	vmul.f32 $5.000000000e-01, v14;
	s18 =	spop (v2sf)  }
0x3c1: {  	(v2sf) =	vpush v16, $0xF;
	v16 =	vsub.s32 $0x5F3759DF, v18;
	s11 =	smul.f32 $1.562500000e-02, s18  }
0x3c2: {  	v18 =	vmul.f32 v16, v14  }
0x3c3: {  	v62 =	vld [tilespmem:s28+$0x130C0];
	s7 =	ssub.f32 s11, s17  }
0x3c4: {  	v63 =	vld [tilespmem:s28+$0xCCD0];
	v18 =	vmul.f32 v16, v18  }
0x3c5: {  	v48 =	vld [tilespmem:s28+$0x130D0];
	v40 =	vadd.f32 v57, v54;
	v37 =	vmov s9;
	s7 =	sadd.f32 $9.999999960e-13, s7  }
0x3c6: {  	v49 =	vld [tilespmem:s28+$0x130E0];
	v22 =	vsub.f32 v22, v37;
	v31 =	vmov s10;
	v18 =	vsub.f32 $1.500000000e+00, v18  }
0x3c7: {  	v51 =	vld [tilespmem:s28+$0x130F0];
	v28 =	vsub.f32 v15, v31;
	v30 =	vsub.f32 v10, v31;
	s30 =	spop (v2sf);
	v29 =	vmov s7  }
0x3c8: {  	v52 =	vld [tilespmem:s28+$0x13010];
	s31 =	smul.f32 $1.562500000e-02, s30;
	v16 =	vmul.f32 v16, v18;
	v15 =	vshra.s32 v29, $0x1;
	v42 =	vmul.f32 $5.000000000e-01, v29  }
0x3c9: {  	v27 =	vld [tilespmem:s28+$0xCCC0];
	v29 =	vsub.f32 v8, v31;
	v31 =	vsub.f32 v11, v31;
	v15 =	vsub.s32 $0x5F3759DF, v15  }
0x3ca: {  	v8 =	vmul.f32 v16, v14;
	v14 =	vld [tilespmem:s28+$0xCCF0];
	v10 =	vmov s31;
	v50 =	vmul.f32 v15, v42  }
0x3cb: {  	v18 =	vld [tilespmem:s28+$0xCCE0];
	s13 =	spop (v2sf);
	v32 =	vsub.f32 v19, v10;
	v33 =	vsub.f32 v13, v10  }
0x3cc: {  	s11 =	smul.f32 $1.562500000e-02, s13;
	v19 =	vld [tilespmem:s28+$0xCC00];
	v34 =	vsub.f32 v12, v10;
	v8 =	vmul.f32 v8, v16;
	v11 =	vmul.f32 v15, v50  }
0x3cd: {  	s12 =	smul.f32 s31, s31;
	s18 =	spop (v2sf);
	v12 =	vld [tilespmem:s28+$0x13000];
	v35 =	vsub.f32 v17, v10;
	v10 =	vadd.f32 v48, v63  }
0x3ce: {  	v54 =	vmul.f32 v40, v40;
	v17 =	vld [tilespmem:s28+$0xCC10];
	s7 =	smul.f32 $1.562500000e-02, s18;
	v13 =	vsub.f32 $1.500000000e+00, v8;
	v43 =	vsub.f32 $1.500000000e+00, v11  }
0x3cf: {  	s17 =	ssub.f32 s11, s12;
	v39 =	vmul.f32 v10, v10;
	v8 =	vadd.f32 v62, v27;
	v11 =	vadd.f32 v51, v14  }
0x3d0: {  	s30 =	smul.f32 s7, s7;
	s31 =	spop (v2sf);
	v36 =	vmul.f32 v13, v16;
	v13 =	vsub.f32 v9, v37;
	v9 =	vadd.f32 v49, v18  }
0x3d1: {  	s10 =	sadd.f32 $9.999999960e-13, s17;
	v14 =	vld [tilespmem:s28+$0x13020];
	s11 =	smul.f32 $1.562500000e-02, s31;
	v18 =	vmul.f32 v8, v8;
	v55 =	vadd.f32 v10, v8;
	v58 =	vmul.f32 v11, v11  }
0x3d2: {  	v16 =	vld [tilespmem:s28+$0xCC20];
	v27 =	vadd.f32 v12, v19;
	v13 =	vmul.f32 v36, v13;
	v56 =	vmul.f32 v9, v9  }
0x3d3: {  	v44 =	vld [tilespmem:s28+$0x13080];
	v53 =	vmov s10;
	v38 =	vadd.f32 v52, v17;
	s9 =	ssub.f32 s11, s30;
	v50 =	vadd.f32 v11, v9  }
0x3d4: {  	v60 =	vld [tilespmem:s28+$0xCC50];
	v41 =	vmul.f32 v13, v3;
	v13 =	vadd.f32 v39, v18;
	v19 =	vadd.f32 v58, v56  }
0x3d5: {  	v12 =	vld [tilespmem:s28+$0xCC40];
	v43 =	vmul.f32 v15, v43;
	v49 =	vshra.s32 v53, $0x1;
	s9 =	sadd.f32 $9.999999960e-13, s9;
	v45 =	vadd.f32 v50, v55  }
0x3d6: {  	v46 =	vmul.f32 $5.000000000e-01, v53;
	v59 =	vmul.f32 v27, v27;
	v18 =	vld [tilespmem:s28+$0x13040];
	v13 =	vadd.f32 v19, v13  }
0x3d7: {  	v61 =	vld [tilespmem:s28+$0x13050];
	v62 =	vmul.f32 v38, v38;
	v39 =	vadd.f32 v14, v16;
	v17 =	vmov s9;
	(xrf2) =	vadd.scan.msk.f32 $0xffff, v45  }
0x3d8: {  	v51 =	vld [tilespmem:s28+$0x13060];
	v49 =	vsub.s32 $0x5F3759DF, v49;
	v42 =	vmul.f32 v43, v42;
	v14 =	vshra.s32 v17, $0x1;
	(xrf2) =	vadd.scan.msk.f32 $0xffff, v13  }
0x3d9: {  	v53 =	vld [tilespmem:s28+$0xCC70];
	v45 =	vmul.f32 $5.000000000e-01, v17;
	v17 =	vadd.f32 v38, v27;
	v52 =	vadd.f32 v40, v39  }
0x3da: {  	v63 =	vmul.f32 v49, v46;
	v47 =	vadd.f32 v62, v59;
	v42 =	vmul.f32 v42, v43;
	v19 =	vld [tilespmem:s28+$0xCC60]  }
0x3db: {  	v13 =	vmul.f32 v39, v39;
	v16 =	vadd.f32 v18, v12;
	v12 =	vld [tilespmem:s28+$0x13070];
	v52 =	vadd.f32 v52, v17  }
0x3dc: {  	v55 =	vld [tilespmem:s28+$0xCC80];
	v48 =	vmul.f32 v49, v63;
	v14 =	vsub.s32 $0x5F3759DF, v14;
	v18 =	vadd.f32 v61, v60  }
0x3dd: {  	v62 =	vld [tilespmem:s28+$0x13090];
	v42 =	vsub.f32 $1.500000000e+00, v42;
	v56 =	vmul.f32 v14, v45;
	v13 =	vadd.f32 v54, v13;
	(xrf2) =	vadd.scan.msk.f32 $0xffff, v52  }
0x3de: {  	v48 =	vsub.f32 $1.500000000e+00, v48;
	v54 =	vld [tilespmem:s28+$0x130A0];
	v60 =	vmul.f32 v16, v16;
	v61 =	vmul.f32 v18, v18  }
0x3df: {  	v17 =	vadd.f32 v51, v19;
	v51 =	vld [tilespmem:s28+$0xCC90];
	v56 =	vmul.f32 v14, v56;
	v13 =	vadd.f32 v13, v47  }
0x3e0: {  	v15 =	vadd.f32 v61, v60;
	v60 =	vld [tilespmem:s28+$0x130B0];
	v19 =	vadd.f32 v12, v53  }
0x3e1: {  	v48 =	vmul.f32 v49, v48;
	v52 =	vadd.f32 v18, v16;
	v53 =	vld [tilespmem:s28+$0xCCA0];
	v57, _, _ =	vpop (xrf2);
	(xrf2) =	vadd.scan.msk.f32 $0xffff, v13;
	v13 =	vsub.f32 $1.500000000e+00, v56  }
0x3e2: {  	v50 =	vmul.f32 v17, v17;
	v63 =	vadd.f32 v19, v17;
	v56 =	vld [tilespmem:s28+$0xCCB0];
	(v2sf) =	vpush v57, $0xF;
	v61, _, _ =	vpop (xrf2)  }
0x3e3: {  	v57 =	vmul.f32 v14, v13;
	v14 =	vmul.f32 v19, v19;
	(v2sf) =	vpush v61, $0xF  }
0x3e4: {  	v21 =	vsub.f32 v21, v37;
	v42 =	vmul.f32 v42, v43;
	v49 =	vadd.f32 v63, v52  }
0x3e5: {  	v46 =	vmul.f32 v48, v46;
	v12 =	vadd.f32 v44, v55;
	v50 =	vadd.f32 v14, v50  }
0x3e6: {  	v29 =	vmul.f32 v42, v29;
	v13 =	vadd.f32 v62, v51;
	v14 =	vadd.f32 v54, v53;
	(xrf2) =	vadd.scan.msk.f32 $0xffff, v49  }
0x3e7: {  	v46 =	vmul.f32 v46, v48;
	v55, _, _ =	vpop (xrf2);
	v50 =	vadd.f32 v50, v15;
	v15 =	vadd.f32 v60, v56  }
0x3e8: {  	v62 =	vmul.f32 v12, v12;
	v45 =	vmul.f32 v57, v45;
	(v2sf) =	vpush v55, $0xF  }
0x3e9: {  	v51 =	vadd.f32 v13, v12;
	v63 =	vmul.f32 v13, v13;
	v58 =	vadd.f32 v15, v14;
	(xrf2) =	vadd.scan.msk.f32 $0xffff, v50  }
0x3ea: {  	v46 =	vsub.f32 $1.500000000e+00, v46;
	v59 =	vmul.f32 v14, v14;
	v60 =	vmul.f32 v15, v15  }
0x3eb: {  	v30 =	vmul.f32 v42, v30;
	v47 =	vadd.f32 v63, v62;
	v61, _, _ =	vpop (xrf2);
	v63 =	vadd.f32 v58, v51  }
0x3ec: {  	v56 =	vmul.f32 v45, v57;
	v55 =	vadd.f32 v60, v59;
	(v2sf) =	vpush v61, $0xF  }
0x3ed: {  	v20 =	vsub.f32 v20, v37;
	v31 =	vmul.f32 v42, v31;
	v46 =	vmul.f32 v46, v48;
	(xrf2) =	vadd.scan.msk.f32 $0xffff, v63  }
0x3ee: {  	v44 =	vmul.f32 v30, v2;
	v62 =	vsub.f32 $1.500000000e+00, v56;
	v56 =	vadd.f32 v55, v47  }
0x3ef: {  	v48 =	vmul.f32 v46, v34;
	v35 =	vmul.f32 v46, v35;
	v54 =	vmov s7  }
0x3f0: {  	v26 =	vsub.f32 v26, v54;
	v59 =	vmul.f32 v46, v33;
	v33 =	vmul.f32 v36, v22;
	(xrf2) =	vadd.scan.msk.f32 $0xffff, v56;
	v22, _, _ =	vpop (xrf2)  }
0x3f1: {  	v34 =	vmul.f32 v36, v21;
	v23 =	vsub.f32 v23, v54;
	s12 =	spop (v2sf);
	(v2sf) =	vpush v22, $0xF  }
0x3f2: {  	v24 =	vsub.f32 v24, v54;
	v35 =	vmul.f32 v35, v3;
	v43 =	vmul.f32 v62, v57;
	s11 =	smul.f32 $1.562500000e-02, s12;
	s13 =	spop (v2sf)  }
0x3f3: {  	v25 =	vsub.f32 v25, v54;
	v58 =	vmul.f32 v46, v32;
	v32 =	vmul.f32 v36, v20;
	v20, _, _ =	vpop (xrf2);
	s7 =	smul.f32 $1.562500000e-02, s13  }
0x3f4: {  	v57 =	vmul.f32 v42, v28;
	v60 =	vmul.f32 v43, v26;
	s17 =	smul.f32 s11, s11;
	(v2sf) =	vpush v20, $0xF  }
0x3f5: {  	v61 =	vmul.f32 v43, v23;
	v62 =	vmul.f32 v43, v24  }
0x3f6: {  	v28 =	vmul.f32 v43, v25;
	v21 =	vmul.f32 v57, v0;
	s7 =	ssub.f32 s7, s17  }
0x3f7: {  	v25 =	vmul.f32 v31, v3;
	v26 =	vmul.f32 v58, v0;
	s18 =	spop (v2sf);
	v20, _, _ =	vpop (xrf2)  }
0x3f8: {  	v42 =	vmul.f32 v59, v1;
	v43 =	vmul.f32 v48, v2;
	s9 =	smul.f32 $1.562500000e-02, s18;
	s7 =	sadd.f32 $9.999999960e-13, s7;
	(v2sf) =	vpush v20, $0xF  }
0x3f9: {  	v63 =	vadd.f32 v41, v7;
	v37 =	vmul.f32 v60, v0;
	v22 =	vmul.f32 v29, v1  }
0x3fa: {  	v29 =	vadd.f32 v21, v4;
	v20 =	vmov s9;
	v23, _, _ =	vpop (xrf2);
	v21 =	vmov s7  }
0x3fb: {  	s9 =	smul.f32 s9, s9;
	v30 =	vshra.s32 v21, $0x1;
	v41 =	vmul.f32 $5.000000000e-01, v21;
	s30 =	spop (v2sf);
	(v2sf) =	vpush v23, $0xF  }
0x3fc: {  	[tilespmem:s25+$0xCC00] =	vst v29;
	v29 =	vmul.f32 v61, v1;
	v24 =	vsub.f32 v27, v20;
	s31 =	smul.f32 $1.562500000e-02, s30;
	v31 =	vsub.s32 $0x5F3759DF, v30  }
0x3fd: {  	v27 =	vadd.f32 v22, v5;
	v23 =	vsub.f32 v38, v20;
	v30 =	vmul.f32 v31, v41  }
0x3fe: {  	[tilespmem:s25+$0xCCF0] =	vst v63;
	s7 =	simm.s32 $0x2;
	v22 =	vmul.f32 v62, v2;
	v21 =	vsub.f32 v39, v20;
	v20 =	vsub.f32 v40, v20;
	s13 =	ssub.f32 s31, s9;
	s9 =	simm.s32 $0x800  }
.LBB2_7:
0x3ff: {  	s10 =	sshra.s32 s9, $0x2;
	v30 =	vmul.f32 v31, v30;
	v36 =	vadd.f32 v44, v6;
	v28 =	vmul.f32 v28, v3  }
0x400: {  	v39 =	vadd.f32 v25, v7;
	v25 =	vmul.f32 v34, v1;
	v38 =	vld [tilespmem:s10+$0xCCC0];
	s12 =	sadd.f32 $9.999999960e-13, s13;
	s13 =	spop (v2sf);
	[tilespmem:s25+$0xCC10] =	vst v27;
	v27 =	vmul.f32 v33, v0  }
0x401: {  	v33 =	vadd.f32 v26, v4;
	v26 =	vmul.f32 v32, v2;
	v40 =	vld [tilespmem:s10+$0x130C0];
	s13 =	smul.f32 $1.562500000e-02, s13;
	v30 =	vsub.f32 $1.500000000e+00, v30;
	[tilespmem:s25+$0xCC20] =	vst v36  }
0x402: {  	v34 =	vadd.f32 v42, v5;
	v36 =	vld [tilespmem:s10+$0xCCD0];
	v32 =	vmov s12;
	[tilespmem:s25+$0xCC30] =	vst v39;
	v39 =	vadd.f32 v43, v6  }
0x403: {  	v44 =	vld [tilespmem:s10+$0x130D0];
	v43 =	vshra.s32 v32, $0x1;
	v42 =	vmul.f32 $5.000000000e-01, v32;
	s12 =	smul.f32 s13, s13;
	v30 =	vmul.f32 v31, v30;
	s17 =	spop (v2sf);
	[tilespmem:s25+$0xCC40] =	vst v33  }
0x404: {  	v45 =	vadd.f32 v35, v7;
	v33 =	vmov s13;
	v31 =	vld [tilespmem:s10+$0xCCE0];
	v43 =	vsub.s32 $0x5F3759DF, v43;
	s17 =	smul.f32 $1.562500000e-02, s17;
	[tilespmem:s25+$0xCC50] =	vst v34  }
0x405: {  	v32 =	vsub.f32 v16, v33;
	v46 =	vld [tilespmem:s10+$0x130E0];
	v47 =	vmul.f32 v43, v42;
	v16 =	vmul.f32 v30, v41;
	[tilespmem:s25+$0xCC60] =	vst v39  }
0x406: {  	v34 =	vsub.f32 v18, v33;
	v35 =	vsub.f32 v17, v33;
	v48 =	vld [tilespmem:s10+$0xCCF0];
	s12 =	ssub.f32 s17, s12;
	[tilespmem:s25+$0xCC70] =	vst v45  }
0x407: {  	v33 =	vsub.f32 v19, v33;
	v17 =	vld [tilespmem:s10+$0x130F0];
	v18 =	vmul.f32 v43, v47;
	v16 =	vmul.f32 v16, v30;
	s13 =	spop (v2sf)  }
0x408: {  	s7 =	sadd.s32 $0x2, s7;
	v37 =	vadd.f32 v37, v4;
	v29 =	vadd.f32 v29, v5;
	v19 =	vld [tilespmem:s10+$0xCC00];
	s12 =	sadd.f32 $9.999999960e-13, s12;
	s13 =	smul.f32 $1.562500000e-02, s13  }
0x409: {  	p1 =	slt.u32 s7, $0x62;
	v45 =	vld [tilespmem:s10+$0x13000];
	v47 =	vsub.f32 $1.500000000e+00, v18;
	v16 =	vsub.f32 $1.500000000e+00, v16  }
0x40a: {  	v39 =	vmov s11;
	v40 =	vadd.f32 v40, v38;
	v18 =	vld [tilespmem:s10+$0xCC10];
	v49 =	vmov s12;
	s12 =	smul.f32 s13, s13;
	s11 =	spop (v2sf);
	[tilespmem:s25+$0xCC80] =	vst v37  }
0x40b: {  	v38 =	vadd.f32 v44, v36;
	v50 =	vld [tilespmem:s10+$0x13010];
	s11 =	smul.f32 $1.562500000e-02, s11;
	v37 =	vmul.f32 v16, v30;
	v16 =	vsub.f32 v11, v39;
	[tilespmem:s25+$0xCC90] =	vst v29  }
0x40c: {  	v41 =	vadd.f32 v46, v31;
	v30 =	vld [tilespmem:s10+$0xCC20];
	v11 =	vadd.f32 v17, v48;
	v17 =	vshra.s32 v49, $0x1  }
0x40d: {  	v44 =	vmul.f32 v40, v40;
	v31 =	vadd.f32 v38, v40;
	v36 =	vld [tilespmem:s10+$0x13020];
	s11 =	ssub.f32 s11, s12;
	v16 =	vmul.f32 v37, v16  }
0x40e: {  	v51 =	vmul.f32 v38, v38;
	v52 =	vmul.f32 v41, v41;
	v46 =	vld [tilespmem:s10+$0xCC30];
	v48 =	vadd.f32 v11, v41  }
0x40f: {  	v29 =	vadd.f32 v45, v19;
	v45 =	vmul.f32 v11, v11;
	v19 =	vld [tilespmem:s10+$0x13030];
	s11 =	sadd.f32 $9.999999960e-13, s11;
	v16 =	vmul.f32 v16, v3  }
0x410: {  	v44 =	vadd.f32 v51, v44;
	v49 =	vmul.f32 $5.000000000e-01, v49;
	v53 =	vld [tilespmem:s10+$0xCC40];
	v48 =	vadd.f32 v48, v31  }
0x411: {  	v51 =	vmul.f32 v29, v29;
	v45 =	vadd.f32 v45, v52;
	v54 =	vld [tilespmem:s10+$0x13040];
	v16 =	vadd.f32 v16, v7  }
0x412: {  	v31 =	vadd.f32 v50, v18;
	v30 =	vadd.f32 v36, v30;
	v18 =	vld [tilespmem:s10+$0xCC50];
	(xrf2) =	vadd.scan.msk.f32 $0xffff, v48;
	v36 =	vmov s11  }
0x413: {  	v44 =	vadd.f32 v45, v44;
	v48 =	vld [tilespmem:s10+$0x13050];
	v45 =	vshra.s32 v36, $0x1;
	v50 =	vmul.f32 $5.000000000e-01, v36;
	[tilespmem:s28+$0xCCF0] =	vst v16  }
0x414: {  	v36 =	vadd.f32 v19, v46;
	v19 =	vadd.f32 v31, v29;
	v46 =	vmul.f32 v31, v31;
	v52 =	vld [tilespmem:s10+$0xCC60]  }
0x415: {  	v55 =	vmul.f32 v30, v30;
	v45 =	vsub.s32 $0x5F3759DF, v45;
	v56 =	vld [tilespmem:s10+$0x13060];
	(xrf2) =	vadd.scan.msk.f32 $0xffff, v44;
	v44 =	vsub.s32 $0x5F3759DF, v17  }
0x416: {  	v17 =	vadd.f32 v36, v30;
	v57 =	vmul.f32 v36, v36;
	v16 =	vadd.f32 v54, v53;
	v53 =	vld [tilespmem:s10+$0xCC70]  }
0x417: {  	v58 =	vmul.f32 v45, v50;
	v46 =	vadd.f32 v46, v51;
	v54 =	vmul.f32 v44, v49;
	v51 =	vld [tilespmem:s10+$0x13070]  }
0x418: {  	v19 =	vadd.f32 v17, v19;
	v18 =	vadd.f32 v48, v18;
	v48 =	vmul.f32 v16, v16;
	v59 =	vld [tilespmem:s10+$0xCC80]  }
0x419: {  	v58 =	vmul.f32 v45, v58;
	v55 =	vadd.f32 v57, v55;
	v61 =	vmul.f32 v44, v54;
	v57 =	vld [tilespmem:s10+$0x13080]  }
0x41a: {  	v17 =	vadd.f32 v56, v52;
	v52 =	vadd.f32 v18, v16;
	v56 =	vmul.f32 v18, v18;
	v60 =	vld [tilespmem:s10+$0xCC90];
	(xrf2) =	vadd.scan.msk.f32 $0xffff, v19  }
0x41b: {  	v43 =	vmul.f32 v43, v47;
	v46 =	vadd.f32 v55, v46;
	v47 =	vsub.f32 $1.500000000e+00, v61;
	v55 =	vld [tilespmem:s10+$0x13090]  }
0x41c: {  	v19 =	vadd.f32 v51, v53;
	v48 =	vadd.f32 v56, v48;
	v51 =	vmul.f32 v17, v17;
	v53 =	vld [tilespmem:s10+$0xCCA0];
	v54, _, _ =	vpop (xrf2)  }
0x41d: {  	v42 =	vmul.f32 v43, v42;
	v44 =	vmul.f32 v44, v47;
	v56 =	vld [tilespmem:s10+$0x130A0];
	(xrf2) =	vadd.scan.msk.f32 $0xffff, v46;
	v46 =	vsub.f32 $1.500000000e+00, v58  }
0x41e: {  	v47 =	vadd.f32 v19, v17;
	v58 =	vmul.f32 v19, v19;
	v57 =	vadd.f32 v57, v59;
	v59 =	vld [tilespmem:s10+$0xCCB0]  }
0x41f: {  	v49 =	vmul.f32 v44, v49;
	v61 =	vld [tilespmem:s10+$0x130B0];
	(v2sf) =	vpush v54, $0xF;
	v54, _, _ =	vpop (xrf2);
	v45 =	vmul.f32 v45, v46  }
0x420: {  	v46 =	vadd.f32 v55, v60;
	v55 =	vmul.f32 v57, v57;
	(v2sf) =	vpush v54, $0xF  }
0x421: {  	v47 =	vadd.f32 v47, v52;
	v51 =	vadd.f32 v58, v51;
	v50 =	vmul.f32 v45, v50  }
0x422: {  	v52 =	vadd.f32 v56, v53;
	v53 =	vadd.f32 v46, v57;
	v54 =	vmul.f32 v46, v46  }
0x423: {  	v42 =	vmul.f32 v42, v43;
	v48 =	vadd.f32 v51, v48;
	(xrf2) =	vadd.scan.msk.f32 $0xffff, v47;
	v47 =	vmul.f32 v49, v44  }
0x424: {  	v49 =	vadd.f32 v61, v59;
	v51 =	vadd.f32 v54, v55;
	v54 =	vmul.f32 v52, v52;
	v55, _, _ =	vpop (xrf2)  }
0x425: {  	v42 =	vsub.f32 $1.500000000e+00, v42;
	v50 =	vmul.f32 v50, v45;
	(v2sf) =	vpush v55, $0xF  }
0x426: {  	v47 =	vsub.f32 $1.500000000e+00, v47;
	v55 =	vadd.f32 v49, v52;
	v56 =	vmul.f32 v49, v49;
	(xrf2) =	vadd.scan.msk.f32 $0xffff, v48  }
0x427: {  	v42 =	vmul.f32 v42, v43;
	v43 =	vsub.f32 $1.500000000e+00, v50;
	v50 =	vmov s13;
	v48, _, _ =	vpop (xrf2)  }
0x428: {  	v44 =	vmul.f32 v47, v44;
	v53 =	vadd.f32 v55, v53;
	v54 =	vadd.f32 v56, v54  }
0x429: {  	v43 =	vmul.f32 v43, v45;
	v45 =	vsub.f32 v12, v50;
	v12 =	vmovc v57;
	(v2sf) =	vpush v48, $0xF  }
0x42a: {  	v24 =	vmul.f32 v42, v24;
	v48 =	vsub.f32 v13, v50;
	v47 =	vadd.f32 v54, v51;
	(xrf2) =	vadd.scan.msk.f32 $0xffff, v53  }
0x42b: {  	v23 =	vmul.f32 v42, v23;
	v15 =	vsub.f32 v15, v50;
	v13 =	vmovc v46;
	v51 =	vsub.f32 v14, v50  }
0x42c: {  	v21 =	vmul.f32 v42, v21;
	v46 =	vsub.f32 v8, v39;
	v8 =	vmovc v40;
	v50 =	vsub.f32 v10, v39  }
0x42d: {  	v20 =	vmul.f32 v42, v20;
	v40 =	vmul.f32 v44, v32;
	v32 =	vsub.f32 v9, v39;
	v10, _, _ =	vpop (xrf2);
	(xrf2) =	vadd.scan.msk.f32 $0xffff, v47  }
0x42e: {  	v35 =	vmul.f32 v44, v35;
	v9 =	vmovc v41;
	v39 =	vmul.f32 v44, v34;
	(v2sf) =	vpush v10, $0xF;
	s11 =	spop (v2sf);
	v10 =	vmovc v38  }
0x42f: {  	v22 =	vadd.f32 v22, v6;
	v41 =	vmul.f32 v43, v45;
	v14 =	vmovc v52;
	v38 =	vmul.f32 v44, v33;
	s11 =	smul.f32 $1.562500000e-02, s11;
	s12 =	spop (v2sf)  }
0x430: {  	v42 =	vadd.f32 v28, v7;
	v45 =	vmul.f32 v43, v48;
	v47 =	vmul.f32 v43, v51;
	s12 =	smul.f32 $1.562500000e-02, s12;
	v33, _, _ =	vpop (xrf2)  }
0x431: {  	v28 =	vmul.f32 v43, v15;
	v15 =	vmovc v49;
	s13 =	smul.f32 s11, s11;
	(v2sf) =	vpush v33, $0xF;
	v33 =	vmul.f32 v37, v46;
	[tilespmem:s25+$0xCCA0] =	vst v22  }
0x432: {  	v32 =	vmul.f32 v37, v32;
	v34 =	vmul.f32 v37, v50;
	v22 =	vadd.f32 v27, v4;
	[tilespmem:s25+$0xCCB0] =	vst v42  }
0x433: {  	v24 =	vmul.f32 v24, v0;
	v27 =	vmul.f32 v23, v1;
	v23 =	vadd.f32 v25, v5;
	s12 =	ssub.f32 s12, s13  }
0x434: {  	s13 =	spop (v2sf)  }
0x435: {  	v44 =	vmul.f32 v21, v2;
	v25 =	vmul.f32 v20, v3;
	v20 =	vadd.f32 v26, v6;
	v37, _, _ =	vpop (xrf2);
	[tilespmem:s25+$0xCCC0] =	vst v22;
	s13 =	smul.f32 $1.562500000e-02, s13  }
0x436: {  	v26 =	vmul.f32 v40, v0;
	v42 =	vmul.f32 v39, v1;
	s12 =	sadd.f32 $9.999999960e-13, s12;
	(v2sf) =	vpush v37, $0xF;
	[tilespmem:s25+$0xCCD0] =	vst v23  }
0x437: {  	v43 =	vmul.f32 v35, v2;
	v21 =	vadd.f32 v24, v4;
	v35 =	vmul.f32 v38, v3;
	[tilespmem:s25+$0xCCE0] =	vst v20;
	s25 =	smov.u32 s28;
	s28 =	smov.u32 s10;
	s10 =	smul.f32 s13, s13  }
.Ltmp4:
0x438: {  	v37 =	vmul.f32 v41, v0;
	v20 =	vmov s13;
	v22 =	vmov s12;
	v23, _, _ =	vpop (xrf2);
	(pc) =	sbr.rel @p1 .LBB2_7-.Ltmp4, $4  }
0x439: {  	v38 =	vshra.s32 v22, $0x1;
	v41 =	vmul.f32 $5.000000000e-01, v22;
	s12 =	spop (v2sf);
	(v2sf) =	vpush v23, $0xF;
	[tilespmem:s25+$0xCC00] =	vst v21  }
0x43a: {  	v24 =	vsub.f32 v29, v20;
	v23 =	vsub.f32 v31, v20;
	s12 =	smul.f32 $1.562500000e-02, s12;
	v31 =	vsub.s32 $0x5F3759DF, v38  }
0x43b: {  	v21 =	vsub.f32 v30, v20;
	v20 =	vsub.f32 v36, v20;
	v30 =	vmul.f32 v31, v41  }
0x43c: {  	s9 =	sadd.s32 $0x400, s9;
	v27 =	vadd.f32 v27, v5;
	v29 =	vmul.f32 v45, v1;
	v22 =	vmul.f32 v47, v2;
	s13 =	ssub.f32 s12, s10  }
0x43d: {  	_ = 	snop  }
0x43e: {  	v38 =	vadd.f32 v44, v6  }
0x43f: {  	s7 =	spop (v2sf);
	v30 =	vmul.f32 v31, v30;
	v25 =	vadd.f32 v25, v7;
	v26 =	vadd.f32 v26, v4  }
0x440: {  	v40 =	vadd.f32 v42, v5;
	v60 =	vadd.f32 v43, v6;
	s9 =	smul.f32 $1.562500000e-02, s7;
	s13 =	sadd.f32 $9.999999960e-13, s13  }
0x441: {  	v28 =	vmul.f32 v28, v3;
	v35 =	vadd.f32 v35, v7;
	v30 =	vsub.f32 $1.500000000e+00, v30  }
0x442: {  	v33 =	vmul.f32 v33, v0;
	v50 =	vmov s11;
	s10 =	spop (v2sf);
	s12 =	smul.f32 s9, s9;
	v36 =	vmov s13  }
0x443: {  	s10 =	smul.f32 $1.562500000e-02, s10;
	v61 =	vshra.s32 v36, $0x1;
	v36 =	vmul.f32 $5.000000000e-01, v36;
	v30 =	vmul.f32 v31, v30  }
0x444: {  	v34 =	vmul.f32 v34, v1;
	v11 =	vsub.f32 v11, v50;
	v31 =	vsub.s32 $0x5F3759DF, v61  }
0x445: {  	v22 =	vadd.f32 v22, v6;
	s10 =	ssub.f32 s10, s12;
	v47 =	vmul.f32 v31, v36;
	v41 =	vmul.f32 v30, v41;
	s18 =	spop (v2sf)  }
0x446: {  	v32 =	vmul.f32 v32, v2;
	v8 =	vsub.f32 v8, v50;
	v10 =	vsub.f32 v10, v50;
	s7 =	smul.f32 $1.562500000e-02, s18  }
0x447: {  	v9 =	vsub.f32 v9, v50;
	[tilespmem:s25+$0xCC30] =	vst v25;
	s10 =	sadd.f32 $9.999999960e-13, s10;
	v47 =	vmul.f32 v31, v47;
	v41 =	vmul.f32 v41, v30  }
0x448: {  	v25 =	vadd.f32 v37, v4;
	[tilespmem:s25+$0xCC40] =	vst v26;
	v26 =	vadd.f32 v29, v5;
	v39 =	vmov s9;
	s17 =	smul.f32 s7, s7;
	s18 =	spop (v2sf)  }
0x449: {  	v62 =	vmov s10;
	v47 =	vsub.f32 $1.500000000e+00, v47;
	v41 =	vsub.f32 $1.500000000e+00, v41;
	s18 =	smul.f32 $1.562500000e-02, s18  }
0x44a: {  	[tilespmem:s25+$0xCCA0] =	vst v22;
	v22 =	vadd.f32 v33, v4;
	v63 =	vshra.s32 v62, $0x1;
	v43 =	vmul.f32 $5.000000000e-01, v62  }
0x44b: {  	v44 =	vsub.s32 $0x5F3759DF, v63;
	v31 =	vmul.f32 v31, v47;
	v30 =	vmul.f32 v41, v30;
	s30 =	ssub.f32 s18, s17  }
0x44c: {  	v16 =	vsub.f32 v16, v39;
	v18 =	vsub.f32 v18, v39;
	v48 =	vmul.f32 v44, v43  }
0x44d: {  	[tilespmem:s25+$0xCC10] =	vst v27;
	v17 =	vsub.f32 v17, v39;
	v27 =	vmul.f32 v31, v36;
	v11 =	vmul.f32 v30, v11;
	s9 =	sadd.f32 $9.999999960e-13, s30  }
0x44e: {  	v19 =	vsub.f32 v19, v39;
	v8 =	vmul.f32 v30, v8;
	v10 =	vmul.f32 v30, v10  }
0x44f: {  	v9 =	vmul.f32 v30, v9;
	v48 =	vmul.f32 v44, v48;
	v45 =	vmov s9  }
0x450: {  	v27 =	vmul.f32 v27, v31;
	v46 =	vshra.s32 v45, $0x1;
	v45 =	vmul.f32 $5.000000000e-01, v45  }
0x451: {  	v11 =	vmul.f32 v11, v3;
	v48 =	vsub.f32 $1.500000000e+00, v48;
	v46 =	vsub.s32 $0x5F3759DF, v46  }
0x452: {  	[tilespmem:s25+$0xCC20] =	vst v38;
	v8 =	vmul.f32 v8, v0;
	v27 =	vsub.f32 $1.500000000e+00, v27;
	v49 =	vmul.f32 v46, v45  }
0x453: {  	[tilespmem:s25+$0xCCC0] =	vst v22;
	v22 =	vadd.f32 v32, v6;
	v10 =	vmul.f32 v10, v1;
	v44 =	vmul.f32 v44, v48  }
0x454: {  	[tilespmem:s25+$0xCC50] =	vst v40;
	v11 =	vadd.f32 v11, v7;
	v27 =	vmul.f32 v27, v31;
	v49 =	vmul.f32 v46, v49  }
0x455: {  	[tilespmem:s25+$0xCC60] =	vst v60;
	v9 =	vmul.f32 v9, v2;
	v8 =	vadd.f32 v8, v4;
	v47 =	vmul.f32 v44, v43  }
0x456: {  	[tilespmem:s28+$0xCCF0] =	vst v11;
	v24 =	vmul.f32 v27, v24;
	v11 =	vmul.f32 v27, v23;
	v49 =	vsub.f32 $1.500000000e+00, v49  }
0x457: {  	[tilespmem:s25+$0xCC70] =	vst v35;
	v23 =	vadd.f32 v28, v7;
	v21 =	vmul.f32 v27, v21;
	v20 =	vmul.f32 v27, v20  }
0x458: {  	v10 =	vadd.f32 v10, v5;
	[tilespmem:s28+$0xCCC0] =	vst v8;
	v36 =	vmul.f32 v47, v44;
	v46 =	vmul.f32 v46, v49  }
0x459: {  	v8 =	vadd.f32 v9, v6;
	[tilespmem:s25+$0xCCB0] =	vst v23;
	v23 =	vmul.f32 v24, v0;
	v11 =	vmul.f32 v11, v1  }
0x45a: {  	[tilespmem:s25+$0xCC80] =	vst v25;
	v24 =	vadd.f32 v34, v5;
	v36 =	vsub.f32 $1.500000000e+00, v36;
	v48 =	vmul.f32 v46, v45  }
0x45b: {  	[tilespmem:s25+$0xCC90] =	vst v26;
	v21 =	vmul.f32 v21, v2;
	v23 =	vadd.f32 v23, v4;
	v11 =	vadd.f32 v11, v5  }
0x45c: {  	[tilespmem:s25+$0xCCE0] =	vst v22;
	v49 =	vmov s7;
	v31 =	vmul.f32 v36, v44;
	v29 =	vmul.f32 v48, v46  }
0x45d: {  	[tilespmem:s28+$0xCCD0] =	vst v10;
	v20 =	vmul.f32 v20, v3;
	v21 =	vadd.f32 v21, v6;
	v12 =	vsub.f32 v12, v49  }
0x45e: {  	[tilespmem:s28+$0xCCE0] =	vst v8;
	v13 =	vsub.f32 v13, v49;
	v16 =	vmul.f32 v31, v16;
	v29 =	vsub.f32 $1.500000000e+00, v29  }
0x45f: {  	[tilespmem:s25+$0xCCD0] =	vst v24;
	v14 =	vsub.f32 v14, v49;
	v18 =	vmul.f32 v31, v18;
	v17 =	vmul.f32 v31, v17  }
0x460: {  	v15 =	vsub.f32 v15, v49;
	[tilespmem:s28+$0xCC00] =	vst v23;
	v16 =	vmul.f32 v16, v0;
	v25 =	vmul.f32 v29, v46  }
0x461: {  	[tilespmem:s28+$0xCC10] =	vst v11;
	v11 =	vadd.f32 v20, v7;
	v19 =	vmul.f32 v31, v19;
	v18 =	vmul.f32 v18, v1  }
0x462: {  	[tilespmem:s28+$0xCC20] =	vst v21;
	v17 =	vmul.f32 v17, v2;
	v16 =	vadd.f32 v16, v4;
	v12 =	vmul.f32 v25, v12  }
0x463: {  	[tilespmem:s28+$0xCC30] =	vst v11;
	v19 =	vmul.f32 v19, v3;
	v11 =	vadd.f32 v18, v5;
	v13 =	vmul.f32 v25, v13  }
0x464: {  	v17 =	vadd.f32 v17, v6;
	[tilespmem:s28+$0xCC40] =	vst v16;
	v14 =	vmul.f32 v25, v14;
	v12 =	vmul.f32 v12, v0  }
0x465: {  	[tilespmem:s28+$0xCC50] =	vst v11;
	v11 =	vadd.f32 v19, v7;
	v15 =	vmul.f32 v25, v15;
	v13 =	vmul.f32 v13, v1  }
0x466: {  	[tilespmem:s28+$0xCC60] =	vst v17;
	v14 =	vmul.f32 v14, v2;
	v12 =	vadd.f32 v12, v4  }
0x467: {  	[tilespmem:s28+$0xCC70] =	vst v11;
	v15 =	vmul.f32 v15, v3;
	v11 =	vadd.f32 v13, v5  }
0x468: {  	[tilespmem:s28+$0xCC80] =	vst v12;
	v12 =	vadd.f32 v14, v6  }
0x469: {  	[tilespmem:s28+$0xCC90] =	vst v11;
	v11 =	vadd.f32 v15, v7  }
0x46a: {  	[tilespmem:s28+$0xCCA0] =	vst v12  }
0x46b: {  	s31 =	sadd.s32 $0xC80, s22;
	s7 =	simm.s32 @!p0 $0x6;
	[tilespmem:s28+$0xCCB0] =	vst v11  }
0x46c: {  	[hbm4b:s31+s5] =	stream.linear.scatter [tilespmem:s24], [sflag:$0x7], $0x3200, $0x38;
	[tilespmem:$0x16280] =	vst v63  }
0x46d: {  	_ =	swait.ge @!p0 [sflag:s7], $0x3200  }
0x46e: {  	s10 =	simm.s32 @!p0 $0x9A00;
	[sflag:s7] =	ssyncset.done @!p0 $0x0  }
0x46f: {  	s9 =	simm.s32 @!p0 $0x64;
	[sflag:s7] =	ssyncadd.s32 @!p0 $0xFFFFCE00;
	s7 =	sadd.s32 @!p0 $0x410, s23  }
0x470: {  	[tilespmem:s10], [sflag:$0x2] =	stream.indirect.gather @!p0 [hbm4b:s6+s9], $0x40, s7, s9, $0xb8;
	[tilespmem:$0x16280] =	vst v63  }
0x471: {  	s7 =	sadd.s32 @!p0 $0x478, s23;
	s10 =	simm.s32 @!p0 $0xB300  }
0x472: {  	[tilespmem:s10], [sflag:$0x2] =	stream.indirect.gather @!p0 [hbm4b:s6+s9], $0x40, s7, s9, $0xb8;
	[tilespmem:$0x16280] =	vst v63  }
0x473: {  	_ =	swait.ge [sflag:s3], $0x1900  }
0x474: {  	[sflag:s3] =	ssyncset.done $0x0  }
0x475: {  	[sflag:s3] =	ssyncadd.s32 $0xFFFFE700  }
0x476: {  	_ =	swait.ge [sflag:s3], $0x1900  }
0x477: {  	[sflag:s3] =	ssyncset.done $0x0  }
0x478: {  	s22 =	simm.s32 $0x0;
	[sflag:s3] =	ssyncadd.s32 $0xFFFFE700  }
0x479: {  	v8 =	vld [tilespmem:s22+$0xFEC0]  }
0x47a: {  	v9 =	vld [tilespmem:s22+$0x130C0]  }
0x47b: {  	v10 =	vld [tilespmem:s22+$0xFED0]  }
0x47c: {  	v11 =	vld [tilespmem:s22+$0x130D0]  }
0x47d: {  	v12 =	vld [tilespmem:s22+$0xFEE0]  }
0x47e: {  	v13 =	vld [tilespmem:s22+$0x130E0]  }
0x47f: {  	v14 =	vld [tilespmem:s22+$0xFEF0]  }
0x480: {  	v15 =	vld [tilespmem:s22+$0x130F0]  }
0x481: {  	v16 =	vld [tilespmem:s22+$0xFE00]  }
0x482: {  	v17 =	vld [tilespmem:s22+$0x13000]  }
0x483: {  	v18 =	vld [tilespmem:s22+$0xFE10]  }
0x484: {  	v25 =	vld [tilespmem:s22+$0x13030]  }
0x485: {  	v26 =	vld [tilespmem:s22+$0xFE40]  }
0x486: {  	v22 =	vadd.f32 v9, v8;
	v8 =	vld [tilespmem:s22+$0x13010];
	v21 =	vadd.f32 v11, v10  }
0x487: {  	v10 =	vld [tilespmem:s22+$0xFE20];
	v20 =	vadd.f32 v13, v12;
	v9 =	vadd.f32 v15, v14  }
0x488: {  	v11 =	vld [tilespmem:s22+$0x13020];
	v12 =	vmul.f32 v22, v22;
	v13 =	vmul.f32 v21, v21  }
0x489: {  	v14 =	vld [tilespmem:s22+$0xFE30];
	v15 =	vmul.f32 v20, v20;
	v19 =	vmul.f32 v9, v9  }
0x48a: {  	v27 =	vld [tilespmem:s22+$0x13070];
	v23 =	vadd.f32 v21, v22;
	v24 =	vadd.f32 v9, v20  }
0x48b: {  	v30 =	vld [tilespmem:s22+$0xFE80];
	v12 =	vadd.f32 v13, v12;
	v13 =	vadd.f32 v19, v15  }
0x48c: {  	v15 =	vadd.f32 v24, v23;
	v19 =	vld [tilespmem:s22+$0x13040];
	v8 =	vadd.f32 v8, v18  }
0x48d: {  	v23 =	vld [tilespmem:s22+$0xFE50];
	v10 =	vadd.f32 v11, v10;
	v12 =	vadd.f32 v13, v12  }
0x48e: {  	v11 =	vadd.f32 v25, v14;
	(xrf2) =	vadd.scan.msk.f32 $0xffff, v15;
	v13 =	vld [tilespmem:s22+$0x13050];
	v15 =	vadd.f32 v17, v16  }
0x48f: {  	v16 =	vld [tilespmem:s22+$0xFE60];
	v24 =	vmul.f32 v8, v8;
	(xrf2) =	vadd.scan.msk.f32 $0xffff, v12  }
0x490: {  	v17 =	vld [tilespmem:s22+$0xFE70];
	v25 =	vadd.f32 v11, v10;
	v28 =	vmul.f32 v10, v10;
	v18 =	vadd.f32 v8, v15  }
0x491: {  	v29 =	vmul.f32 v11, v11;
	v12 =	vld [tilespmem:s22+$0x13060];
	v14 =	vmul.f32 v15, v15  }
0x492: {  	v18 =	vadd.f32 v25, v18;
	v25 =	vld [tilespmem:s22+$0x13080]  }
0x493: {  	v14 =	vadd.f32 v24, v14;
	v24 =	vadd.f32 v29, v28;
	v28 =	vld [tilespmem:s22+$0xFE90]  }
0x494: {  	v19 =	vadd.f32 v19, v26;
	v29 =	vld [tilespmem:s22+$0x130A0];
	v13 =	vadd.f32 v13, v23;
	(xrf2) =	vadd.scan.msk.f32 $0xffff, v18  }
0x495: {  	v17 =	vadd.f32 v27, v17;
	v27 =	vld [tilespmem:s22+$0x130B0];
	v14 =	vadd.f32 v24, v14  }
0x496: {  	v23 =	vmul.f32 v19, v19;
	v18 =	vld [tilespmem:s22+$0x13090];
	v12 =	vadd.f32 v12, v16;
	v26 =	vmul.f32 v13, v13  }
0x497: {  	v24 =	vld [tilespmem:s22+$0xFEA0];
	(xrf2) =	vadd.scan.msk.f32 $0xffff, v14  }
0x498: {  	v53 =	vmul.f32 v17, v17;
	v14 =	vld [tilespmem:s22+$0xFEB0];
	v31 =	vadd.f32 v17, v12;
	v51 =	vadd.f32 v26, v23;
	v16, _, _ =	vpop (xrf2)  }
0x499: {  	v52 =	vmul.f32 v12, v12;
	v26 =	vadd.f32 v25, v30;
	(v2sf) =	vpush v16, $0xF;
	v16, _, _ =	vpop (xrf2)  }
0x49a: {  	(v2sf) =	vpush v16, $0xF;
	v16 =	vadd.f32 v13, v19  }
0x49b: {  	v23 =	vadd.f32 v18, v28;
	v18 =	vadd.f32 v53, v52  }
0x49c: {  	v24 =	vadd.f32 v29, v24;
	v16 =	vadd.f32 v31, v16  }
0x49d: {  	v25 =	vadd.f32 v27, v14;
	v18 =	vadd.f32 v18, v51  }
0x49e: {  	v14 =	vmul.f32 v26, v26;
	v27, _, _ =	vpop (xrf2);
	(xrf2) =	vadd.scan.msk.f32 $0xffff, v16;
	v16 =	vadd.f32 v23, v26  }
0x49f: {  	v28 =	vmul.f32 v23, v23;
	(v2sf) =	vpush v27, $0xF;
	v27 =	vadd.f32 v25, v24  }
0x4a0: {  	v29 =	vmul.f32 v24, v24;
	v30 =	vmul.f32 v25, v25  }
0x4a1: {  	v14 =	vadd.f32 v28, v14;
	(xrf2) =	vadd.scan.msk.f32 $0xffff, v18;
	v18, _, _ =	vpop (xrf2);
	v16 =	vadd.f32 v27, v16  }
0x4a2: {  	v27 =	vadd.f32 v30, v29;
	(v2sf) =	vpush v18, $0xF;
	_ =	sdelay $0x1  }
0x4a3: {  	v14 =	vadd.f32 v27, v14;
	_ =	sdelay $0x1  }
0x4a4: {  	(xrf2) =	vadd.scan.msk.f32 $0xffff, v16;
	_ =	sdelay $0x1  }
0x4a5: {  	(xrf2) =	vadd.scan.msk.f32 $0xffff, v14;
	s9 =	spop (v2sf);
	v14, _, _ =	vpop (xrf2)  }
0x4a6: {  	s9 =	smul.f32 $1.562500000e-02, s9;
	s10 =	spop (v2sf);
	(v2sf) =	vpush v14, $0xF  }
0x4a7: {  	s7 =	smul.f32 $1.562500000e-02, s10  }
0x4a8: {  	s11 =	smul.f32 s9, s9;
	_ =	sdelay $0x1  }
0x4a9: {  	v14, _, _ =	vpop (xrf2);
	s7 =	ssub.f32 s7, s11  }
0x4aa: {  	(v2sf) =	vpush v14, $0xF;
	s12 =	spop (v2sf)  }
0x4ab: {  	s7 =	sadd.f32 $9.999999960e-13, s7;
	s10 =	smul.f32 $1.562500000e-02, s12  }
0x4ac: {  	s23 =	simm.s32 $0x100;
	v14, _, _ =	vpop (xrf2)  }
0x4ad: {  	v62 =	vld [tilespmem:s23+$0xFE30];
	(v2sf) =	vpush v14, $0xF;
	s17 =	spop (v2sf);
	v14 =	vmov s7;
	s13 =	smul.f32 s10, s10  }
0x4ae: {  	v53 =	vld [tilespmem:s23+$0x13030];
	v16, _, _ =	vpop (xrf2);
	s11 =	smul.f32 $1.562500000e-02, s17;
	v18 =	vshra.s32 v14, $0x1;
	v14 =	vmul.f32 $5.000000000e-01, v14  }
0x4af: {  	(v2sf) =	vpush v16, $0xF;
	v16 =	vsub.s32 $0x5F3759DF, v18  }
0x4b0: {  	s7 =	ssub.f32 s11, s13;
	v18 =	vmul.f32 v16, v14  }
0x4b1: {  	v54 =	vld [tilespmem:s23+$0x130C0]  }
0x4b2: {  	v55 =	vld [tilespmem:s23+$0xFED0];
	s7 =	sadd.f32 $9.999999960e-13, s7;
	v18 =	vmul.f32 v16, v18  }
0x4b3: {  	v56 =	vld [tilespmem:s23+$0x130D0];
	v40 =	vadd.f32 v53, v62;
	v37 =	vmov s9  }
0x4b4: {  	v57 =	vld [tilespmem:s23+$0x130E0];
	v31 =	vmov s10;
	v29 =	vmov s7;
	v18 =	vsub.f32 $1.500000000e+00, v18;
	s18 =	spop (v2sf)  }
0x4b5: {  	v59 =	vld [tilespmem:s23+$0x130F0];
	v28 =	vsub.f32 v15, v31;
	v15 =	vshra.s32 v29, $0x1;
	v42 =	vmul.f32 $5.000000000e-01, v29;
	s25 =	smul.f32 $1.562500000e-02, s18  }
0x4b6: {  	v60 =	vld [tilespmem:s23+$0x13010];
	v30 =	vsub.f32 v10, v31;
	v15 =	vsub.s32 $0x5F3759DF, v15;
	v16 =	vmul.f32 v16, v18  }
0x4b7: {  	v27 =	vld [tilespmem:s23+$0xFEC0];
	v29 =	vsub.f32 v8, v31;
	v58 =	vmul.f32 v15, v42;
	v10 =	vmov s25  }
0x4b8: {  	v31 =	vsub.f32 v11, v31;
	v8 =	vmul.f32 v16, v14;
	v14 =	vld [tilespmem:s23+$0xFEF0];
	v32 =	vsub.f32 v19, v10  }
0x4b9: {  	v18 =	vld [tilespmem:s23+$0xFEE0];
	s30 =	spop (v2sf);
	v11 =	vmul.f32 v15, v58;
	v33 =	vsub.f32 v13, v10;
	v34 =	vsub.f32 v12, v10  }
0x4ba: {  	s11 =	smul.f32 $1.562500000e-02, s30;
	v19 =	vld [tilespmem:s23+$0xFE00];
	v35 =	vsub.f32 v17, v10;
	v10 =	vadd.f32 v56, v55;
	v8 =	vmul.f32 v8, v16  }
0x4bb: {  	v22 =	vsub.f32 v22, v37;
	s28 =	smul.f32 s25, s25;
	v12 =	vld [tilespmem:s23+$0x13000];
	v43 =	vsub.f32 $1.500000000e+00, v11  }
0x4bc: {  	v21 =	vsub.f32 v21, v37;
	v17 =	vld [tilespmem:s23+$0xFE10];
	v39 =	vmul.f32 v10, v10;
	v13 =	vsub.f32 $1.500000000e+00, v8  }
0x4bd: {  	s31 =	ssub.f32 s11, s28;
	s11 =	spop (v2sf);
	v8 =	vadd.f32 v54, v27;
	v43 =	vmul.f32 v15, v43;
	v11 =	vadd.f32 v59, v14  }
0x4be: {  	s7 =	smul.f32 $1.562500000e-02, s11;
	s13 =	spop (v2sf);
	v36 =	vmul.f32 v13, v16;
	v13 =	vsub.f32 v9, v37;
	v9 =	vadd.f32 v57, v18  }
0x4bf: {  	s10 =	sadd.f32 $9.999999960e-13, s31;
	s11 =	smul.f32 $1.562500000e-02, s13;
	v14 =	vld [tilespmem:s23+$0x13020];
	v18 =	vmul.f32 v8, v8;
	v63 =	vadd.f32 v10, v8;
	v54 =	vmul.f32 v11, v11  }
0x4c0: {  	s12 =	smul.f32 s7, s7;
	v16 =	vld [tilespmem:s23+$0xFE20];
	v27 =	vadd.f32 v12, v19;
	v13 =	vmul.f32 v36, v13;
	v52 =	vmul.f32 v9, v9  }
0x4c1: {  	v58 =	vld [tilespmem:s23+$0xFE50];
	v61 =	vmov s10;
	v38 =	vadd.f32 v60, v17;
	v56 =	vadd.f32 v11, v9  }
0x4c2: {  	v12 =	vld [tilespmem:s23+$0xFE40];
	s9 =	ssub.f32 s11, s12;
	v41 =	vmul.f32 v13, v3;
	v13 =	vadd.f32 v39, v18;
	v19 =	vadd.f32 v54, v52  }
0x4c3: {  	v42 =	vmul.f32 v43, v42;
	v55 =	vshra.s32 v61, $0x1;
	v18 =	vld [tilespmem:s23+$0x13040];
	v45 =	vadd.f32 v56, v63  }
0x4c4: {  	v59 =	vld [tilespmem:s23+$0x13050];
	v46 =	vmul.f32 $5.000000000e-01, v61;
	v57 =	vmul.f32 v27, v27;
	s9 =	sadd.f32 $9.999999960e-13, s9;
	v13 =	vadd.f32 v19, v13  }
0x4c5: {  	v44 =	vld [tilespmem:s23+$0x13080];
	v60 =	vmul.f32 v38, v38;
	v49 =	vsub.s32 $0x5F3759DF, v55;
	v39 =	vadd.f32 v14, v16;
	(xrf2) =	vadd.scan.msk.f32 $0xffff, v45  }
0x4c6: {  	v51 =	vld [tilespmem:s23+$0x13060];
	v42 =	vmul.f32 v42, v43;
	v54 =	vmul.f32 v40, v40;
	v17 =	vmov s9;
	(xrf2) =	vadd.scan.msk.f32 $0xffff, v13  }
0x4c7: {  	v16 =	vadd.f32 v38, v27;
	v14 =	vshra.s32 v17, $0x1;
	v19 =	vld [tilespmem:s23+$0xFE60];
	v52 =	vadd.f32 v40, v39  }
0x4c8: {  	v53 =	vld [tilespmem:s23+$0xFE70];
	v45 =	vmul.f32 $5.000000000e-01, v17;
	v14 =	vsub.s32 $0x5F3759DF, v14;
	v17 =	vadd.f32 v18, v12  }
0x4c9: {  	v13 =	vmul.f32 v39, v39;
	v12 =	vld [tilespmem:s23+$0x13070];
	v61 =	vadd.f32 v52, v16;
	v16 =	vadd.f32 v59, v58  }
0x4ca: {  	v47 =	vadd.f32 v60, v57;
	v60 =	vld [tilespmem:s23+$0x13090];
	v55 =	vmul.f32 v14, v45;
	v18 =	vmul.f32 v49, v46  }
0x4cb: {  	v52 =	vld [tilespmem:s23+$0xFE80];
	v13 =	vadd.f32 v54, v13;
	v62 =	vmul.f32 v17, v17;
	(xrf2) =	vadd.scan.msk.f32 $0xffff, v61;
	v56 =	vmul.f32 v16, v16  }
0x4cc: {  	v42 =	vsub.f32 $1.500000000e+00, v42;
	v63 =	vmul.f32 v49, v18;
	v18 =	vadd.f32 v51, v19;
	v51 =	vld [tilespmem:s23+$0xFE90]  }
0x4cd: {  	v55 =	vmul.f32 v14, v55;
	v13 =	vadd.f32 v13, v47;
	v15 =	vadd.f32 v56, v62;
	v56 =	vld [tilespmem:s23+$0x130A0]  }
0x4ce: {  	v48 =	vadd.f32 v16, v17;
	v62 =	vld [tilespmem:s23+$0x130B0];
	v19 =	vadd.f32 v12, v53  }
0x4cf: {  	v54 =	vsub.f32 $1.500000000e+00, v63;
	v53 =	vld [tilespmem:s23+$0xFEA0];
	v57, _, _ =	vpop (xrf2);
	(xrf2) =	vadd.scan.msk.f32 $0xffff, v13;
	v13 =	vsub.f32 $1.500000000e+00, v55  }
0x4d0: {  	v50 =	vmul.f32 v18, v18;
	v61 =	vadd.f32 v19, v18;
	v55 =	vld [tilespmem:s23+$0xFEB0];
	(v2sf) =	vpush v57, $0xF;
	v63, _, _ =	vpop (xrf2)  }
0x4d1: {  	v57 =	vmul.f32 v14, v13;
	v14 =	vmul.f32 v19, v19;
	(v2sf) =	vpush v63, $0xF  }
0x4d2: {  	v20 =	vsub.f32 v20, v37;
	v49 =	vmul.f32 v49, v54;
	v48 =	vadd.f32 v61, v48  }
0x4d3: {  	v42 =	vmul.f32 v42, v43;
	v12 =	vadd.f32 v44, v52;
	v50 =	vadd.f32 v14, v50  }
0x4d4: {  	v46 =	vmul.f32 v49, v46;
	v13 =	vadd.f32 v60, v51;
	v14 =	vadd.f32 v56, v53;
	(xrf2) =	vadd.scan.msk.f32 $0xffff, v48  }
0x4d5: {  	v60 =	vmul.f32 v12, v12;
	v50 =	vadd.f32 v50, v15;
	v15 =	vadd.f32 v62, v55;
	v62, _, _ =	vpop (xrf2)  }
0x4d6: {  	v46 =	vmul.f32 v46, v49;
	v45 =	vmul.f32 v57, v45;
	(v2sf) =	vpush v62, $0xF  }
0x4d7: {  	v51 =	vadd.f32 v13, v12;
	v61 =	vmul.f32 v13, v13;
	v56 =	vadd.f32 v15, v14;
	(xrf2) =	vadd.scan.msk.f32 $0xffff, v50  }
0x4d8: {  	v46 =	vsub.f32 $1.500000000e+00, v46;
	v58 =	vmul.f32 v14, v14;
	v59 =	vmul.f32 v15, v15  }
0x4d9: {  	v47 =	vadd.f32 v61, v60;
	v63 =	vmul.f32 v45, v57;
	v60, _, _ =	vpop (xrf2);
	v62 =	vadd.f32 v56, v51  }
0x4da: {  	v29 =	vmul.f32 v42, v29;
	v54 =	vadd.f32 v59, v58;
	(v2sf) =	vpush v60, $0xF  }
0x4db: {  	v30 =	vmul.f32 v42, v30;
	v46 =	vmul.f32 v46, v49;
	v61 =	vsub.f32 $1.500000000e+00, v63;
	(xrf2) =	vadd.scan.msk.f32 $0xffff, v62  }
0x4dc: {  	v31 =	vmul.f32 v42, v31;
	v63 =	vmov s7;
	v55 =	vadd.f32 v54, v47  }
0x4dd: {  	v26 =	vsub.f32 v26, v63;
	v35 =	vmul.f32 v46, v35;
	v43 =	vmul.f32 v61, v57  }
0x4de: {  	v23 =	vsub.f32 v23, v63;
	v58 =	vmul.f32 v46, v33;
	v33 =	vmul.f32 v36, v22;
	(xrf2) =	vadd.scan.msk.f32 $0xffff, v55;
	v22, _, _ =	vpop (xrf2)  }
0x4df: {  	v56 =	vmul.f32 v42, v28;
	v57 =	vmul.f32 v46, v32;
	s17 =	spop (v2sf);
	(v2sf) =	vpush v22, $0xF  }
0x4e0: {  	v24 =	vsub.f32 v24, v63;
	v59 =	vmul.f32 v46, v34;
	v34 =	vmul.f32 v36, v21;
	s11 =	smul.f32 $1.562500000e-02, s17;
	s18 =	spop (v2sf)  }
0x4e1: {  	v25 =	vsub.f32 v25, v63;
	v32 =	vmul.f32 v36, v20;
	v35 =	vmul.f32 v35, v3;
	v20, _, _ =	vpop (xrf2);
	s7 =	smul.f32 $1.562500000e-02, s18  }
0x4e2: {  	v60 =	vmul.f32 v43, v26;
	v61 =	vmul.f32 v43, v23;
	s25 =	smul.f32 s11, s11;
	(v2sf) =	vpush v20, $0xF  }
0x4e3: {  	v62 =	vmul.f32 v43, v24;
	v28 =	vmul.f32 v43, v25  }
0x4e4: {  	v21 =	vmul.f32 v56, v0;
	v43 =	vmul.f32 v30, v2;
	s7 =	ssub.f32 s7, s25  }
0x4e5: {  	v63 =	vadd.f32 v41, v7;
	v25 =	vmul.f32 v31, v3;
	v26 =	vmul.f32 v57, v0;
	s28 =	spop (v2sf);
	v20, _, _ =	vpop (xrf2)  }
0x4e6: {  	v41 =	vmul.f32 v58, v1;
	v42 =	vmul.f32 v59, v2;
	s9 =	smul.f32 $1.562500000e-02, s28;
	s7 =	sadd.f32 $9.999999960e-13, s7;
	(v2sf) =	vpush v20, $0xF  }
0x4e7: {  	v37 =	vmul.f32 v60, v0;
	v22 =	vmul.f32 v29, v1  }
0x4e8: {  	v29 =	vadd.f32 v21, v4;
	v23, _, _ =	vpop (xrf2);
	v20 =	vmov s9;
	v21 =	vmov s7  }
0x4e9: {  	s9 =	smul.f32 s9, s9;
	v30 =	vshra.s32 v21, $0x1;
	v44 =	vmul.f32 $5.000000000e-01, v21;
	s30 =	spop (v2sf);
	(v2sf) =	vpush v23, $0xF  }
0x4ea: {  	[tilespmem:s22+$0xFE00] =	vst v29;
	v29 =	vmul.f32 v61, v1;
	v24 =	vsub.f32 v27, v20;
	s31 =	smul.f32 $1.562500000e-02, s30;
	v31 =	vsub.s32 $0x5F3759DF, v30  }
0x4eb: {  	v23 =	vsub.f32 v38, v20;
	v21 =	vsub.f32 v39, v20;
	v30 =	vmul.f32 v31, v44  }
0x4ec: {  	[tilespmem:s22+$0xFEF0] =	vst v63;
	s7 =	simm.s32 $0x2;
	v20 =	vsub.f32 v40, v20;
	v27 =	vadd.f32 v22, v5;
	v22 =	vmul.f32 v62, v2;
	s13 =	ssub.f32 s31, s9;
	s9 =	simm.s32 $0x800  }
.LBB2_9:
0x4ed: {  	s10 =	sshra.s32 s9, $0x2;
	v30 =	vmul.f32 v31, v30;
	v36 =	vadd.f32 v43, v6;
	v28 =	vmul.f32 v28, v3  }
0x4ee: {  	v39 =	vadd.f32 v25, v7;
	v25 =	vmul.f32 v34, v1;
	v38 =	vld [tilespmem:s10+$0xFEC0];
	s12 =	sadd.f32 $9.999999960e-13, s13;
	s13 =	spop (v2sf);
	[tilespmem:s22+$0xFE10] =	vst v27;
	v27 =	vmul.f32 v33, v0  }
0x4ef: {  	v33 =	vadd.f32 v26, v4;
	v26 =	vmul.f32 v32, v2;
	v40 =	vld [tilespmem:s10+$0x130C0];
	s13 =	smul.f32 $1.562500000e-02, s13;
	v30 =	vsub.f32 $1.500000000e+00, v30;
	[tilespmem:s22+$0xFE20] =	vst v36  }
0x4f0: {  	v34 =	vadd.f32 v41, v5;
	v36 =	vld [tilespmem:s10+$0xFED0];
	v32 =	vmov s12;
	[tilespmem:s22+$0xFE30] =	vst v39;
	v39 =	vadd.f32 v42, v6  }
0x4f1: {  	v41 =	vld [tilespmem:s10+$0x130D0];
	v43 =	vshra.s32 v32, $0x1;
	v42 =	vmul.f32 $5.000000000e-01, v32;
	s12 =	smul.f32 s13, s13;
	v30 =	vmul.f32 v31, v30;
	s17 =	spop (v2sf);
	[tilespmem:s22+$0xFE40] =	vst v33  }
0x4f2: {  	v45 =	vadd.f32 v35, v7;
	v33 =	vmov s13;
	v31 =	vld [tilespmem:s10+$0xFEE0];
	v43 =	vsub.s32 $0x5F3759DF, v43;
	s17 =	smul.f32 $1.562500000e-02, s17;
	[tilespmem:s22+$0xFE50] =	vst v34  }
0x4f3: {  	v32 =	vsub.f32 v17, v33;
	v46 =	vld [tilespmem:s10+$0x130E0];
	v47 =	vmul.f32 v43, v42;
	v17 =	vmul.f32 v30, v44;
	[tilespmem:s22+$0xFE60] =	vst v39  }
0x4f4: {  	v34 =	vsub.f32 v16, v33;
	v35 =	vsub.f32 v18, v33;
	v44 =	vld [tilespmem:s10+$0xFEF0];
	s12 =	ssub.f32 s17, s12;
	[tilespmem:s22+$0xFE70] =	vst v45  }
0x4f5: {  	v33 =	vsub.f32 v19, v33;
	v16 =	vld [tilespmem:s10+$0x130F0];
	v18 =	vmul.f32 v43, v47;
	v17 =	vmul.f32 v17, v30;
	s13 =	spop (v2sf)  }
0x4f6: {  	s7 =	sadd.s32 $0x2, s7;
	v37 =	vadd.f32 v37, v4;
	v29 =	vadd.f32 v29, v5;
	v19 =	vld [tilespmem:s10+$0xFE00];
	s12 =	sadd.f32 $9.999999960e-13, s12;
	s13 =	smul.f32 $1.562500000e-02, s13  }
0x4f7: {  	p1 =	slt.u32 s7, $0x62;
	v45 =	vld [tilespmem:s10+$0x13000];
	v47 =	vsub.f32 $1.500000000e+00, v18;
	v17 =	vsub.f32 $1.500000000e+00, v17  }
0x4f8: {  	v39 =	vmov s11;
	v40 =	vadd.f32 v40, v38;
	v18 =	vld [tilespmem:s10+$0xFE10];
	v48 =	vmov s12;
	s12 =	smul.f32 s13, s13;
	s11 =	spop (v2sf);
	[tilespmem:s22+$0xFE80] =	vst v37  }
0x4f9: {  	v38 =	vadd.f32 v41, v36;
	v49 =	vld [tilespmem:s10+$0x13010];
	s11 =	smul.f32 $1.562500000e-02, s11;
	v37 =	vmul.f32 v17, v30;
	v17 =	vsub.f32 v11, v39;
	[tilespmem:s22+$0xFE90] =	vst v29  }
0x4fa: {  	v41 =	vadd.f32 v46, v31;
	v30 =	vld [tilespmem:s10+$0xFE20];
	v11 =	vadd.f32 v16, v44;
	v16 =	vshra.s32 v48, $0x1  }
0x4fb: {  	v31 =	vadd.f32 v38, v40;
	v44 =	vmul.f32 v40, v40;
	v36 =	vld [tilespmem:s10+$0x13020];
	s11 =	ssub.f32 s11, s12;
	v17 =	vmul.f32 v37, v17  }
0x4fc: {  	v51 =	vmul.f32 v38, v38;
	v52 =	vmul.f32 v41, v41;
	v46 =	vld [tilespmem:s10+$0xFE30];
	v50 =	vadd.f32 v11, v41  }
0x4fd: {  	v29 =	vadd.f32 v45, v19;
	v45 =	vmul.f32 v11, v11;
	v19 =	vld [tilespmem:s10+$0x13030];
	s11 =	sadd.f32 $9.999999960e-13, s11;
	v17 =	vmul.f32 v17, v3  }
0x4fe: {  	v48 =	vmul.f32 $5.000000000e-01, v48;
	v44 =	vadd.f32 v51, v44;
	v53 =	vld [tilespmem:s10+$0xFE40];
	v50 =	vadd.f32 v50, v31  }
0x4ff: {  	v51 =	vmul.f32 v29, v29;
	v45 =	vadd.f32 v45, v52;
	v54 =	vld [tilespmem:s10+$0x13040];
	v17 =	vadd.f32 v17, v7  }
0x500: {  	v31 =	vadd.f32 v49, v18;
	v30 =	vadd.f32 v36, v30;
	v18 =	vld [tilespmem:s10+$0xFE50];
	(xrf2) =	vadd.scan.msk.f32 $0xffff, v50;
	v36 =	vmov s11  }
0x501: {  	v44 =	vadd.f32 v45, v44;
	v49 =	vld [tilespmem:s10+$0x13050];
	v45 =	vshra.s32 v36, $0x1;
	v50 =	vmul.f32 $5.000000000e-01, v36;
	[tilespmem:s23+$0xFEF0] =	vst v17  }
0x502: {  	v36 =	vadd.f32 v19, v46;
	v19 =	vadd.f32 v31, v29;
	v46 =	vmul.f32 v31, v31;
	v52 =	vld [tilespmem:s10+$0xFE60]  }
0x503: {  	v55 =	vmul.f32 v30, v30;
	v45 =	vsub.s32 $0x5F3759DF, v45;
	v56 =	vld [tilespmem:s10+$0x13060];
	(xrf2) =	vadd.scan.msk.f32 $0xffff, v44;
	v44 =	vsub.s32 $0x5F3759DF, v16  }
0x504: {  	v16 =	vadd.f32 v36, v30;
	v57 =	vmul.f32 v36, v36;
	v17 =	vadd.f32 v54, v53;
	v53 =	vld [tilespmem:s10+$0xFE70]  }
0x505: {  	v58 =	vmul.f32 v45, v50;
	v46 =	vadd.f32 v46, v51;
	v54 =	vmul.f32 v44, v48;
	v51 =	vld [tilespmem:s10+$0x13070]  }
0x506: {  	v19 =	vadd.f32 v16, v19;
	v16 =	vadd.f32 v49, v18;
	v49 =	vmul.f32 v17, v17;
	v59 =	vld [tilespmem:s10+$0xFE80]  }
0x507: {  	v58 =	vmul.f32 v45, v58;
	v55 =	vadd.f32 v57, v55;
	v61 =	vmul.f32 v44, v54;
	v57 =	vld [tilespmem:s10+$0x13080]  }
0x508: {  	v18 =	vadd.f32 v56, v52;
	v52 =	vadd.f32 v16, v17;
	v56 =	vmul.f32 v16, v16;
	v60 =	vld [tilespmem:s10+$0xFE90];
	(xrf2) =	vadd.scan.msk.f32 $0xffff, v19  }
0x509: {  	v43 =	vmul.f32 v43, v47;
	v46 =	vadd.f32 v55, v46;
	v47 =	vsub.f32 $1.500000000e+00, v61;
	v55 =	vld [tilespmem:s10+$0x13090]  }
0x50a: {  	v19 =	vadd.f32 v51, v53;
	v49 =	vadd.f32 v56, v49;
	v51 =	vmul.f32 v18, v18;
	v53 =	vld [tilespmem:s10+$0xFEA0];
	v54, _, _ =	vpop (xrf2)  }
0x50b: {  	v42 =	vmul.f32 v43, v42;
	v44 =	vmul.f32 v44, v47;
	v56 =	vld [tilespmem:s10+$0x130A0];
	(xrf2) =	vadd.scan.msk.f32 $0xffff, v46;
	v46 =	vsub.f32 $1.500000000e+00, v58  }
0x50c: {  	v47 =	vadd.f32 v19, v18;
	v58 =	vmul.f32 v19, v19;
	v57 =	vadd.f32 v57, v59;
	v59 =	vld [tilespmem:s10+$0xFEB0]  }
0x50d: {  	v48 =	vmul.f32 v44, v48;
	v61 =	vld [tilespmem:s10+$0x130B0];
	(v2sf) =	vpush v54, $0xF;
	v54, _, _ =	vpop (xrf2);
	v45 =	vmul.f32 v45, v46  }
0x50e: {  	v46 =	vadd.f32 v55, v60;
	v55 =	vmul.f32 v57, v57;
	(v2sf) =	vpush v54, $0xF  }
0x50f: {  	v47 =	vadd.f32 v47, v52;
	v51 =	vadd.f32 v58, v51;
	v50 =	vmul.f32 v45, v50  }
0x510: {  	v52 =	vadd.f32 v56, v53;
	v53 =	vadd.f32 v46, v57;
	v54 =	vmul.f32 v46, v46  }
0x511: {  	v42 =	vmul.f32 v42, v43;
	v49 =	vadd.f32 v51, v49;
	(xrf2) =	vadd.scan.msk.f32 $0xffff, v47;
	v47 =	vmul.f32 v48, v44  }
0x512: {  	v48 =	vadd.f32 v61, v59;
	v51 =	vadd.f32 v54, v55;
	v54 =	vmul.f32 v52, v52;
	v55, _, _ =	vpop (xrf2)  }
0x513: {  	v42 =	vsub.f32 $1.500000000e+00, v42;
	v50 =	vmul.f32 v50, v45;
	(v2sf) =	vpush v55, $0xF  }
0x514: {  	v47 =	vsub.f32 $1.500000000e+00, v47;
	v55 =	vadd.f32 v48, v52;
	v56 =	vmul.f32 v48, v48;
	(xrf2) =	vadd.scan.msk.f32 $0xffff, v49  }
0x515: {  	v42 =	vmul.f32 v42, v43;
	v43 =	vsub.f32 $1.500000000e+00, v50;
	v50 =	vmov s13;
	v49, _, _ =	vpop (xrf2)  }
0x516: {  	v44 =	vmul.f32 v47, v44;
	v53 =	vadd.f32 v55, v53;
	v54 =	vadd.f32 v56, v54  }
0x517: {  	v43 =	vmul.f32 v43, v45;
	v45 =	vsub.f32 v12, v50;
	v12 =	vmovc v57;
	(v2sf) =	vpush v49, $0xF  }
0x518: {  	v24 =	vmul.f32 v42, v24;
	v49 =	vsub.f32 v13, v50;
	v47 =	vadd.f32 v54, v51;
	(xrf2) =	vadd.scan.msk.f32 $0xffff, v53  }
0x519: {  	v23 =	vmul.f32 v42, v23;
	v15 =	vsub.f32 v15, v50;
	v13 =	vmovc v46;
	v51 =	vsub.f32 v14, v50  }
0x51a: {  	v21 =	vmul.f32 v42, v21;
	v46 =	vsub.f32 v8, v39;
	v8 =	vmovc v40;
	v50 =	vsub.f32 v10, v39  }
0x51b: {  	v20 =	vmul.f32 v42, v20;
	v40 =	vmul.f32 v44, v32;
	v32 =	vsub.f32 v9, v39;
	v10, _, _ =	vpop (xrf2);
	(xrf2) =	vadd.scan.msk.f32 $0xffff, v47  }
0x51c: {  	v35 =	vmul.f32 v44, v35;
	v9 =	vmovc v41;
	v39 =	vmul.f32 v44, v34;
	(v2sf) =	vpush v10, $0xF;
	s11 =	spop (v2sf);
	v10 =	vmovc v38  }
0x51d: {  	v22 =	vadd.f32 v22, v6;
	v14 =	vmovc v52;
	v38 =	vmul.f32 v44, v33;
	v44 =	vmul.f32 v43, v45;
	s11 =	smul.f32 $1.562500000e-02, s11;
	s12 =	spop (v2sf)  }
0x51e: {  	v41 =	vadd.f32 v28, v7;
	v47 =	vmul.f32 v43, v51;
	v45 =	vmul.f32 v43, v49;
	s12 =	smul.f32 $1.562500000e-02, s12;
	v33, _, _ =	vpop (xrf2)  }
0x51f: {  	v28 =	vmul.f32 v43, v15;
	v15 =	vmovc v48;
	s13 =	smul.f32 s11, s11;
	(v2sf) =	vpush v33, $0xF;
	v33 =	vmul.f32 v37, v46;
	[tilespmem:s22+$0xFEA0] =	vst v22  }
0x520: {  	v32 =	vmul.f32 v37, v32;
	v34 =	vmul.f32 v37, v50;
	v22 =	vadd.f32 v27, v4;
	[tilespmem:s22+$0xFEB0] =	vst v41  }
0x521: {  	v24 =	vmul.f32 v24, v0;
	v27 =	vmul.f32 v23, v1;
	v23 =	vadd.f32 v25, v5;
	s12 =	ssub.f32 s12, s13  }
0x522: {  	s13 =	spop (v2sf)  }
0x523: {  	v43 =	vmul.f32 v21, v2;
	v25 =	vmul.f32 v20, v3;
	v20 =	vadd.f32 v26, v6;
	v37, _, _ =	vpop (xrf2);
	[tilespmem:s22+$0xFEC0] =	vst v22;
	s13 =	smul.f32 $1.562500000e-02, s13  }
0x524: {  	v26 =	vmul.f32 v40, v0;
	v41 =	vmul.f32 v39, v1;
	s12 =	sadd.f32 $9.999999960e-13, s12;
	(v2sf) =	vpush v37, $0xF;
	[tilespmem:s22+$0xFED0] =	vst v23  }
0x525: {  	v42 =	vmul.f32 v35, v2;
	v21 =	vadd.f32 v24, v4;
	v35 =	vmul.f32 v38, v3;
	[tilespmem:s22+$0xFEE0] =	vst v20;
	s22 =	smov.u32 s23;
	s23 =	smov.u32 s10;
	s10 =	smul.f32 s13, s13  }
.Ltmp5:
0x526: {  	v37 =	vmul.f32 v44, v0;
	v20 =	vmov s13;
	v22 =	vmov s12;
	v23, _, _ =	vpop (xrf2);
	(pc) =	sbr.rel @p1 .LBB2_9-.Ltmp5, $4  }
0x527: {  	v38 =	vshra.s32 v22, $0x1;
	v44 =	vmul.f32 $5.000000000e-01, v22;
	s12 =	spop (v2sf);
	(v2sf) =	vpush v23, $0xF;
	[tilespmem:s22+$0xFE00] =	vst v21  }
0x528: {  	v24 =	vsub.f32 v29, v20;
	v23 =	vsub.f32 v31, v20;
	s12 =	smul.f32 $1.562500000e-02, s12;
	v31 =	vsub.s32 $0x5F3759DF, v38  }
0x529: {  	v21 =	vsub.f32 v30, v20;
	v20 =	vsub.f32 v36, v20;
	v30 =	vmul.f32 v31, v44  }
0x52a: {  	s9 =	sadd.s32 $0x400, s9;
	v27 =	vadd.f32 v27, v5;
	v29 =	vmul.f32 v45, v1;
	v22 =	vmul.f32 v47, v2;
	s13 =	ssub.f32 s12, s10  }
0x52b: {  	_ =	sdelay $0x1  }
0x52c: {  	s7 =	spop (v2sf);
	v30 =	vmul.f32 v31, v30;
	v58 =	vadd.f32 v43, v6;
	v28 =	vmul.f32 v28, v3  }
0x52d: {  	v25 =	vadd.f32 v25, v7;
	v33 =	vmul.f32 v33, v0;
	v26 =	vadd.f32 v26, v4;
	s9 =	smul.f32 $1.562500000e-02, s7;
	s13 =	sadd.f32 $9.999999960e-13, s13  }
0x52e: {  	v60 =	vmov s11;
	v34 =	vmul.f32 v34, v1;
	v41 =	vadd.f32 v41, v5  }
0x52f: {  	v61 =	vadd.f32 v42, v6;
	v30 =	vsub.f32 $1.500000000e+00, v30;
	s10 =	spop (v2sf);
	s12 =	smul.f32 s9, s9;
	v36 =	vmov s13  }
0x530: {  	v35 =	vadd.f32 v35, v7;
	s10 =	smul.f32 $1.562500000e-02, s10;
	v38 =	vshra.s32 v36, $0x1;
	v36 =	vmul.f32 $5.000000000e-01, v36  }
0x531: {  	v63 =	vadd.f32 v37, v4;
	v30 =	vmul.f32 v31, v30;
	v38 =	vsub.s32 $0x5F3759DF, v38  }
0x532: {  	v32 =	vmul.f32 v32, v2;
	v11 =	vsub.f32 v11, v60;
	s10 =	ssub.f32 s10, s12;
	v56 =	vmul.f32 v38, v36;
	s25 =	spop (v2sf)  }
0x533: {  	v22 =	vadd.f32 v22, v6;
	v8 =	vsub.f32 v8, v60;
	v44 =	vmul.f32 v30, v44;
	s7 =	smul.f32 $1.562500000e-02, s25  }
0x534: {  	v10 =	vsub.f32 v10, v60;
	v9 =	vsub.f32 v9, v60;
	s10 =	sadd.f32 $9.999999960e-13, s10;
	v31 =	vmul.f32 v38, v56  }
0x535: {  	v52 =	vadd.f32 v28, v7;
	v53 =	vadd.f32 v33, v4;
	v44 =	vmul.f32 v44, v30;
	s17 =	smul.f32 s7, s7;
	s18 =	spop (v2sf)  }
0x536: {  	v55 =	vadd.f32 v34, v5;
	v39 =	vmov s9;
	v31 =	vsub.f32 $1.500000000e+00, v31;
	s18 =	smul.f32 $1.562500000e-02, s18  }
0x537: {  	v17 =	vsub.f32 v17, v39;
	v40 =	vmov s10;
	v44 =	vsub.f32 $1.500000000e+00, v44  }
0x538: {  	v45 =	vshra.s32 v40, $0x1;
	v40 =	vmul.f32 $5.000000000e-01, v40;
	v31 =	vmul.f32 v38, v31;
	s28 =	ssub.f32 s18, s17  }
0x539: {  	v16 =	vsub.f32 v16, v39;
	v45 =	vsub.s32 $0x5F3759DF, v45;
	v30 =	vmul.f32 v44, v30  }
0x53a: {  	v18 =	vsub.f32 v18, v39;
	v48 =	vmul.f32 v45, v40;
	v36 =	vmul.f32 v31, v36;
	s30 =	sadd.f32 $9.999999960e-13, s28  }
0x53b: {  	[tilespmem:s22+$0xFE10] =	vst v27;
	v19 =	vsub.f32 v19, v39;
	v11 =	vmul.f32 v30, v11;
	v8 =	vmul.f32 v30, v8  }
0x53c: {  	[tilespmem:s22+$0xFE20] =	vst v58;
	v10 =	vmul.f32 v30, v10;
	v9 =	vmul.f32 v30, v9;
	v46 =	vmov s30  }
0x53d: {  	[tilespmem:s22+$0xFE30] =	vst v25;
	v48 =	vmul.f32 v45, v48;
	v47 =	vshra.s32 v46, $0x1;
	v46 =	vmul.f32 $5.000000000e-01, v46  }
0x53e: {  	[tilespmem:s22+$0xFE40] =	vst v26;
	v36 =	vmul.f32 v36, v31;
	v11 =	vmul.f32 v11, v3;
	v47 =	vsub.s32 $0x5F3759DF, v47  }
0x53f: {  	[tilespmem:s22+$0xFE50] =	vst v41;
	v8 =	vmul.f32 v8, v0;
	v48 =	vsub.f32 $1.500000000e+00, v48;
	v49 =	vmul.f32 v47, v46  }
0x540: {  	[tilespmem:s22+$0xFE60] =	vst v61;
	v10 =	vmul.f32 v10, v1;
	v9 =	vmul.f32 v9, v2;
	v36 =	vsub.f32 $1.500000000e+00, v36  }
0x541: {  	[tilespmem:s22+$0xFE70] =	vst v35;
	v56 =	vadd.f32 v32, v6;
	v57 =	vmul.f32 v45, v48;
	v49 =	vmul.f32 v47, v49  }
0x542: {  	[tilespmem:s22+$0xFE80] =	vst v63;
	v11 =	vadd.f32 v11, v7;
	v8 =	vadd.f32 v8, v4;
	v31 =	vmul.f32 v36, v31  }
0x543: {  	[tilespmem:s22+$0xFEA0] =	vst v22;
	v10 =	vadd.f32 v10, v5;
	v40 =	vmul.f32 v57, v40;
	v59 =	vsub.f32 $1.500000000e+00, v49  }
0x544: {  	[tilespmem:s22+$0xFEB0] =	vst v52;
	v45 =	vadd.f32 v29, v5;
	v48 =	vmov s7;
	v24 =	vmul.f32 v31, v24  }
0x545: {  	[tilespmem:s22+$0xFEC0] =	vst v53;
	v12 =	vsub.f32 v12, v48;
	v42 =	vmul.f32 v40, v57;
	v43 =	vmul.f32 v47, v59  }
0x546: {  	[tilespmem:s22+$0xFED0] =	vst v55;
	v13 =	vsub.f32 v13, v48;
	v51 =	vmul.f32 v31, v23;
	v21 =	vmul.f32 v31, v21  }
0x547: {  	[tilespmem:s22+$0xFEE0] =	vst v56;
	v20 =	vmul.f32 v31, v20;
	v37 =	vsub.f32 $1.500000000e+00, v42;
	v62 =	vmul.f32 v43, v46  }
0x548: {  	v14 =	vsub.f32 v14, v48;
	[tilespmem:s23+$0xFEF0] =	vst v11;
	v54 =	vmul.f32 v24, v0;
	v11 =	vmul.f32 v51, v1  }
0x549: {  	v15 =	vsub.f32 v15, v48;
	[tilespmem:s23+$0xFEC0] =	vst v8;
	v49 =	vmul.f32 v37, v57;
	v46 =	vmul.f32 v62, v43  }
0x54a: {  	v8 =	vadd.f32 v9, v6;
	[tilespmem:s23+$0xFED0] =	vst v10;
	v21 =	vmul.f32 v21, v2;
	v20 =	vmul.f32 v20, v3  }
0x54b: {  	[tilespmem:s22+$0xFE90] =	vst v45;
	v23 =	vadd.f32 v54, v4;
	v17 =	vmul.f32 v49, v17;
	v47 =	vsub.f32 $1.500000000e+00, v46  }
0x54c: {  	[tilespmem:s23+$0xFEE0] =	vst v8;
	v11 =	vadd.f32 v11, v5;
	v16 =	vmul.f32 v49, v16;
	v18 =	vmul.f32 v49, v18  }
0x54d: {  	v21 =	vadd.f32 v21, v6;
	[tilespmem:s23+$0xFE00] =	vst v23;
	v17 =	vmul.f32 v17, v0;
	v50 =	vmul.f32 v47, v43  }
0x54e: {  	v57 =	vadd.f32 v20, v7;
	[tilespmem:s23+$0xFE10] =	vst v11;
	v19 =	vmul.f32 v49, v19;
	v16 =	vmul.f32 v16, v1  }
0x54f: {  	[tilespmem:s23+$0xFE20] =	vst v21;
	v18 =	vmul.f32 v18, v2;
	v17 =	vadd.f32 v17, v4;
	v12 =	vmul.f32 v50, v12  }
0x550: {  	[tilespmem:s23+$0xFE30] =	vst v57;
	v19 =	vmul.f32 v19, v3;
	v58 =	vadd.f32 v16, v5;
	v13 =	vmul.f32 v50, v13  }
0x551: {  	v59 =	vadd.f32 v18, v6;
	[tilespmem:s23+$0xFE40] =	vst v17;
	v14 =	vmul.f32 v50, v14;
	v12 =	vmul.f32 v12, v0  }
0x552: {  	v60 =	vadd.f32 v19, v7;
	[tilespmem:s23+$0xFE50] =	vst v58;
	v15 =	vmul.f32 v50, v15;
	v13 =	vmul.f32 v13, v1  }
0x553: {  	[tilespmem:s23+$0xFE60] =	vst v59;
	v14 =	vmul.f32 v14, v2;
	v12 =	vadd.f32 v12, v4  }
0x554: {  	[tilespmem:s23+$0xFE70] =	vst v60;
	v15 =	vmul.f32 v15, v3;
	v61 =	vadd.f32 v13, v5  }
.Ltmp6:
0x555: {  	s31 =	sadd.s32 s8, s21;
	v62 =	vadd.f32 v14, v6;
	[tilespmem:s23+$0xFE80] =	vst v12;
	(pc) =	sbr.rel @p0 .LBB2_12-.Ltmp6, $4  }
0x556: {  	s7 =	smul.u32 $0x640, s31;
	v63 =	vadd.f32 v15, v7;
	[tilespmem:s23+$0xFE90] =	vst v61  }
0x557: {  	[tilespmem:s23+$0xFEA0] =	vst v62  }
0x558: {  	s7 =	sadd.s32 s4, s7;
	[tilespmem:s23+$0xFEB0] =	vst v63  }
0x559: {  	[hbm4b:s7+s5] =	stream.linear.scatter [tilespmem:s29], [sflag:$0x8], $0x3200, $0x38;
	[tilespmem:$0x16280] =	vst v63  }
0x55a: {  	s7 =	smul.u32 $0xD00, s19  }
0x55b: {  	_ =	swait.ge [sflag:s14], $0x3200  }
.Ltmp7:
0x55c: {  	[sflag:s14] =	ssyncset.done $0x0;
	s7 =	sshra.s32 s7, $0x2;
	(pc) =	sbr.rel .LBB2_2-.Ltmp7, $4  }
0x55d: {  	[sflag:s14] =	ssyncadd.s32 $0xFFFFCE00;
	s9 =	sadd.s32 $0x4E0, s7  }
0x55e: {  	[tilespmem:s24], [sflag:$0x3] =	stream.indirect.gather [hbm4b:s6+s15], $0x40, s9, s15, $0xb8;
	[tilespmem:$0x16280] =	vst v63  }
0x55f: {  	s19 =	sadd.s32 $0x1, s19;
	s7 =	sadd.s32 $0x548, s7  }
0x560: {  	[tilespmem:s26], [sflag:$0x3] =	stream.indirect.gather [hbm4b:s6+s15], $0x40, s7, s15, $0xb8;
	[tilespmem:$0x16280] =	vst v63  }
.LBB2_13:
0x561: {  	_ =	sfence.sel $0x180000  }
0x562: {  	[bflag:$0x0] =	sbarrier.arrive $0xFFFF  }
0x563: {  	_ =	strace $0x90000047  }
0x564: {  	s0 =	stileid.u32;
	[bflag:$0x2] =	sbarrier.arrive $0xFFFF  }
0x565: {  	p0 =	sne.s32 s0, $0x0;
	s0 =	rddreg [dreg:$0x4]  }
0x566: {  	s0 =	sadd.s32 @!p0 $0x100000, s0  }
0x567: {  	[sflag:s0] =	ssyncadd.tile.s32 @!p0 $0x1;
	_ =	shalt  }
.Lfunc_end2:
_tile_overlayer_lowered:
.L_overlay_start_2:
0x568: {  	(tag) =	ssettag $0x2  }
0x569: {  	s0 =	rddreg [dreg:$0x0];
	s2 =	stileid.u32  }
0x56a: {  	s1 =	rddreg [dreg:$0x1];
	p0 =	sne.s32 s2, $0x0  }
0x56b: {  	s3 =	rddreg [dreg:$0x2];
	[bflag:$0x3] =	sbarrier.arrive $0xFFFF;
	s2 =	simm.s32 @!p0 $0x1C09  }
0x56c: {  	[timem:s3], [sflag:s2] =	dma.local @!p0 [hbm:s0], s1  }
0x56d: {  	s0 =	simm.s32 @!p0 $0x9  }
0x56e: {  	_ =	swait.ge @!p0 [sflag:s0], s1  }
0x56f: {  	s1 =	ssub.s32 @!p0 $0x0, s1;
	[sflag:s0] =	ssyncset.done @!p0 $0x0  }
0x570: {  	[sflag:s0] =	ssyncadd.s32 @!p0 s1  }
0x571: {  	[bflag:$0x3] =	sbarrier.arrive $0xFFFF  }
0x572: {  	_ =	shalt  }

// kernel: sparse-core-data-format-call.cloned.1.call-start
scs
called_computation_lowered:
.L_overlay_start_0:
0x0: {  	s2 =	sld [smem:$0x3FD9]  }
0x1: {  	s3 =	sld [smem:$0x3FFE];
	_ =	sdelay $0x1  }
0x2: {  	s1 =	srdreg.scid  }
0x3: {  	s0 =	sand.u32 $0x1, s1  }
0x4: {  	s18 =	sshll.u32 s0, $0xA;
	s2 =	sadd.s32 s3, s2  }
0x5: {  	s2 =	sadd.s32 s2, s18  }
0x6: {  	[smem:$0x3FC3] =	sst s2  }
0x7: {  	_ = 	snop  }
0x8: {  	s2 =	sld [smem:$0x3FD0];
	(tm) =	ssettm $0x1  }
0x9: {  	s19 =	sld [smem:$0x3FFB];
	_ =	sdelay $0x3  }
0xa: {  	_ =	strace s19  }
0xb: {  	s3 =	sld [smem:$0x3FFC];
	_ =	sdelay $0x3  }
0xc: {  	_ =	strace s3  }
0xd: {  	s3 =	sld [smem:$0x3FFD];
	_ =	sdelay $0x3  }
0xe: {  	_ =	strace s3  }
0xf: {  	_ =	strace $0x8FFFFFFF  }
0x10: {  	s20 =	sld [smem:$0x3FDB];
	_ =	sdelay $0x1  }
0x11: {  	s4 =	simm.s32 $_scs_section_size  }
0x12: {  	s5 =	simm.s32 $_size__tile_overlayer_lowered;
	s6 =	simm.s32 $_tile_overlayer_lowered  }
0x13: {  	s23 =	simm.s32 $0x1BFF;
	s22 =	sshll.u32 s6, $0x1;
	s3 =	sadd.s32 s4, s20  }
0x14: {  	s7 =	simm.s32 $0x0;
	s21 =	sshll.u32 s5, $0x1;
	s5 =	sadd.s32 s22, s3  }
0x15: {  	[timem:s7], [sflag:s23] =	dma.local [hbm:s5], s21  }
0x16: {  	_ =	swait.ge [sflag:s23], s21  }
0x17: {  	s4 =	ssub.s32 $0x0, s21;
	[sflag:s23] =	ssyncset.done $0x0  }
0x18: {  	[sflag:s23] =	ssyncadd.s32 s4;
	_ =	sdelay $0x1  }
0x19: {  	s24 =	simm.s32 $0x1B8B  }
0x1a: {  	_ =	swait.ge [sflag:s24], $0x1  }
0x1b: {  	[sflag:s24] =	ssyncset.done $0x0  }
0x1c: {  	s26 =	simm.s32 $0x1B8E;
	s25 =	sld [smem:$0x3FFE];
	[sflag:s24] =	ssyncadd.s32 $0xFFFFFFFF  }
0x1d: {  	s27 =	simm.s32 $execute0_lowered;
	[smem:$0x3FD2] =	sst s26  }
0x1e: {  	s5 =	sshll.u32 s27, $0x1;
	_ =	strace $0x80000049;
	[dreg:$0x1] =	wrdreg $0xFFFFFFFF  }
0x1f: {  	s28 =	simm.s32 $_size_execute0_lowered;
	s3 =	sadd.s32 s3, s5;
	[dreg:$0x0] =	wrdreg $0x0  }
0x20: {  	s5 =	sshll.u32 s28, $0x1;
	[dreg:$0x2] =	wrdreg s3  }
0x21: {  	[dreg:$0x3] =	wrdreg s5  }
0x22: {  	[dreg:$0x4] =	wrdreg $0xC0  }
0x23: {  	_ =	task [dreg:s7], $0x5FFFF  }
0x24: {  	[dreg:$0x1] =	wrdreg $0xFFFFFFFF  }
0x25: {  	[dreg:$0x0] =	wrdreg $0x60  }
0x26: {  	[dreg:$0x2] =	wrdreg s25  }
0x27: {  	[dreg:$0x3] =	wrdreg s2  }
0x28: {  	[dreg:$0x4] =	wrdreg $0x9  }
0x29: {  	_ =	task.clear_ibuf [dreg:s7], $0x5FFFF;
	_ =	strace $0x90000049  }
0x2a: {  	s29 =	simm.s32 $0x9;
	_ =	strace $0x8000004B  }
0x2b: {  	_ =	swait.ge [sflag:s29], $0x1  }
0x2c: {  	[sflag:s29] =	ssyncadd.s32 $0xFFFFFFFF  }
0x2d: {  	_ =	strace $0x9000004B  }
0x2e: {  	_ =	sfence  }
0x2f: {  	s30 =	sld [smem:$0x0];
	_ =	sdelay $0x2  }
0x30: {  	s31 =	sshll.u32 s1, $0xD;
	s1 =	sshrl.u32 s1, $0x2  }
0x31: {  	s3 =	sand.u32 $0x4000, s31;
	s1 =	sadd.s32 s1, s30  }
0x32: {  	s0 =	sor.u32 s3, s0;
	s1 =	sshll.u32 s1, $0x11  }
0x33: {  	s0 =	sor.u32 s1, s0  }
0x34: {  	s0 =	sadd.s32 $0x8F2B, s0  }
0x35: {  	[sflag:s0] =	ssyncadd.remote.s32 $0x1  }
0x36: {  	_ =	sfence.sel $0xFFFF  }
0x37: {  	[dreg:$0x0] =	wrdreg $0xFFFFFFFF;
	(pc) =	sbr.abs _section_cstart, $3  }
0x38: {  	[dreg:$0x1] =	wrdreg $0xFFFFFFFF  }
0x39: {  	_ =	task.clear_ibuf [dreg:s7], $0x2FFFF;
	_ =	strace $0x9FFFFFFF  }
0x3a: {  	(tm) =	ssettm $0x7FFFFFFF  }
0x3b: {  	_ =	shalt  }
tec
execute0_lowered:
.L_overlay_start_1:
0x0: {  	(tag) =	ssettag $0x1  }
0x1: {  	s0 =	srdreg.scid  }
0x2: {  	s1 =	sshll.u32 s0, $0x4  }
0x3: {  	s0 =	stileid.u32;
	s1 =	sand.u32 $0x10, s1  }
0x4: {  	s1 =	sor.u32 s0, s1  }
0x5: {  	s6 =	rddreg [dreg:$0x0];
	s4 =	simm.s32 $0x1;
	s2 =	sshll.u32 s1, $0x7  }
0x6: {  	s7 =	simm.s32 $0x2;
	s12 =	simm.s32 $0x0;
	s1 =	ssub.s32 $0x1000, s2  }
0x7: {  	s8 =	simm.s32 $0x8000;
	s13 =	simm.s32 $0x0;
	s3 =	sand.u32 $0xF80, s1  }
0x8: {  	s9 =	simm.s32 $0x0;
	s5 =	sshrl.u32 s1, $0xC;
	p0 =	sne.s32 s3, $0x0  }
.Ltmp0:
0x9: {  	s1 =	rddreg [dreg:$0x2];
	s4 =	simm.s32 @!p0 $0x0;
	(pc) =	sbr.rel .LBB1_1-.Ltmp0, $4  }
0xa: {  	s11 =	simm.s32 $0x0;
	s3 =	rddreg [dreg:$0x1];
	s5 =	sadd.s32 s4, s5  }
0xb: {  	_ =	strace $0x8000004A;
	s4 =	simm.s32 $0x1;
	s5 =	smul.u32 $0xC8, s5  }
0xc: {  	s6 =	sadd.s32 $0xC00, s6;
	s10 =	smov.u32 s2;
	[sflag:s4] =	ssyncpa.u1 $0x0  }
0xd: {  	p0 =	por $0x0, $0x0;
	[sflag:s7] =	ssyncpa.u1 $0x0;
	s7 =	sor.u32 $0x1, s5  }
.LBB1_4:
0xe: {  	s16 =	sshll.u32 s13, $0x3;
	s17 =	sand.u32 $0x78, s13  }
0xf: {  	s30 =	sand.u32 $0x7E00, s13;
	s12 =	sshll.u32 s12, $0xF;
	s16 =	sand.u32 $0xC00, s16  }
0x10: {  	[tilespmem:s15+$0x810 ss:$0x81] =	vst.msk $0xffff, v2;
	s31 =	sand.u32 $0x7, s13;
	s16 =	sor.u32 s17, s16;
	s17 =	sadd.s32 s3, s30  }
0x11: {  	[tilespmem:s15+$0x1020 ss:$0x81] =	vst.msk $0xffff, v0;
	s13 =	sshll.u32 s31, $0x12;
	s12 =	sadd.s32 s12, s17;
	s16 =	sshrl.u32 s16, $0x3  }
0x12: {  	[tilespmem:s15+$0x0 ss:$0x81] =	vst.msk $0xffff, v1;
	s13 =	sor.u32 $0x400, s13;
	s12 =	sadd.s32 s16, s12  }
0x13: {  	[hbm4b:s12+s13] =	stream.strided.scatter [tilespmem:s14], [sflag:$0x2], $0x2000, s8, s13, $0x20;
	[tilespmem:$0x8080] =	vst v63  }
.LBB1_5:
0x14: {  	s14 =	sadd.s32 $0x1, s9  }
0x15: {  	s12 =	sadd.s32 $0x1000, s10;
	s16 =	smov.u32 s10;
	p2 =	sgt.s32 s14, $0xC7  }
0x16: {  	s16 =	smov.u32 @p2 s12  }
0x17: {  	s14 =	simm.s32 @p2 $0x0;
	p2 =	sgt.s32 s16, $0xFFF  }
0x18: {  	s16 =	smov.u32 @p2 s2;
	p2 =	sne.s32 s11, s7  }
.Ltmp1:
0x19: {  	p1 =	slt.u32 s11, $0x2;
	(pc) =	sbr.rel @!p2 .LBB1_6-.Ltmp1, $4  }
0x1a: {  	s15 =	simm.s32 @!p1 $0x2  }
0x1b: {  	s13 =	smov.u32 s10;
	p0 =	por !p0, !p0;
	_ =	swait.ge @!p1 [sflag:s15], $0x2000  }
0x1c: {  	s12 =	smov.u32 s9;
	[sflag:s15] =	ssyncset.done @!p1 $0x0;
	s9 =	smov.u32 s14  }
0x1d: {  	s11 =	sadd.s32 $0x1, s11;
	[sflag:s15] =	ssyncadd.s32 @!p1 $0xFFFFE000;
	s10 =	smov.u32 s16  }
.LBB1_1:
0x1e: {  	p1 =	sge.u32 s11, s5  }
0x1f: {  	s14 =	sand.u32 @!p1 $0x1FFFFFF, s9  }
0x20: {  	s15 =	smulhi.u32 @!p1 $0x147AE15, s14;
	_ =	sdelay $0x1  }
0x21: {  	s15 =	smul.u32 @!p1 $0xC8, s15  }
0x22: {  	s16 =	sxor.u32 @!p1 $0xFFFFFFFF, s11;
	s17 =	smul.u32 @!p1 $0xC80, s10  }
0x23: {  	s31 =	sadd.s32 $0xFFFFFFFF, s11;
	s16 =	sshll.u32 @!p1 s16, $0xD;
	s14 =	ssub.s32 @!p1 s14, s15  }
0x24: {  	s15 =	sand.u32 @!p1 $0x2000, s16;
	s16 =	sadd.s32 @!p1 s6, s17;
	s14 =	sshll.u32 @!p1 s14, $0x4  }
0x25: {  	s17 =	simm.s32 @!p1 $0x6400;
	s14 =	sadd.s32 @!p1 s14, s16;
	s16 =	simm.s32 @!p1 $0x40  }
0x26: {  	[tilespmem:s15], [sflag:$0x1] =	stream.strided.gather @!p1 [hbm4b:s14+s16], $0x2000, s17, s16, $0x38;
	[tilespmem:$0x8080] =	vst v63  }
0x27: {  	p1 =	sge.u32 s31, s5  }
.Ltmp2:
0x28: {  	_ = 	snop;
	(pc) =	sbr.rel @p1 .LBB1_5-.Ltmp2, $1  }
0x29: {  	_ =	sdelay $0x3  }
0x2a: {  	s14 =	simm.s32 $0x1  }
0x2b: {  	_ =	swait.ge [sflag:s4], $0x2000;
	s14 =	simm.s32 @!p0 $0x0  }
0x2c: {  	[sflag:s4] =	ssyncset.done $0x0;
	s15 =	sshll.u32 s14, $0xD  }
0x2d: {  	[sflag:s4] =	ssyncadd.s32 $0xFFFFE000;
	s18 =	sor.u32 $0x20, s15  }
0x2e: {  	s14 =	smul.u32 $0x8100, s14;
	v3 =	vld [tilespmem:s18+$0x10]  }
0x2f: {  	s30 =	sand.u32 $0x1, s11;
	v2 =	vld [tilespmem:s18+$0xFFFFFFF0]  }
0x30: {  	s15 =	smul.u32 $0x8100, s30;
	s14 =	sshrl.u32 s14, $0x2;
	v0 =	vld [tilespmem:s18+$0x0]  }
0x31: {  	v1 =	vld [tilespmem:s18+$0xFFFFFFE0];
	s16 =	sor.u32 $0x4000, s14  }
0x32: {  	s31 =	sshrl.u32 s15, $0x2;
	s15 =	sadd.s32 $0x0, s16  }
0x33: {  	s17 =	simm.s32 $0x4;
	s18 =	sadd.s32 $0x40, s18;
	s14 =	sor.u32 $0x4000, s31;
	[tilespmem:s15+$0x1830 ss:$0x81] =	vst.msk $0xffff, v3  }
.LBB1_3:
0x34: {  	v3 =	vld [tilespmem:s18+$0x10];
	p1 =	sne.s32 s17, $0x1FC;
	[tilespmem:s15+$0x810 ss:$0x81] =	vst.msk $0xffff, v2;
	s19 =	smov.u32 s17;
	s17 =	sadd.s32 $0x4, s17  }
.Ltmp3:
0x35: {  	v2 =	vld [tilespmem:s18+$0xFFFFFFF0];
	[tilespmem:s15+$0x1020 ss:$0x81] =	vst.msk $0xffff, v0;
	(pc) =	sbr.rel @p1 .LBB1_3-.Ltmp3, $4  }
0x36: {  	v0 =	vld [tilespmem:s18+$0x0];
	[tilespmem:s15+$0x0 ss:$0x81] =	vst.msk $0xffff, v1  }
0x37: {  	s15 =	sshra.s32 s19, $0x2;
	v1 =	vld [tilespmem:s18+$0xFFFFFFE0]  }
0x38: {  	s15 =	sadd.s32 s15, s16  }
0x39: {  	s18 =	sadd.s32 $0x40, s18;
	[tilespmem:s15+$0x1830 ss:$0x81] =	vst.msk $0xffff, v3  }
.Ltmp4:
0x3a: {  	_ = 	snop;
	(pc) =	sbr.rel .LBB1_4-.Ltmp4, $1  }
0x3b: {  	_ =	sdelay $0x3  }
.LBB1_6:
0x3c: {  	_ =	sfence.sel $0x180000  }
0x3d: {  	s2 =	simm.s32 $0x1;
	[bflag:$0x0] =	sbarrier.arrive $0xFFFF  }
0x3e: {  	s31 =	simm.s32 $0x2;
	[sflag:s2] =	ssyncpa.u1 $0x1  }
0x3f: {  	[sflag:s31] =	ssyncpa.u1 $0x1  }
0x40: {  	p0 =	sne.s32 s0, $0x0;
	_ =	strace $0x9000004A  }
0x41: {  	s0 =	sadd.s32 @!p0 $0x100000, s1;
	[bflag:$0x2] =	sbarrier.arrive $0xFFFF  }
0x42: {  	[sflag:s0] =	ssyncadd.tile.s32 @!p0 $0x1;
	_ =	shalt  }
.Lfunc_end1:
_tile_overlayer_lowered:
.L_overlay_start_2:
0x43: {  	(tag) =	ssettag $0x2  }
0x44: {  	s0 =	rddreg [dreg:$0x0];
	s2 =	stileid.u32  }
0x45: {  	s1 =	rddreg [dreg:$0x1];
	p0 =	sne.s32 s2, $0x0  }
0x46: {  	s3 =	rddreg [dreg:$0x2];
	[bflag:$0x3] =	sbarrier.arrive $0xFFFF;
	s2 =	simm.s32 @!p0 $0x1C01  }
0x47: {  	[timem:s3], [sflag:s2] =	dma.local @!p0 [hbm:s0], s1  }
0x48: {  	s0 =	simm.s32 @!p0 $0x1  }
0x49: {  	_ =	swait.ge @!p0 [sflag:s0], s1  }
0x4a: {  	s1 =	ssub.s32 @!p0 $0x0, s1;
	[sflag:s0] =	ssyncset.done @!p0 $0x0  }
0x4b: {  	[sflag:s0] =	ssyncadd.s32 @!p0 s1  }
0x4c: {  	[bflag:$0x3] =	sbarrier.arrive $0xFFFF  }
0x4d: {  	_ =	shalt  }

</sc_bundles>
